<compile_context>
chip_gen: v7x
topology: tpu7x:2x2x1
jax: 0.10.2.dev20260603
libtpu: 0.0.44.dev20260713+nightly
codegen_flags: <defaults>
</compile_context>

<pallas_src>
import functools

import jax
import jax.numpy as jnp
from jax import lax
from jax.experimental import pallas as pl
from jax.experimental.pallas import tpu as pltpu
from jax.experimental.pallas import tpu_sc as plsc

_B, _N, _D, _K = 8, 4096, 256, 128


def _gelu(x):
    return 0.5 * x * (1.0 + lax.erf(x * (2.0 ** -0.5)))


def _dotb16(a, b):
    return lax.dot_general(a, b, (((1,), (1,)), ((), ())),
                           preferred_element_type=jnp.float32)


def _dot(a, b):
    a_hi = a.astype(jnp.bfloat16)
    a_lo = (a - a_hi.astype(jnp.float32)).astype(jnp.bfloat16)
    b_hi = b.astype(jnp.bfloat16)
    b_lo = (b - b_hi.astype(jnp.float32)).astype(jnp.bfloat16)
    return (_dotb16(a_hi, b_hi) + _dotb16(a_hi, b_lo)
            + _dotb16(a_lo, b_hi))


_BPS = 8


def _encode_body(coords_ref, labels_ref, w1_ref, b1_ref, w2_ref, b2_ref,
                 wa1_ref, ba1_ref, lng_ref, lnb_ref, wa2_ref, ba2_ref,
                 out_ref):
    for b in range(_BPS):
        _encode_one(coords_ref[b], labels_ref[pl.ds(b, 1), :], w1_ref,
                    b1_ref, w2_ref, b2_ref, wa1_ref, ba1_ref, lng_ref,
                    lnb_ref, wa2_ref, ba2_ref, out_ref, b)


def _encode_one(coords, labels, w1_ref, b1_ref, w2_ref, b2_ref,
                wa1_ref, ba1_ref, lng_ref, lnb_ref, wa2_ref, ba2_ref,
                out_ref, b):

    ohT = (labels == lax.broadcasted_iota(jnp.int32, (_K, 1), 0)
           ).astype(jnp.bfloat16)
    cat = jnp.concatenate(
        [coords, jnp.ones((1, _N), jnp.float32)], axis=0)
    cat_hi = cat.astype(jnp.bfloat16)
    cat_lo = (cat - cat_hi.astype(jnp.float32)).astype(jnp.bfloat16)
    cat_hl = jnp.concatenate([cat_hi, cat_lo], axis=0)
    stats8 = _dotb16(ohT, cat_hl)
    stats = stats8[:, 0:4] + stats8[:, 4:8]
    statsT = stats.T

    counts = stats[:, 3:4]
    centers = stats[:, 0:3] / jnp.maximum(counts, 1.0)
    countsT = statsT[3:4, :]
    centersT = statsT[0:3, :] / jnp.maximum(countsT, 1.0)

    vmT = (countsT >= 2.0).astype(jnp.float32)
    nv = jnp.sum(vmT)
    denom = jnp.maximum(nv, 1.0)

    dx = centers[:, 0:1] - centersT[0:1, :]
    dy = centers[:, 1:2] - centersT[1:2, :]
    dz = centers[:, 2:3] - centersT[2:3, :]
    sq = dx * dx + dy * dy + dz * dz
    pos = sq > 0.0
    dist = jnp.where(pos, jnp.sqrt(jnp.where(pos, sq, 1.0)), 0.0)

    mean_d = jnp.sum(dist * vmT, axis=1, keepdims=True) / denom
    min_d = jnp.min(jnp.where(vmT > 0.0, dist, 1e9), axis=1, keepdims=True)
    zc = centers[:, 2:3]
    frac = jnp.sum((zc > centersT[2:3, :]).astype(jnp.float32) * vmT,
                   axis=1, keepdims=True) / denom
    rel = jnp.concatenate([mean_d, min_d, zc, frac], axis=1)

    h = _gelu(_dot(rel, w1_ref[...]) + b1_ref[...])
    enc = _dot(h, w2_ref[...]) + b2_ref[...]
    a = _dot(enc, wa1_ref[...]) + ba1_ref[...]
    mu = jnp.mean(a, axis=1, keepdims=True)
    var = jnp.mean((a - mu) ** 2, axis=1, keepdims=True)
    a = (a - mu) / jnp.sqrt(var + 1e-5) * lng_ref[...] + lnb_ref[...]
    a = _gelu(a)
    agg = _dot(a, wa2_ref[...]) + ba2_ref[...]

    seg_ok = (counts >= 2.0) & (nv >= 2.0)
    out_ref[pl.ds(b * _K, _K), :] = jnp.where(seg_ok, agg, 0.0)


def _encode(coords_t, labels, W1, b1, W2, b2, Wa1, ba1, ln_g, ln_b,
            Wa2, ba2):
    full = lambda shape: pl.BlockSpec(shape, lambda b: (0,) * len(shape))
    return pl.pallas_call(
        _encode_body,
        grid=(_B // _BPS,),
        in_specs=[
            pl.BlockSpec((_BPS, 3, _N), lambda b: (b, 0, 0)),
            pl.BlockSpec((_BPS, _N), lambda b: (b, 0)),
            full((_D // 4, 4)), full((1, _D // 4)),
            full((_D, _D // 4)), full((1, _D)),
            full((_D, _D)), full((1, _D)),
            full((1, _D)), full((1, _D)),
            full((_D, _D)), full((1, _D)),
        ],
        out_specs=pl.BlockSpec((_BPS * _K, _D), lambda b: (b, 0)),
        out_shape=jax.ShapeDtypeStruct((_B * _K, _D), jnp.float32),
    )(coords_t, labels, W1, b1.reshape(1, -1), W2, b2.reshape(1, -1),
      Wa1, ba1.reshape(1, -1), ln_g.reshape(1, -1), ln_b.reshape(1, -1),
      Wa2, ba2.reshape(1, -1))


_NC, _NS = 2, 16
_NW = _NC * _NS
_RW = (_B * _N) // _NW
_CH = 128
_NCH = _RW // _CH
_NBUF = 3


@functools.cache
def _make_gather_rows():
    @functools.partial(
        pl.kernel,
        out_type=jax.ShapeDtypeStruct((_B * _N, _D), jnp.float32),
        mesh=plsc.VectorSubcoreMesh(core_axis_name="c", subcore_axis_name="s"),
        scratch_types=[
            pltpu.VMEM((_RW,), jnp.int32),
            pltpu.VMEM((_NBUF, _CH, _D), jnp.float32),
        ] + [pltpu.SemaphoreType.DMA] * (2 * _NBUF),
    )
    def _gather_rows(table_hbm, idx_hbm, out_hbm, idx_v, rows_v, *sems):
        gsems, wsems = sems[:_NBUF], sems[_NBUF:]
        wid = lax.axis_index("s") * _NC + lax.axis_index("c")
        wpb = _N // _RW
        batch = wid // wpb
        pltpu.sync_copy(idx_hbm.at[batch, pl.ds((wid % wpb) * _RW, _RW)],
                        idx_v)
        off = batch * _K
        for j in range(_RW // 16):
            sl = pl.ds(j * 16, 16)
            idx_v[sl] = idx_v[sl] + off
        gathers = [None] * _NCH
        writes = [None] * _NCH

        def start_gather(g):
            gathers[g] = pltpu.async_copy(
                table_hbm.at[idx_v.at[pl.ds(g * _CH, _CH)]],
                rows_v.at[g % _NBUF], gsems[g % _NBUF])

        for g in range(_NBUF - 1):
            start_gather(g)
        for g in range(_NCH):
            gathers[g].wait()
            writes[g] = pltpu.async_copy(
                rows_v.at[g % _NBUF],
                out_hbm.at[pl.ds(wid * _RW + g * _CH, _CH)],
                wsems[g % _NBUF])
            nxt = g + _NBUF - 1
            if nxt < _NCH:
                if nxt >= _NBUF:
                    writes[nxt - _NBUF].wait()
                start_gather(nxt)
        for g in range(max(0, _NCH - _NBUF), _NCH):
            writes[g].wait()

    return _gather_rows


def kernel(coordinates, features, superpoint_labels, W1, b1, W2, b2,
           Wa1, ba1, ln_g, ln_b, Wa2, ba2):
    coords_t = coordinates.transpose(0, 2, 1)
    labels = superpoint_labels.astype(jnp.int32)

    table = _encode(coords_t, labels, W1, b1, W2, b2, Wa1, ba1,
                    ln_g, ln_b, Wa2, ba2)

    out = _make_gather_rows()(table, labels)
    return out.reshape(_B, _N, _D).astype(features.dtype)

# --- scband reference (transcript-rebuilt; emitter-appended) ---
"""Pipeline reference for scband-spatial-relationship-encoder-48679159333098 (READ-ONLY COPY).

The authoritative reference and input builder live on the scoring server;
editing this copy changes nothing except your own understanding.
"""

import jax, jax.numpy as jnp
import numpy as np

B, N, D, K = 8, 4096, 256, 128

def _linear_params(k, out_f, in_f):
    kw, kb = jax.random.split(k)
    lim = 1.0 / np.sqrt(in_f)
    W = jax.random.uniform(kw, (out_f, in_f), minval=-lim, maxval=lim, dtype=jnp.float32)
    b = jax.random.uniform(kb, (out_f,), minval=-lim, maxval=lim, dtype=jnp.float32)
    return W, b

def setup_inputs(seed: int = 0):
    key = jax.random.key(seed)
    ks = jax.random.split(key, 8)
    coordinates = jax.random.normal(ks[0], (B, N, 3), dtype=jnp.float32)
    features = jax.random.normal(ks[1], (B, N, D), dtype=jnp.float32)
    superpoint_labels = jax.random.randint(ks[2], (B, N), 0, K)
    W1, b1 = _linear_params(ks[3], D // 4, 4)
    W2, b2 = _linear_params(ks[4], D, D // 4)
    Wa1, ba1 = _linear_params(ks[5], D, D)
    Wa2, ba2 = _linear_params(ks[6], D, D)
    ln_g = jnp.ones((D,), jnp.float32)
    ln_b = jnp.zeros((D,), jnp.float32)
    return {"coordinates": coordinates, "features": features, "superpoint_labels": superpoint_labels, "W1": W1, "b1": b1, "W2": W2, "b2": b2, "Wa1": Wa1, "ba1": ba1, "ln_g": ln_g, "ln_b": ln_b, "Wa2": Wa2, "ba2": ba2}

def _forward(coordinates, features, superpoint_labels, W1, b1, W2, b2, Wa1, ba1, ln_g, ln_b, Wa2, ba2):
    def per_batch(coords, labels):
        ones = jnp.ones((labels.shape[0],), jnp.float32)
        counts = jax.ops.segment_sum(ones, labels, num_segments=K)
        sums = jax.ops.segment_sum(coords, labels, num_segments=K)
        centers = sums / jnp.maximum(counts, 1.0)[:, None]
        valid = counts >= 2.0
        nv = jnp.sum(valid.astype(jnp.float32))
        denom = jnp.maximum(nv, 1.0)
        diff = centers[:, None, :] - centers[None, :, :]
        sq = jnp.sum(diff * diff, axis=-1)
        sq_safe = jnp.where(sq > 0.0, sq, 1.0)
        dist = jnp.where(sq > 0.0, jnp.sqrt(sq_safe), 0.0)
        vm = valid.astype(jnp.float32)
        mean_d = jnp.sum(dist * vm[None, :], axis=1) / denom
        min_d = jnp.min(jnp.where(valid[None, :], dist, 1e9), axis=1)
        z = centers[:, 2]
        frac = jnp.sum((z[:, None] > z[None, :]).astype(jnp.float32) * vm[None, :], axis=1) / denom
        rel = jnp.stack([mean_d, min_d, z, frac], axis=1)
        h = jax.nn.gelu(rel @ W1.T + b1, approximate=False)
        enc = h @ W2.T + b2
        a = enc @ Wa1.T + ba1
        mu = jnp.mean(a, axis=-1, keepdims=True)
        var = jnp.mean((a - mu) ** 2, axis=-1, keepdims=True)
        a = (a - mu) / jnp.sqrt(var + 1e-5) * ln_g + ln_b
        a = jax.nn.gelu(a, approximate=False)
        agg = a @ Wa2.T + ba2
        point_valid = valid[labels] & (nv >= 2.0)
        return jnp.where(point_valid[:, None], agg[labels], 0.0)
    out = jax.vmap(per_batch)(coordinates, superpoint_labels)
    return out.astype(features.dtype)

def reference(coordinates, features, superpoint_labels, W1, b1, W2, b2, Wa1, ba1, ln_g, ln_b, Wa2, ba2):
    return _forward(coordinates, features, superpoint_labels, W1, b1, W2, b2, Wa1, ba1, ln_g, ln_b, Wa2, ba2)

if __name__ == "__main__":
    import jax
    _d = setup_inputs()
    print(jax.jit(kernel)(*tuple(_d.values())))

</pallas_src>

<mosaic_0001>
#map = affine_map<(d0, d1) -> (0, 0)>
module attributes {stable_mosaic.version = 14 : i64} {
  func.func @_gather_rows(%arg0: i32, %arg1: i32, %arg2: memref<1024x256xf32, #tpu.memory_space<hbm>>, %arg3: memref<8x4096xi32, #tpu.memory_space<hbm>>, %arg4: memref<32768x256xf32, #tpu.memory_space<hbm>>, %arg5: memref<1024xi32, #tpu.memory_space<vmem>>, %arg6: memref<3x128x256xf32, #tpu.memory_space<vmem>>, %arg7: memref<!tpu.dma_semaphore, #tpu.memory_space<semaphore_mem>>, %arg8: memref<!tpu.dma_semaphore, #tpu.memory_space<semaphore_mem>>, %arg9: memref<!tpu.dma_semaphore, #tpu.memory_space<semaphore_mem>>, %arg10: memref<!tpu.dma_semaphore, #tpu.memory_space<semaphore_mem>>, %arg11: memref<!tpu.dma_semaphore, #tpu.memory_space<semaphore_mem>>, %arg12: memref<!tpu.dma_semaphore, #tpu.memory_space<semaphore_mem>>) attributes {dimension_semantics = [#tpu.dimension_semantics<core_parallel>, #tpu.dimension_semantics<subcore_parallel>], iteration_bounds = array<i64: 2, 16>, scalar_prefetch = 0 : i64, scratch_operands = 8 : i64, tpu.core_type = #tpu.core_type<sc_vector_subcore>, window_params = [{transform_indices = #map}, {transform_indices = #map}, {transform_indices = #map}]} {
    %mul3A = arith.constant 2 : i32
    %mul3A_0 = arith.muli %arg1, %mul3A : i32
    %add3A = arith.addi %mul3A_0, %arg0 : i32
    %jit3A = arith.constant 4 : i32
    %div3A = arith.divsi %add3A, %jit3A : i32
    %sign3A = arith.constant 0 : i32
    %sign3A_1 = arith.cmpi sgt, %add3A, %sign3A : i32
    %sign3A_2 = arith.extui %sign3A_1 : i1 to i32
    %sign3A_3 = arith.constant 0 : i32
    %sign3A_4 = arith.cmpi slt, %add3A, %sign3A_3 : i32
    %sign3A_5 = arith.extui %sign3A_4 : i1 to i32
    %sign3A_6 = arith.subi %sign3A_2, %sign3A_5 : i32
    %sign3A_7 = arith.constant 0 : i32
    %sign3A_8 = arith.cmpi sgt, %jit3A, %sign3A_7 : i32
    %sign3A_9 = arith.extui %sign3A_8 : i1 to i32
    %sign3A_10 = arith.constant 0 : i32
    %sign3A_11 = arith.cmpi slt, %jit3A, %sign3A_10 : i32
    %sign3A_12 = arith.extui %sign3A_11 : i1 to i32
    %sign3A_13 = arith.subi %sign3A_9, %sign3A_12 : i32
    %ne3A = arith.cmpi ne, %sign3A_6, %sign3A_13 : i32
    %rem3A = arith.remsi %add3A, %jit3A : i32
    %ne3A_14 = arith.constant 0 : i32
    %ne3A_15 = arith.cmpi ne, %rem3A, %ne3A_14 : i32
    %and3A = arith.andi %ne3A, %ne3A_15 : i1
    %sub3A = arith.constant 1 : i32
    %sub3A_16 = arith.subi %div3A, %sub3A : i32
    %select_n3A = arith.select %and3A, %sub3A_16, %div3A : i32
    %jit3A_17 = arith.constant 4 : i32
    %eq3A = arith.constant 0 : i32
    %eq3A_18 = arith.cmpi eq, %jit3A_17, %eq3A : i32
    %jit3A_19 = arith.constant 1 : i32
    %select_n3A_20 = arith.select %eq3A_18, %jit3A_19, %jit3A_17 : i32
    %rem3A_21 = arith.remsi %add3A, %select_n3A_20 : i32
    %ne3A_22 = arith.constant 0 : i32
    %ne3A_23 = arith.cmpi ne, %rem3A_21, %ne3A_22 : i32
    %lt3A = arith.constant 0 : i32
    %lt3A_24 = arith.cmpi slt, %rem3A_21, %lt3A : i32
    %lt3A_25 = arith.constant 0 : i32
    %lt3A_26 = arith.cmpi slt, %select_n3A_20, %lt3A_25 : i32
    %ne3A_27 = arith.xori %lt3A_24, %lt3A_26 : i1
    %and3A_28 = arith.andi %ne3A_27, %ne3A_23 : i1
    %add3A_29 = arith.addi %rem3A_21, %select_n3A_20 : i32
    %select_n3A_30 = arith.select %and3A_28, %add3A_29, %rem3A_21 : i32
    %mul3A_31 = arith.constant 1024 : i32
    %mul3A_32 = arith.muli %select_n3A_30, %mul3A_31 : i32
    "tpu.region"() ({
      %run_scoped3A = tpu.sem_alloc : memref<!tpu.dma_semaphore, #tpu.memory_space<semaphore_mem>>
      %dma_start3A_1007 = tpu.memref_slice %arg3[%select_n3A, %mul3A_32] : memref<8x4096xi32, #tpu.memory_space<hbm>> -> memref<1x1024xi32, #tpu.memory_space<hbm>>
      %dma_start3A_1008 = tpu.memref_squeeze %dma_start3A_1007 : memref<1x1024xi32, #tpu.memory_space<hbm>> -> memref<1024xi32, #tpu.memory_space<hbm>>
      %dma_start3A_1009 = tpu.memref_slice %arg3[%select_n3A, %mul3A_32] : memref<8x4096xi32, #tpu.memory_space<hbm>> -> memref<1x1024xi32, #tpu.memory_space<hbm>>
      %dma_start3A_1010 = tpu.memref_squeeze %dma_start3A_1009 : memref<1x1024xi32, #tpu.memory_space<hbm>> -> memref<1024xi32, #tpu.memory_space<hbm>>
      tpu.enqueue_dma source(%dma_start3A_1010 : memref<1024xi32, #tpu.memory_space<hbm>>) target(%arg5 : memref<1024xi32, #tpu.memory_space<vmem>>) target_semaphore(%run_scoped3A : memref<!tpu.dma_semaphore, #tpu.memory_space<semaphore_mem>>)
      %dma_wait3A_1011 = tpu.memref_slice %arg3[%select_n3A, %mul3A_32] : memref<8x4096xi32, #tpu.memory_space<hbm>> -> memref<1x1024xi32, #tpu.memory_space<hbm>>
      %dma_wait3A_1012 = tpu.memref_squeeze %dma_wait3A_1011 : memref<1x1024xi32, #tpu.memory_space<hbm>> -> memref<1024xi32, #tpu.memory_space<hbm>>
      %dma_wait3A_1013 = tpu.memref_slice %arg3[%select_n3A, %mul3A_32] : memref<8x4096xi32, #tpu.memory_space<hbm>> -> memref<1x1024xi32, #tpu.memory_space<hbm>>
      %dma_wait3A_1014 = tpu.memref_squeeze %dma_wait3A_1013 : memref<1x1024xi32, #tpu.memory_space<hbm>> -> memref<1024xi32, #tpu.memory_space<hbm>>
      tpu.wait_dma2 semaphore(%run_scoped3A : memref<!tpu.dma_semaphore, #tpu.memory_space<semaphore_mem>>) src(%dma_wait3A_1014 : memref<1024xi32, #tpu.memory_space<hbm>>) dst(%arg5 : memref<1024xi32, #tpu.memory_space<vmem>>)
      tpu.yield
    }) : () -> ()
    %mul3A_33 = arith.constant 128 : i32
    %mul3A_34 = arith.muli %select_n3A, %mul3A_33 : i32
    %get3A = arith.constant 0 : index
    %get3A_35 = tpu.vector_load %arg5[%get3A] {strides = array<i32>} : memref<1024xi32, #tpu.memory_space<vmem>>, vector<16xi32>,
    %get3A_36 = vector.shape_cast %get3A_35 : vector<16xi32> to vector<16xi32>
    %add3A_37 = vector.broadcast %mul3A_34 : i32 to vector<16xi32>
    %add3A_38 = arith.addi %get3A_36, %add3A_37 : vector<16xi32>
    %swap3A = arith.constant 0 : index
    %swap3A_39 = tpu.vector_load %arg5[%swap3A] {strides = array<i32>} : memref<1024xi32, #tpu.memory_space<vmem>>, vector<16xi32>,
    %swap3A_40 = vector.shape_cast %swap3A_39 : vector<16xi32> to vector<16xi32>
    %swap3A_41 = vector.shape_cast %add3A_38 : vector<16xi32> to vector<16xi32>
    tpu.vector_store %arg5[%swap3A], %swap3A_41 {strides = array<i32>} : memref<1024xi32, #tpu.memory_space<vmem>>, vector<16xi32>,
    %get3A_42 = arith.constant 16 : index
    %get3A_43 = tpu.vector_load %arg5[%get3A_42] {strides = array<i32>} : memref<1024xi32, #tpu.memory_space<vmem>>, vector<16xi32>,
    %get3A_44 = vector.shape_cast %get3A_43 : vector<16xi32> to vector<16xi32>
    %add3A_45 = vector.broadcast %mul3A_34 : i32 to vector<16xi32>
    %add3A_46 = arith.addi %get3A_44, %add3A_45 : vector<16xi32>
    %swap3A_47 = arith.constant 16 : index
    %swap3A_48 = tpu.vector_load %arg5[%swap3A_47] {strides = array<i32>} : memref<1024xi32, #tpu.memory_space<vmem>>, vector<16xi32>,
    %swap3A_49 = vector.shape_cast %swap3A_48 : vector<16xi32> to vector<16xi32>
    %swap3A_50 = vector.shape_cast %add3A_46 : vector<16xi32> to vector<16xi32>
    tpu.vector_store %arg5[%swap3A_47], %swap3A_50 {strides = array<i32>} : memref<1024xi32, #tpu.memory_space<vmem>>, vector<16xi32>,
    %get3A_51 = arith.constant 32 : index
    %get3A_52 = tpu.vector_load %arg5[%get3A_51] {strides = array<i32>} : memref<1024xi32, #tpu.memory_space<vmem>>, vector<16xi32>,
    %get3A_53 = vector.shape_cast %get3A_52 : vector<16xi32> to vector<16xi32>
    %add3A_54 = vector.broadcast %mul3A_34 : i32 to vector<16xi32>
    %add3A_55 = arith.addi %get3A_53, %add3A_54 : vector<16xi32>
    %swap3A_56 = arith.constant 32 : index
    %swap3A_57 = tpu.vector_load %arg5[%swap3A_56] {strides = array<i32>} : memref<1024xi32, #tpu.memory_space<vmem>>, vector<16xi32>,
    %swap3A_58 = vector.shape_cast %swap3A_57 : vector<16xi32> to vector<16xi32>
    %swap3A_59 = vector.shape_cast %add3A_55 : vector<16xi32> to vector<16xi32>
    tpu.vector_store %arg5[%swap3A_56], %swap3A_59 {strides = array<i32>} : memref<1024xi32, #tpu.memory_space<vmem>>, vector<16xi32>,
    %get3A_60 = arith.constant 48 : index
    %get3A_61 = tpu.vector_load %arg5[%get3A_60] {strides = array<i32>} : memref<1024xi32, #tpu.memory_space<vmem>>, vector<16xi32>,
    %get3A_62 = vector.shape_cast %get3A_61 : vector<16xi32> to vector<16xi32>
    %add3A_63 = vector.broadcast %mul3A_34 : i32 to vector<16xi32>
    %add3A_64 = arith.addi %get3A_62, %add3A_63 : vector<16xi32>
    %swap3A_65 = arith.constant 48 : index
    %swap3A_66 = tpu.vector_load %arg5[%swap3A_65] {strides = array<i32>} : memref<1024xi32, #tpu.memory_space<vmem>>, vector<16xi32>,
    %swap3A_67 = vector.shape_cast %swap3A_66 : vector<16xi32> to vector<16xi32>
    %swap3A_68 = vector.shape_cast %add3A_64 : vector<16xi32> to vector<16xi32>
    tpu.vector_store %arg5[%swap3A_65], %swap3A_68 {strides = array<i32>} : memref<1024xi32, #tpu.memory_space<vmem>>, vector<16xi32>,
    %get3A_69 = arith.constant 64 : index
    %get3A_70 = tpu.vector_load %arg5[%get3A_69] {strides = array<i32>} : memref<1024xi32, #tpu.memory_space<vmem>>, vector<16xi32>,
    %get3A_71 = vector.shape_cast %get3A_70 : vector<16xi32> to vector<16xi32>
    %add3A_72 = vector.broadcast %mul3A_34 : i32 to vector<16xi32>
    %add3A_73 = arith.addi %get3A_71, %add3A_72 : vector<16xi32>
    %swap3A_74 = arith.constant 64 : index
    %swap3A_75 = tpu.vector_load %arg5[%swap3A_74] {strides = array<i32>} : memref<1024xi32, #tpu.memory_space<vmem>>, vector<16xi32>,
    %swap3A_76 = vector.shape_cast %swap3A_75 : vector<16xi32> to vector<16xi32>
    %swap3A_77 = vector.shape_cast %add3A_73 : vector<16xi32> to vector<16xi32>
    tpu.vector_store %arg5[%swap3A_74], %swap3A_77 {strides = array<i32>} : memref<1024xi32, #tpu.memory_space<vmem>>, vector<16xi32>,
    %get3A_78 = arith.constant 80 : index
    %get3A_79 = tpu.vector_load %arg5[%get3A_78] {strides = array<i32>} : memref<1024xi32, #tpu.memory_space<vmem>>, vector<16xi32>,
    %get3A_80 = vector.shape_cast %get3A_79 : vector<16xi32> to vector<16xi32>
    %add3A_81 = vector.broadcast %mul3A_34 : i32 to vector<16xi32>
    %add3A_82 = arith.addi %get3A_80, %add3A_81 : vector<16xi32>
    %swap3A_83 = arith.constant 80 : index
    %swap3A_84 = tpu.vector_load %arg5[%swap3A_83] {strides = array<i32>} : memref<1024xi32, #tpu.memory_space<vmem>>, vector<16xi32>,
    %swap3A_85 = vector.shape_cast %swap3A_84 : vector<16xi32> to vector<16xi32>
    %swap3A_86 = vector.shape_cast %add3A_82 : vector<16xi32> to vector<16xi32>
    tpu.vector_store %arg5[%swap3A_83], %swap3A_86 {strides = array<i32>} : memref<1024xi32, #tpu.memory_space<vmem>>, vector<16xi32>,
    %get3A_87 = arith.constant 96 : index
    %get3A_88 = tpu.vector_load %arg5[%get3A_87] {strides = array<i32>} : memref<1024xi32, #tpu.memory_space<vmem>>, vector<16xi32>,
    %get3A_89 = vector.shape_cast %get3A_88 : vector<16xi32> to vector<16xi32>
    %add3A_90 = vector.broadcast %mul3A_34 : i32 to vector<16xi32>
    %add3A_91 = arith.addi %get3A_89, %add3A_90 : vector<16xi32>
    %swap3A_92 = arith.constant 96 : index
    %swap3A_93 = tpu.vector_load %arg5[%swap3A_92] {strides = array<i32>} : memref<1024xi32, #tpu.memory_space<vmem>>, vector<16xi32>,
    %swap3A_94 = vector.shape_cast %swap3A_93 : vector<16xi32> to vector<16xi32>
    %swap3A_95 = vector.shape_cast %add3A_91 : vector<16xi32> to vector<16xi32>
    tpu.vector_store %arg5[%swap3A_92], %swap3A_95 {strides = array<i32>} : memref<1024xi32, #tpu.memory_space<vmem>>, vector<16xi32>,
    %get3A_96 = arith.constant 112 : index
    %get3A_97 = tpu.vector_load %arg5[%get3A_96] {strides = array<i32>} : memref<1024xi32, #tpu.memory_space<vmem>>, vector<16xi32>,
    %get3A_98 = vector.shape_cast %get3A_97 : vector<16xi32> to vector<16xi32>
    %add3A_99 = vector.broadcast %mul3A_34 : i32 to vector<16xi32>
    %add3A_100 = arith.addi %get3A_98, %add3A_99 : vector<16xi32>
    %swap3A_101 = arith.constant 112 : index
    %swap3A_102 = tpu.vector_load %arg5[%swap3A_101] {strides = array<i32>} : memref<1024xi32, #tpu.memory_space<vmem>>, vector<16xi32>,
    %swap3A_103 = vector.shape_cast %swap3A_102 : vector<16xi32> to vector<16xi32>
    %swap3A_104 = vector.shape_cast %add3A_100 : vector<16xi32> to vector<16xi32>
    tpu.vector_store %arg5[%swap3A_101], %swap3A_104 {strides = array<i32>} : memref<1024xi32, #tpu.memory_space<vmem>>, vector<16xi32>,
    %get3A_105 = arith.constant 128 : index
    %get3A_106 = tpu.vector_load %arg5[%get3A_105] {strides = array<i32>} : memref<1024xi32, #tpu.memory_space<vmem>>, vector<16xi32>,
    %get3A_107 = vector.shape_cast %get3A_106 : vector<16xi32> to vector<16xi32>
    %add3A_108 = vector.broadcast %mul3A_34 : i32 to vector<16xi32>
    %add3A_109 = arith.addi %get3A_107, %add3A_108 : vector<16xi32>
    %swap3A_110 = arith.constant 128 : index
    %swap3A_111 = tpu.vector_load %arg5[%swap3A_110] {strides = array<i32>} : memref<1024xi32, #tpu.memory_space<vmem>>, vector<16xi32>,
    %swap3A_112 = vector.shape_cast %swap3A_111 : vector<16xi32> to vector<16xi32>
    %swap3A_113 = vector.shape_cast %add3A_109 : vector<16xi32> to vector<16xi32>
    tpu.vector_store %arg5[%swap3A_110], %swap3A_113 {strides = array<i32>} : memref<1024xi32, #tpu.memory_space<vmem>>, vector<16xi32>,
    %get3A_114 = arith.constant 144 : index
    %get3A_115 = tpu.vector_load %arg5[%get3A_114] {strides = array<i32>} : memref<1024xi32, #tpu.memory_space<vmem>>, vector<16xi32>,
    %get3A_116 = vector.shape_cast %get3A_115 : vector<16xi32> to vector<16xi32>
    %add3A_117 = vector.broadcast %mul3A_34 : i32 to vector<16xi32>
    %add3A_118 = arith.addi %get3A_116, %add3A_117 : vector<16xi32>
    %swap3A_119 = arith.constant 144 : index
    %swap3A_120 = tpu.vector_load %arg5[%swap3A_119] {strides = array<i32>} : memref<1024xi32, #tpu.memory_space<vmem>>, vector<16xi32>,
    %swap3A_121 = vector.shape_cast %swap3A_120 : vector<16xi32> to vector<16xi32>
    %swap3A_122 = vector.shape_cast %add3A_118 : vector<16xi32> to vector<16xi32>
    tpu.vector_store %arg5[%swap3A_119], %swap3A_122 {strides = array<i32>} : memref<1024xi32, #tpu.memory_space<vmem>>, vector<16xi32>,
    %get3A_123 = arith.constant 160 : index
    %get3A_124 = tpu.vector_load %arg5[%get3A_123] {strides = array<i32>} : memref<1024xi32, #tpu.memory_space<vmem>>, vector<16xi32>,
    %get3A_125 = vector.shape_cast %get3A_124 : vector<16xi32> to vector<16xi32>
    %add3A_126 = vector.broadcast %mul3A_34 : i32 to vector<16xi32>
    %add3A_127 = arith.addi %get3A_125, %add3A_126 : vector<16xi32>
    %swap3A_128 = arith.constant 160 : index
    %swap3A_129 = tpu.vector_load %arg5[%swap3A_128] {strides = array<i32>} : memref<1024xi32, #tpu.memory_space<vmem>>, vector<16xi32>,
    %swap3A_130 = vector.shape_cast %swap3A_129 : vector<16xi32> to vector<16xi32>
    %swap3A_131 = vector.shape_cast %add3A_127 : vector<16xi32> to vector<16xi32>
    tpu.vector_store %arg5[%swap3A_128], %swap3A_131 {strides = array<i32>} : memref<1024xi32, #tpu.memory_space<vmem>>, vector<16xi32>,
    %get3A_132 = arith.constant 176 : index
    %get3A_133 = tpu.vector_load %arg5[%get3A_132] {strides = array<i32>} : memref<1024xi32, #tpu.memory_space<vmem>>, vector<16xi32>,
    %get3A_134 = vector.shape_cast %get3A_133 : vector<16xi32> to vector<16xi32>
    %add3A_135 = vector.broadcast %mul3A_34 : i32 to vector<16xi32>
    %add3A_136 = arith.addi %get3A_134, %add3A_135 : vector<16xi32>
    %swap3A_137 = arith.constant 176 : index
    %swap3A_138 = tpu.vector_load %arg5[%swap3A_137] {strides = array<i32>} : memref<1024xi32, #tpu.memory_space<vmem>>, vector<16xi32>,
    %swap3A_139 = vector.shape_cast %swap3A_138 : vector<16xi32> to vector<16xi32>
    %swap3A_140 = vector.shape_cast %add3A_136 : vector<16xi32> to vector<16xi32>
    tpu.vector_store %arg5[%swap3A_137], %swap3A_140 {strides = array<i32>} : memref<1024xi32, #tpu.memory_space<vmem>>, vector<16xi32>,
    %get3A_141 = arith.constant 192 : index
    %get3A_142 = tpu.vector_load %arg5[%get3A_141] {strides = array<i32>} : memref<1024xi32, #tpu.memory_space<vmem>>, vector<16xi32>,
    %get3A_143 = vector.shape_cast %get3A_142 : vector<16xi32> to vector<16xi32>
    %add3A_144 = vector.broadcast %mul3A_34 : i32 to vector<16xi32>
    %add3A_145 = arith.addi %get3A_143, %add3A_144 : vector<16xi32>
    %swap3A_146 = arith.constant 192 : index
    %swap3A_147 = tpu.vector_load %arg5[%swap3A_146] {strides = array<i32>} : memref<1024xi32, #tpu.memory_space<vmem>>, vector<16xi32>,
    %swap3A_148 = vector.shape_cast %swap3A_147 : vector<16xi32> to vector<16xi32>
    %swap3A_149 = vector.shape_cast %add3A_145 : vector<16xi32> to vector<16xi32>
    tpu.vector_store %arg5[%swap3A_146], %swap3A_149 {strides = array<i32>} : memref<1024xi32, #tpu.memory_space<vmem>>, vector<16xi32>,
    %get3A_150 = arith.constant 208 : index
    %get3A_151 = tpu.vector_load %arg5[%get3A_150] {strides = array<i32>} : memref<1024xi32, #tpu.memory_space<vmem>>, vector<16xi32>,
    %get3A_152 = vector.shape_cast %get3A_151 : vector<16xi32> to vector<16xi32>
    %add3A_153 = vector.broadcast %mul3A_34 : i32 to vector<16xi32>
    %add3A_154 = arith.addi %get3A_152, %add3A_153 : vector<16xi32>
    %swap3A_155 = arith.constant 208 : index
    %swap3A_156 = tpu.vector_load %arg5[%swap3A_155] {strides = array<i32>} : memref<1024xi32, #tpu.memory_space<vmem>>, vector<16xi32>,
    %swap3A_157 = vector.shape_cast %swap3A_156 : vector<16xi32> to vector<16xi32>
    %swap3A_158 = vector.shape_cast %add3A_154 : vector<16xi32> to vector<16xi32>
    tpu.vector_store %arg5[%swap3A_155], %swap3A_158 {strides = array<i32>} : memref<1024xi32, #tpu.memory_space<vmem>>, vector<16xi32>,
    %get3A_159 = arith.constant 224 : index
    %get3A_160 = tpu.vector_load %arg5[%get3A_159] {strides = array<i32>} : memref<1024xi32, #tpu.memory_space<vmem>>, vector<16xi32>,
    %get3A_161 = vector.shape_cast %get3A_160 : vector<16xi32> to vector<16xi32>
    %add3A_162 = vector.broadcast %mul3A_34 : i32 to vector<16xi32>
    %add3A_163 = arith.addi %get3A_161, %add3A_162 : vector<16xi32>
    %swap3A_164 = arith.constant 224 : index
    %swap3A_165 = tpu.vector_load %arg5[%swap3A_164] {strides = array<i32>} : memref<1024xi32, #tpu.memory_space<vmem>>, vector<16xi32>,
    %swap3A_166 = vector.shape_cast %swap3A_165 : vector<16xi32> to vector<16xi32>
    %swap3A_167 = vector.shape_cast %add3A_163 : vector<16xi32> to vector<16xi32>
    tpu.vector_store %arg5[%swap3A_164], %swap3A_167 {strides = array<i32>} : memref<1024xi32, #tpu.memory_space<vmem>>, vector<16xi32>,
    %get3A_168 = arith.constant 240 : index
    %get3A_169 = tpu.vector_load %arg5[%get3A_168] {strides = array<i32>} : memref<1024xi32, #tpu.memory_space<vmem>>, vector<16xi32>,
    %get3A_170 = vector.shape_cast %get3A_169 : vector<16xi32> to vector<16xi32>
    %add3A_171 = vector.broadcast %mul3A_34 : i32 to vector<16xi32>
    %add3A_172 = arith.addi %get3A_170, %add3A_171 : vector<16xi32>
    %swap3A_173 = arith.constant 240 : index
    %swap3A_174 = tpu.vector_load %arg5[%swap3A_173] {strides = array<i32>} : memref<1024xi32, #tpu.memory_space<vmem>>, vector<16xi32>,
    %swap3A_175 = vector.shape_cast %swap3A_174 : vector<16xi32> to vector<16xi32>
    %swap3A_176 = vector.shape_cast %add3A_172 : vector<16xi32> to vector<16xi32>
    tpu.vector_store %arg5[%swap3A_173], %swap3A_176 {strides = array<i32>} : memref<1024xi32, #tpu.memory_space<vmem>>, vector<16xi32>,
    %get3A_177 = arith.constant 256 : index
    %get3A_178 = tpu.vector_load %arg5[%get3A_177] {strides = array<i32>} : memref<1024xi32, #tpu.memory_space<vmem>>, vector<16xi32>,
    %get3A_179 = vector.shape_cast %get3A_178 : vector<16xi32> to vector<16xi32>
    %add3A_180 = vector.broadcast %mul3A_34 : i32 to vector<16xi32>
    %add3A_181 = arith.addi %get3A_179, %add3A_180 : vector<16xi32>
    %swap3A_182 = arith.constant 256 : index
    %swap3A_183 = tpu.vector_load %arg5[%swap3A_182] {strides = array<i32>} : memref<1024xi32, #tpu.memory_space<vmem>>, vector<16xi32>,
    %swap3A_184 = vector.shape_cast %swap3A_183 : vector<16xi32> to vector<16xi32>
    %swap3A_185 = vector.shape_cast %add3A_181 : vector<16xi32> to vector<16xi32>
    tpu.vector_store %arg5[%swap3A_182], %swap3A_185 {strides = array<i32>} : memref<1024xi32, #tpu.memory_space<vmem>>, vector<16xi32>,
    %get3A_186 = arith.constant 272 : index
    %get3A_187 = tpu.vector_load %arg5[%get3A_186] {strides = array<i32>} : memref<1024xi32, #tpu.memory_space<vmem>>, vector<16xi32>,
    %get3A_188 = vector.shape_cast %get3A_187 : vector<16xi32> to vector<16xi32>
    %add3A_189 = vector.broadcast %mul3A_34 : i32 to vector<16xi32>
    %add3A_190 = arith.addi %get3A_188, %add3A_189 : vector<16xi32>
    %swap3A_191 = arith.constant 272 : index
    %swap3A_192 = tpu.vector_load %arg5[%swap3A_191] {strides = array<i32>} : memref<1024xi32, #tpu.memory_space<vmem>>, vector<16xi32>,
    %swap3A_193 = vector.shape_cast %swap3A_192 : vector<16xi32> to vector<16xi32>
    %swap3A_194 = vector.shape_cast %add3A_190 : vector<16xi32> to vector<16xi32>
    tpu.vector_store %arg5[%swap3A_191], %swap3A_194 {strides = array<i32>} : memref<1024xi32, #tpu.memory_space<vmem>>, vector<16xi32>,
    %get3A_195 = arith.constant 288 : index
    %get3A_196 = tpu.vector_load %arg5[%get3A_195] {strides = array<i32>} : memref<1024xi32, #tpu.memory_space<vmem>>, vector<16xi32>,
    %get3A_197 = vector.shape_cast %get3A_196 : vector<16xi32> to vector<16xi32>
    %add3A_198 = vector.broadcast %mul3A_34 : i32 to vector<16xi32>
    %add3A_199 = arith.addi %get3A_197, %add3A_198 : vector<16xi32>
    %swap3A_200 = arith.constant 288 : index
    %swap3A_201 = tpu.vector_load %arg5[%swap3A_200] {strides = array<i32>} : memref<1024xi32, #tpu.memory_space<vmem>>, vector<16xi32>,
    %swap3A_202 = vector.shape_cast %swap3A_201 : vector<16xi32> to vector<16xi32>
    %swap3A_203 = vector.shape_cast %add3A_199 : vector<16xi32> to vector<16xi32>
    tpu.vector_store %arg5[%swap3A_200], %swap3A_203 {strides = array<i32>} : memref<1024xi32, #tpu.memory_space<vmem>>, vector<16xi32>,
    %get3A_204 = arith.constant 304 : index
    %get3A_205 = tpu.vector_load %arg5[%get3A_204] {strides = array<i32>} : memref<1024xi32, #tpu.memory_space<vmem>>, vector<16xi32>,
    %get3A_206 = vector.shape_cast %get3A_205 : vector<16xi32> to vector<16xi32>
    %add3A_207 = vector.broadcast %mul3A_34 : i32 to vector<16xi32>
    %add3A_208 = arith.addi %get3A_206, %add3A_207 : vector<16xi32>
    %swap3A_209 = arith.constant 304 : index
    %swap3A_210 = tpu.vector_load %arg5[%swap3A_209] {strides = array<i32>} : memref<1024xi32, #tpu.memory_space<vmem>>, vector<16xi32>,
    %swap3A_211 = vector.shape_cast %swap3A_210 : vector<16xi32> to vector<16xi32>
    %swap3A_212 = vector.shape_cast %add3A_208 : vector<16xi32> to vector<16xi32>
    tpu.vector_store %arg5[%swap3A_209], %swap3A_212 {strides = array<i32>} : memref<1024xi32, #tpu.memory_space<vmem>>, vector<16xi32>,
    %get3A_213 = arith.constant 320 : index
    %get3A_214 = tpu.vector_load %arg5[%get3A_213] {strides = array<i32>} : memref<1024xi32, #tpu.memory_space<vmem>>, vector<16xi32>,
    %get3A_215 = vector.shape_cast %get3A_214 : vector<16xi32> to vector<16xi32>
    %add3A_216 = vector.broadcast %mul3A_34 : i32 to vector<16xi32>
    %add3A_217 = arith.addi %get3A_215, %add3A_216 : vector<16xi32>
    %swap3A_218 = arith.constant 320 : index
    %swap3A_219 = tpu.vector_load %arg5[%swap3A_218] {strides = array<i32>} : memref<1024xi32, #tpu.memory_space<vmem>>, vector<16xi32>,
    %swap3A_220 = vector.shape_cast %swap3A_219 : vector<16xi32> to vector<16xi32>
    %swap3A_221 = vector.shape_cast %add3A_217 : vector<16xi32> to vector<16xi32>
    tpu.vector_store %arg5[%swap3A_218], %swap3A_221 {strides = array<i32>} : memref<1024xi32, #tpu.memory_space<vmem>>, vector<16xi32>,
    %get3A_222 = arith.constant 336 : index
    %get3A_223 = tpu.vector_load %arg5[%get3A_222] {strides = array<i32>} : memref<1024xi32, #tpu.memory_space<vmem>>, vector<16xi32>,
    %get3A_224 = vector.shape_cast %get3A_223 : vector<16xi32> to vector<16xi32>
    %add3A_225 = vector.broadcast %mul3A_34 : i32 to vector<16xi32>
    %add3A_226 = arith.addi %get3A_224, %add3A_225 : vector<16xi32>
    %swap3A_227 = arith.constant 336 : index
    %swap3A_228 = tpu.vector_load %arg5[%swap3A_227] {strides = array<i32>} : memref<1024xi32, #tpu.memory_space<vmem>>, vector<16xi32>,
    %swap3A_229 = vector.shape_cast %swap3A_228 : vector<16xi32> to vector<16xi32>
    %swap3A_230 = vector.shape_cast %add3A_226 : vector<16xi32> to vector<16xi32>
    tpu.vector_store %arg5[%swap3A_227], %swap3A_230 {strides = array<i32>} : memref<1024xi32, #tpu.memory_space<vmem>>, vector<16xi32>,
    %get3A_231 = arith.constant 352 : index
    %get3A_232 = tpu.vector_load %arg5[%get3A_231] {strides = array<i32>} : memref<1024xi32, #tpu.memory_space<vmem>>, vector<16xi32>,
    %get3A_233 = vector.shape_cast %get3A_232 : vector<16xi32> to vector<16xi32>
    %add3A_234 = vector.broadcast %mul3A_34 : i32 to vector<16xi32>
    %add3A_235 = arith.addi %get3A_233, %add3A_234 : vector<16xi32>
    %swap3A_236 = arith.constant 352 : index
    %swap3A_237 = tpu.vector_load %arg5[%swap3A_236] {strides = array<i32>} : memref<1024xi32, #tpu.memory_space<vmem>>, vector<16xi32>,
    %swap3A_238 = vector.shape_cast %swap3A_237 : vector<16xi32> to vector<16xi32>
    %swap3A_239 = vector.shape_cast %add3A_235 : vector<16xi32> to vector<16xi32>
    tpu.vector_store %arg5[%swap3A_236], %swap3A_239 {strides = array<i32>} : memref<1024xi32, #tpu.memory_space<vmem>>, vector<16xi32>,
    %get3A_240 = arith.constant 368 : index
    %get3A_241 = tpu.vector_load %arg5[%get3A_240] {strides = array<i32>} : memref<1024xi32, #tpu.memory_space<vmem>>, vector<16xi32>,
    %get3A_242 = vector.shape_cast %get3A_241 : vector<16xi32> to vector<16xi32>
    %add3A_243 = vector.broadcast %mul3A_34 : i32 to vector<16xi32>
    %add3A_244 = arith.addi %get3A_242, %add3A_243 : vector<16xi32>
    %swap3A_245 = arith.constant 368 : index
    %swap3A_246 = tpu.vector_load %arg5[%swap3A_245] {strides = array<i32>} : memref<1024xi32, #tpu.memory_space<vmem>>, vector<16xi32>,
    %swap3A_247 = vector.shape_cast %swap3A_246 : vector<16xi32> to vector<16xi32>
    %swap3A_248 = vector.shape_cast %add3A_244 : vector<16xi32> to vector<16xi32>
    tpu.vector_store %arg5[%swap3A_245], %swap3A_248 {strides = array<i32>} : memref<1024xi32, #tpu.memory_space<vmem>>, vector<16xi32>,
    %get3A_249 = arith.constant 384 : index
    %get3A_250 = tpu.vector_load %arg5[%get3A_249] {strides = array<i32>} : memref<1024xi32, #tpu.memory_space<vmem>>, vector<16xi32>,
    %get3A_251 = vector.shape_cast %get3A_250 : vector<16xi32> to vector<16xi32>
    %add3A_252 = vector.broadcast %mul3A_34 : i32 to vector<16xi32>
    %add3A_253 = arith.addi %get3A_251, %add3A_252 : vector<16xi32>
    %swap3A_254 = arith.constant 384 : index
    %swap3A_255 = tpu.vector_load %arg5[%swap3A_254] {strides = array<i32>} : memref<1024xi32, #tpu.memory_space<vmem>>, vector<16xi32>,
    %swap3A_256 = vector.shape_cast %swap3A_255 : vector<16xi32> to vector<16xi32>
    %swap3A_257 = vector.shape_cast %add3A_253 : vector<16xi32> to vector<16xi32>
    tpu.vector_store %arg5[%swap3A_254], %swap3A_257 {strides = array<i32>} : memref<1024xi32, #tpu.memory_space<vmem>>, vector<16xi32>,
    %get3A_258 = arith.constant 400 : index
    %get3A_259 = tpu.vector_load %arg5[%get3A_258] {strides = array<i32>} : memref<1024xi32, #tpu.memory_space<vmem>>, vector<16xi32>,
    %get3A_260 = vector.shape_cast %get3A_259 : vector<16xi32> to vector<16xi32>
    %add3A_261 = vector.broadcast %mul3A_34 : i32 to vector<16xi32>
    %add3A_262 = arith.addi %get3A_260, %add3A_261 : vector<16xi32>
    %swap3A_263 = arith.constant 400 : index
    %swap3A_264 = tpu.vector_load %arg5[%swap3A_263] {strides = array<i32>} : memref<1024xi32, #tpu.memory_space<vmem>>, vector<16xi32>,
    %swap3A_265 = vector.shape_cast %swap3A_264 : vector<16xi32> to vector<16xi32>
    %swap3A_266 = vector.shape_cast %add3A_262 : vector<16xi32> to vector<16xi32>
    tpu.vector_store %arg5[%swap3A_263], %swap3A_266 {strides = array<i32>} : memref<1024xi32, #tpu.memory_space<vmem>>, vector<16xi32>,
    %get3A_267 = arith.constant 416 : index
    %get3A_268 = tpu.vector_load %arg5[%get3A_267] {strides = array<i32>} : memref<1024xi32, #tpu.memory_space<vmem>>, vector<16xi32>,
    %get3A_269 = vector.shape_cast %get3A_268 : vector<16xi32> to vector<16xi32>
    %add3A_270 = vector.broadcast %mul3A_34 : i32 to vector<16xi32>
    %add3A_271 = arith.addi %get3A_269, %add3A_270 : vector<16xi32>
    %swap3A_272 = arith.constant 416 : index
    %swap3A_273 = tpu.vector_load %arg5[%swap3A_272] {strides = array<i32>} : memref<1024xi32, #tpu.memory_space<vmem>>, vector<16xi32>,
    %swap3A_274 = vector.shape_cast %swap3A_273 : vector<16xi32> to vector<16xi32>
    %swap3A_275 = vector.shape_cast %add3A_271 : vector<16xi32> to vector<16xi32>
    tpu.vector_store %arg5[%swap3A_272], %swap3A_275 {strides = array<i32>} : memref<1024xi32, #tpu.memory_space<vmem>>, vector<16xi32>,
    %get3A_276 = arith.constant 432 : index
    %get3A_277 = tpu.vector_load %arg5[%get3A_276] {strides = array<i32>} : memref<1024xi32, #tpu.memory_space<vmem>>, vector<16xi32>,
    %get3A_278 = vector.shape_cast %get3A_277 : vector<16xi32> to vector<16xi32>
    %add3A_279 = vector.broadcast %mul3A_34 : i32 to vector<16xi32>
    %add3A_280 = arith.addi %get3A_278, %add3A_279 : vector<16xi32>
    %swap3A_281 = arith.constant 432 : index
    %swap3A_282 = tpu.vector_load %arg5[%swap3A_281] {strides = array<i32>} : memref<1024xi32, #tpu.memory_space<vmem>>, vector<16xi32>,
    %swap3A_283 = vector.shape_cast %swap3A_282 : vector<16xi32> to vector<16xi32>
    %swap3A_284 = vector.shape_cast %add3A_280 : vector<16xi32> to vector<16xi32>
    tpu.vector_store %arg5[%swap3A_281], %swap3A_284 {strides = array<i32>} : memref<1024xi32, #tpu.memory_space<vmem>>, vector<16xi32>,
    %get3A_285 = arith.constant 448 : index
    %get3A_286 = tpu.vector_load %arg5[%get3A_285] {strides = array<i32>} : memref<1024xi32, #tpu.memory_space<vmem>>, vector<16xi32>,
    %get3A_287 = vector.shape_cast %get3A_286 : vector<16xi32> to vector<16xi32>
    %add3A_288 = vector.broadcast %mul3A_34 : i32 to vector<16xi32>
    %add3A_289 = arith.addi %get3A_287, %add3A_288 : vector<16xi32>
    %swap3A_290 = arith.constant 448 : index
    %swap3A_291 = tpu.vector_load %arg5[%swap3A_290] {strides = array<i32>} : memref<1024xi32, #tpu.memory_space<vmem>>, vector<16xi32>,
    %swap3A_292 = vector.shape_cast %swap3A_291 : vector<16xi32> to vector<16xi32>
    %swap3A_293 = vector.shape_cast %add3A_289 : vector<16xi32> to vector<16xi32>
    tpu.vector_store %arg5[%swap3A_290], %swap3A_293 {strides = array<i32>} : memref<1024xi32, #tpu.memory_space<vmem>>, vector<16xi32>,
    %get3A_294 = arith.constant 464 : index
    %get3A_295 = tpu.vector_load %arg5[%get3A_294] {strides = array<i32>} : memref<1024xi32, #tpu.memory_space<vmem>>, vector<16xi32>,
    %get3A_296 = vector.shape_cast %get3A_295 : vector<16xi32> to vector<16xi32>
    %add3A_297 = vector.broadcast %mul3A_34 : i32 to vector<16xi32>
    %add3A_298 = arith.addi %get3A_296, %add3A_297 : vector<16xi32>
    %swap3A_299 = arith.constant 464 : index
    %swap3A_300 = tpu.vector_load %arg5[%swap3A_299] {strides = array<i32>} : memref<1024xi32, #tpu.memory_space<vmem>>, vector<16xi32>,
    %swap3A_301 = vector.shape_cast %swap3A_300 : vector<16xi32> to vector<16xi32>
    %swap3A_302 = vector.shape_cast %add3A_298 : vector<16xi32> to vector<16xi32>
    tpu.vector_store %arg5[%swap3A_299], %swap3A_302 {strides = array<i32>} : memref<1024xi32, #tpu.memory_space<vmem>>, vector<16xi32>,
    %get3A_303 = arith.constant 480 : index
    %get3A_304 = tpu.vector_load %arg5[%get3A_303] {strides = array<i32>} : memref<1024xi32, #tpu.memory_space<vmem>>, vector<16xi32>,
    %get3A_305 = vector.shape_cast %get3A_304 : vector<16xi32> to vector<16xi32>
    %add3A_306 = vector.broadcast %mul3A_34 : i32 to vector<16xi32>
    %add3A_307 = arith.addi %get3A_305, %add3A_306 : vector<16xi32>
    %swap3A_308 = arith.constant 480 : index
    %swap3A_309 = tpu.vector_load %arg5[%swap3A_308] {strides = array<i32>} : memref<1024xi32, #tpu.memory_space<vmem>>, vector<16xi32>,
    %swap3A_310 = vector.shape_cast %swap3A_309 : vector<16xi32> to vector<16xi32>
    %swap3A_311 = vector.shape_cast %add3A_307 : vector<16xi32> to vector<16xi32>
    tpu.vector_store %arg5[%swap3A_308], %swap3A_311 {strides = array<i32>} : memref<1024xi32, #tpu.memory_space<vmem>>, vector<16xi32>,
    %get3A_312 = arith.constant 496 : index
    %get3A_313 = tpu.vector_load %arg5[%get3A_312] {strides = array<i32>} : memref<1024xi32, #tpu.memory_space<vmem>>, vector<16xi32>,
    %get3A_314 = vector.shape_cast %get3A_313 : vector<16xi32> to vector<16xi32>
    %add3A_315 = vector.broadcast %mul3A_34 : i32 to vector<16xi32>
    %add3A_316 = arith.addi %get3A_314, %add3A_315 : vector<16xi32>
    %swap3A_317 = arith.constant 496 : index
    %swap3A_318 = tpu.vector_load %arg5[%swap3A_317] {strides = array<i32>} : memref<1024xi32, #tpu.memory_space<vmem>>, vector<16xi32>,
    %swap3A_319 = vector.shape_cast %swap3A_318 : vector<16xi32> to vector<16xi32>
    %swap3A_320 = vector.shape_cast %add3A_316 : vector<16xi32> to vector<16xi32>
    tpu.vector_store %arg5[%swap3A_317], %swap3A_320 {strides = array<i32>} : memref<1024xi32, #tpu.memory_space<vmem>>, vector<16xi32>,
    %get3A_321 = arith.constant 512 : index
    %get3A_322 = tpu.vector_load %arg5[%get3A_321] {strides = array<i32>} : memref<1024xi32, #tpu.memory_space<vmem>>, vector<16xi32>,
    %get3A_323 = vector.shape_cast %get3A_322 : vector<16xi32> to vector<16xi32>
    %add3A_324 = vector.broadcast %mul3A_34 : i32 to vector<16xi32>
    %add3A_325 = arith.addi %get3A_323, %add3A_324 : vector<16xi32>
    %swap3A_326 = arith.constant 512 : index
    %swap3A_327 = tpu.vector_load %arg5[%swap3A_326] {strides = array<i32>} : memref<1024xi32, #tpu.memory_space<vmem>>, vector<16xi32>,
    %swap3A_328 = vector.shape_cast %swap3A_327 : vector<16xi32> to vector<16xi32>
    %swap3A_329 = vector.shape_cast %add3A_325 : vector<16xi32> to vector<16xi32>
    tpu.vector_store %arg5[%swap3A_326], %swap3A_329 {strides = array<i32>} : memref<1024xi32, #tpu.memory_space<vmem>>, vector<16xi32>,
    %get3A_330 = arith.constant 528 : index
    %get3A_331 = tpu.vector_load %arg5[%get3A_330] {strides = array<i32>} : memref<1024xi32, #tpu.memory_space<vmem>>, vector<16xi32>,
    %get3A_332 = vector.shape_cast %get3A_331 : vector<16xi32> to vector<16xi32>
    %add3A_333 = vector.broadcast %mul3A_34 : i32 to vector<16xi32>
    %add3A_334 = arith.addi %get3A_332, %add3A_333 : vector<16xi32>
    %swap3A_335 = arith.constant 528 : index
    %swap3A_336 = tpu.vector_load %arg5[%swap3A_335] {strides = array<i32>} : memref<1024xi32, #tpu.memory_space<vmem>>, vector<16xi32>,
    %swap3A_337 = vector.shape_cast %swap3A_336 : vector<16xi32> to vector<16xi32>
    %swap3A_338 = vector.shape_cast %add3A_334 : vector<16xi32> to vector<16xi32>
    tpu.vector_store %arg5[%swap3A_335], %swap3A_338 {strides = array<i32>} : memref<1024xi32, #tpu.memory_space<vmem>>, vector<16xi32>,
    %get3A_339 = arith.constant 544 : index
    %get3A_340 = tpu.vector_load %arg5[%get3A_339] {strides = array<i32>} : memref<1024xi32, #tpu.memory_space<vmem>>, vector<16xi32>,
    %get3A_341 = vector.shape_cast %get3A_340 : vector<16xi32> to vector<16xi32>
    %add3A_342 = vector.broadcast %mul3A_34 : i32 to vector<16xi32>
    %add3A_343 = arith.addi %get3A_341, %add3A_342 : vector<16xi32>
    %swap3A_344 = arith.constant 544 : index
    %swap3A_345 = tpu.vector_load %arg5[%swap3A_344] {strides = array<i32>} : memref<1024xi32, #tpu.memory_space<vmem>>, vector<16xi32>,
    %swap3A_346 = vector.shape_cast %swap3A_345 : vector<16xi32> to vector<16xi32>
    %swap3A_347 = vector.shape_cast %add3A_343 : vector<16xi32> to vector<16xi32>
    tpu.vector_store %arg5[%swap3A_344], %swap3A_347 {strides = array<i32>} : memref<1024xi32, #tpu.memory_space<vmem>>, vector<16xi32>,
    %get3A_348 = arith.constant 560 : index
    %get3A_349 = tpu.vector_load %arg5[%get3A_348] {strides = array<i32>} : memref<1024xi32, #tpu.memory_space<vmem>>, vector<16xi32>,
    %get3A_350 = vector.shape_cast %get3A_349 : vector<16xi32> to vector<16xi32>
    %add3A_351 = vector.broadcast %mul3A_34 : i32 to vector<16xi32>
    %add3A_352 = arith.addi %get3A_350, %add3A_351 : vector<16xi32>
    %swap3A_353 = arith.constant 560 : index
    %swap3A_354 = tpu.vector_load %arg5[%swap3A_353] {strides = array<i32>} : memref<1024xi32, #tpu.memory_space<vmem>>, vector<16xi32>,
    %swap3A_355 = vector.shape_cast %swap3A_354 : vector<16xi32> to vector<16xi32>
    %swap3A_356 = vector.shape_cast %add3A_352 : vector<16xi32> to vector<16xi32>
    tpu.vector_store %arg5[%swap3A_353], %swap3A_356 {strides = array<i32>} : memref<1024xi32, #tpu.memory_space<vmem>>, vector<16xi32>,
    %get3A_357 = arith.constant 576 : index
    %get3A_358 = tpu.vector_load %arg5[%get3A_357] {strides = array<i32>} : memref<1024xi32, #tpu.memory_space<vmem>>, vector<16xi32>,
    %get3A_359 = vector.shape_cast %get3A_358 : vector<16xi32> to vector<16xi32>
    %add3A_360 = vector.broadcast %mul3A_34 : i32 to vector<16xi32>
    %add3A_361 = arith.addi %get3A_359, %add3A_360 : vector<16xi32>
    %swap3A_362 = arith.constant 576 : index
    %swap3A_363 = tpu.vector_load %arg5[%swap3A_362] {strides = array<i32>} : memref<1024xi32, #tpu.memory_space<vmem>>, vector<16xi32>,
    %swap3A_364 = vector.shape_cast %swap3A_363 : vector<16xi32> to vector<16xi32>
    %swap3A_365 = vector.shape_cast %add3A_361 : vector<16xi32> to vector<16xi32>
    tpu.vector_store %arg5[%swap3A_362], %swap3A_365 {strides = array<i32>} : memref<1024xi32, #tpu.memory_space<vmem>>, vector<16xi32>,
    %get3A_366 = arith.constant 592 : index
    %get3A_367 = tpu.vector_load %arg5[%get3A_366] {strides = array<i32>} : memref<1024xi32, #tpu.memory_space<vmem>>, vector<16xi32>,
    %get3A_368 = vector.shape_cast %get3A_367 : vector<16xi32> to vector<16xi32>
    %add3A_369 = vector.broadcast %mul3A_34 : i32 to vector<16xi32>
    %add3A_370 = arith.addi %get3A_368, %add3A_369 : vector<16xi32>
    %swap3A_371 = arith.constant 592 : index
    %swap3A_372 = tpu.vector_load %arg5[%swap3A_371] {strides = array<i32>} : memref<1024xi32, #tpu.memory_space<vmem>>, vector<16xi32>,
    %swap3A_373 = vector.shape_cast %swap3A_372 : vector<16xi32> to vector<16xi32>
    %swap3A_374 = vector.shape_cast %add3A_370 : vector<16xi32> to vector<16xi32>
    tpu.vector_store %arg5[%swap3A_371], %swap3A_374 {strides = array<i32>} : memref<1024xi32, #tpu.memory_space<vmem>>, vector<16xi32>,
    %get3A_375 = arith.constant 608 : index
    %get3A_376 = tpu.vector_load %arg5[%get3A_375] {strides = array<i32>} : memref<1024xi32, #tpu.memory_space<vmem>>, vector<16xi32>,
    %get3A_377 = vector.shape_cast %get3A_376 : vector<16xi32> to vector<16xi32>
    %add3A_378 = vector.broadcast %mul3A_34 : i32 to vector<16xi32>
    %add3A_379 = arith.addi %get3A_377, %add3A_378 : vector<16xi32>
    %swap3A_380 = arith.constant 608 : index
    %swap3A_381 = tpu.vector_load %arg5[%swap3A_380] {strides = array<i32>} : memref<1024xi32, #tpu.memory_space<vmem>>, vector<16xi32>,
    %swap3A_382 = vector.shape_cast %swap3A_381 : vector<16xi32> to vector<16xi32>
    %swap3A_383 = vector.shape_cast %add3A_379 : vector<16xi32> to vector<16xi32>
    tpu.vector_store %arg5[%swap3A_380], %swap3A_383 {strides = array<i32>} : memref<1024xi32, #tpu.memory_space<vmem>>, vector<16xi32>,
    %get3A_384 = arith.constant 624 : index
    %get3A_385 = tpu.vector_load %arg5[%get3A_384] {strides = array<i32>} : memref<1024xi32, #tpu.memory_space<vmem>>, vector<16xi32>,
    %get3A_386 = vector.shape_cast %get3A_385 : vector<16xi32> to vector<16xi32>
    %add3A_387 = vector.broadcast %mul3A_34 : i32 to vector<16xi32>
    %add3A_388 = arith.addi %get3A_386, %add3A_387 : vector<16xi32>
    %swap3A_389 = arith.constant 624 : index
    %swap3A_390 = tpu.vector_load %arg5[%swap3A_389] {strides = array<i32>} : memref<1024xi32, #tpu.memory_space<vmem>>, vector<16xi32>,
    %swap3A_391 = vector.shape_cast %swap3A_390 : vector<16xi32> to vector<16xi32>
    %swap3A_392 = vector.shape_cast %add3A_388 : vector<16xi32> to vector<16xi32>
    tpu.vector_store %arg5[%swap3A_389], %swap3A_392 {strides = array<i32>} : memref<1024xi32, #tpu.memory_space<vmem>>, vector<16xi32>,
    %get3A_393 = arith.constant 640 : index
    %get3A_394 = tpu.vector_load %arg5[%get3A_393] {strides = array<i32>} : memref<1024xi32, #tpu.memory_space<vmem>>, vector<16xi32>,
    %get3A_395 = vector.shape_cast %get3A_394 : vector<16xi32> to vector<16xi32>
    %add3A_396 = vector.broadcast %mul3A_34 : i32 to vector<16xi32>
    %add3A_397 = arith.addi %get3A_395, %add3A_396 : vector<16xi32>
    %swap3A_398 = arith.constant 640 : index
    %swap3A_399 = tpu.vector_load %arg5[%swap3A_398] {strides = array<i32>} : memref<1024xi32, #tpu.memory_space<vmem>>, vector<16xi32>,
    %swap3A_400 = vector.shape_cast %swap3A_399 : vector<16xi32> to vector<16xi32>
    %swap3A_401 = vector.shape_cast %add3A_397 : vector<16xi32> to vector<16xi32>
    tpu.vector_store %arg5[%swap3A_398], %swap3A_401 {strides = array<i32>} : memref<1024xi32, #tpu.memory_space<vmem>>, vector<16xi32>,
    %get3A_402 = arith.constant 656 : index
    %get3A_403 = tpu.vector_load %arg5[%get3A_402] {strides = array<i32>} : memref<1024xi32, #tpu.memory_space<vmem>>, vector<16xi32>,
    %get3A_404 = vector.shape_cast %get3A_403 : vector<16xi32> to vector<16xi32>
    %add3A_405 = vector.broadcast %mul3A_34 : i32 to vector<16xi32>
    %add3A_406 = arith.addi %get3A_404, %add3A_405 : vector<16xi32>
    %swap3A_407 = arith.constant 656 : index
    %swap3A_408 = tpu.vector_load %arg5[%swap3A_407] {strides = array<i32>} : memref<1024xi32, #tpu.memory_space<vmem>>, vector<16xi32>,
    %swap3A_409 = vector.shape_cast %swap3A_408 : vector<16xi32> to vector<16xi32>
    %swap3A_410 = vector.shape_cast %add3A_406 : vector<16xi32> to vector<16xi32>
    tpu.vector_store %arg5[%swap3A_407], %swap3A_410 {strides = array<i32>} : memref<1024xi32, #tpu.memory_space<vmem>>, vector<16xi32>,
    %get3A_411 = arith.constant 672 : index
    %get3A_412 = tpu.vector_load %arg5[%get3A_411] {strides = array<i32>} : memref<1024xi32, #tpu.memory_space<vmem>>, vector<16xi32>,
    %get3A_413 = vector.shape_cast %get3A_412 : vector<16xi32> to vector<16xi32>
    %add3A_414 = vector.broadcast %mul3A_34 : i32 to vector<16xi32>
    %add3A_415 = arith.addi %get3A_413, %add3A_414 : vector<16xi32>
    %swap3A_416 = arith.constant 672 : index
    %swap3A_417 = tpu.vector_load %arg5[%swap3A_416] {strides = array<i32>} : memref<1024xi32, #tpu.memory_space<vmem>>, vector<16xi32>,
    %swap3A_418 = vector.shape_cast %swap3A_417 : vector<16xi32> to vector<16xi32>
    %swap3A_419 = vector.shape_cast %add3A_415 : vector<16xi32> to vector<16xi32>
    tpu.vector_store %arg5[%swap3A_416], %swap3A_419 {strides = array<i32>} : memref<1024xi32, #tpu.memory_space<vmem>>, vector<16xi32>,
    %get3A_420 = arith.constant 688 : index
    %get3A_421 = tpu.vector_load %arg5[%get3A_420] {strides = array<i32>} : memref<1024xi32, #tpu.memory_space<vmem>>, vector<16xi32>,
    %get3A_422 = vector.shape_cast %get3A_421 : vector<16xi32> to vector<16xi32>
    %add3A_423 = vector.broadcast %mul3A_34 : i32 to vector<16xi32>
    %add3A_424 = arith.addi %get3A_422, %add3A_423 : vector<16xi32>
    %swap3A_425 = arith.constant 688 : index
    %swap3A_426 = tpu.vector_load %arg5[%swap3A_425] {strides = array<i32>} : memref<1024xi32, #tpu.memory_space<vmem>>, vector<16xi32>,
    %swap3A_427 = vector.shape_cast %swap3A_426 : vector<16xi32> to vector<16xi32>
    %swap3A_428 = vector.shape_cast %add3A_424 : vector<16xi32> to vector<16xi32>
    tpu.vector_store %arg5[%swap3A_425], %swap3A_428 {strides = array<i32>} : memref<1024xi32, #tpu.memory_space<vmem>>, vector<16xi32>,
    %get3A_429 = arith.constant 704 : index
    %get3A_430 = tpu.vector_load %arg5[%get3A_429] {strides = array<i32>} : memref<1024xi32, #tpu.memory_space<vmem>>, vector<16xi32>,
    %get3A_431 = vector.shape_cast %get3A_430 : vector<16xi32> to vector<16xi32>
    %add3A_432 = vector.broadcast %mul3A_34 : i32 to vector<16xi32>
    %add3A_433 = arith.addi %get3A_431, %add3A_432 : vector<16xi32>
    %swap3A_434 = arith.constant 704 : index
    %swap3A_435 = tpu.vector_load %arg5[%swap3A_434] {strides = array<i32>} : memref<1024xi32, #tpu.memory_space<vmem>>, vector<16xi32>,
    %swap3A_436 = vector.shape_cast %swap3A_435 : vector<16xi32> to vector<16xi32>
    %swap3A_437 = vector.shape_cast %add3A_433 : vector<16xi32> to vector<16xi32>
    tpu.vector_store %arg5[%swap3A_434], %swap3A_437 {strides = array<i32>} : memref<1024xi32, #tpu.memory_space<vmem>>, vector<16xi32>,
    %get3A_438 = arith.constant 720 : index
    %get3A_439 = tpu.vector_load %arg5[%get3A_438] {strides = array<i32>} : memref<1024xi32, #tpu.memory_space<vmem>>, vector<16xi32>,
    %get3A_440 = vector.shape_cast %get3A_439 : vector<16xi32> to vector<16xi32>
    %add3A_441 = vector.broadcast %mul3A_34 : i32 to vector<16xi32>
    %add3A_442 = arith.addi %get3A_440, %add3A_441 : vector<16xi32>
    %swap3A_443 = arith.constant 720 : index
    %swap3A_444 = tpu.vector_load %arg5[%swap3A_443] {strides = array<i32>} : memref<1024xi32, #tpu.memory_space<vmem>>, vector<16xi32>,
    %swap3A_445 = vector.shape_cast %swap3A_444 : vector<16xi32> to vector<16xi32>
    %swap3A_446 = vector.shape_cast %add3A_442 : vector<16xi32> to vector<16xi32>
    tpu.vector_store %arg5[%swap3A_443], %swap3A_446 {strides = array<i32>} : memref<1024xi32, #tpu.memory_space<vmem>>, vector<16xi32>,
    %get3A_447 = arith.constant 736 : index
    %get3A_448 = tpu.vector_load %arg5[%get3A_447] {strides = array<i32>} : memref<1024xi32, #tpu.memory_space<vmem>>, vector<16xi32>,
    %get3A_449 = vector.shape_cast %get3A_448 : vector<16xi32> to vector<16xi32>
    %add3A_450 = vector.broadcast %mul3A_34 : i32 to vector<16xi32>
    %add3A_451 = arith.addi %get3A_449, %add3A_450 : vector<16xi32>
    %swap3A_452 = arith.constant 736 : index
    %swap3A_453 = tpu.vector_load %arg5[%swap3A_452] {strides = array<i32>} : memref<1024xi32, #tpu.memory_space<vmem>>, vector<16xi32>,
    %swap3A_454 = vector.shape_cast %swap3A_453 : vector<16xi32> to vector<16xi32>
    %swap3A_455 = vector.shape_cast %add3A_451 : vector<16xi32> to vector<16xi32>
    tpu.vector_store %arg5[%swap3A_452], %swap3A_455 {strides = array<i32>} : memref<1024xi32, #tpu.memory_space<vmem>>, vector<16xi32>,
    %get3A_456 = arith.constant 752 : index
    %get3A_457 = tpu.vector_load %arg5[%get3A_456] {strides = array<i32>} : memref<1024xi32, #tpu.memory_space<vmem>>, vector<16xi32>,
    %get3A_458 = vector.shape_cast %get3A_457 : vector<16xi32> to vector<16xi32>
    %add3A_459 = vector.broadcast %mul3A_34 : i32 to vector<16xi32>
    %add3A_460 = arith.addi %get3A_458, %add3A_459 : vector<16xi32>
    %swap3A_461 = arith.constant 752 : index
    %swap3A_462 = tpu.vector_load %arg5[%swap3A_461] {strides = array<i32>} : memref<1024xi32, #tpu.memory_space<vmem>>, vector<16xi32>,
    %swap3A_463 = vector.shape_cast %swap3A_462 : vector<16xi32> to vector<16xi32>
    %swap3A_464 = vector.shape_cast %add3A_460 : vector<16xi32> to vector<16xi32>
    tpu.vector_store %arg5[%swap3A_461], %swap3A_464 {strides = array<i32>} : memref<1024xi32, #tpu.memory_space<vmem>>, vector<16xi32>,
    %get3A_465 = arith.constant 768 : index
    %get3A_466 = tpu.vector_load %arg5[%get3A_465] {strides = array<i32>} : memref<1024xi32, #tpu.memory_space<vmem>>, vector<16xi32>,
    %get3A_467 = vector.shape_cast %get3A_466 : vector<16xi32> to vector<16xi32>
    %add3A_468 = vector.broadcast %mul3A_34 : i32 to vector<16xi32>
    %add3A_469 = arith.addi %get3A_467, %add3A_468 : vector<16xi32>
    %swap3A_470 = arith.constant 768 : index
    %swap3A_471 = tpu.vector_load %arg5[%swap3A_470] {strides = array<i32>} : memref<1024xi32, #tpu.memory_space<vmem>>, vector<16xi32>,
    %swap3A_472 = vector.shape_cast %swap3A_471 : vector<16xi32> to vector<16xi32>
    %swap3A_473 = vector.shape_cast %add3A_469 : vector<16xi32> to vector<16xi32>
    tpu.vector_store %arg5[%swap3A_470], %swap3A_473 {strides = array<i32>} : memref<1024xi32, #tpu.memory_space<vmem>>, vector<16xi32>,
    %get3A_474 = arith.constant 784 : index
    %get3A_475 = tpu.vector_load %arg5[%get3A_474] {strides = array<i32>} : memref<1024xi32, #tpu.memory_space<vmem>>, vector<16xi32>,
    %get3A_476 = vector.shape_cast %get3A_475 : vector<16xi32> to vector<16xi32>
    %add3A_477 = vector.broadcast %mul3A_34 : i32 to vector<16xi32>
    %add3A_478 = arith.addi %get3A_476, %add3A_477 : vector<16xi32>
    %swap3A_479 = arith.constant 784 : index
    %swap3A_480 = tpu.vector_load %arg5[%swap3A_479] {strides = array<i32>} : memref<1024xi32, #tpu.memory_space<vmem>>, vector<16xi32>,
    %swap3A_481 = vector.shape_cast %swap3A_480 : vector<16xi32> to vector<16xi32>
    %swap3A_482 = vector.shape_cast %add3A_478 : vector<16xi32> to vector<16xi32>
    tpu.vector_store %arg5[%swap3A_479], %swap3A_482 {strides = array<i32>} : memref<1024xi32, #tpu.memory_space<vmem>>, vector<16xi32>,
    %get3A_483 = arith.constant 800 : index
    %get3A_484 = tpu.vector_load %arg5[%get3A_483] {strides = array<i32>} : memref<1024xi32, #tpu.memory_space<vmem>>, vector<16xi32>,
    %get3A_485 = vector.shape_cast %get3A_484 : vector<16xi32> to vector<16xi32>
    %add3A_486 = vector.broadcast %mul3A_34 : i32 to vector<16xi32>
    %add3A_487 = arith.addi %get3A_485, %add3A_486 : vector<16xi32>
    %swap3A_488 = arith.constant 800 : index
    %swap3A_489 = tpu.vector_load %arg5[%swap3A_488] {strides = array<i32>} : memref<1024xi32, #tpu.memory_space<vmem>>, vector<16xi32>,
    %swap3A_490 = vector.shape_cast %swap3A_489 : vector<16xi32> to vector<16xi32>
    %swap3A_491 = vector.shape_cast %add3A_487 : vector<16xi32> to vector<16xi32>
    tpu.vector_store %arg5[%swap3A_488], %swap3A_491 {strides = array<i32>} : memref<1024xi32, #tpu.memory_space<vmem>>, vector<16xi32>,
    %get3A_492 = arith.constant 816 : index
    %get3A_493 = tpu.vector_load %arg5[%get3A_492] {strides = array<i32>} : memref<1024xi32, #tpu.memory_space<vmem>>, vector<16xi32>,
    %get3A_494 = vector.shape_cast %get3A_493 : vector<16xi32> to vector<16xi32>
    %add3A_495 = vector.broadcast %mul3A_34 : i32 to vector<16xi32>
    %add3A_496 = arith.addi %get3A_494, %add3A_495 : vector<16xi32>
    %swap3A_497 = arith.constant 816 : index
    %swap3A_498 = tpu.vector_load %arg5[%swap3A_497] {strides = array<i32>} : memref<1024xi32, #tpu.memory_space<vmem>>, vector<16xi32>,
    %swap3A_499 = vector.shape_cast %swap3A_498 : vector<16xi32> to vector<16xi32>
    %swap3A_500 = vector.shape_cast %add3A_496 : vector<16xi32> to vector<16xi32>
    tpu.vector_store %arg5[%swap3A_497], %swap3A_500 {strides = array<i32>} : memref<1024xi32, #tpu.memory_space<vmem>>, vector<16xi32>,
    %get3A_501 = arith.constant 832 : index
    %get3A_502 = tpu.vector_load %arg5[%get3A_501] {strides = array<i32>} : memref<1024xi32, #tpu.memory_space<vmem>>, vector<16xi32>,
    %get3A_503 = vector.shape_cast %get3A_502 : vector<16xi32> to vector<16xi32>
    %add3A_504 = vector.broadcast %mul3A_34 : i32 to vector<16xi32>
    %add3A_505 = arith.addi %get3A_503, %add3A_504 : vector<16xi32>
    %swap3A_506 = arith.constant 832 : index
    %swap3A_507 = tpu.vector_load %arg5[%swap3A_506] {strides = array<i32>} : memref<1024xi32, #tpu.memory_space<vmem>>, vector<16xi32>,
    %swap3A_508 = vector.shape_cast %swap3A_507 : vector<16xi32> to vector<16xi32>
    %swap3A_509 = vector.shape_cast %add3A_505 : vector<16xi32> to vector<16xi32>
    tpu.vector_store %arg5[%swap3A_506], %swap3A_509 {strides = array<i32>} : memref<1024xi32, #tpu.memory_space<vmem>>, vector<16xi32>,
    %get3A_510 = arith.constant 848 : index
    %get3A_511 = tpu.vector_load %arg5[%get3A_510] {strides = array<i32>} : memref<1024xi32, #tpu.memory_space<vmem>>, vector<16xi32>,
    %get3A_512 = vector.shape_cast %get3A_511 : vector<16xi32> to vector<16xi32>
    %add3A_513 = vector.broadcast %mul3A_34 : i32 to vector<16xi32>
    %add3A_514 = arith.addi %get3A_512, %add3A_513 : vector<16xi32>
    %swap3A_515 = arith.constant 848 : index
    %swap3A_516 = tpu.vector_load %arg5[%swap3A_515] {strides = array<i32>} : memref<1024xi32, #tpu.memory_space<vmem>>, vector<16xi32>,
    %swap3A_517 = vector.shape_cast %swap3A_516 : vector<16xi32> to vector<16xi32>
    %swap3A_518 = vector.shape_cast %add3A_514 : vector<16xi32> to vector<16xi32>
    tpu.vector_store %arg5[%swap3A_515], %swap3A_518 {strides = array<i32>} : memref<1024xi32, #tpu.memory_space<vmem>>, vector<16xi32>,
    %get3A_519 = arith.constant 864 : index
    %get3A_520 = tpu.vector_load %arg5[%get3A_519] {strides = array<i32>} : memref<1024xi32, #tpu.memory_space<vmem>>, vector<16xi32>,
    %get3A_521 = vector.shape_cast %get3A_520 : vector<16xi32> to vector<16xi32>
    %add3A_522 = vector.broadcast %mul3A_34 : i32 to vector<16xi32>
    %add3A_523 = arith.addi %get3A_521, %add3A_522 : vector<16xi32>
    %swap3A_524 = arith.constant 864 : index
    %swap3A_525 = tpu.vector_load %arg5[%swap3A_524] {strides = array<i32>} : memref<1024xi32, #tpu.memory_space<vmem>>, vector<16xi32>,
    %swap3A_526 = vector.shape_cast %swap3A_525 : vector<16xi32> to vector<16xi32>
    %swap3A_527 = vector.shape_cast %add3A_523 : vector<16xi32> to vector<16xi32>
    tpu.vector_store %arg5[%swap3A_524], %swap3A_527 {strides = array<i32>} : memref<1024xi32, #tpu.memory_space<vmem>>, vector<16xi32>,
    %get3A_528 = arith.constant 880 : index
    %get3A_529 = tpu.vector_load %arg5[%get3A_528] {strides = array<i32>} : memref<1024xi32, #tpu.memory_space<vmem>>, vector<16xi32>,
    %get3A_530 = vector.shape_cast %get3A_529 : vector<16xi32> to vector<16xi32>
    %add3A_531 = vector.broadcast %mul3A_34 : i32 to vector<16xi32>
    %add3A_532 = arith.addi %get3A_530, %add3A_531 : vector<16xi32>
    %swap3A_533 = arith.constant 880 : index
    %swap3A_534 = tpu.vector_load %arg5[%swap3A_533] {strides = array<i32>} : memref<1024xi32, #tpu.memory_space<vmem>>, vector<16xi32>,
    %swap3A_535 = vector.shape_cast %swap3A_534 : vector<16xi32> to vector<16xi32>
    %swap3A_536 = vector.shape_cast %add3A_532 : vector<16xi32> to vector<16xi32>
    tpu.vector_store %arg5[%swap3A_533], %swap3A_536 {strides = array<i32>} : memref<1024xi32, #tpu.memory_space<vmem>>, vector<16xi32>,
    %get3A_537 = arith.constant 896 : index
    %get3A_538 = tpu.vector_load %arg5[%get3A_537] {strides = array<i32>} : memref<1024xi32, #tpu.memory_space<vmem>>, vector<16xi32>,
    %get3A_539 = vector.shape_cast %get3A_538 : vector<16xi32> to vector<16xi32>
    %add3A_540 = vector.broadcast %mul3A_34 : i32 to vector<16xi32>
    %add3A_541 = arith.addi %get3A_539, %add3A_540 : vector<16xi32>
    %swap3A_542 = arith.constant 896 : index
    %swap3A_543 = tpu.vector_load %arg5[%swap3A_542] {strides = array<i32>} : memref<1024xi32, #tpu.memory_space<vmem>>, vector<16xi32>,
    %swap3A_544 = vector.shape_cast %swap3A_543 : vector<16xi32> to vector<16xi32>
    %swap3A_545 = vector.shape_cast %add3A_541 : vector<16xi32> to vector<16xi32>
    tpu.vector_store %arg5[%swap3A_542], %swap3A_545 {strides = array<i32>} : memref<1024xi32, #tpu.memory_space<vmem>>, vector<16xi32>,
    %get3A_546 = arith.constant 912 : index
    %get3A_547 = tpu.vector_load %arg5[%get3A_546] {strides = array<i32>} : memref<1024xi32, #tpu.memory_space<vmem>>, vector<16xi32>,
    %get3A_548 = vector.shape_cast %get3A_547 : vector<16xi32> to vector<16xi32>
    %add3A_549 = vector.broadcast %mul3A_34 : i32 to vector<16xi32>
    %add3A_550 = arith.addi %get3A_548, %add3A_549 : vector<16xi32>
    %swap3A_551 = arith.constant 912 : index
    %swap3A_552 = tpu.vector_load %arg5[%swap3A_551] {strides = array<i32>} : memref<1024xi32, #tpu.memory_space<vmem>>, vector<16xi32>,
    %swap3A_553 = vector.shape_cast %swap3A_552 : vector<16xi32> to vector<16xi32>
    %swap3A_554 = vector.shape_cast %add3A_550 : vector<16xi32> to vector<16xi32>
    tpu.vector_store %arg5[%swap3A_551], %swap3A_554 {strides = array<i32>} : memref<1024xi32, #tpu.memory_space<vmem>>, vector<16xi32>,
    %get3A_555 = arith.constant 928 : index
    %get3A_556 = tpu.vector_load %arg5[%get3A_555] {strides = array<i32>} : memref<1024xi32, #tpu.memory_space<vmem>>, vector<16xi32>,
    %get3A_557 = vector.shape_cast %get3A_556 : vector<16xi32> to vector<16xi32>
    %add3A_558 = vector.broadcast %mul3A_34 : i32 to vector<16xi32>
    %add3A_559 = arith.addi %get3A_557, %add3A_558 : vector<16xi32>
    %swap3A_560 = arith.constant 928 : index
    %swap3A_561 = tpu.vector_load %arg5[%swap3A_560] {strides = array<i32>} : memref<1024xi32, #tpu.memory_space<vmem>>, vector<16xi32>,
    %swap3A_562 = vector.shape_cast %swap3A_561 : vector<16xi32> to vector<16xi32>
    %swap3A_563 = vector.shape_cast %add3A_559 : vector<16xi32> to vector<16xi32>
    tpu.vector_store %arg5[%swap3A_560], %swap3A_563 {strides = array<i32>} : memref<1024xi32, #tpu.memory_space<vmem>>, vector<16xi32>,
    %get3A_564 = arith.constant 944 : index
    %get3A_565 = tpu.vector_load %arg5[%get3A_564] {strides = array<i32>} : memref<1024xi32, #tpu.memory_space<vmem>>, vector<16xi32>,
    %get3A_566 = vector.shape_cast %get3A_565 : vector<16xi32> to vector<16xi32>
    %add3A_567 = vector.broadcast %mul3A_34 : i32 to vector<16xi32>
    %add3A_568 = arith.addi %get3A_566, %add3A_567 : vector<16xi32>
    %swap3A_569 = arith.constant 944 : index
    %swap3A_570 = tpu.vector_load %arg5[%swap3A_569] {strides = array<i32>} : memref<1024xi32, #tpu.memory_space<vmem>>, vector<16xi32>,
    %swap3A_571 = vector.shape_cast %swap3A_570 : vector<16xi32> to vector<16xi32>
    %swap3A_572 = vector.shape_cast %add3A_568 : vector<16xi32> to vector<16xi32>
    tpu.vector_store %arg5[%swap3A_569], %swap3A_572 {strides = array<i32>} : memref<1024xi32, #tpu.memory_space<vmem>>, vector<16xi32>,
    %get3A_573 = arith.constant 960 : index
    %get3A_574 = tpu.vector_load %arg5[%get3A_573] {strides = array<i32>} : memref<1024xi32, #tpu.memory_space<vmem>>, vector<16xi32>,
    %get3A_575 = vector.shape_cast %get3A_574 : vector<16xi32> to vector<16xi32>
    %add3A_576 = vector.broadcast %mul3A_34 : i32 to vector<16xi32>
    %add3A_577 = arith.addi %get3A_575, %add3A_576 : vector<16xi32>
    %swap3A_578 = arith.constant 960 : index
    %swap3A_579 = tpu.vector_load %arg5[%swap3A_578] {strides = array<i32>} : memref<1024xi32, #tpu.memory_space<vmem>>, vector<16xi32>,
    %swap3A_580 = vector.shape_cast %swap3A_579 : vector<16xi32> to vector<16xi32>
    %swap3A_581 = vector.shape_cast %add3A_577 : vector<16xi32> to vector<16xi32>
    tpu.vector_store %arg5[%swap3A_578], %swap3A_581 {strides = array<i32>} : memref<1024xi32, #tpu.memory_space<vmem>>, vector<16xi32>,
    %get3A_582 = arith.constant 976 : index
    %get3A_583 = tpu.vector_load %arg5[%get3A_582] {strides = array<i32>} : memref<1024xi32, #tpu.memory_space<vmem>>, vector<16xi32>,
    %get3A_584 = vector.shape_cast %get3A_583 : vector<16xi32> to vector<16xi32>
    %add3A_585 = vector.broadcast %mul3A_34 : i32 to vector<16xi32>
    %add3A_586 = arith.addi %get3A_584, %add3A_585 : vector<16xi32>
    %swap3A_587 = arith.constant 976 : index
    %swap3A_588 = tpu.vector_load %arg5[%swap3A_587] {strides = array<i32>} : memref<1024xi32, #tpu.memory_space<vmem>>, vector<16xi32>,
    %swap3A_589 = vector.shape_cast %swap3A_588 : vector<16xi32> to vector<16xi32>
    %swap3A_590 = vector.shape_cast %add3A_586 : vector<16xi32> to vector<16xi32>
    tpu.vector_store %arg5[%swap3A_587], %swap3A_590 {strides = array<i32>} : memref<1024xi32, #tpu.memory_space<vmem>>, vector<16xi32>,
    %get3A_591 = arith.constant 992 : index
    %get3A_592 = tpu.vector_load %arg5[%get3A_591] {strides = array<i32>} : memref<1024xi32, #tpu.memory_space<vmem>>, vector<16xi32>,
    %get3A_593 = vector.shape_cast %get3A_592 : vector<16xi32> to vector<16xi32>
    %add3A_594 = vector.broadcast %mul3A_34 : i32 to vector<16xi32>
    %add3A_595 = arith.addi %get3A_593, %add3A_594 : vector<16xi32>
    %swap3A_596 = arith.constant 992 : index
    %swap3A_597 = tpu.vector_load %arg5[%swap3A_596] {strides = array<i32>} : memref<1024xi32, #tpu.memory_space<vmem>>, vector<16xi32>,
    %swap3A_598 = vector.shape_cast %swap3A_597 : vector<16xi32> to vector<16xi32>
    %swap3A_599 = vector.shape_cast %add3A_595 : vector<16xi32> to vector<16xi32>
    tpu.vector_store %arg5[%swap3A_596], %swap3A_599 {strides = array<i32>} : memref<1024xi32, #tpu.memory_space<vmem>>, vector<16xi32>,
    %get3A_600 = arith.constant 1008 : index
    %get3A_601 = tpu.vector_load %arg5[%get3A_600] {strides = array<i32>} : memref<1024xi32, #tpu.memory_space<vmem>>, vector<16xi32>,
    %get3A_602 = vector.shape_cast %get3A_601 : vector<16xi32> to vector<16xi32>
    %add3A_603 = vector.broadcast %mul3A_34 : i32 to vector<16xi32>
    %add3A_604 = arith.addi %get3A_602, %add3A_603 : vector<16xi32>
    %swap3A_605 = arith.constant 1008 : index
    %swap3A_606 = tpu.vector_load %arg5[%swap3A_605] {strides = array<i32>} : memref<1024xi32, #tpu.memory_space<vmem>>, vector<16xi32>,
    %swap3A_607 = vector.shape_cast %swap3A_606 : vector<16xi32> to vector<16xi32>
    %swap3A_608 = vector.shape_cast %add3A_604 : vector<16xi32> to vector<16xi32>
    tpu.vector_store %arg5[%swap3A_605], %swap3A_608 {strides = array<i32>} : memref<1024xi32, #tpu.memory_space<vmem>>, vector<16xi32>,
    %dma_start3A = arith.constant 0 : i32
    %dma_start3A_609 = arith.constant 0 : i32
    %dma_start3A_610 = arith.constant 0 : i32
    %dma_start3A_611 = tpu.memref_slice %arg6[%dma_start3A, %dma_start3A_609, %dma_start3A_610] : memref<3x128x256xf32, #tpu.memory_space<vmem>> -> memref<1x128x256xf32, #tpu.memory_space<vmem>>
    %dma_start3A_612 = tpu.memref_squeeze %dma_start3A_611 : memref<1x128x256xf32, #tpu.memory_space<vmem>> -> memref<128x256xf32, #tpu.memory_space<vmem>>
    %dma_start3A_613 = arith.constant 0 : i32
    %dma_start3A_614 = tpu.memref_slice %arg5[%dma_start3A_613] : memref<1024xi32, #tpu.memory_space<vmem>> -> memref<128xi32, #tpu.memory_space<vmem>>
    %dma_start3A_615 = arith.constant 0 : i32
    %dma_start3A_616 = arith.constant 0 : i32
    %dma_start3A_617 = tpu.memref_slice %arg2[%dma_start3A_615, %dma_start3A_616] : memref<1024x256xf32, #tpu.memory_space<hbm>> -> memref<1024x256xf32, #tpu.memory_space<hbm>>
    tpu.enqueue_indirect_dma source(%dma_start3A_617 : memref<1024x256xf32, #tpu.memory_space<hbm>>) target(%dma_start3A_612 : memref<128x256xf32, #tpu.memory_space<vmem>>) offsets(%dma_start3A_614 : memref<128xi32, #tpu.memory_space<vmem>>) semaphore(%arg7 : memref<!tpu.dma_semaphore, #tpu.memory_space<semaphore_mem>>)
    %dma_start3A_618 = arith.constant 1 : i32
    %dma_start3A_619 = arith.constant 0 : i32
    %dma_start3A_620 = arith.constant 0 : i32
    %dma_start3A_621 = tpu.memref_slice %arg6[%dma_start3A_618, %dma_start3A_619, %dma_start3A_620] : memref<3x128x256xf32, #tpu.memory_space<vmem>> -> memref<1x128x256xf32, #tpu.memory_space<vmem>>
    %dma_start3A_622 = tpu.memref_squeeze %dma_start3A_621 : memref<1x128x256xf32, #tpu.memory_space<vmem>> -> memref<128x256xf32, #tpu.memory_space<vmem>>
    %dma_start3A_623 = arith.constant 128 : i32
    %dma_start3A_624 = tpu.memref_slice %arg5[%dma_start3A_623] : memref<1024xi32, #tpu.memory_space<vmem>> -> memref<128xi32, #tpu.memory_space<vmem>>
    %dma_start3A_625 = arith.constant 0 : i32
    %dma_start3A_626 = arith.constant 0 : i32
    %dma_start3A_627 = tpu.memref_slice %arg2[%dma_start3A_625, %dma_start3A_626] : memref<1024x256xf32, #tpu.memory_space<hbm>> -> memref<1024x256xf32, #tpu.memory_space<hbm>>
    tpu.enqueue_indirect_dma source(%dma_start3A_627 : memref<1024x256xf32, #tpu.memory_space<hbm>>) target(%dma_start3A_622 : memref<128x256xf32, #tpu.memory_space<vmem>>) offsets(%dma_start3A_624 : memref<128xi32, #tpu.memory_space<vmem>>) semaphore(%arg8 : memref<!tpu.dma_semaphore, #tpu.memory_space<semaphore_mem>>)
    %dma_wait3A = arith.constant 0 : i32
    %dma_wait3A_628 = arith.constant 0 : i32
    %dma_wait3A_629 = arith.constant 0 : i32
    %dma_wait3A_630 = tpu.memref_slice %arg6[%dma_wait3A, %dma_wait3A_628, %dma_wait3A_629] : memref<3x128x256xf32, #tpu.memory_space<vmem>> -> memref<1x128x256xf32, #tpu.memory_space<vmem>>
    %dma_wait3A_631 = tpu.memref_squeeze %dma_wait3A_630 : memref<1x128x256xf32, #tpu.memory_space<vmem>> -> memref<128x256xf32, #tpu.memory_space<vmem>>
    %dma_wait3A_632 = arith.constant 0 : i32
    %dma_wait3A_633 = tpu.memref_slice %arg5[%dma_wait3A_632] : memref<1024xi32, #tpu.memory_space<vmem>> -> memref<128xi32, #tpu.memory_space<vmem>>
    %dma_wait3A_634 = arith.constant 0 : i32
    %dma_wait3A_635 = arith.constant 0 : i32
    %dma_wait3A_636 = tpu.memref_slice %arg2[%dma_wait3A_634, %dma_wait3A_635] : memref<1024x256xf32, #tpu.memory_space<hbm>> -> memref<1024x256xf32, #tpu.memory_space<hbm>>
    tpu.wait_indirect_dma semaphore(%arg7 : memref<!tpu.dma_semaphore, #tpu.memory_space<semaphore_mem>>) src(%dma_wait3A_636 : memref<1024x256xf32, #tpu.memory_space<hbm>>) dst(%dma_wait3A_631 : memref<128x256xf32, #tpu.memory_space<vmem>>)
    %mul3A_637 = arith.constant 1024 : i32
    %mul3A_638 = arith.muli %add3A, %mul3A_637 : i32
    %add3A_639 = arith.constant 0 : i32
    %add3A_640 = arith.addi %mul3A_638, %add3A_639 : i32
    %dma_start3A_641 = arith.constant 0 : i32
    %dma_start3A_642 = arith.constant 0 : i32
    %dma_start3A_643 = arith.constant 0 : i32
    %dma_start3A_644 = tpu.memref_slice %arg6[%dma_start3A_641, %dma_start3A_642, %dma_start3A_643] : memref<3x128x256xf32, #tpu.memory_space<vmem>> -> memref<1x128x256xf32, #tpu.memory_space<vmem>>
    %dma_start3A_645 = tpu.memref_squeeze %dma_start3A_644 : memref<1x128x256xf32, #tpu.memory_space<vmem>> -> memref<128x256xf32, #tpu.memory_space<vmem>>
    %dma_start3A_646 = arith.constant 0 : i32
    %dma_start3A_647 = tpu.memref_slice %arg4[%add3A_640, %dma_start3A_646] : memref<32768x256xf32, #tpu.memory_space<hbm>> -> memref<128x256xf32, #tpu.memory_space<hbm>>
    %dma_start3A_648 = arith.constant 0 : i32
    %dma_start3A_649 = tpu.memref_slice %arg4[%add3A_640, %dma_start3A_648] : memref<32768x256xf32, #tpu.memory_space<hbm>> -> memref<128x256xf32, #tpu.memory_space<hbm>>
    %dma_start3A_650 = arith.constant 0 : i32
    %dma_start3A_651 = arith.constant 0 : i32
    %dma_start3A_652 = tpu.memref_slice %arg6[%dma_start3A_641, %dma_start3A_650, %dma_start3A_651] : memref<3x128x256xf32, #tpu.memory_space<vmem>> -> memref<1x128x256xf32, #tpu.memory_space<vmem>>
    %dma_start3A_653 = tpu.memref_squeeze %dma_start3A_652 : memref<1x128x256xf32, #tpu.memory_space<vmem>> -> memref<128x256xf32, #tpu.memory_space<vmem>>
    tpu.enqueue_dma source(%dma_start3A_653 : memref<128x256xf32, #tpu.memory_space<vmem>>) target(%dma_start3A_649 : memref<128x256xf32, #tpu.memory_space<hbm>>) target_semaphore(%arg10 : memref<!tpu.dma_semaphore, #tpu.memory_space<semaphore_mem>>)
    %dma_start3A_654 = arith.constant 2 : i32
    %dma_start3A_655 = arith.constant 0 : i32
    %dma_start3A_656 = arith.constant 0 : i32
    %dma_start3A_657 = tpu.memref_slice %arg6[%dma_start3A_654, %dma_start3A_655, %dma_start3A_656] : memref<3x128x256xf32, #tpu.memory_space<vmem>> -> memref<1x128x256xf32, #tpu.memory_space<vmem>>
    %dma_start3A_658 = tpu.memref_squeeze %dma_start3A_657 : memref<1x128x256xf32, #tpu.memory_space<vmem>> -> memref<128x256xf32, #tpu.memory_space<vmem>>
    %dma_start3A_659 = arith.constant 256 : i32
    %dma_start3A_660 = tpu.memref_slice %arg5[%dma_start3A_659] : memref<1024xi32, #tpu.memory_space<vmem>> -> memref<128xi32, #tpu.memory_space<vmem>>
    %dma_start3A_661 = arith.constant 0 : i32
    %dma_start3A_662 = arith.constant 0 : i32
    %dma_start3A_663 = tpu.memref_slice %arg2[%dma_start3A_661, %dma_start3A_662] : memref<1024x256xf32, #tpu.memory_space<hbm>> -> memref<1024x256xf32, #tpu.memory_space<hbm>>
    tpu.enqueue_indirect_dma source(%dma_start3A_663 : memref<1024x256xf32, #tpu.memory_space<hbm>>) target(%dma_start3A_658 : memref<128x256xf32, #tpu.memory_space<vmem>>) offsets(%dma_start3A_660 : memref<128xi32, #tpu.memory_space<vmem>>) semaphore(%arg9 : memref<!tpu.dma_semaphore, #tpu.memory_space<semaphore_mem>>)
    %dma_wait3A_664 = arith.constant 1 : i32
    %dma_wait3A_665 = arith.constant 0 : i32
    %dma_wait3A_666 = arith.constant 0 : i32
    %dma_wait3A_667 = tpu.memref_slice %arg6[%dma_wait3A_664, %dma_wait3A_665, %dma_wait3A_666] : memref<3x128x256xf32, #tpu.memory_space<vmem>> -> memref<1x128x256xf32, #tpu.memory_space<vmem>>
    %dma_wait3A_668 = tpu.memref_squeeze %dma_wait3A_667 : memref<1x128x256xf32, #tpu.memory_space<vmem>> -> memref<128x256xf32, #tpu.memory_space<vmem>>
    %dma_wait3A_669 = arith.constant 128 : i32
    %dma_wait3A_670 = tpu.memref_slice %arg5[%dma_wait3A_669] : memref<1024xi32, #tpu.memory_space<vmem>> -> memref<128xi32, #tpu.memory_space<vmem>>
    %dma_wait3A_671 = arith.constant 0 : i32
    %dma_wait3A_672 = arith.constant 0 : i32
    %dma_wait3A_673 = tpu.memref_slice %arg2[%dma_wait3A_671, %dma_wait3A_672] : memref<1024x256xf32, #tpu.memory_space<hbm>> -> memref<1024x256xf32, #tpu.memory_space<hbm>>
    tpu.wait_indirect_dma semaphore(%arg8 : memref<!tpu.dma_semaphore, #tpu.memory_space<semaphore_mem>>) src(%dma_wait3A_673 : memref<1024x256xf32, #tpu.memory_space<hbm>>) dst(%dma_wait3A_668 : memref<128x256xf32, #tpu.memory_space<vmem>>)
    %mul3A_674 = arith.constant 1024 : i32
    %mul3A_675 = arith.muli %add3A, %mul3A_674 : i32
    %add3A_676 = arith.constant 128 : i32
    %add3A_677 = arith.addi %mul3A_675, %add3A_676 : i32
    %dma_start3A_678 = arith.constant 1 : i32
    %dma_start3A_679 = arith.constant 0 : i32
    %dma_start3A_680 = arith.constant 0 : i32
    %dma_start3A_681 = tpu.memref_slice %arg6[%dma_start3A_678, %dma_start3A_679, %dma_start3A_680] : memref<3x128x256xf32, #tpu.memory_space<vmem>> -> memref<1x128x256xf32, #tpu.memory_space<vmem>>
    %dma_start3A_682 = tpu.memref_squeeze %dma_start3A_681 : memref<1x128x256xf32, #tpu.memory_space<vmem>> -> memref<128x256xf32, #tpu.memory_space<vmem>>
    %dma_start3A_683 = arith.constant 0 : i32
    %dma_start3A_684 = tpu.memref_slice %arg4[%add3A_677, %dma_start3A_683] : memref<32768x256xf32, #tpu.memory_space<hbm>> -> memref<128x256xf32, #tpu.memory_space<hbm>>
    %dma_start3A_685 = arith.constant 0 : i32
    %dma_start3A_686 = tpu.memref_slice %arg4[%add3A_677, %dma_start3A_685] : memref<32768x256xf32, #tpu.memory_space<hbm>> -> memref<128x256xf32, #tpu.memory_space<hbm>>
    %dma_start3A_687 = arith.constant 0 : i32
    %dma_start3A_688 = arith.constant 0 : i32
    %dma_start3A_689 = tpu.memref_slice %arg6[%dma_start3A_678, %dma_start3A_687, %dma_start3A_688] : memref<3x128x256xf32, #tpu.memory_space<vmem>> -> memref<1x128x256xf32, #tpu.memory_space<vmem>>
    %dma_start3A_690 = tpu.memref_squeeze %dma_start3A_689 : memref<1x128x256xf32, #tpu.memory_space<vmem>> -> memref<128x256xf32, #tpu.memory_space<vmem>>
    tpu.enqueue_dma source(%dma_start3A_690 : memref<128x256xf32, #tpu.memory_space<vmem>>) target(%dma_start3A_686 : memref<128x256xf32, #tpu.memory_space<hbm>>) target_semaphore(%arg11 : memref<!tpu.dma_semaphore, #tpu.memory_space<semaphore_mem>>)
    %dma_wait3A_691 = arith.constant 0 : i32
    %dma_wait3A_692 = arith.constant 0 : i32
    %dma_wait3A_693 = arith.constant 0 : i32
    %dma_wait3A_694 = tpu.memref_slice %arg6[%dma_wait3A_691, %dma_wait3A_692, %dma_wait3A_693] : memref<3x128x256xf32, #tpu.memory_space<vmem>> -> memref<1x128x256xf32, #tpu.memory_space<vmem>>
    %dma_wait3A_695 = tpu.memref_squeeze %dma_wait3A_694 : memref<1x128x256xf32, #tpu.memory_space<vmem>> -> memref<128x256xf32, #tpu.memory_space<vmem>>
    %dma_wait3A_696 = arith.constant 0 : i32
    %dma_wait3A_697 = tpu.memref_slice %arg4[%add3A_640, %dma_wait3A_696] : memref<32768x256xf32, #tpu.memory_space<hbm>> -> memref<128x256xf32, #tpu.memory_space<hbm>>
    %dma_wait3A_698 = arith.constant 0 : i32
    %dma_wait3A_699 = tpu.memref_slice %arg4[%add3A_640, %dma_wait3A_698] : memref<32768x256xf32, #tpu.memory_space<hbm>> -> memref<128x256xf32, #tpu.memory_space<hbm>>
    %dma_wait3A_700 = arith.constant 0 : i32
    %dma_wait3A_701 = arith.constant 0 : i32
    %dma_wait3A_702 = tpu.memref_slice %arg6[%dma_wait3A_691, %dma_wait3A_700, %dma_wait3A_701] : memref<3x128x256xf32, #tpu.memory_space<vmem>> -> memref<1x128x256xf32, #tpu.memory_space<vmem>>
    %dma_wait3A_703 = tpu.memref_squeeze %dma_wait3A_702 : memref<1x128x256xf32, #tpu.memory_space<vmem>> -> memref<128x256xf32, #tpu.memory_space<vmem>>
    tpu.wait_dma2 semaphore(%arg10 : memref<!tpu.dma_semaphore, #tpu.memory_space<semaphore_mem>>) src(%dma_wait3A_703 : memref<128x256xf32, #tpu.memory_space<vmem>>) dst(%dma_wait3A_699 : memref<128x256xf32, #tpu.memory_space<hbm>>)
    %dma_start3A_704 = arith.constant 0 : i32
    %dma_start3A_705 = arith.constant 0 : i32
    %dma_start3A_706 = arith.constant 0 : i32
    %dma_start3A_707 = tpu.memref_slice %arg6[%dma_start3A_704, %dma_start3A_705, %dma_start3A_706] : memref<3x128x256xf32, #tpu.memory_space<vmem>> -> memref<1x128x256xf32, #tpu.memory_space<vmem>>
    %dma_start3A_708 = tpu.memref_squeeze %dma_start3A_707 : memref<1x128x256xf32, #tpu.memory_space<vmem>> -> memref<128x256xf32, #tpu.memory_space<vmem>>
    %dma_start3A_709 = arith.constant 384 : i32
    %dma_start3A_710 = tpu.memref_slice %arg5[%dma_start3A_709] : memref<1024xi32, #tpu.memory_space<vmem>> -> memref<128xi32, #tpu.memory_space<vmem>>
    %dma_start3A_711 = arith.constant 0 : i32
    %dma_start3A_712 = arith.constant 0 : i32
    %dma_start3A_713 = tpu.memref_slice %arg2[%dma_start3A_711, %dma_start3A_712] : memref<1024x256xf32, #tpu.memory_space<hbm>> -> memref<1024x256xf32, #tpu.memory_space<hbm>>
    tpu.enqueue_indirect_dma source(%dma_start3A_713 : memref<1024x256xf32, #tpu.memory_space<hbm>>) target(%dma_start3A_708 : memref<128x256xf32, #tpu.memory_space<vmem>>) offsets(%dma_start3A_710 : memref<128xi32, #tpu.memory_space<vmem>>) semaphore(%arg7 : memref<!tpu.dma_semaphore, #tpu.memory_space<semaphore_mem>>)
    %dma_wait3A_714 = arith.constant 2 : i32
    %dma_wait3A_715 = arith.constant 0 : i32
    %dma_wait3A_716 = arith.constant 0 : i32
    %dma_wait3A_717 = tpu.memref_slice %arg6[%dma_wait3A_714, %dma_wait3A_715, %dma_wait3A_716] : memref<3x128x256xf32, #tpu.memory_space<vmem>> -> memref<1x128x256xf32, #tpu.memory_space<vmem>>
    %dma_wait3A_718 = tpu.memref_squeeze %dma_wait3A_717 : memref<1x128x256xf32, #tpu.memory_space<vmem>> -> memref<128x256xf32, #tpu.memory_space<vmem>>
    %dma_wait3A_719 = arith.constant 256 : i32
    %dma_wait3A_720 = tpu.memref_slice %arg5[%dma_wait3A_719] : memref<1024xi32, #tpu.memory_space<vmem>> -> memref<128xi32, #tpu.memory_space<vmem>>
    %dma_wait3A_721 = arith.constant 0 : i32
    %dma_wait3A_722 = arith.constant 0 : i32
    %dma_wait3A_723 = tpu.memref_slice %arg2[%dma_wait3A_721, %dma_wait3A_722] : memref<1024x256xf32, #tpu.memory_space<hbm>> -> memref<1024x256xf32, #tpu.memory_space<hbm>>
    tpu.wait_indirect_dma semaphore(%arg9 : memref<!tpu.dma_semaphore, #tpu.memory_space<semaphore_mem>>) src(%dma_wait3A_723 : memref<1024x256xf32, #tpu.memory_space<hbm>>) dst(%dma_wait3A_718 : memref<128x256xf32, #tpu.memory_space<vmem>>)
    %mul3A_724 = arith.constant 1024 : i32
    %mul3A_725 = arith.muli %add3A, %mul3A_724 : i32
    %add3A_726 = arith.constant 256 : i32
    %add3A_727 = arith.addi %mul3A_725, %add3A_726 : i32
    %dma_start3A_728 = arith.constant 2 : i32
    %dma_start3A_729 = arith.constant 0 : i32
    %dma_start3A_730 = arith.constant 0 : i32
    %dma_start3A_731 = tpu.memref_slice %arg6[%dma_start3A_728, %dma_start3A_729, %dma_start3A_730] : memref<3x128x256xf32, #tpu.memory_space<vmem>> -> memref<1x128x256xf32, #tpu.memory_space<vmem>>
    %dma_start3A_732 = tpu.memref_squeeze %dma_start3A_731 : memref<1x128x256xf32, #tpu.memory_space<vmem>> -> memref<128x256xf32, #tpu.memory_space<vmem>>
    %dma_start3A_733 = arith.constant 0 : i32
    %dma_start3A_734 = tpu.memref_slice %arg4[%add3A_727, %dma_start3A_733] : memref<32768x256xf32, #tpu.memory_space<hbm>> -> memref<128x256xf32, #tpu.memory_space<hbm>>
    %dma_start3A_735 = arith.constant 0 : i32
    %dma_start3A_736 = tpu.memref_slice %arg4[%add3A_727, %dma_start3A_735] : memref<32768x256xf32, #tpu.memory_space<hbm>> -> memref<128x256xf32, #tpu.memory_space<hbm>>
    %dma_start3A_737 = arith.constant 0 : i32
    %dma_start3A_738 = arith.constant 0 : i32
    %dma_start3A_739 = tpu.memref_slice %arg6[%dma_start3A_728, %dma_start3A_737, %dma_start3A_738] : memref<3x128x256xf32, #tpu.memory_space<vmem>> -> memref<1x128x256xf32, #tpu.memory_space<vmem>>
    %dma_start3A_740 = tpu.memref_squeeze %dma_start3A_739 : memref<1x128x256xf32, #tpu.memory_space<vmem>> -> memref<128x256xf32, #tpu.memory_space<vmem>>
    tpu.enqueue_dma source(%dma_start3A_740 : memref<128x256xf32, #tpu.memory_space<vmem>>) target(%dma_start3A_736 : memref<128x256xf32, #tpu.memory_space<hbm>>) target_semaphore(%arg12 : memref<!tpu.dma_semaphore, #tpu.memory_space<semaphore_mem>>)
    %dma_wait3A_741 = arith.constant 1 : i32
    %dma_wait3A_742 = arith.constant 0 : i32
    %dma_wait3A_743 = arith.constant 0 : i32
    %dma_wait3A_744 = tpu.memref_slice %arg6[%dma_wait3A_741, %dma_wait3A_742, %dma_wait3A_743] : memref<3x128x256xf32, #tpu.memory_space<vmem>> -> memref<1x128x256xf32, #tpu.memory_space<vmem>>
    %dma_wait3A_745 = tpu.memref_squeeze %dma_wait3A_744 : memref<1x128x256xf32, #tpu.memory_space<vmem>> -> memref<128x256xf32, #tpu.memory_space<vmem>>
    %dma_wait3A_746 = arith.constant 0 : i32
    %dma_wait3A_747 = tpu.memref_slice %arg4[%add3A_677, %dma_wait3A_746] : memref<32768x256xf32, #tpu.memory_space<hbm>> -> memref<128x256xf32, #tpu.memory_space<hbm>>
    %dma_wait3A_748 = arith.constant 0 : i32
    %dma_wait3A_749 = tpu.memref_slice %arg4[%add3A_677, %dma_wait3A_748] : memref<32768x256xf32, #tpu.memory_space<hbm>> -> memref<128x256xf32, #tpu.memory_space<hbm>>
    %dma_wait3A_750 = arith.constant 0 : i32
    %dma_wait3A_751 = arith.constant 0 : i32
    %dma_wait3A_752 = tpu.memref_slice %arg6[%dma_wait3A_741, %dma_wait3A_750, %dma_wait3A_751] : memref<3x128x256xf32, #tpu.memory_space<vmem>> -> memref<1x128x256xf32, #tpu.memory_space<vmem>>
    %dma_wait3A_753 = tpu.memref_squeeze %dma_wait3A_752 : memref<1x128x256xf32, #tpu.memory_space<vmem>> -> memref<128x256xf32, #tpu.memory_space<vmem>>
    tpu.wait_dma2 semaphore(%arg11 : memref<!tpu.dma_semaphore, #tpu.memory_space<semaphore_mem>>) src(%dma_wait3A_753 : memref<128x256xf32, #tpu.memory_space<vmem>>) dst(%dma_wait3A_749 : memref<128x256xf32, #tpu.memory_space<hbm>>)
    %dma_start3A_754 = arith.constant 1 : i32
    %dma_start3A_755 = arith.constant 0 : i32
    %dma_start3A_756 = arith.constant 0 : i32
    %dma_start3A_757 = tpu.memref_slice %arg6[%dma_start3A_754, %dma_start3A_755, %dma_start3A_756] : memref<3x128x256xf32, #tpu.memory_space<vmem>> -> memref<1x128x256xf32, #tpu.memory_space<vmem>>
    %dma_start3A_758 = tpu.memref_squeeze %dma_start3A_757 : memref<1x128x256xf32, #tpu.memory_space<vmem>> -> memref<128x256xf32, #tpu.memory_space<vmem>>
    %dma_start3A_759 = arith.constant 512 : i32
    %dma_start3A_760 = tpu.memref_slice %arg5[%dma_start3A_759] : memref<1024xi32, #tpu.memory_space<vmem>> -> memref<128xi32, #tpu.memory_space<vmem>>
    %dma_start3A_761 = arith.constant 0 : i32
    %dma_start3A_762 = arith.constant 0 : i32
    %dma_start3A_763 = tpu.memref_slice %arg2[%dma_start3A_761, %dma_start3A_762] : memref<1024x256xf32, #tpu.memory_space<hbm>> -> memref<1024x256xf32, #tpu.memory_space<hbm>>
    tpu.enqueue_indirect_dma source(%dma_start3A_763 : memref<1024x256xf32, #tpu.memory_space<hbm>>) target(%dma_start3A_758 : memref<128x256xf32, #tpu.memory_space<vmem>>) offsets(%dma_start3A_760 : memref<128xi32, #tpu.memory_space<vmem>>) semaphore(%arg8 : memref<!tpu.dma_semaphore, #tpu.memory_space<semaphore_mem>>)
    %dma_wait3A_764 = arith.constant 0 : i32
    %dma_wait3A_765 = arith.constant 0 : i32
    %dma_wait3A_766 = arith.constant 0 : i32
    %dma_wait3A_767 = tpu.memref_slice %arg6[%dma_wait3A_764, %dma_wait3A_765, %dma_wait3A_766] : memref<3x128x256xf32, #tpu.memory_space<vmem>> -> memref<1x128x256xf32, #tpu.memory_space<vmem>>
    %dma_wait3A_768 = tpu.memref_squeeze %dma_wait3A_767 : memref<1x128x256xf32, #tpu.memory_space<vmem>> -> memref<128x256xf32, #tpu.memory_space<vmem>>
    %dma_wait3A_769 = arith.constant 384 : i32
    %dma_wait3A_770 = tpu.memref_slice %arg5[%dma_wait3A_769] : memref<1024xi32, #tpu.memory_space<vmem>> -> memref<128xi32, #tpu.memory_space<vmem>>
    %dma_wait3A_771 = arith.constant 0 : i32
    %dma_wait3A_772 = arith.constant 0 : i32
    %dma_wait3A_773 = tpu.memref_slice %arg2[%dma_wait3A_771, %dma_wait3A_772] : memref<1024x256xf32, #tpu.memory_space<hbm>> -> memref<1024x256xf32, #tpu.memory_space<hbm>>
    tpu.wait_indirect_dma semaphore(%arg7 : memref<!tpu.dma_semaphore, #tpu.memory_space<semaphore_mem>>) src(%dma_wait3A_773 : memref<1024x256xf32, #tpu.memory_space<hbm>>) dst(%dma_wait3A_768 : memref<128x256xf32, #tpu.memory_space<vmem>>)
    %mul3A_774 = arith.constant 1024 : i32
    %mul3A_775 = arith.muli %add3A, %mul3A_774 : i32
    %add3A_776 = arith.constant 384 : i32
    %add3A_777 = arith.addi %mul3A_775, %add3A_776 : i32
    %dma_start3A_778 = arith.constant 0 : i32
    %dma_start3A_779 = arith.constant 0 : i32
    %dma_start3A_780 = arith.constant 0 : i32
    %dma_start3A_781 = tpu.memref_slice %arg6[%dma_start3A_778, %dma_start3A_779, %dma_start3A_780] : memref<3x128x256xf32, #tpu.memory_space<vmem>> -> memref<1x128x256xf32, #tpu.memory_space<vmem>>
    %dma_start3A_782 = tpu.memref_squeeze %dma_start3A_781 : memref<1x128x256xf32, #tpu.memory_space<vmem>> -> memref<128x256xf32, #tpu.memory_space<vmem>>
    %dma_start3A_783 = arith.constant 0 : i32
    %dma_start3A_784 = tpu.memref_slice %arg4[%add3A_777, %dma_start3A_783] : memref<32768x256xf32, #tpu.memory_space<hbm>> -> memref<128x256xf32, #tpu.memory_space<hbm>>
    %dma_start3A_785 = arith.constant 0 : i32
    %dma_start3A_786 = tpu.memref_slice %arg4[%add3A_777, %dma_start3A_785] : memref<32768x256xf32, #tpu.memory_space<hbm>> -> memref<128x256xf32, #tpu.memory_space<hbm>>
    %dma_start3A_787 = arith.constant 0 : i32
    %dma_start3A_788 = arith.constant 0 : i32
    %dma_start3A_789 = tpu.memref_slice %arg6[%dma_start3A_778, %dma_start3A_787, %dma_start3A_788] : memref<3x128x256xf32, #tpu.memory_space<vmem>> -> memref<1x128x256xf32, #tpu.memory_space<vmem>>
    %dma_start3A_790 = tpu.memref_squeeze %dma_start3A_789 : memref<1x128x256xf32, #tpu.memory_space<vmem>> -> memref<128x256xf32, #tpu.memory_space<vmem>>
    tpu.enqueue_dma source(%dma_start3A_790 : memref<128x256xf32, #tpu.memory_space<vmem>>) target(%dma_start3A_786 : memref<128x256xf32, #tpu.memory_space<hbm>>) target_semaphore(%arg10 : memref<!tpu.dma_semaphore, #tpu.memory_space<semaphore_mem>>)
    %dma_wait3A_791 = arith.constant 2 : i32
    %dma_wait3A_792 = arith.constant 0 : i32
    %dma_wait3A_793 = arith.constant 0 : i32
    %dma_wait3A_794 = tpu.memref_slice %arg6[%dma_wait3A_791, %dma_wait3A_792, %dma_wait3A_793] : memref<3x128x256xf32, #tpu.memory_space<vmem>> -> memref<1x128x256xf32, #tpu.memory_space<vmem>>
    %dma_wait3A_795 = tpu.memref_squeeze %dma_wait3A_794 : memref<1x128x256xf32, #tpu.memory_space<vmem>> -> memref<128x256xf32, #tpu.memory_space<vmem>>
    %dma_wait3A_796 = arith.constant 0 : i32
    %dma_wait3A_797 = tpu.memref_slice %arg4[%add3A_727, %dma_wait3A_796] : memref<32768x256xf32, #tpu.memory_space<hbm>> -> memref<128x256xf32, #tpu.memory_space<hbm>>
    %dma_wait3A_798 = arith.constant 0 : i32
    %dma_wait3A_799 = tpu.memref_slice %arg4[%add3A_727, %dma_wait3A_798] : memref<32768x256xf32, #tpu.memory_space<hbm>> -> memref<128x256xf32, #tpu.memory_space<hbm>>
    %dma_wait3A_800 = arith.constant 0 : i32
    %dma_wait3A_801 = arith.constant 0 : i32
    %dma_wait3A_802 = tpu.memref_slice %arg6[%dma_wait3A_791, %dma_wait3A_800, %dma_wait3A_801] : memref<3x128x256xf32, #tpu.memory_space<vmem>> -> memref<1x128x256xf32, #tpu.memory_space<vmem>>
    %dma_wait3A_803 = tpu.memref_squeeze %dma_wait3A_802 : memref<1x128x256xf32, #tpu.memory_space<vmem>> -> memref<128x256xf32, #tpu.memory_space<vmem>>
    tpu.wait_dma2 semaphore(%arg12 : memref<!tpu.dma_semaphore, #tpu.memory_space<semaphore_mem>>) src(%dma_wait3A_803 : memref<128x256xf32, #tpu.memory_space<vmem>>) dst(%dma_wait3A_799 : memref<128x256xf32, #tpu.memory_space<hbm>>)
    %dma_start3A_804 = arith.constant 2 : i32
    %dma_start3A_805 = arith.constant 0 : i32
    %dma_start3A_806 = arith.constant 0 : i32
    %dma_start3A_807 = tpu.memref_slice %arg6[%dma_start3A_804, %dma_start3A_805, %dma_start3A_806] : memref<3x128x256xf32, #tpu.memory_space<vmem>> -> memref<1x128x256xf32, #tpu.memory_space<vmem>>
    %dma_start3A_808 = tpu.memref_squeeze %dma_start3A_807 : memref<1x128x256xf32, #tpu.memory_space<vmem>> -> memref<128x256xf32, #tpu.memory_space<vmem>>
    %dma_start3A_809 = arith.constant 640 : i32
    %dma_start3A_810 = tpu.memref_slice %arg5[%dma_start3A_809] : memref<1024xi32, #tpu.memory_space<vmem>> -> memref<128xi32, #tpu.memory_space<vmem>>
    %dma_start3A_811 = arith.constant 0 : i32
    %dma_start3A_812 = arith.constant 0 : i32
    %dma_start3A_813 = tpu.memref_slice %arg2[%dma_start3A_811, %dma_start3A_812] : memref<1024x256xf32, #tpu.memory_space<hbm>> -> memref<1024x256xf32, #tpu.memory_space<hbm>>
    tpu.enqueue_indirect_dma source(%dma_start3A_813 : memref<1024x256xf32, #tpu.memory_space<hbm>>) target(%dma_start3A_808 : memref<128x256xf32, #tpu.memory_space<vmem>>) offsets(%dma_start3A_810 : memref<128xi32, #tpu.memory_space<vmem>>) semaphore(%arg9 : memref<!tpu.dma_semaphore, #tpu.memory_space<semaphore_mem>>)
    %dma_wait3A_814 = arith.constant 1 : i32
    %dma_wait3A_815 = arith.constant 0 : i32
    %dma_wait3A_816 = arith.constant 0 : i32
    %dma_wait3A_817 = tpu.memref_slice %arg6[%dma_wait3A_814, %dma_wait3A_815, %dma_wait3A_816] : memref<3x128x256xf32, #tpu.memory_space<vmem>> -> memref<1x128x256xf32, #tpu.memory_space<vmem>>
    %dma_wait3A_818 = tpu.memref_squeeze %dma_wait3A_817 : memref<1x128x256xf32, #tpu.memory_space<vmem>> -> memref<128x256xf32, #tpu.memory_space<vmem>>
    %dma_wait3A_819 = arith.constant 512 : i32
    %dma_wait3A_820 = tpu.memref_slice %arg5[%dma_wait3A_819] : memref<1024xi32, #tpu.memory_space<vmem>> -> memref<128xi32, #tpu.memory_space<vmem>>
    %dma_wait3A_821 = arith.constant 0 : i32
    %dma_wait3A_822 = arith.constant 0 : i32
    %dma_wait3A_823 = tpu.memref_slice %arg2[%dma_wait3A_821, %dma_wait3A_822] : memref<1024x256xf32, #tpu.memory_space<hbm>> -> memref<1024x256xf32, #tpu.memory_space<hbm>>
    tpu.wait_indirect_dma semaphore(%arg8 : memref<!tpu.dma_semaphore, #tpu.memory_space<semaphore_mem>>) src(%dma_wait3A_823 : memref<1024x256xf32, #tpu.memory_space<hbm>>) dst(%dma_wait3A_818 : memref<128x256xf32, #tpu.memory_space<vmem>>)
    %mul3A_824 = arith.constant 1024 : i32
    %mul3A_825 = arith.muli %add3A, %mul3A_824 : i32
    %add3A_826 = arith.constant 512 : i32
    %add3A_827 = arith.addi %mul3A_825, %add3A_826 : i32
    %dma_start3A_828 = arith.constant 1 : i32
    %dma_start3A_829 = arith.constant 0 : i32
    %dma_start3A_830 = arith.constant 0 : i32
    %dma_start3A_831 = tpu.memref_slice %arg6[%dma_start3A_828, %dma_start3A_829, %dma_start3A_830] : memref<3x128x256xf32, #tpu.memory_space<vmem>> -> memref<1x128x256xf32, #tpu.memory_space<vmem>>
    %dma_start3A_832 = tpu.memref_squeeze %dma_start3A_831 : memref<1x128x256xf32, #tpu.memory_space<vmem>> -> memref<128x256xf32, #tpu.memory_space<vmem>>
    %dma_start3A_833 = arith.constant 0 : i32
    %dma_start3A_834 = tpu.memref_slice %arg4[%add3A_827, %dma_start3A_833] : memref<32768x256xf32, #tpu.memory_space<hbm>> -> memref<128x256xf32, #tpu.memory_space<hbm>>
    %dma_start3A_835 = arith.constant 0 : i32
    %dma_start3A_836 = tpu.memref_slice %arg4[%add3A_827, %dma_start3A_835] : memref<32768x256xf32, #tpu.memory_space<hbm>> -> memref<128x256xf32, #tpu.memory_space<hbm>>
    %dma_start3A_837 = arith.constant 0 : i32
    %dma_start3A_838 = arith.constant 0 : i32
    %dma_start3A_839 = tpu.memref_slice %arg6[%dma_start3A_828, %dma_start3A_837, %dma_start3A_838] : memref<3x128x256xf32, #tpu.memory_space<vmem>> -> memref<1x128x256xf32, #tpu.memory_space<vmem>>
    %dma_start3A_840 = tpu.memref_squeeze %dma_start3A_839 : memref<1x128x256xf32, #tpu.memory_space<vmem>> -> memref<128x256xf32, #tpu.memory_space<vmem>>
    tpu.enqueue_dma source(%dma_start3A_840 : memref<128x256xf32, #tpu.memory_space<vmem>>) target(%dma_start3A_836 : memref<128x256xf32, #tpu.memory_space<hbm>>) target_semaphore(%arg11 : memref<!tpu.dma_semaphore, #tpu.memory_space<semaphore_mem>>)
    %dma_wait3A_841 = arith.constant 0 : i32
    %dma_wait3A_842 = arith.constant 0 : i32
    %dma_wait3A_843 = arith.constant 0 : i32
    %dma_wait3A_844 = tpu.memref_slice %arg6[%dma_wait3A_841, %dma_wait3A_842, %dma_wait3A_843] : memref<3x128x256xf32, #tpu.memory_space<vmem>> -> memref<1x128x256xf32, #tpu.memory_space<vmem>>
    %dma_wait3A_845 = tpu.memref_squeeze %dma_wait3A_844 : memref<1x128x256xf32, #tpu.memory_space<vmem>> -> memref<128x256xf32, #tpu.memory_space<vmem>>
    %dma_wait3A_846 = arith.constant 0 : i32
    %dma_wait3A_847 = tpu.memref_slice %arg4[%add3A_777, %dma_wait3A_846] : memref<32768x256xf32, #tpu.memory_space<hbm>> -> memref<128x256xf32, #tpu.memory_space<hbm>>
    %dma_wait3A_848 = arith.constant 0 : i32
    %dma_wait3A_849 = tpu.memref_slice %arg4[%add3A_777, %dma_wait3A_848] : memref<32768x256xf32, #tpu.memory_space<hbm>> -> memref<128x256xf32, #tpu.memory_space<hbm>>
    %dma_wait3A_850 = arith.constant 0 : i32
    %dma_wait3A_851 = arith.constant 0 : i32
    %dma_wait3A_852 = tpu.memref_slice %arg6[%dma_wait3A_841, %dma_wait3A_850, %dma_wait3A_851] : memref<3x128x256xf32, #tpu.memory_space<vmem>> -> memref<1x128x256xf32, #tpu.memory_space<vmem>>
    %dma_wait3A_853 = tpu.memref_squeeze %dma_wait3A_852 : memref<1x128x256xf32, #tpu.memory_space<vmem>> -> memref<128x256xf32, #tpu.memory_space<vmem>>
    tpu.wait_dma2 semaphore(%arg10 : memref<!tpu.dma_semaphore, #tpu.memory_space<semaphore_mem>>) src(%dma_wait3A_853 : memref<128x256xf32, #tpu.memory_space<vmem>>) dst(%dma_wait3A_849 : memref<128x256xf32, #tpu.memory_space<hbm>>)
    %dma_start3A_854 = arith.constant 0 : i32
    %dma_start3A_855 = arith.constant 0 : i32
    %dma_start3A_856 = arith.constant 0 : i32
    %dma_start3A_857 = tpu.memref_slice %arg6[%dma_start3A_854, %dma_start3A_855, %dma_start3A_856] : memref<3x128x256xf32, #tpu.memory_space<vmem>> -> memref<1x128x256xf32, #tpu.memory_space<vmem>>
    %dma_start3A_858 = tpu.memref_squeeze %dma_start3A_857 : memref<1x128x256xf32, #tpu.memory_space<vmem>> -> memref<128x256xf32, #tpu.memory_space<vmem>>
    %dma_start3A_859 = arith.constant 768 : i32
    %dma_start3A_860 = tpu.memref_slice %arg5[%dma_start3A_859] : memref<1024xi32, #tpu.memory_space<vmem>> -> memref<128xi32, #tpu.memory_space<vmem>>
    %dma_start3A_861 = arith.constant 0 : i32
    %dma_start3A_862 = arith.constant 0 : i32
    %dma_start3A_863 = tpu.memref_slice %arg2[%dma_start3A_861, %dma_start3A_862] : memref<1024x256xf32, #tpu.memory_space<hbm>> -> memref<1024x256xf32, #tpu.memory_space<hbm>>
    tpu.enqueue_indirect_dma source(%dma_start3A_863 : memref<1024x256xf32, #tpu.memory_space<hbm>>) target(%dma_start3A_858 : memref<128x256xf32, #tpu.memory_space<vmem>>) offsets(%dma_start3A_860 : memref<128xi32, #tpu.memory_space<vmem>>) semaphore(%arg7 : memref<!tpu.dma_semaphore, #tpu.memory_space<semaphore_mem>>)
    %dma_wait3A_864 = arith.constant 2 : i32
    %dma_wait3A_865 = arith.constant 0 : i32
    %dma_wait3A_866 = arith.constant 0 : i32
    %dma_wait3A_867 = tpu.memref_slice %arg6[%dma_wait3A_864, %dma_wait3A_865, %dma_wait3A_866] : memref<3x128x256xf32, #tpu.memory_space<vmem>> -> memref<1x128x256xf32, #tpu.memory_space<vmem>>
    %dma_wait3A_868 = tpu.memref_squeeze %dma_wait3A_867 : memref<1x128x256xf32, #tpu.memory_space<vmem>> -> memref<128x256xf32, #tpu.memory_space<vmem>>
    %dma_wait3A_869 = arith.constant 640 : i32
    %dma_wait3A_870 = tpu.memref_slice %arg5[%dma_wait3A_869] : memref<1024xi32, #tpu.memory_space<vmem>> -> memref<128xi32, #tpu.memory_space<vmem>>
    %dma_wait3A_871 = arith.constant 0 : i32
    %dma_wait3A_872 = arith.constant 0 : i32
    %dma_wait3A_873 = tpu.memref_slice %arg2[%dma_wait3A_871, %dma_wait3A_872] : memref<1024x256xf32, #tpu.memory_space<hbm>> -> memref<1024x256xf32, #tpu.memory_space<hbm>>
    tpu.wait_indirect_dma semaphore(%arg9 : memref<!tpu.dma_semaphore, #tpu.memory_space<semaphore_mem>>) src(%dma_wait3A_873 : memref<1024x256xf32, #tpu.memory_space<hbm>>) dst(%dma_wait3A_868 : memref<128x256xf32, #tpu.memory_space<vmem>>)
    %mul3A_874 = arith.constant 1024 : i32
    %mul3A_875 = arith.muli %add3A, %mul3A_874 : i32
    %add3A_876 = arith.constant 640 : i32
    %add3A_877 = arith.addi %mul3A_875, %add3A_876 : i32
    %dma_start3A_878 = arith.constant 2 : i32
    %dma_start3A_879 = arith.constant 0 : i32
    %dma_start3A_880 = arith.constant 0 : i32
    %dma_start3A_881 = tpu.memref_slice %arg6[%dma_start3A_878, %dma_start3A_879, %dma_start3A_880] : memref<3x128x256xf32, #tpu.memory_space<vmem>> -> memref<1x128x256xf32, #tpu.memory_space<vmem>>
    %dma_start3A_882 = tpu.memref_squeeze %dma_start3A_881 : memref<1x128x256xf32, #tpu.memory_space<vmem>> -> memref<128x256xf32, #tpu.memory_space<vmem>>
    %dma_start3A_883 = arith.constant 0 : i32
    %dma_start3A_884 = tpu.memref_slice %arg4[%add3A_877, %dma_start3A_883] : memref<32768x256xf32, #tpu.memory_space<hbm>> -> memref<128x256xf32, #tpu.memory_space<hbm>>
    %dma_start3A_885 = arith.constant 0 : i32
    %dma_start3A_886 = tpu.memref_slice %arg4[%add3A_877, %dma_start3A_885] : memref<32768x256xf32, #tpu.memory_space<hbm>> -> memref<128x256xf32, #tpu.memory_space<hbm>>
    %dma_start3A_887 = arith.constant 0 : i32
    %dma_start3A_888 = arith.constant 0 : i32
    %dma_start3A_889 = tpu.memref_slice %arg6[%dma_start3A_878, %dma_start3A_887, %dma_start3A_888] : memref<3x128x256xf32, #tpu.memory_space<vmem>> -> memref<1x128x256xf32, #tpu.memory_space<vmem>>
    %dma_start3A_890 = tpu.memref_squeeze %dma_start3A_889 : memref<1x128x256xf32, #tpu.memory_space<vmem>> -> memref<128x256xf32, #tpu.memory_space<vmem>>
    tpu.enqueue_dma source(%dma_start3A_890 : memref<128x256xf32, #tpu.memory_space<vmem>>) target(%dma_start3A_886 : memref<128x256xf32, #tpu.memory_space<hbm>>) target_semaphore(%arg12 : memref<!tpu.dma_semaphore, #tpu.memory_space<semaphore_mem>>)
    %dma_wait3A_891 = arith.constant 1 : i32
    %dma_wait3A_892 = arith.constant 0 : i32
    %dma_wait3A_893 = arith.constant 0 : i32
    %dma_wait3A_894 = tpu.memref_slice %arg6[%dma_wait3A_891, %dma_wait3A_892, %dma_wait3A_893] : memref<3x128x256xf32, #tpu.memory_space<vmem>> -> memref<1x128x256xf32, #tpu.memory_space<vmem>>
    %dma_wait3A_895 = tpu.memref_squeeze %dma_wait3A_894 : memref<1x128x256xf32, #tpu.memory_space<vmem>> -> memref<128x256xf32, #tpu.memory_space<vmem>>
    %dma_wait3A_896 = arith.constant 0 : i32
    %dma_wait3A_897 = tpu.memref_slice %arg4[%add3A_827, %dma_wait3A_896] : memref<32768x256xf32, #tpu.memory_space<hbm>> -> memref<128x256xf32, #tpu.memory_space<hbm>>
    %dma_wait3A_898 = arith.constant 0 : i32
    %dma_wait3A_899 = tpu.memref_slice %arg4[%add3A_827, %dma_wait3A_898] : memref<32768x256xf32, #tpu.memory_space<hbm>> -> memref<128x256xf32, #tpu.memory_space<hbm>>
    %dma_wait3A_900 = arith.constant 0 : i32
    %dma_wait3A_901 = arith.constant 0 : i32
    %dma_wait3A_902 = tpu.memref_slice %arg6[%dma_wait3A_891, %dma_wait3A_900, %dma_wait3A_901] : memref<3x128x256xf32, #tpu.memory_space<vmem>> -> memref<1x128x256xf32, #tpu.memory_space<vmem>>
    %dma_wait3A_903 = tpu.memref_squeeze %dma_wait3A_902 : memref<1x128x256xf32, #tpu.memory_space<vmem>> -> memref<128x256xf32, #tpu.memory_space<vmem>>
    tpu.wait_dma2 semaphore(%arg11 : memref<!tpu.dma_semaphore, #tpu.memory_space<semaphore_mem>>) src(%dma_wait3A_903 : memref<128x256xf32, #tpu.memory_space<vmem>>) dst(%dma_wait3A_899 : memref<128x256xf32, #tpu.memory_space<hbm>>)
    %dma_start3A_904 = arith.constant 1 : i32
    %dma_start3A_905 = arith.constant 0 : i32
    %dma_start3A_906 = arith.constant 0 : i32
    %dma_start3A_907 = tpu.memref_slice %arg6[%dma_start3A_904, %dma_start3A_905, %dma_start3A_906] : memref<3x128x256xf32, #tpu.memory_space<vmem>> -> memref<1x128x256xf32, #tpu.memory_space<vmem>>
    %dma_start3A_908 = tpu.memref_squeeze %dma_start3A_907 : memref<1x128x256xf32, #tpu.memory_space<vmem>> -> memref<128x256xf32, #tpu.memory_space<vmem>>
    %dma_start3A_909 = arith.constant 896 : i32
    %dma_start3A_910 = tpu.memref_slice %arg5[%dma_start3A_909] : memref<1024xi32, #tpu.memory_space<vmem>> -> memref<128xi32, #tpu.memory_space<vmem>>
    %dma_start3A_911 = arith.constant 0 : i32
    %dma_start3A_912 = arith.constant 0 : i32
    %dma_start3A_913 = tpu.memref_slice %arg2[%dma_start3A_911, %dma_start3A_912] : memref<1024x256xf32, #tpu.memory_space<hbm>> -> memref<1024x256xf32, #tpu.memory_space<hbm>>
    tpu.enqueue_indirect_dma source(%dma_start3A_913 : memref<1024x256xf32, #tpu.memory_space<hbm>>) target(%dma_start3A_908 : memref<128x256xf32, #tpu.memory_space<vmem>>) offsets(%dma_start3A_910 : memref<128xi32, #tpu.memory_space<vmem>>) semaphore(%arg8 : memref<!tpu.dma_semaphore, #tpu.memory_space<semaphore_mem>>)
    %dma_wait3A_914 = arith.constant 0 : i32
    %dma_wait3A_915 = arith.constant 0 : i32
    %dma_wait3A_916 = arith.constant 0 : i32
    %dma_wait3A_917 = tpu.memref_slice %arg6[%dma_wait3A_914, %dma_wait3A_915, %dma_wait3A_916] : memref<3x128x256xf32, #tpu.memory_space<vmem>> -> memref<1x128x256xf32, #tpu.memory_space<vmem>>
    %dma_wait3A_918 = tpu.memref_squeeze %dma_wait3A_917 : memref<1x128x256xf32, #tpu.memory_space<vmem>> -> memref<128x256xf32, #tpu.memory_space<vmem>>
    %dma_wait3A_919 = arith.constant 768 : i32
    %dma_wait3A_920 = tpu.memref_slice %arg5[%dma_wait3A_919] : memref<1024xi32, #tpu.memory_space<vmem>> -> memref<128xi32, #tpu.memory_space<vmem>>
    %dma_wait3A_921 = arith.constant 0 : i32
    %dma_wait3A_922 = arith.constant 0 : i32
    %dma_wait3A_923 = tpu.memref_slice %arg2[%dma_wait3A_921, %dma_wait3A_922] : memref<1024x256xf32, #tpu.memory_space<hbm>> -> memref<1024x256xf32, #tpu.memory_space<hbm>>
    tpu.wait_indirect_dma semaphore(%arg7 : memref<!tpu.dma_semaphore, #tpu.memory_space<semaphore_mem>>) src(%dma_wait3A_923 : memref<1024x256xf32, #tpu.memory_space<hbm>>) dst(%dma_wait3A_918 : memref<128x256xf32, #tpu.memory_space<vmem>>)
    %mul3A_924 = arith.constant 1024 : i32
    %mul3A_925 = arith.muli %add3A, %mul3A_924 : i32
    %add3A_926 = arith.constant 768 : i32
    %add3A_927 = arith.addi %mul3A_925, %add3A_926 : i32
    %dma_start3A_928 = arith.constant 0 : i32
    %dma_start3A_929 = arith.constant 0 : i32
    %dma_start3A_930 = arith.constant 0 : i32
    %dma_start3A_931 = tpu.memref_slice %arg6[%dma_start3A_928, %dma_start3A_929, %dma_start3A_930] : memref<3x128x256xf32, #tpu.memory_space<vmem>> -> memref<1x128x256xf32, #tpu.memory_space<vmem>>
    %dma_start3A_932 = tpu.memref_squeeze %dma_start3A_931 : memref<1x128x256xf32, #tpu.memory_space<vmem>> -> memref<128x256xf32, #tpu.memory_space<vmem>>
    %dma_start3A_933 = arith.constant 0 : i32
    %dma_start3A_934 = tpu.memref_slice %arg4[%add3A_927, %dma_start3A_933] : memref<32768x256xf32, #tpu.memory_space<hbm>> -> memref<128x256xf32, #tpu.memory_space<hbm>>
    %dma_start3A_935 = arith.constant 0 : i32
    %dma_start3A_936 = tpu.memref_slice %arg4[%add3A_927, %dma_start3A_935] : memref<32768x256xf32, #tpu.memory_space<hbm>> -> memref<128x256xf32, #tpu.memory_space<hbm>>
    %dma_start3A_937 = arith.constant 0 : i32
    %dma_start3A_938 = arith.constant 0 : i32
    %dma_start3A_939 = tpu.memref_slice %arg6[%dma_start3A_928, %dma_start3A_937, %dma_start3A_938] : memref<3x128x256xf32, #tpu.memory_space<vmem>> -> memref<1x128x256xf32, #tpu.memory_space<vmem>>
    %dma_start3A_940 = tpu.memref_squeeze %dma_start3A_939 : memref<1x128x256xf32, #tpu.memory_space<vmem>> -> memref<128x256xf32, #tpu.memory_space<vmem>>
    tpu.enqueue_dma source(%dma_start3A_940 : memref<128x256xf32, #tpu.memory_space<vmem>>) target(%dma_start3A_936 : memref<128x256xf32, #tpu.memory_space<hbm>>) target_semaphore(%arg10 : memref<!tpu.dma_semaphore, #tpu.memory_space<semaphore_mem>>)
    %dma_wait3A_941 = arith.constant 1 : i32
    %dma_wait3A_942 = arith.constant 0 : i32
    %dma_wait3A_943 = arith.constant 0 : i32
    %dma_wait3A_944 = tpu.memref_slice %arg6[%dma_wait3A_941, %dma_wait3A_942, %dma_wait3A_943] : memref<3x128x256xf32, #tpu.memory_space<vmem>> -> memref<1x128x256xf32, #tpu.memory_space<vmem>>
    %dma_wait3A_945 = tpu.memref_squeeze %dma_wait3A_944 : memref<1x128x256xf32, #tpu.memory_space<vmem>> -> memref<128x256xf32, #tpu.memory_space<vmem>>
    %dma_wait3A_946 = arith.constant 896 : i32
    %dma_wait3A_947 = tpu.memref_slice %arg5[%dma_wait3A_946] : memref<1024xi32, #tpu.memory_space<vmem>> -> memref<128xi32, #tpu.memory_space<vmem>>
    %dma_wait3A_948 = arith.constant 0 : i32
    %dma_wait3A_949 = arith.constant 0 : i32
    %dma_wait3A_950 = tpu.memref_slice %arg2[%dma_wait3A_948, %dma_wait3A_949] : memref<1024x256xf32, #tpu.memory_space<hbm>> -> memref<1024x256xf32, #tpu.memory_space<hbm>>
    tpu.wait_indirect_dma semaphore(%arg8 : memref<!tpu.dma_semaphore, #tpu.memory_space<semaphore_mem>>) src(%dma_wait3A_950 : memref<1024x256xf32, #tpu.memory_space<hbm>>) dst(%dma_wait3A_945 : memref<128x256xf32, #tpu.memory_space<vmem>>)
    %mul3A_951 = arith.constant 1024 : i32
    %mul3A_952 = arith.muli %add3A, %mul3A_951 : i32
    %add3A_953 = arith.constant 896 : i32
    %add3A_954 = arith.addi %mul3A_952, %add3A_953 : i32
    %dma_start3A_955 = arith.constant 1 : i32
    %dma_start3A_956 = arith.constant 0 : i32
    %dma_start3A_957 = arith.constant 0 : i32
    %dma_start3A_958 = tpu.memref_slice %arg6[%dma_start3A_955, %dma_start3A_956, %dma_start3A_957] : memref<3x128x256xf32, #tpu.memory_space<vmem>> -> memref<1x128x256xf32, #tpu.memory_space<vmem>>
    %dma_start3A_959 = tpu.memref_squeeze %dma_start3A_958 : memref<1x128x256xf32, #tpu.memory_space<vmem>> -> memref<128x256xf32, #tpu.memory_space<vmem>>
    %dma_start3A_960 = arith.constant 0 : i32
    %dma_start3A_961 = tpu.memref_slice %arg4[%add3A_954, %dma_start3A_960] : memref<32768x256xf32, #tpu.memory_space<hbm>> -> memref<128x256xf32, #tpu.memory_space<hbm>>
    %dma_start3A_962 = arith.constant 0 : i32
    %dma_start3A_963 = tpu.memref_slice %arg4[%add3A_954, %dma_start3A_962] : memref<32768x256xf32, #tpu.memory_space<hbm>> -> memref<128x256xf32, #tpu.memory_space<hbm>>
    %dma_start3A_964 = arith.constant 0 : i32
    %dma_start3A_965 = arith.constant 0 : i32
    %dma_start3A_966 = tpu.memref_slice %arg6[%dma_start3A_955, %dma_start3A_964, %dma_start3A_965] : memref<3x128x256xf32, #tpu.memory_space<vmem>> -> memref<1x128x256xf32, #tpu.memory_space<vmem>>
    %dma_start3A_967 = tpu.memref_squeeze %dma_start3A_966 : memref<1x128x256xf32, #tpu.memory_space<vmem>> -> memref<128x256xf32, #tpu.memory_space<vmem>>
    tpu.enqueue_dma source(%dma_start3A_967 : memref<128x256xf32, #tpu.memory_space<vmem>>) target(%dma_start3A_963 : memref<128x256xf32, #tpu.memory_space<hbm>>) target_semaphore(%arg11 : memref<!tpu.dma_semaphore, #tpu.memory_space<semaphore_mem>>)
    %dma_wait3A_968 = arith.constant 2 : i32
    %dma_wait3A_969 = arith.constant 0 : i32
    %dma_wait3A_970 = arith.constant 0 : i32
    %dma_wait3A_971 = tpu.memref_slice %arg6[%dma_wait3A_968, %dma_wait3A_969, %dma_wait3A_970] : memref<3x128x256xf32, #tpu.memory_space<vmem>> -> memref<1x128x256xf32, #tpu.memory_space<vmem>>
    %dma_wait3A_972 = tpu.memref_squeeze %dma_wait3A_971 : memref<1x128x256xf32, #tpu.memory_space<vmem>> -> memref<128x256xf32, #tpu.memory_space<vmem>>
    %dma_wait3A_973 = arith.constant 0 : i32
    %dma_wait3A_974 = tpu.memref_slice %arg4[%add3A_877, %dma_wait3A_973] : memref<32768x256xf32, #tpu.memory_space<hbm>> -> memref<128x256xf32, #tpu.memory_space<hbm>>
    %dma_wait3A_975 = arith.constant 0 : i32
    %dma_wait3A_976 = tpu.memref_slice %arg4[%add3A_877, %dma_wait3A_975] : memref<32768x256xf32, #tpu.memory_space<hbm>> -> memref<128x256xf32, #tpu.memory_space<hbm>>
    %dma_wait3A_977 = arith.constant 0 : i32
    %dma_wait3A_978 = arith.constant 0 : i32
    %dma_wait3A_979 = tpu.memref_slice %arg6[%dma_wait3A_968, %dma_wait3A_977, %dma_wait3A_978] : memref<3x128x256xf32, #tpu.memory_space<vmem>> -> memref<1x128x256xf32, #tpu.memory_space<vmem>>
    %dma_wait3A_980 = tpu.memref_squeeze %dma_wait3A_979 : memref<1x128x256xf32, #tpu.memory_space<vmem>> -> memref<128x256xf32, #tpu.memory_space<vmem>>
    tpu.wait_dma2 semaphore(%arg12 : memref<!tpu.dma_semaphore, #tpu.memory_space<semaphore_mem>>) src(%dma_wait3A_980 : memref<128x256xf32, #tpu.memory_space<vmem>>) dst(%dma_wait3A_976 : memref<128x256xf32, #tpu.memory_space<hbm>>)
    %dma_wait3A_981 = arith.constant 0 : i32
    %dma_wait3A_982 = arith.constant 0 : i32
    %dma_wait3A_983 = arith.constant 0 : i32
    %dma_wait3A_984 = tpu.memref_slice %arg6[%dma_wait3A_981, %dma_wait3A_982, %dma_wait3A_983] : memref<3x128x256xf32, #tpu.memory_space<vmem>> -> memref<1x128x256xf32, #tpu.memory_space<vmem>>
    %dma_wait3A_985 = tpu.memref_squeeze %dma_wait3A_984 : memref<1x128x256xf32, #tpu.memory_space<vmem>> -> memref<128x256xf32, #tpu.memory_space<vmem>>
    %dma_wait3A_986 = arith.constant 0 : i32
    %dma_wait3A_987 = tpu.memref_slice %arg4[%add3A_927, %dma_wait3A_986] : memref<32768x256xf32, #tpu.memory_space<hbm>> -> memref<128x256xf32, #tpu.memory_space<hbm>>
    %dma_wait3A_988 = arith.constant 0 : i32
    %dma_wait3A_989 = tpu.memref_slice %arg4[%add3A_927, %dma_wait3A_988] : memref<32768x256xf32, #tpu.memory_space<hbm>> -> memref<128x256xf32, #tpu.memory_space<hbm>>
    %dma_wait3A_990 = arith.constant 0 : i32
    %dma_wait3A_991 = arith.constant 0 : i32
    %dma_wait3A_992 = tpu.memref_slice %arg6[%dma_wait3A_981, %dma_wait3A_990, %dma_wait3A_991] : memref<3x128x256xf32, #tpu.memory_space<vmem>> -> memref<1x128x256xf32, #tpu.memory_space<vmem>>
    %dma_wait3A_993 = tpu.memref_squeeze %dma_wait3A_992 : memref<1x128x256xf32, #tpu.memory_space<vmem>> -> memref<128x256xf32, #tpu.memory_space<vmem>>
    tpu.wait_dma2 semaphore(%arg10 : memref<!tpu.dma_semaphore, #tpu.memory_space<semaphore_mem>>) src(%dma_wait3A_993 : memref<128x256xf32, #tpu.memory_space<vmem>>) dst(%dma_wait3A_989 : memref<128x256xf32, #tpu.memory_space<hbm>>)
    %dma_wait3A_994 = arith.constant 1 : i32
    %dma_wait3A_995 = arith.constant 0 : i32
    %dma_wait3A_996 = arith.constant 0 : i32
    %dma_wait3A_997 = tpu.memref_slice %arg6[%dma_wait3A_994, %dma_wait3A_995, %dma_wait3A_996] : memref<3x128x256xf32, #tpu.memory_space<vmem>> -> memref<1x128x256xf32, #tpu.memory_space<vmem>>
    %dma_wait3A_998 = tpu.memref_squeeze %dma_wait3A_997 : memref<1x128x256xf32, #tpu.memory_space<vmem>> -> memref<128x256xf32, #tpu.memory_space<vmem>>
    %dma_wait3A_999 = arith.constant 0 : i32
    %dma_wait3A_1000 = tpu.memref_slice %arg4[%add3A_954, %dma_wait3A_999] : memref<32768x256xf32, #tpu.memory_space<hbm>> -> memref<128x256xf32, #tpu.memory_space<hbm>>
    %dma_wait3A_1001 = arith.constant 0 : i32
    %dma_wait3A_1002 = tpu.memref_slice %arg4[%add3A_954, %dma_wait3A_1001] : memref<32768x256xf32, #tpu.memory_space<hbm>> -> memref<128x256xf32, #tpu.memory_space<hbm>>
    %dma_wait3A_1003 = arith.constant 0 : i32
    %dma_wait3A_1004 = arith.constant 0 : i32
    %dma_wait3A_1005 = tpu.memref_slice %arg6[%dma_wait3A_994, %dma_wait3A_1003, %dma_wait3A_1004] : memref<3x128x256xf32, #tpu.memory_space<vmem>> -> memref<1x128x256xf32, #tpu.memory_space<vmem>>
    %dma_wait3A_1006 = tpu.memref_squeeze %dma_wait3A_1005 : memref<1x128x256xf32, #tpu.memory_space<vmem>> -> memref<128x256xf32, #tpu.memory_space<vmem>>
    tpu.wait_dma2 semaphore(%arg11 : memref<!tpu.dma_semaphore, #tpu.memory_space<semaphore_mem>>) src(%dma_wait3A_1006 : memref<128x256xf32, #tpu.memory_space<vmem>>) dst(%dma_wait3A_1002 : memref<128x256xf32, #tpu.memory_space<hbm>>)
    return
  }
}

module attributes {stable_mosaic.version = 14 : i64} {
  func.func @_encode_body(%arg0: i32, %arg1: memref<8x3x4096xf32, #tpu.memory_space<vmem>>, %arg2: memref<8x4096xi32, #tpu.memory_space<vmem>>, %arg3: memref<64x4xf32, #tpu.memory_space<vmem>>, %arg4: memref<1x64xf32, #tpu.memory_space<vmem>>, %arg5: memref<256x64xf32, #tpu.memory_space<vmem>>, %arg6: memref<1x256xf32, #tpu.memory_space<vmem>>, %arg7: memref<256x256xf32, #tpu.memory_space<vmem>>, %arg8: memref<1x256xf32, #tpu.memory_space<vmem>>, %arg9: memref<1x256xf32, #tpu.memory_space<vmem>>, %arg10: memref<1x256xf32, #tpu.memory_space<vmem>>, %arg11: memref<256x256xf32, #tpu.memory_space<vmem>>, %arg12: memref<1x256xf32, #tpu.memory_space<vmem>>, %arg13: memref<1024x256xf32, #tpu.memory_space<vmem>>) attributes {dimension_semantics = [#tpu.dimension_semantics<arbitrary>], iteration_bounds = array<i64: 1>, scalar_prefetch = 0 : i64, scratch_operands = 0 : i64, tpu.core_type = #tpu.core_type<tc>, window_params = [{transform_indices = @transform_0, window_bounds = array<i64: 8, 3, 4096>}, {transform_indices = @transform_1, window_bounds = array<i64: 8, 4096>}, {pipeline_mode = #tpu.pipeline_mode<synchronous>, transform_indices = @transform_2, window_bounds = array<i64: 64, 4>}, {pipeline_mode = #tpu.pipeline_mode<synchronous>, transform_indices = @transform_3, window_bounds = array<i64: 1, 64>}, {pipeline_mode = #tpu.pipeline_mode<synchronous>, transform_indices = @transform_4, window_bounds = array<i64: 256, 64>}, {pipeline_mode = #tpu.pipeline_mode<synchronous>, transform_indices = @transform_5, window_bounds = array<i64: 1, 256>}, {pipeline_mode = #tpu.pipeline_mode<synchronous>, transform_indices = @transform_6, window_bounds = array<i64: 256, 256>}, {pipeline_mode = #tpu.pipeline_mode<synchronous>, transform_indices = @transform_7, window_bounds = array<i64: 1, 256>}, {pipeline_mode = #tpu.pipeline_mode<synchronous>, transform_indices = @transform_8, window_bounds = array<i64: 1, 256>}, {pipeline_mode = #tpu.pipeline_mode<synchronous>, transform_indices = @transform_9, window_bounds = array<i64: 1, 256>}, {pipeline_mode = #tpu.pipeline_mode<synchronous>, transform_indices = @transform_10, window_bounds = array<i64: 256, 256>}, {pipeline_mode = #tpu.pipeline_mode<synchronous>, transform_indices = @transform_11, window_bounds = array<i64: 1, 256>}, {transform_indices = @transform_12, window_bounds = array<i64: 1024, 256>}]} {
    %get3A = arith.constant 0 : index
    %get3A_0 = arith.constant 0 : index
    %get3A_1 = arith.constant 0 : index
    %get3A_2 = vector.load %arg1[%get3A, %get3A_0, %get3A_1] : memref<8x3x4096xf32, #tpu.memory_space<vmem>>, vector<1x3x4096xf32>
    %get3A_3 = vector.shape_cast %get3A_2 : vector<1x3x4096xf32> to vector<3x4096xf32>
    %get3A_4 = arith.constant 0 : index
    %get3A_5 = arith.constant 0 : index
    %get3A_6 = vector.load %arg2[%get3A_4, %get3A_5] : memref<8x4096xi32, #tpu.memory_space<vmem>>, vector<1x4096xi32>
    %iota3A = tpu.iota {dimensions = array<i32: 0>} : vector<128x1xi32>
    %eq3A = vector.broadcast %get3A_6 : vector<1x4096xi32> to vector<128x4096xi32>
    %eq3A_7 = vector.broadcast %iota3A : vector<128x1xi32> to vector<128x4096xi32>
    %eq3A_8 = arith.cmpi eq, %eq3A, %eq3A_7 : vector<128x4096xi32>
    %convert_element_type3A = arith.extui %eq3A_8 : vector<128x4096xi1> to vector<128x4096xi32>
    %convert_element_type3A_9 = arith.sitofp %convert_element_type3A : vector<128x4096xi32> to vector<128x4096xf32>
    %convert_element_type3A_10 = arith.truncf %convert_element_type3A_9 : vector<128x4096xf32> to vector<128x4096xbf16>
    %broadcast_in_dim3A = arith.constant 1.000000e+00 : f32
    %broadcast_in_dim3A_11 = vector.broadcast %broadcast_in_dim3A : f32 to vector<1x4096xf32>
    %concatenate3A = tpu.concatenate %get3A_3, %broadcast_in_dim3A_11 in 0 : vector<3x4096xf32>, vector<1x4096xf32> -> vector<4x4096xf32>
    %convert_element_type3A_12 = arith.truncf %concatenate3A : vector<4x4096xf32> to vector<4x4096xbf16>
    %convert_element_type3A_13 = arith.extf %convert_element_type3A_12 : vector<4x4096xbf16> to vector<4x4096xf32>
    %sub3A = arith.subf %concatenate3A, %convert_element_type3A_13 : vector<4x4096xf32>
    %convert_element_type3A_14 = arith.truncf %sub3A : vector<4x4096xf32> to vector<4x4096xbf16>
    %concatenate3A_15 = tpu.concatenate %convert_element_type3A_12, %convert_element_type3A_14 in 0 : vector<4x4096xbf16>, vector<4x4096xbf16> -> vector<8x4096xbf16>
    %dot_general3A = arith.constant dense<0.000000e+00> : vector<128x8xf32>
    %dot_general3A_16 = tpu.matmul %convert_element_type3A_10, %concatenate3A_15, %dot_general3A {dimension_numbers = #tpu.dot_dimension_numbers<[1], [1], [0], [0], [0, 0, 1, 0], [], []>, transpose_lhs_hint = false} : vector<128x4096xbf16>, vector<8x4096xbf16>, vector<128x8xf32> -> vector<128x8xf32>
    %slice3A = vector.extract_strided_slice %dot_general3A_16 {offsets = [0, 0], sizes = [128, 4], strides = [1, 1]} : vector<128x8xf32> to vector<128x4xf32>
    %slice3A_17 = vector.extract_strided_slice %dot_general3A_16 {offsets = [0, 4], sizes = [128, 4], strides = [1, 1]} : vector<128x8xf32> to vector<128x4xf32>
    %add3A = arith.addf %slice3A, %slice3A_17 : vector<128x4xf32>
    %transpose3A = tpu.transpose %add3A, [1, 0] : vector<128x4xf32> -> vector<4x128xf32>
    %slice3A_18 = vector.extract_strided_slice %add3A {offsets = [0, 3], sizes = [128, 1], strides = [1, 1]} : vector<128x4xf32> to vector<128x1xf32>
    %slice3A_19 = vector.extract_strided_slice %add3A {offsets = [0, 0], sizes = [128, 3], strides = [1, 1]} : vector<128x4xf32> to vector<128x3xf32>
    %max3A = arith.constant 1.000000e+00 : f32
    %max3A_20 = vector.broadcast %max3A : f32 to vector<128x1xf32>
    %max3A_21 = arith.maximumf %slice3A_18, %max3A_20 : vector<128x1xf32>
    %div3A = vector.broadcast %max3A_21 : vector<128x1xf32> to vector<128x3xf32>
    %div3A_22 = arith.divf %slice3A_19, %div3A : vector<128x3xf32>
    %slice3A_23 = vector.extract_strided_slice %transpose3A {offsets = [3, 0], sizes = [1, 128], strides = [1, 1]} : vector<4x128xf32> to vector<1x128xf32>
    %slice3A_24 = vector.extract_strided_slice %transpose3A {offsets = [0, 0], sizes = [3, 128], strides = [1, 1]} : vector<4x128xf32> to vector<3x128xf32>
    %max3A_25 = arith.constant 1.000000e+00 : f32
    %max3A_26 = vector.broadcast %max3A_25 : f32 to vector<1x128xf32>
    %max3A_27 = arith.maximumf %slice3A_23, %max3A_26 : vector<1x128xf32>
    %div3A_28 = vector.broadcast %max3A_27 : vector<1x128xf32> to vector<3x128xf32>
    %div3A_29 = arith.divf %slice3A_24, %div3A_28 : vector<3x128xf32>
    %ge3A = arith.constant 2.000000e+00 : f32
    %ge3A_30 = vector.broadcast %ge3A : f32 to vector<1x128xf32>
    %ge3A_31 = arith.cmpf oge, %slice3A_23, %ge3A_30 : vector<1x128xf32>
    %convert_element_type3A_32 = arith.extui %ge3A_31 : vector<1x128xi1> to vector<1x128xi32>
    %convert_element_type3A_33 = arith.sitofp %convert_element_type3A_32 : vector<1x128xi32> to vector<1x128xf32>
    %reduce_sum3A = vector.shape_cast %convert_element_type3A_33 : vector<1x128xf32> to vector<1x1x128xf32>
    %reduce_sum3A_34 = arith.constant dense<0.000000e+00> : vector<1xf32>
    %reduce_sum3A_35 = vector.multi_reduction <add>, %reduce_sum3A, %reduce_sum3A_34 [1, 2] : vector<1x1x128xf32> to vector<1xf32>
    %reduce_sum3A_36 = vector.shape_cast %reduce_sum3A_35 : vector<1xf32> to vector<1x1x1xf32>
    %reduce_sum3A_37 = vector.extract %reduce_sum3A_36[0, 0, 0] : f32 from vector<1x1x1xf32>
    %max3A_38 = arith.constant 1.000000e+00 : f32
    %max3A_39 = arith.maximumf %reduce_sum3A_37, %max3A_38 : f32
    %slice3A_40 = vector.extract_strided_slice %div3A_22 {offsets = [0, 0], sizes = [128, 1], strides = [1, 1]} : vector<128x3xf32> to vector<128x1xf32>
    %slice3A_41 = vector.extract_strided_slice %div3A_29 {offsets = [0, 0], sizes = [1, 128], strides = [1, 1]} : vector<3x128xf32> to vector<1x128xf32>
    %sub3A_42 = vector.broadcast %slice3A_40 : vector<128x1xf32> to vector<128x128xf32>
    %sub3A_43 = vector.broadcast %slice3A_41 : vector<1x128xf32> to vector<128x128xf32>
    %sub3A_44 = arith.subf %sub3A_42, %sub3A_43 : vector<128x128xf32>
    %slice3A_45 = vector.extract_strided_slice %div3A_22 {offsets = [0, 1], sizes = [128, 1], strides = [1, 1]} : vector<128x3xf32> to vector<128x1xf32>
    %slice3A_46 = vector.extract_strided_slice %div3A_29 {offsets = [1, 0], sizes = [1, 128], strides = [1, 1]} : vector<3x128xf32> to vector<1x128xf32>
    %sub3A_47 = vector.broadcast %slice3A_45 : vector<128x1xf32> to vector<128x128xf32>
    %sub3A_48 = vector.broadcast %slice3A_46 : vector<1x128xf32> to vector<128x128xf32>
    %sub3A_49 = arith.subf %sub3A_47, %sub3A_48 : vector<128x128xf32>
    %slice3A_50 = vector.extract_strided_slice %div3A_22 {offsets = [0, 2], sizes = [128, 1], strides = [1, 1]} : vector<128x3xf32> to vector<128x1xf32>
    %slice3A_51 = vector.extract_strided_slice %div3A_29 {offsets = [2, 0], sizes = [1, 128], strides = [1, 1]} : vector<3x128xf32> to vector<1x128xf32>
    %sub3A_52 = vector.broadcast %slice3A_50 : vector<128x1xf32> to vector<128x128xf32>
    %sub3A_53 = vector.broadcast %slice3A_51 : vector<1x128xf32> to vector<128x128xf32>
    %sub3A_54 = arith.subf %sub3A_52, %sub3A_53 : vector<128x128xf32>
    %mul3A = arith.mulf %sub3A_44, %sub3A_44 : vector<128x128xf32>
    %mul3A_55 = arith.mulf %sub3A_49, %sub3A_49 : vector<128x128xf32>
    %add3A_56 = arith.addf %mul3A, %mul3A_55 : vector<128x128xf32>
    %mul3A_57 = arith.mulf %sub3A_54, %sub3A_54 : vector<128x128xf32>
    %add3A_58 = arith.addf %add3A_56, %mul3A_57 : vector<128x128xf32>
    %gt3A = arith.constant 0.000000e+00 : f32
    %gt3A_59 = vector.broadcast %gt3A : f32 to vector<128x128xf32>
    %gt3A_60 = arith.cmpf ogt, %add3A_58, %gt3A_59 : vector<128x128xf32>
    %jit3A = arith.constant 1.000000e+00 : f32
    %broadcast_in_dim3A_61 = vector.broadcast %jit3A : f32 to vector<128x128xf32>
    %select_n3A = arith.select %gt3A_60, %add3A_58, %broadcast_in_dim3A_61 : vector<128x128xi1>, vector<128x128xf32>
    %sqrt3A = math.sqrt %select_n3A : vector<128x128xf32>
    %jit3A_62 = arith.constant 0.000000e+00 : f32
    %broadcast_in_dim3A_63 = vector.broadcast %jit3A_62 : f32 to vector<128x128xf32>
    %select_n3A_64 = arith.select %gt3A_60, %sqrt3A, %broadcast_in_dim3A_63 : vector<128x128xi1>, vector<128x128xf32>
    %mul3A_65 = vector.broadcast %convert_element_type3A_33 : vector<1x128xf32> to vector<128x128xf32>
    %mul3A_66 = arith.mulf %select_n3A_64, %mul3A_65 : vector<128x128xf32>
    %reduce_sum3A_67 = arith.constant dense<0.000000e+00> : vector<128xf32>
    %reduce_sum3A_68 = vector.multi_reduction <add>, %mul3A_66, %reduce_sum3A_67 [1] : vector<128x128xf32> to vector<128xf32>
    %broadcast_in_dim3A_69 = vector.shape_cast %reduce_sum3A_68 : vector<128xf32> to vector<128x1xf32>
    %div3A_70 = vector.broadcast %max3A_39 : f32 to vector<128x1xf32>
    %div3A_71 = arith.divf %broadcast_in_dim3A_69, %div3A_70 : vector<128x1xf32>
    %gt3A_72 = arith.constant 0.000000e+00 : f32
    %gt3A_73 = vector.broadcast %gt3A_72 : f32 to vector<1x128xf32>
    %gt3A_74 = arith.cmpf ogt, %convert_element_type3A_33, %gt3A_73 : vector<1x128xf32>
    %jit3A_75 = arith.constant 1.000000e+09 : f32
    %broadcast_in_dim3A_76 = vector.shape_cast %gt3A_74 : vector<1x128xi1> to vector<1x128xi1>
    %broadcast_in_dim3A_77 = vector.broadcast %broadcast_in_dim3A_76 : vector<1x128xi1> to vector<128x128xi1>
    %broadcast_in_dim3A_78 = vector.broadcast %jit3A_75 : f32 to vector<128x128xf32>
    %select_n3A_79 = arith.select %broadcast_in_dim3A_77, %select_n3A_64, %broadcast_in_dim3A_78 : vector<128x128xi1>, vector<128x128xf32>
    %reduce_min3A = arith.constant dense<0x7F800000> : vector<128xf32>
    %reduce_min3A_80 = vector.multi_reduction <minimumf>, %select_n3A_79, %reduce_min3A [1] : vector<128x128xf32> to vector<128xf32>
    %broadcast_in_dim3A_81 = vector.shape_cast %reduce_min3A_80 : vector<128xf32> to vector<128x1xf32>
    %slice3A_82 = vector.extract_strided_slice %div3A_22 {offsets = [0, 2], sizes = [128, 1], strides = [1, 1]} : vector<128x3xf32> to vector<128x1xf32>
    %slice3A_83 = vector.extract_strided_slice %div3A_29 {offsets = [2, 0], sizes = [1, 128], strides = [1, 1]} : vector<3x128xf32> to vector<1x128xf32>
    %gt3A_84 = vector.broadcast %slice3A_82 : vector<128x1xf32> to vector<128x128xf32>
    %gt3A_85 = vector.broadcast %slice3A_83 : vector<1x128xf32> to vector<128x128xf32>
    %gt3A_86 = arith.cmpf ogt, %gt3A_84, %gt3A_85 : vector<128x128xf32>
    %convert_element_type3A_87 = arith.extui %gt3A_86 : vector<128x128xi1> to vector<128x128xi32>
    %convert_element_type3A_88 = arith.sitofp %convert_element_type3A_87 : vector<128x128xi32> to vector<128x128xf32>
    %mul3A_89 = vector.broadcast %convert_element_type3A_33 : vector<1x128xf32> to vector<128x128xf32>
    %mul3A_90 = arith.mulf %convert_element_type3A_88, %mul3A_89 : vector<128x128xf32>
    %reduce_sum3A_91 = arith.constant dense<0.000000e+00> : vector<128xf32>
    %reduce_sum3A_92 = vector.multi_reduction <add>, %mul3A_90, %reduce_sum3A_91 [1] : vector<128x128xf32> to vector<128xf32>
    %broadcast_in_dim3A_93 = vector.shape_cast %reduce_sum3A_92 : vector<128xf32> to vector<128x1xf32>
    %div3A_94 = vector.broadcast %max3A_39 : f32 to vector<128x1xf32>
    %div3A_95 = arith.divf %broadcast_in_dim3A_93, %div3A_94 : vector<128x1xf32>
    %concatenate3A_96 = tpu.concatenate %div3A_71, %broadcast_in_dim3A_81, %slice3A_82, %div3A_95 in 1 : vector<128x1xf32>, vector<128x1xf32>, vector<128x1xf32>, vector<128x1xf32> -> vector<128x4xf32>
    %get3A_97 = arith.constant 0 : index
    %get3A_98 = arith.constant 0 : index
    %get3A_99 = vector.load %arg3[%get3A_97, %get3A_98] : memref<64x4xf32, #tpu.memory_space<vmem>>, vector<64x4xf32>
    %convert_element_type3A_100 = arith.truncf %concatenate3A_96 : vector<128x4xf32> to vector<128x4xbf16>
    %convert_element_type3A_101 = arith.extf %convert_element_type3A_100 : vector<128x4xbf16> to vector<128x4xf32>
    %sub3A_102 = arith.subf %concatenate3A_96, %convert_element_type3A_101 : vector<128x4xf32>
    %convert_element_type3A_103 = arith.truncf %sub3A_102 : vector<128x4xf32> to vector<128x4xbf16>
    %convert_element_type3A_104 = arith.truncf %get3A_99 : vector<64x4xf32> to vector<64x4xbf16>
    %convert_element_type3A_105 = arith.extf %convert_element_type3A_104 : vector<64x4xbf16> to vector<64x4xf32>
    %sub3A_106 = arith.subf %get3A_99, %convert_element_type3A_105 : vector<64x4xf32>
    %convert_element_type3A_107 = arith.truncf %sub3A_106 : vector<64x4xf32> to vector<64x4xbf16>
    %dot_general3A_108 = arith.constant dense<0.000000e+00> : vector<128x64xf32>
    %dot_general3A_109 = tpu.matmul %convert_element_type3A_100, %convert_element_type3A_104, %dot_general3A_108 {dimension_numbers = #tpu.dot_dimension_numbers<[1], [1], [0], [0], [0, 0, 1, 0], [], []>, transpose_lhs_hint = false} : vector<128x4xbf16>, vector<64x4xbf16>, vector<128x64xf32> -> vector<128x64xf32>
    %dot_general3A_110 = arith.constant dense<0.000000e+00> : vector<128x64xf32>
    %dot_general3A_111 = tpu.matmul %convert_element_type3A_100, %convert_element_type3A_107, %dot_general3A_110 {dimension_numbers = #tpu.dot_dimension_numbers<[1], [1], [0], [0], [0, 0, 1, 0], [], []>, transpose_lhs_hint = false} : vector<128x4xbf16>, vector<64x4xbf16>, vector<128x64xf32> -> vector<128x64xf32>
    %add3A_112 = arith.addf %dot_general3A_109, %dot_general3A_111 : vector<128x64xf32>
    %dot_general3A_113 = arith.constant dense<0.000000e+00> : vector<128x64xf32>
    %dot_general3A_114 = tpu.matmul %convert_element_type3A_103, %convert_element_type3A_104, %dot_general3A_113 {dimension_numbers = #tpu.dot_dimension_numbers<[1], [1], [0], [0], [0, 0, 1, 0], [], []>, transpose_lhs_hint = false} : vector<128x4xbf16>, vector<64x4xbf16>, vector<128x64xf32> -> vector<128x64xf32>
    %add3A_115 = arith.addf %add3A_112, %dot_general3A_114 : vector<128x64xf32>
    %get3A_116 = arith.constant 0 : index
    %get3A_117 = arith.constant 0 : index
    %get3A_118 = vector.load %arg4[%get3A_116, %get3A_117] : memref<1x64xf32, #tpu.memory_space<vmem>>, vector<1x64xf32>
    %add3A_119 = vector.broadcast %get3A_118 : vector<1x64xf32> to vector<128x64xf32>
    %add3A_120 = arith.addf %add3A_115, %add3A_119 : vector<128x64xf32>
    %mul3A_121 = arith.constant 5.000000e-01 : f32
    %mul3A_122 = vector.broadcast %mul3A_121 : f32 to vector<128x64xf32>
    %mul3A_123 = arith.mulf %mul3A_122, %add3A_120 : vector<128x64xf32>
    %mul3A_124 = arith.constant 0.707106769 : f32
    %mul3A_125 = vector.broadcast %mul3A_124 : f32 to vector<128x64xf32>
    %mul3A_126 = arith.mulf %add3A_120, %mul3A_125 : vector<128x64xf32>
    %erf3A = math.erf %mul3A_126 : vector<128x64xf32>
    %add3A_127 = arith.constant 1.000000e+00 : f32
    %add3A_128 = vector.broadcast %add3A_127 : f32 to vector<128x64xf32>
    %add3A_129 = arith.addf %add3A_128, %erf3A : vector<128x64xf32>
    %mul3A_130 = arith.mulf %mul3A_123, %add3A_129 : vector<128x64xf32>
    %get3A_131 = arith.constant 0 : index
    %get3A_132 = arith.constant 0 : index
    %get3A_133 = vector.load %arg5[%get3A_131, %get3A_132] : memref<256x64xf32, #tpu.memory_space<vmem>>, vector<256x64xf32>
    %convert_element_type3A_134 = arith.truncf %mul3A_130 : vector<128x64xf32> to vector<128x64xbf16>
    %convert_element_type3A_135 = arith.extf %convert_element_type3A_134 : vector<128x64xbf16> to vector<128x64xf32>
    %sub3A_136 = arith.subf %mul3A_130, %convert_element_type3A_135 : vector<128x64xf32>
    %convert_element_type3A_137 = arith.truncf %sub3A_136 : vector<128x64xf32> to vector<128x64xbf16>
    %convert_element_type3A_138 = arith.truncf %get3A_133 : vector<256x64xf32> to vector<256x64xbf16>
    %convert_element_type3A_139 = arith.extf %convert_element_type3A_138 : vector<256x64xbf16> to vector<256x64xf32>
    %sub3A_140 = arith.subf %get3A_133, %convert_element_type3A_139 : vector<256x64xf32>
    %convert_element_type3A_141 = arith.truncf %sub3A_140 : vector<256x64xf32> to vector<256x64xbf16>
    %dot_general3A_142 = arith.constant dense<0.000000e+00> : vector<128x256xf32>
    %dot_general3A_143 = tpu.matmul %convert_element_type3A_134, %convert_element_type3A_138, %dot_general3A_142 {dimension_numbers = #tpu.dot_dimension_numbers<[1], [1], [0], [0], [0, 0, 1, 0], [], []>, transpose_lhs_hint = false} : vector<128x64xbf16>, vector<256x64xbf16>, vector<128x256xf32> -> vector<128x256xf32>
    %dot_general3A_144 = arith.constant dense<0.000000e+00> : vector<128x256xf32>
    %dot_general3A_145 = tpu.matmul %convert_element_type3A_134, %convert_element_type3A_141, %dot_general3A_144 {dimension_numbers = #tpu.dot_dimension_numbers<[1], [1], [0], [0], [0, 0, 1, 0], [], []>, transpose_lhs_hint = false} : vector<128x64xbf16>, vector<256x64xbf16>, vector<128x256xf32> -> vector<128x256xf32>
    %add3A_146 = arith.addf %dot_general3A_143, %dot_general3A_145 : vector<128x256xf32>
    %dot_general3A_147 = arith.constant dense<0.000000e+00> : vector<128x256xf32>
    %dot_general3A_148 = tpu.matmul %convert_element_type3A_137, %convert_element_type3A_138, %dot_general3A_147 {dimension_numbers = #tpu.dot_dimension_numbers<[1], [1], [0], [0], [0, 0, 1, 0], [], []>, transpose_lhs_hint = false} : vector<128x64xbf16>, vector<256x64xbf16>, vector<128x256xf32> -> vector<128x256xf32>
    %add3A_149 = arith.addf %add3A_146, %dot_general3A_148 : vector<128x256xf32>
    %get3A_150 = arith.constant 0 : index
    %get3A_151 = arith.constant 0 : index
    %get3A_152 = vector.load %arg6[%get3A_150, %get3A_151] : memref<1x256xf32, #tpu.memory_space<vmem>>, vector<1x256xf32>
    %add3A_153 = vector.broadcast %get3A_152 : vector<1x256xf32> to vector<128x256xf32>
    %add3A_154 = arith.addf %add3A_149, %add3A_153 : vector<128x256xf32>
    %get3A_155 = arith.constant 0 : index
    %get3A_156 = arith.constant 0 : index
    %get3A_157 = vector.load %arg7[%get3A_155, %get3A_156] : memref<256x256xf32, #tpu.memory_space<vmem>>, vector<256x256xf32>
    %convert_element_type3A_158 = arith.truncf %add3A_154 : vector<128x256xf32> to vector<128x256xbf16>
    %convert_element_type3A_159 = arith.extf %convert_element_type3A_158 : vector<128x256xbf16> to vector<128x256xf32>
    %sub3A_160 = arith.subf %add3A_154, %convert_element_type3A_159 : vector<128x256xf32>
    %convert_element_type3A_161 = arith.truncf %sub3A_160 : vector<128x256xf32> to vector<128x256xbf16>
    %convert_element_type3A_162 = arith.truncf %get3A_157 : vector<256x256xf32> to vector<256x256xbf16>
    %convert_element_type3A_163 = arith.extf %convert_element_type3A_162 : vector<256x256xbf16> to vector<256x256xf32>
    %sub3A_164 = arith.subf %get3A_157, %convert_element_type3A_163 : vector<256x256xf32>
    %convert_element_type3A_165 = arith.truncf %sub3A_164 : vector<256x256xf32> to vector<256x256xbf16>
    %dot_general3A_166 = arith.constant dense<0.000000e+00> : vector<128x256xf32>
    %dot_general3A_167 = tpu.matmul %convert_element_type3A_158, %convert_element_type3A_162, %dot_general3A_166 {dimension_numbers = #tpu.dot_dimension_numbers<[1], [1], [0], [0], [0, 0, 1, 0], [], []>, transpose_lhs_hint = false} : vector<128x256xbf16>, vector<256x256xbf16>, vector<128x256xf32> -> vector<128x256xf32>
    %dot_general3A_168 = arith.constant dense<0.000000e+00> : vector<128x256xf32>
    %dot_general3A_169 = tpu.matmul %convert_element_type3A_158, %convert_element_type3A_165, %dot_general3A_168 {dimension_numbers = #tpu.dot_dimension_numbers<[1], [1], [0], [0], [0, 0, 1, 0], [], []>, transpose_lhs_hint = false} : vector<128x256xbf16>, vector<256x256xbf16>, vector<128x256xf32> -> vector<128x256xf32>
    %add3A_170 = arith.addf %dot_general3A_167, %dot_general3A_169 : vector<128x256xf32>
    %dot_general3A_171 = arith.constant dense<0.000000e+00> : vector<128x256xf32>
    %dot_general3A_172 = tpu.matmul %convert_element_type3A_161, %convert_element_type3A_162, %dot_general3A_171 {dimension_numbers = #tpu.dot_dimension_numbers<[1], [1], [0], [0], [0, 0, 1, 0], [], []>, transpose_lhs_hint = false} : vector<128x256xbf16>, vector<256x256xbf16>, vector<128x256xf32> -> vector<128x256xf32>
    %add3A_173 = arith.addf %add3A_170, %dot_general3A_172 : vector<128x256xf32>
    %get3A_174 = arith.constant 0 : index
    %get3A_175 = arith.constant 0 : index
    %get3A_176 = vector.load %arg8[%get3A_174, %get3A_175] : memref<1x256xf32, #tpu.memory_space<vmem>>, vector<1x256xf32>
    %add3A_177 = vector.broadcast %get3A_176 : vector<1x256xf32> to vector<128x256xf32>
    %add3A_178 = arith.addf %add3A_173, %add3A_177 : vector<128x256xf32>
    %reduce_sum3A_179 = arith.constant dense<0.000000e+00> : vector<128xf32>
    %reduce_sum3A_180 = vector.multi_reduction <add>, %add3A_178, %reduce_sum3A_179 [1] : vector<128x256xf32> to vector<128xf32>
    %broadcast_in_dim3A_181 = vector.shape_cast %reduce_sum3A_180 : vector<128xf32> to vector<128x1xf32>
    %div3A_182 = arith.constant 2.560000e+02 : f32
    %div3A_183 = vector.broadcast %div3A_182 : f32 to vector<128x1xf32>
    %div3A_184 = arith.divf %broadcast_in_dim3A_181, %div3A_183 : vector<128x1xf32>
    %sub3A_185 = vector.broadcast %div3A_184 : vector<128x1xf32> to vector<128x256xf32>
    %sub3A_186 = arith.subf %add3A_178, %sub3A_185 : vector<128x256xf32>
    %integer_pow3A = arith.mulf %sub3A_186, %sub3A_186 : vector<128x256xf32>
    %reduce_sum3A_187 = arith.constant dense<0.000000e+00> : vector<128xf32>
    %reduce_sum3A_188 = vector.multi_reduction <add>, %integer_pow3A, %reduce_sum3A_187 [1] : vector<128x256xf32> to vector<128xf32>
    %broadcast_in_dim3A_189 = vector.shape_cast %reduce_sum3A_188 : vector<128xf32> to vector<128x1xf32>
    %div3A_190 = arith.constant 2.560000e+02 : f32
    %div3A_191 = vector.broadcast %div3A_190 : f32 to vector<128x1xf32>
    %div3A_192 = arith.divf %broadcast_in_dim3A_189, %div3A_191 : vector<128x1xf32>
    %sub3A_193 = vector.broadcast %div3A_184 : vector<128x1xf32> to vector<128x256xf32>
    %sub3A_194 = arith.subf %add3A_178, %sub3A_193 : vector<128x256xf32>
    %add3A_195 = arith.constant 9.99999974E-6 : f32
    %add3A_196 = vector.broadcast %add3A_195 : f32 to vector<128x1xf32>
    %add3A_197 = arith.addf %div3A_192, %add3A_196 : vector<128x1xf32>
    %sqrt3A_198 = math.sqrt %add3A_197 : vector<128x1xf32>
    %div3A_199 = vector.broadcast %sqrt3A_198 : vector<128x1xf32> to vector<128x256xf32>
    %div3A_200 = arith.divf %sub3A_194, %div3A_199 : vector<128x256xf32>
    %get3A_201 = arith.constant 0 : index
    %get3A_202 = arith.constant 0 : index
    %get3A_203 = vector.load %arg9[%get3A_201, %get3A_202] : memref<1x256xf32, #tpu.memory_space<vmem>>, vector<1x256xf32>
    %mul3A_204 = vector.broadcast %get3A_203 : vector<1x256xf32> to vector<128x256xf32>
    %mul3A_205 = arith.mulf %div3A_200, %mul3A_204 : vector<128x256xf32>
    %get3A_206 = arith.constant 0 : index
    %get3A_207 = arith.constant 0 : index
    %get3A_208 = vector.load %arg10[%get3A_206, %get3A_207] : memref<1x256xf32, #tpu.memory_space<vmem>>, vector<1x256xf32>
    %add3A_209 = vector.broadcast %get3A_208 : vector<1x256xf32> to vector<128x256xf32>
    %add3A_210 = arith.addf %mul3A_205, %add3A_209 : vector<128x256xf32>
    %mul3A_211 = arith.constant 5.000000e-01 : f32
    %mul3A_212 = vector.broadcast %mul3A_211 : f32 to vector<128x256xf32>
    %mul3A_213 = arith.mulf %mul3A_212, %add3A_210 : vector<128x256xf32>
    %mul3A_214 = arith.constant 0.707106769 : f32
    %mul3A_215 = vector.broadcast %mul3A_214 : f32 to vector<128x256xf32>
    %mul3A_216 = arith.mulf %add3A_210, %mul3A_215 : vector<128x256xf32>
    %erf3A_217 = math.erf %mul3A_216 : vector<128x256xf32>
    %add3A_218 = arith.constant 1.000000e+00 : f32
    %add3A_219 = vector.broadcast %add3A_218 : f32 to vector<128x256xf32>
    %add3A_220 = arith.addf %add3A_219, %erf3A_217 : vector<128x256xf32>
    %mul3A_221 = arith.mulf %mul3A_213, %add3A_220 : vector<128x256xf32>
    %get3A_222 = arith.constant 0 : index
    %get3A_223 = arith.constant 0 : index
    %get3A_224 = vector.load %arg11[%get3A_222, %get3A_223] : memref<256x256xf32, #tpu.memory_space<vmem>>, vector<256x256xf32>
    %convert_element_type3A_225 = arith.truncf %mul3A_221 : vector<128x256xf32> to vector<128x256xbf16>
    %convert_element_type3A_226 = arith.extf %convert_element_type3A_225 : vector<128x256xbf16> to vector<128x256xf32>
    %sub3A_227 = arith.subf %mul3A_221, %convert_element_type3A_226 : vector<128x256xf32>
    %convert_element_type3A_228 = arith.truncf %sub3A_227 : vector<128x256xf32> to vector<128x256xbf16>
    %convert_element_type3A_229 = arith.truncf %get3A_224 : vector<256x256xf32> to vector<256x256xbf16>
    %convert_element_type3A_230 = arith.extf %convert_element_type3A_229 : vector<256x256xbf16> to vector<256x256xf32>
    %sub3A_231 = arith.subf %get3A_224, %convert_element_type3A_230 : vector<256x256xf32>
    %convert_element_type3A_232 = arith.truncf %sub3A_231 : vector<256x256xf32> to vector<256x256xbf16>
    %dot_general3A_233 = arith.constant dense<0.000000e+00> : vector<128x256xf32>
    %dot_general3A_234 = tpu.matmul %convert_element_type3A_225, %convert_element_type3A_229, %dot_general3A_233 {dimension_numbers = #tpu.dot_dimension_numbers<[1], [1], [0], [0], [0, 0, 1, 0], [], []>, transpose_lhs_hint = false} : vector<128x256xbf16>, vector<256x256xbf16>, vector<128x256xf32> -> vector<128x256xf32>
    %dot_general3A_235 = arith.constant dense<0.000000e+00> : vector<128x256xf32>
    %dot_general3A_236 = tpu.matmul %convert_element_type3A_225, %convert_element_type3A_232, %dot_general3A_235 {dimension_numbers = #tpu.dot_dimension_numbers<[1], [1], [0], [0], [0, 0, 1, 0], [], []>, transpose_lhs_hint = false} : vector<128x256xbf16>, vector<256x256xbf16>, vector<128x256xf32> -> vector<128x256xf32>
    %add3A_237 = arith.addf %dot_general3A_234, %dot_general3A_236 : vector<128x256xf32>
    %dot_general3A_238 = arith.constant dense<0.000000e+00> : vector<128x256xf32>
    %dot_general3A_239 = tpu.matmul %convert_element_type3A_228, %convert_element_type3A_229, %dot_general3A_238 {dimension_numbers = #tpu.dot_dimension_numbers<[1], [1], [0], [0], [0, 0, 1, 0], [], []>, transpose_lhs_hint = false} : vector<128x256xbf16>, vector<256x256xbf16>, vector<128x256xf32> -> vector<128x256xf32>
    %add3A_240 = arith.addf %add3A_237, %dot_general3A_239 : vector<128x256xf32>
    %get3A_241 = arith.constant 0 : index
    %get3A_242 = arith.constant 0 : index
    %get3A_243 = vector.load %arg12[%get3A_241, %get3A_242] : memref<1x256xf32, #tpu.memory_space<vmem>>, vector<1x256xf32>
    %add3A_244 = vector.broadcast %get3A_243 : vector<1x256xf32> to vector<128x256xf32>
    %add3A_245 = arith.addf %add3A_240, %add3A_244 : vector<128x256xf32>
    %ge3A_246 = arith.constant 2.000000e+00 : f32
    %ge3A_247 = vector.broadcast %ge3A_246 : f32 to vector<128x1xf32>
    %ge3A_248 = arith.cmpf oge, %slice3A_18, %ge3A_247 : vector<128x1xf32>
    %ge3A_249 = arith.constant 2.000000e+00 : f32
    %ge3A_250 = arith.cmpf oge, %reduce_sum3A_37, %ge3A_249 : f32
    %and3A = vector.broadcast %ge3A_250 : i1 to vector<128x1xi1>
    %and3A_251 = arith.andi %ge3A_248, %and3A : vector<128x1xi1>
    %jit3A_252 = arith.constant 0.000000e+00 : f32
    %broadcast_in_dim3A_253 = vector.shape_cast %and3A_251 : vector<128x1xi1> to vector<128x1xi1>
    %broadcast_in_dim3A_254 = vector.broadcast %broadcast_in_dim3A_253 : vector<128x1xi1> to vector<128x256xi1>
    %broadcast_in_dim3A_255 = vector.broadcast %jit3A_252 : f32 to vector<128x256xf32>
    %select_n3A_256 = arith.select %broadcast_in_dim3A_254, %add3A_245, %broadcast_in_dim3A_255 : vector<128x256xi1>, vector<128x256xf32>
    %swap3A = arith.constant 0 : index
    %swap3A_257 = arith.constant 0 : index
    %swap3A_258 = vector.load %arg13[%swap3A, %swap3A_257] : memref<1024x256xf32, #tpu.memory_space<vmem>>, vector<128x256xf32>
    tpu.vector_store %arg13[%swap3A, %swap3A_257], %select_n3A_256 {strides = array<i32>} : memref<1024x256xf32, #tpu.memory_space<vmem>>, vector<128x256xf32>,
    %get3A_259 = arith.constant 1 : index
    %get3A_260 = arith.constant 0 : index
    %get3A_261 = arith.constant 0 : index
    %get3A_262 = vector.load %arg1[%get3A_259, %get3A_260, %get3A_261] : memref<8x3x4096xf32, #tpu.memory_space<vmem>>, vector<1x3x4096xf32>
    %get3A_263 = vector.shape_cast %get3A_262 : vector<1x3x4096xf32> to vector<3x4096xf32>
    %get3A_264 = arith.constant 1 : index
    %get3A_265 = arith.constant 0 : index
    %get3A_266 = vector.load %arg2[%get3A_264, %get3A_265] : memref<8x4096xi32, #tpu.memory_space<vmem>>, vector<1x4096xi32>
    %iota3A_267 = tpu.iota {dimensions = array<i32: 0>} : vector<128x1xi32>
    %eq3A_268 = vector.broadcast %get3A_266 : vector<1x4096xi32> to vector<128x4096xi32>
    %eq3A_269 = vector.broadcast %iota3A_267 : vector<128x1xi32> to vector<128x4096xi32>
    %eq3A_270 = arith.cmpi eq, %eq3A_268, %eq3A_269 : vector<128x4096xi32>
    %convert_element_type3A_271 = arith.extui %eq3A_270 : vector<128x4096xi1> to vector<128x4096xi32>
    %convert_element_type3A_272 = arith.sitofp %convert_element_type3A_271 : vector<128x4096xi32> to vector<128x4096xf32>
    %convert_element_type3A_273 = arith.truncf %convert_element_type3A_272 : vector<128x4096xf32> to vector<128x4096xbf16>
    %broadcast_in_dim3A_274 = arith.constant 1.000000e+00 : f32
    %broadcast_in_dim3A_275 = vector.broadcast %broadcast_in_dim3A_274 : f32 to vector<1x4096xf32>
    %concatenate3A_276 = tpu.concatenate %get3A_263, %broadcast_in_dim3A_275 in 0 : vector<3x4096xf32>, vector<1x4096xf32> -> vector<4x4096xf32>
    %convert_element_type3A_277 = arith.truncf %concatenate3A_276 : vector<4x4096xf32> to vector<4x4096xbf16>
    %convert_element_type3A_278 = arith.extf %convert_element_type3A_277 : vector<4x4096xbf16> to vector<4x4096xf32>
    %sub3A_279 = arith.subf %concatenate3A_276, %convert_element_type3A_278 : vector<4x4096xf32>
    %convert_element_type3A_280 = arith.truncf %sub3A_279 : vector<4x4096xf32> to vector<4x4096xbf16>
    %concatenate3A_281 = tpu.concatenate %convert_element_type3A_277, %convert_element_type3A_280 in 0 : vector<4x4096xbf16>, vector<4x4096xbf16> -> vector<8x4096xbf16>
    %dot_general3A_282 = arith.constant dense<0.000000e+00> : vector<128x8xf32>
    %dot_general3A_283 = tpu.matmul %convert_element_type3A_273, %concatenate3A_281, %dot_general3A_282 {dimension_numbers = #tpu.dot_dimension_numbers<[1], [1], [0], [0], [0, 0, 1, 0], [], []>, transpose_lhs_hint = false} : vector<128x4096xbf16>, vector<8x4096xbf16>, vector<128x8xf32> -> vector<128x8xf32>
    %slice3A_284 = vector.extract_strided_slice %dot_general3A_283 {offsets = [0, 0], sizes = [128, 4], strides = [1, 1]} : vector<128x8xf32> to vector<128x4xf32>
    %slice3A_285 = vector.extract_strided_slice %dot_general3A_283 {offsets = [0, 4], sizes = [128, 4], strides = [1, 1]} : vector<128x8xf32> to vector<128x4xf32>
    %add3A_286 = arith.addf %slice3A_284, %slice3A_285 : vector<128x4xf32>
    %transpose3A_287 = tpu.transpose %add3A_286, [1, 0] : vector<128x4xf32> -> vector<4x128xf32>
    %slice3A_288 = vector.extract_strided_slice %add3A_286 {offsets = [0, 3], sizes = [128, 1], strides = [1, 1]} : vector<128x4xf32> to vector<128x1xf32>
    %slice3A_289 = vector.extract_strided_slice %add3A_286 {offsets = [0, 0], sizes = [128, 3], strides = [1, 1]} : vector<128x4xf32> to vector<128x3xf32>
    %max3A_290 = arith.constant 1.000000e+00 : f32
    %max3A_291 = vector.broadcast %max3A_290 : f32 to vector<128x1xf32>
    %max3A_292 = arith.maximumf %slice3A_288, %max3A_291 : vector<128x1xf32>
    %div3A_293 = vector.broadcast %max3A_292 : vector<128x1xf32> to vector<128x3xf32>
    %div3A_294 = arith.divf %slice3A_289, %div3A_293 : vector<128x3xf32>
    %slice3A_295 = vector.extract_strided_slice %transpose3A_287 {offsets = [3, 0], sizes = [1, 128], strides = [1, 1]} : vector<4x128xf32> to vector<1x128xf32>
    %slice3A_296 = vector.extract_strided_slice %transpose3A_287 {offsets = [0, 0], sizes = [3, 128], strides = [1, 1]} : vector<4x128xf32> to vector<3x128xf32>
    %max3A_297 = arith.constant 1.000000e+00 : f32
    %max3A_298 = vector.broadcast %max3A_297 : f32 to vector<1x128xf32>
    %max3A_299 = arith.maximumf %slice3A_295, %max3A_298 : vector<1x128xf32>
    %div3A_300 = vector.broadcast %max3A_299 : vector<1x128xf32> to vector<3x128xf32>
    %div3A_301 = arith.divf %slice3A_296, %div3A_300 : vector<3x128xf32>
    %ge3A_302 = arith.constant 2.000000e+00 : f32
    %ge3A_303 = vector.broadcast %ge3A_302 : f32 to vector<1x128xf32>
    %ge3A_304 = arith.cmpf oge, %slice3A_295, %ge3A_303 : vector<1x128xf32>
    %convert_element_type3A_305 = arith.extui %ge3A_304 : vector<1x128xi1> to vector<1x128xi32>
    %convert_element_type3A_306 = arith.sitofp %convert_element_type3A_305 : vector<1x128xi32> to vector<1x128xf32>
    %reduce_sum3A_307 = vector.shape_cast %convert_element_type3A_306 : vector<1x128xf32> to vector<1x1x128xf32>
    %reduce_sum3A_308 = arith.constant dense<0.000000e+00> : vector<1xf32>
    %reduce_sum3A_309 = vector.multi_reduction <add>, %reduce_sum3A_307, %reduce_sum3A_308 [1, 2] : vector<1x1x128xf32> to vector<1xf32>
    %reduce_sum3A_310 = vector.shape_cast %reduce_sum3A_309 : vector<1xf32> to vector<1x1x1xf32>
    %reduce_sum3A_311 = vector.extract %reduce_sum3A_310[0, 0, 0] : f32 from vector<1x1x1xf32>
    %max3A_312 = arith.constant 1.000000e+00 : f32
    %max3A_313 = arith.maximumf %reduce_sum3A_311, %max3A_312 : f32
    %slice3A_314 = vector.extract_strided_slice %div3A_294 {offsets = [0, 0], sizes = [128, 1], strides = [1, 1]} : vector<128x3xf32> to vector<128x1xf32>
    %slice3A_315 = vector.extract_strided_slice %div3A_301 {offsets = [0, 0], sizes = [1, 128], strides = [1, 1]} : vector<3x128xf32> to vector<1x128xf32>
    %sub3A_316 = vector.broadcast %slice3A_314 : vector<128x1xf32> to vector<128x128xf32>
    %sub3A_317 = vector.broadcast %slice3A_315 : vector<1x128xf32> to vector<128x128xf32>
    %sub3A_318 = arith.subf %sub3A_316, %sub3A_317 : vector<128x128xf32>
    %slice3A_319 = vector.extract_strided_slice %div3A_294 {offsets = [0, 1], sizes = [128, 1], strides = [1, 1]} : vector<128x3xf32> to vector<128x1xf32>
    %slice3A_320 = vector.extract_strided_slice %div3A_301 {offsets = [1, 0], sizes = [1, 128], strides = [1, 1]} : vector<3x128xf32> to vector<1x128xf32>
    %sub3A_321 = vector.broadcast %slice3A_319 : vector<128x1xf32> to vector<128x128xf32>
    %sub3A_322 = vector.broadcast %slice3A_320 : vector<1x128xf32> to vector<128x128xf32>
    %sub3A_323 = arith.subf %sub3A_321, %sub3A_322 : vector<128x128xf32>
    %slice3A_324 = vector.extract_strided_slice %div3A_294 {offsets = [0, 2], sizes = [128, 1], strides = [1, 1]} : vector<128x3xf32> to vector<128x1xf32>
    %slice3A_325 = vector.extract_strided_slice %div3A_301 {offsets = [2, 0], sizes = [1, 128], strides = [1, 1]} : vector<3x128xf32> to vector<1x128xf32>
    %sub3A_326 = vector.broadcast %slice3A_324 : vector<128x1xf32> to vector<128x128xf32>
    %sub3A_327 = vector.broadcast %slice3A_325 : vector<1x128xf32> to vector<128x128xf32>
    %sub3A_328 = arith.subf %sub3A_326, %sub3A_327 : vector<128x128xf32>
    %mul3A_329 = arith.mulf %sub3A_318, %sub3A_318 : vector<128x128xf32>
    %mul3A_330 = arith.mulf %sub3A_323, %sub3A_323 : vector<128x128xf32>
    %add3A_331 = arith.addf %mul3A_329, %mul3A_330 : vector<128x128xf32>
    %mul3A_332 = arith.mulf %sub3A_328, %sub3A_328 : vector<128x128xf32>
    %add3A_333 = arith.addf %add3A_331, %mul3A_332 : vector<128x128xf32>
    %gt3A_334 = arith.constant 0.000000e+00 : f32
    %gt3A_335 = vector.broadcast %gt3A_334 : f32 to vector<128x128xf32>
    %gt3A_336 = arith.cmpf ogt, %add3A_333, %gt3A_335 : vector<128x128xf32>
    %jit3A_337 = arith.constant 1.000000e+00 : f32
    %broadcast_in_dim3A_338 = vector.broadcast %jit3A_337 : f32 to vector<128x128xf32>
    %select_n3A_339 = arith.select %gt3A_336, %add3A_333, %broadcast_in_dim3A_338 : vector<128x128xi1>, vector<128x128xf32>
    %sqrt3A_340 = math.sqrt %select_n3A_339 : vector<128x128xf32>
    %jit3A_341 = arith.constant 0.000000e+00 : f32
    %broadcast_in_dim3A_342 = vector.broadcast %jit3A_341 : f32 to vector<128x128xf32>
    %select_n3A_343 = arith.select %gt3A_336, %sqrt3A_340, %broadcast_in_dim3A_342 : vector<128x128xi1>, vector<128x128xf32>
    %mul3A_344 = vector.broadcast %convert_element_type3A_306 : vector<1x128xf32> to vector<128x128xf32>
    %mul3A_345 = arith.mulf %select_n3A_343, %mul3A_344 : vector<128x128xf32>
    %reduce_sum3A_346 = arith.constant dense<0.000000e+00> : vector<128xf32>
    %reduce_sum3A_347 = vector.multi_reduction <add>, %mul3A_345, %reduce_sum3A_346 [1] : vector<128x128xf32> to vector<128xf32>
    %broadcast_in_dim3A_348 = vector.shape_cast %reduce_sum3A_347 : vector<128xf32> to vector<128x1xf32>
    %div3A_349 = vector.broadcast %max3A_313 : f32 to vector<128x1xf32>
    %div3A_350 = arith.divf %broadcast_in_dim3A_348, %div3A_349 : vector<128x1xf32>
    %gt3A_351 = arith.constant 0.000000e+00 : f32
    %gt3A_352 = vector.broadcast %gt3A_351 : f32 to vector<1x128xf32>
    %gt3A_353 = arith.cmpf ogt, %convert_element_type3A_306, %gt3A_352 : vector<1x128xf32>
    %jit3A_354 = arith.constant 1.000000e+09 : f32
    %broadcast_in_dim3A_355 = vector.shape_cast %gt3A_353 : vector<1x128xi1> to vector<1x128xi1>
    %broadcast_in_dim3A_356 = vector.broadcast %broadcast_in_dim3A_355 : vector<1x128xi1> to vector<128x128xi1>
    %broadcast_in_dim3A_357 = vector.broadcast %jit3A_354 : f32 to vector<128x128xf32>
    %select_n3A_358 = arith.select %broadcast_in_dim3A_356, %select_n3A_343, %broadcast_in_dim3A_357 : vector<128x128xi1>, vector<128x128xf32>
    %reduce_min3A_359 = arith.constant dense<0x7F800000> : vector<128xf32>
    %reduce_min3A_360 = vector.multi_reduction <minimumf>, %select_n3A_358, %reduce_min3A_359 [1] : vector<128x128xf32> to vector<128xf32>
    %broadcast_in_dim3A_361 = vector.shape_cast %reduce_min3A_360 : vector<128xf32> to vector<128x1xf32>
    %slice3A_362 = vector.extract_strided_slice %div3A_294 {offsets = [0, 2], sizes = [128, 1], strides = [1, 1]} : vector<128x3xf32> to vector<128x1xf32>
    %slice3A_363 = vector.extract_strided_slice %div3A_301 {offsets = [2, 0], sizes = [1, 128], strides = [1, 1]} : vector<3x128xf32> to vector<1x128xf32>
    %gt3A_364 = vector.broadcast %slice3A_362 : vector<128x1xf32> to vector<128x128xf32>
    %gt3A_365 = vector.broadcast %slice3A_363 : vector<1x128xf32> to vector<128x128xf32>
    %gt3A_366 = arith.cmpf ogt, %gt3A_364, %gt3A_365 : vector<128x128xf32>
    %convert_element_type3A_367 = arith.extui %gt3A_366 : vector<128x128xi1> to vector<128x128xi32>
    %convert_element_type3A_368 = arith.sitofp %convert_element_type3A_367 : vector<128x128xi32> to vector<128x128xf32>
    %mul3A_369 = vector.broadcast %convert_element_type3A_306 : vector<1x128xf32> to vector<128x128xf32>
    %mul3A_370 = arith.mulf %convert_element_type3A_368, %mul3A_369 : vector<128x128xf32>
    %reduce_sum3A_371 = arith.constant dense<0.000000e+00> : vector<128xf32>
    %reduce_sum3A_372 = vector.multi_reduction <add>, %mul3A_370, %reduce_sum3A_371 [1] : vector<128x128xf32> to vector<128xf32>
    %broadcast_in_dim3A_373 = vector.shape_cast %reduce_sum3A_372 : vector<128xf32> to vector<128x1xf32>
    %div3A_374 = vector.broadcast %max3A_313 : f32 to vector<128x1xf32>
    %div3A_375 = arith.divf %broadcast_in_dim3A_373, %div3A_374 : vector<128x1xf32>
    %concatenate3A_376 = tpu.concatenate %div3A_350, %broadcast_in_dim3A_361, %slice3A_362, %div3A_375 in 1 : vector<128x1xf32>, vector<128x1xf32>, vector<128x1xf32>, vector<128x1xf32> -> vector<128x4xf32>
    %get3A_377 = arith.constant 0 : index
    %get3A_378 = arith.constant 0 : index
    %get3A_379 = vector.load %arg3[%get3A_377, %get3A_378] : memref<64x4xf32, #tpu.memory_space<vmem>>, vector<64x4xf32>
    %convert_element_type3A_380 = arith.truncf %concatenate3A_376 : vector<128x4xf32> to vector<128x4xbf16>
    %convert_element_type3A_381 = arith.extf %convert_element_type3A_380 : vector<128x4xbf16> to vector<128x4xf32>
    %sub3A_382 = arith.subf %concatenate3A_376, %convert_element_type3A_381 : vector<128x4xf32>
    %convert_element_type3A_383 = arith.truncf %sub3A_382 : vector<128x4xf32> to vector<128x4xbf16>
    %convert_element_type3A_384 = arith.truncf %get3A_379 : vector<64x4xf32> to vector<64x4xbf16>
    %convert_element_type3A_385 = arith.extf %convert_element_type3A_384 : vector<64x4xbf16> to vector<64x4xf32>
    %sub3A_386 = arith.subf %get3A_379, %convert_element_type3A_385 : vector<64x4xf32>
    %convert_element_type3A_387 = arith.truncf %sub3A_386 : vector<64x4xf32> to vector<64x4xbf16>
    %dot_general3A_388 = arith.constant dense<0.000000e+00> : vector<128x64xf32>
    %dot_general3A_389 = tpu.matmul %convert_element_type3A_380, %convert_element_type3A_384, %dot_general3A_388 {dimension_numbers = #tpu.dot_dimension_numbers<[1], [1], [0], [0], [0, 0, 1, 0], [], []>, transpose_lhs_hint = false} : vector<128x4xbf16>, vector<64x4xbf16>, vector<128x64xf32> -> vector<128x64xf32>
    %dot_general3A_390 = arith.constant dense<0.000000e+00> : vector<128x64xf32>
    %dot_general3A_391 = tpu.matmul %convert_element_type3A_380, %convert_element_type3A_387, %dot_general3A_390 {dimension_numbers = #tpu.dot_dimension_numbers<[1], [1], [0], [0], [0, 0, 1, 0], [], []>, transpose_lhs_hint = false} : vector<128x4xbf16>, vector<64x4xbf16>, vector<128x64xf32> -> vector<128x64xf32>
    %add3A_392 = arith.addf %dot_general3A_389, %dot_general3A_391 : vector<128x64xf32>
    %dot_general3A_393 = arith.constant dense<0.000000e+00> : vector<128x64xf32>
    %dot_general3A_394 = tpu.matmul %convert_element_type3A_383, %convert_element_type3A_384, %dot_general3A_393 {dimension_numbers = #tpu.dot_dimension_numbers<[1], [1], [0], [0], [0, 0, 1, 0], [], []>, transpose_lhs_hint = false} : vector<128x4xbf16>, vector<64x4xbf16>, vector<128x64xf32> -> vector<128x64xf32>
    %add3A_395 = arith.addf %add3A_392, %dot_general3A_394 : vector<128x64xf32>
    %get3A_396 = arith.constant 0 : index
    %get3A_397 = arith.constant 0 : index
    %get3A_398 = vector.load %arg4[%get3A_396, %get3A_397] : memref<1x64xf32, #tpu.memory_space<vmem>>, vector<1x64xf32>
    %add3A_399 = vector.broadcast %get3A_398 : vector<1x64xf32> to vector<128x64xf32>
    %add3A_400 = arith.addf %add3A_395, %add3A_399 : vector<128x64xf32>
    %mul3A_401 = arith.constant 5.000000e-01 : f32
    %mul3A_402 = vector.broadcast %mul3A_401 : f32 to vector<128x64xf32>
    %mul3A_403 = arith.mulf %mul3A_402, %add3A_400 : vector<128x64xf32>
    %mul3A_404 = arith.constant 0.707106769 : f32
    %mul3A_405 = vector.broadcast %mul3A_404 : f32 to vector<128x64xf32>
    %mul3A_406 = arith.mulf %add3A_400, %mul3A_405 : vector<128x64xf32>
    %erf3A_407 = math.erf %mul3A_406 : vector<128x64xf32>
    %add3A_408 = arith.constant 1.000000e+00 : f32
    %add3A_409 = vector.broadcast %add3A_408 : f32 to vector<128x64xf32>
    %add3A_410 = arith.addf %add3A_409, %erf3A_407 : vector<128x64xf32>
    %mul3A_411 = arith.mulf %mul3A_403, %add3A_410 : vector<128x64xf32>
    %get3A_412 = arith.constant 0 : index
    %get3A_413 = arith.constant 0 : index
    %get3A_414 = vector.load %arg5[%get3A_412, %get3A_413] : memref<256x64xf32, #tpu.memory_space<vmem>>, vector<256x64xf32>
    %convert_element_type3A_415 = arith.truncf %mul3A_411 : vector<128x64xf32> to vector<128x64xbf16>
    %convert_element_type3A_416 = arith.extf %convert_element_type3A_415 : vector<128x64xbf16> to vector<128x64xf32>
    %sub3A_417 = arith.subf %mul3A_411, %convert_element_type3A_416 : vector<128x64xf32>
    %convert_element_type3A_418 = arith.truncf %sub3A_417 : vector<128x64xf32> to vector<128x64xbf16>
    %convert_element_type3A_419 = arith.truncf %get3A_414 : vector<256x64xf32> to vector<256x64xbf16>
    %convert_element_type3A_420 = arith.extf %convert_element_type3A_419 : vector<256x64xbf16> to vector<256x64xf32>
    %sub3A_421 = arith.subf %get3A_414, %convert_element_type3A_420 : vector<256x64xf32>
    %convert_element_type3A_422 = arith.truncf %sub3A_421 : vector<256x64xf32> to vector<256x64xbf16>
    %dot_general3A_423 = arith.constant dense<0.000000e+00> : vector<128x256xf32>
    %dot_general3A_424 = tpu.matmul %convert_element_type3A_415, %convert_element_type3A_419, %dot_general3A_423 {dimension_numbers = #tpu.dot_dimension_numbers<[1], [1], [0], [0], [0, 0, 1, 0], [], []>, transpose_lhs_hint = false} : vector<128x64xbf16>, vector<256x64xbf16>, vector<128x256xf32> -> vector<128x256xf32>
    %dot_general3A_425 = arith.constant dense<0.000000e+00> : vector<128x256xf32>
    %dot_general3A_426 = tpu.matmul %convert_element_type3A_415, %convert_element_type3A_422, %dot_general3A_425 {dimension_numbers = #tpu.dot_dimension_numbers<[1], [1], [0], [0], [0, 0, 1, 0], [], []>, transpose_lhs_hint = false} : vector<128x64xbf16>, vector<256x64xbf16>, vector<128x256xf32> -> vector<128x256xf32>
    %add3A_427 = arith.addf %dot_general3A_424, %dot_general3A_426 : vector<128x256xf32>
    %dot_general3A_428 = arith.constant dense<0.000000e+00> : vector<128x256xf32>
    %dot_general3A_429 = tpu.matmul %convert_element_type3A_418, %convert_element_type3A_419, %dot_general3A_428 {dimension_numbers = #tpu.dot_dimension_numbers<[1], [1], [0], [0], [0, 0, 1, 0], [], []>, transpose_lhs_hint = false} : vector<128x64xbf16>, vector<256x64xbf16>, vector<128x256xf32> -> vector<128x256xf32>
    %add3A_430 = arith.addf %add3A_427, %dot_general3A_429 : vector<128x256xf32>
    %get3A_431 = arith.constant 0 : index
    %get3A_432 = arith.constant 0 : index
    %get3A_433 = vector.load %arg6[%get3A_431, %get3A_432] : memref<1x256xf32, #tpu.memory_space<vmem>>, vector<1x256xf32>
    %add3A_434 = vector.broadcast %get3A_433 : vector<1x256xf32> to vector<128x256xf32>
    %add3A_435 = arith.addf %add3A_430, %add3A_434 : vector<128x256xf32>
    %get3A_436 = arith.constant 0 : index
    %get3A_437 = arith.constant 0 : index
    %get3A_438 = vector.load %arg7[%get3A_436, %get3A_437] : memref<256x256xf32, #tpu.memory_space<vmem>>, vector<256x256xf32>
    %convert_element_type3A_439 = arith.truncf %add3A_435 : vector<128x256xf32> to vector<128x256xbf16>
    %convert_element_type3A_440 = arith.extf %convert_element_type3A_439 : vector<128x256xbf16> to vector<128x256xf32>
    %sub3A_441 = arith.subf %add3A_435, %convert_element_type3A_440 : vector<128x256xf32>
    %convert_element_type3A_442 = arith.truncf %sub3A_441 : vector<128x256xf32> to vector<128x256xbf16>
    %convert_element_type3A_443 = arith.truncf %get3A_438 : vector<256x256xf32> to vector<256x256xbf16>
    %convert_element_type3A_444 = arith.extf %convert_element_type3A_443 : vector<256x256xbf16> to vector<256x256xf32>
    %sub3A_445 = arith.subf %get3A_438, %convert_element_type3A_444 : vector<256x256xf32>
    %convert_element_type3A_446 = arith.truncf %sub3A_445 : vector<256x256xf32> to vector<256x256xbf16>
    %dot_general3A_447 = arith.constant dense<0.000000e+00> : vector<128x256xf32>
    %dot_general3A_448 = tpu.matmul %convert_element_type3A_439, %convert_element_type3A_443, %dot_general3A_447 {dimension_numbers = #tpu.dot_dimension_numbers<[1], [1], [0], [0], [0, 0, 1, 0], [], []>, transpose_lhs_hint = false} : vector<128x256xbf16>, vector<256x256xbf16>, vector<128x256xf32> -> vector<128x256xf32>
    %dot_general3A_449 = arith.constant dense<0.000000e+00> : vector<128x256xf32>
    %dot_general3A_450 = tpu.matmul %convert_element_type3A_439, %convert_element_type3A_446, %dot_general3A_449 {dimension_numbers = #tpu.dot_dimension_numbers<[1], [1], [0], [0], [0, 0, 1, 0], [], []>, transpose_lhs_hint = false} : vector<128x256xbf16>, vector<256x256xbf16>, vector<128x256xf32> -> vector<128x256xf32>
    %add3A_451 = arith.addf %dot_general3A_448, %dot_general3A_450 : vector<128x256xf32>
    %dot_general3A_452 = arith.constant dense<0.000000e+00> : vector<128x256xf32>
    %dot_general3A_453 = tpu.matmul %convert_element_type3A_442, %convert_element_type3A_443, %dot_general3A_452 {dimension_numbers = #tpu.dot_dimension_numbers<[1], [1], [0], [0], [0, 0, 1, 0], [], []>, transpose_lhs_hint = false} : vector<128x256xbf16>, vector<256x256xbf16>, vector<128x256xf32> -> vector<128x256xf32>
    %add3A_454 = arith.addf %add3A_451, %dot_general3A_453 : vector<128x256xf32>
    %get3A_455 = arith.constant 0 : index
    %get3A_456 = arith.constant 0 : index
    %get3A_457 = vector.load %arg8[%get3A_455, %get3A_456] : memref<1x256xf32, #tpu.memory_space<vmem>>, vector<1x256xf32>
    %add3A_458 = vector.broadcast %get3A_457 : vector<1x256xf32> to vector<128x256xf32>
    %add3A_459 = arith.addf %add3A_454, %add3A_458 : vector<128x256xf32>
    %reduce_sum3A_460 = arith.constant dense<0.000000e+00> : vector<128xf32>
    %reduce_sum3A_461 = vector.multi_reduction <add>, %add3A_459, %reduce_sum3A_460 [1] : vector<128x256xf32> to vector<128xf32>
    %broadcast_in_dim3A_462 = vector.shape_cast %reduce_sum3A_461 : vector<128xf32> to vector<128x1xf32>
    %div3A_463 = arith.constant 2.560000e+02 : f32
    %div3A_464 = vector.broadcast %div3A_463 : f32 to vector<128x1xf32>
    %div3A_465 = arith.divf %broadcast_in_dim3A_462, %div3A_464 : vector<128x1xf32>
    %sub3A_466 = vector.broadcast %div3A_465 : vector<128x1xf32> to vector<128x256xf32>
    %sub3A_467 = arith.subf %add3A_459, %sub3A_466 : vector<128x256xf32>
    %integer_pow3A_468 = arith.mulf %sub3A_467, %sub3A_467 : vector<128x256xf32>
    %reduce_sum3A_469 = arith.constant dense<0.000000e+00> : vector<128xf32>
    %reduce_sum3A_470 = vector.multi_reduction <add>, %integer_pow3A_468, %reduce_sum3A_469 [1] : vector<128x256xf32> to vector<128xf32>
    %broadcast_in_dim3A_471 = vector.shape_cast %reduce_sum3A_470 : vector<128xf32> to vector<128x1xf32>
    %div3A_472 = arith.constant 2.560000e+02 : f32
    %div3A_473 = vector.broadcast %div3A_472 : f32 to vector<128x1xf32>
    %div3A_474 = arith.divf %broadcast_in_dim3A_471, %div3A_473 : vector<128x1xf32>
    %sub3A_475 = vector.broadcast %div3A_465 : vector<128x1xf32> to vector<128x256xf32>
    %sub3A_476 = arith.subf %add3A_459, %sub3A_475 : vector<128x256xf32>
    %add3A_477 = arith.constant 9.99999974E-6 : f32
    %add3A_478 = vector.broadcast %add3A_477 : f32 to vector<128x1xf32>
    %add3A_479 = arith.addf %div3A_474, %add3A_478 : vector<128x1xf32>
    %sqrt3A_480 = math.sqrt %add3A_479 : vector<128x1xf32>
    %div3A_481 = vector.broadcast %sqrt3A_480 : vector<128x1xf32> to vector<128x256xf32>
    %div3A_482 = arith.divf %sub3A_476, %div3A_481 : vector<128x256xf32>
    %get3A_483 = arith.constant 0 : index
    %get3A_484 = arith.constant 0 : index
    %get3A_485 = vector.load %arg9[%get3A_483, %get3A_484] : memref<1x256xf32, #tpu.memory_space<vmem>>, vector<1x256xf32>
    %mul3A_486 = vector.broadcast %get3A_485 : vector<1x256xf32> to vector<128x256xf32>
    %mul3A_487 = arith.mulf %div3A_482, %mul3A_486 : vector<128x256xf32>
    %get3A_488 = arith.constant 0 : index
    %get3A_489 = arith.constant 0 : index
    %get3A_490 = vector.load %arg10[%get3A_488, %get3A_489] : memref<1x256xf32, #tpu.memory_space<vmem>>, vector<1x256xf32>
    %add3A_491 = vector.broadcast %get3A_490 : vector<1x256xf32> to vector<128x256xf32>
    %add3A_492 = arith.addf %mul3A_487, %add3A_491 : vector<128x256xf32>
    %mul3A_493 = arith.constant 5.000000e-01 : f32
    %mul3A_494 = vector.broadcast %mul3A_493 : f32 to vector<128x256xf32>
    %mul3A_495 = arith.mulf %mul3A_494, %add3A_492 : vector<128x256xf32>
    %mul3A_496 = arith.constant 0.707106769 : f32
    %mul3A_497 = vector.broadcast %mul3A_496 : f32 to vector<128x256xf32>
    %mul3A_498 = arith.mulf %add3A_492, %mul3A_497 : vector<128x256xf32>
    %erf3A_499 = math.erf %mul3A_498 : vector<128x256xf32>
    %add3A_500 = arith.constant 1.000000e+00 : f32
    %add3A_501 = vector.broadcast %add3A_500 : f32 to vector<128x256xf32>
    %add3A_502 = arith.addf %add3A_501, %erf3A_499 : vector<128x256xf32>
    %mul3A_503 = arith.mulf %mul3A_495, %add3A_502 : vector<128x256xf32>
    %get3A_504 = arith.constant 0 : index
    %get3A_505 = arith.constant 0 : index
    %get3A_506 = vector.load %arg11[%get3A_504, %get3A_505] : memref<256x256xf32, #tpu.memory_space<vmem>>, vector<256x256xf32>
    %convert_element_type3A_507 = arith.truncf %mul3A_503 : vector<128x256xf32> to vector<128x256xbf16>
    %convert_element_type3A_508 = arith.extf %convert_element_type3A_507 : vector<128x256xbf16> to vector<128x256xf32>
    %sub3A_509 = arith.subf %mul3A_503, %convert_element_type3A_508 : vector<128x256xf32>
    %convert_element_type3A_510 = arith.truncf %sub3A_509 : vector<128x256xf32> to vector<128x256xbf16>
    %convert_element_type3A_511 = arith.truncf %get3A_506 : vector<256x256xf32> to vector<256x256xbf16>
    %convert_element_type3A_512 = arith.extf %convert_element_type3A_511 : vector<256x256xbf16> to vector<256x256xf32>
    %sub3A_513 = arith.subf %get3A_506, %convert_element_type3A_512 : vector<256x256xf32>
    %convert_element_type3A_514 = arith.truncf %sub3A_513 : vector<256x256xf32> to vector<256x256xbf16>
    %dot_general3A_515 = arith.constant dense<0.000000e+00> : vector<128x256xf32>
    %dot_general3A_516 = tpu.matmul %convert_element_type3A_507, %convert_element_type3A_511, %dot_general3A_515 {dimension_numbers = #tpu.dot_dimension_numbers<[1], [1], [0], [0], [0, 0, 1, 0], [], []>, transpose_lhs_hint = false} : vector<128x256xbf16>, vector<256x256xbf16>, vector<128x256xf32> -> vector<128x256xf32>
    %dot_general3A_517 = arith.constant dense<0.000000e+00> : vector<128x256xf32>
    %dot_general3A_518 = tpu.matmul %convert_element_type3A_507, %convert_element_type3A_514, %dot_general3A_517 {dimension_numbers = #tpu.dot_dimension_numbers<[1], [1], [0], [0], [0, 0, 1, 0], [], []>, transpose_lhs_hint = false} : vector<128x256xbf16>, vector<256x256xbf16>, vector<128x256xf32> -> vector<128x256xf32>
    %add3A_519 = arith.addf %dot_general3A_516, %dot_general3A_518 : vector<128x256xf32>
    %dot_general3A_520 = arith.constant dense<0.000000e+00> : vector<128x256xf32>
    %dot_general3A_521 = tpu.matmul %convert_element_type3A_510, %convert_element_type3A_511, %dot_general3A_520 {dimension_numbers = #tpu.dot_dimension_numbers<[1], [1], [0], [0], [0, 0, 1, 0], [], []>, transpose_lhs_hint = false} : vector<128x256xbf16>, vector<256x256xbf16>, vector<128x256xf32> -> vector<128x256xf32>
    %add3A_522 = arith.addf %add3A_519, %dot_general3A_521 : vector<128x256xf32>
    %get3A_523 = arith.constant 0 : index
    %get3A_524 = arith.constant 0 : index
    %get3A_525 = vector.load %arg12[%get3A_523, %get3A_524] : memref<1x256xf32, #tpu.memory_space<vmem>>, vector<1x256xf32>
    %add3A_526 = vector.broadcast %get3A_525 : vector<1x256xf32> to vector<128x256xf32>
    %add3A_527 = arith.addf %add3A_522, %add3A_526 : vector<128x256xf32>
    %ge3A_528 = arith.constant 2.000000e+00 : f32
    %ge3A_529 = vector.broadcast %ge3A_528 : f32 to vector<128x1xf32>
    %ge3A_530 = arith.cmpf oge, %slice3A_288, %ge3A_529 : vector<128x1xf32>
    %ge3A_531 = arith.constant 2.000000e+00 : f32
    %ge3A_532 = arith.cmpf oge, %reduce_sum3A_311, %ge3A_531 : f32
    %and3A_533 = vector.broadcast %ge3A_532 : i1 to vector<128x1xi1>
    %and3A_534 = arith.andi %ge3A_530, %and3A_533 : vector<128x1xi1>
    %jit3A_535 = arith.constant 0.000000e+00 : f32
    %broadcast_in_dim3A_536 = vector.shape_cast %and3A_534 : vector<128x1xi1> to vector<128x1xi1>
    %broadcast_in_dim3A_537 = vector.broadcast %broadcast_in_dim3A_536 : vector<128x1xi1> to vector<128x256xi1>
    %broadcast_in_dim3A_538 = vector.broadcast %jit3A_535 : f32 to vector<128x256xf32>
    %select_n3A_539 = arith.select %broadcast_in_dim3A_537, %add3A_527, %broadcast_in_dim3A_538 : vector<128x256xi1>, vector<128x256xf32>
    %swap3A_540 = arith.constant 128 : index
    %swap3A_541 = arith.constant 0 : index
    %swap3A_542 = vector.load %arg13[%swap3A_540, %swap3A_541] : memref<1024x256xf32, #tpu.memory_space<vmem>>, vector<128x256xf32>
    tpu.vector_store %arg13[%swap3A_540, %swap3A_541], %select_n3A_539 {strides = array<i32>} : memref<1024x256xf32, #tpu.memory_space<vmem>>, vector<128x256xf32>,
    %get3A_543 = arith.constant 2 : index
    %get3A_544 = arith.constant 0 : index
    %get3A_545 = arith.constant 0 : index
    %get3A_546 = vector.load %arg1[%get3A_543, %get3A_544, %get3A_545] : memref<8x3x4096xf32, #tpu.memory_space<vmem>>, vector<1x3x4096xf32>
    %get3A_547 = vector.shape_cast %get3A_546 : vector<1x3x4096xf32> to vector<3x4096xf32>
    %get3A_548 = arith.constant 2 : index
    %get3A_549 = arith.constant 0 : index
    %get3A_550 = vector.load %arg2[%get3A_548, %get3A_549] : memref<8x4096xi32, #tpu.memory_space<vmem>>, vector<1x4096xi32>
    %iota3A_551 = tpu.iota {dimensions = array<i32: 0>} : vector<128x1xi32>
    %eq3A_552 = vector.broadcast %get3A_550 : vector<1x4096xi32> to vector<128x4096xi32>
    %eq3A_553 = vector.broadcast %iota3A_551 : vector<128x1xi32> to vector<128x4096xi32>
    %eq3A_554 = arith.cmpi eq, %eq3A_552, %eq3A_553 : vector<128x4096xi32>
    %convert_element_type3A_555 = arith.extui %eq3A_554 : vector<128x4096xi1> to vector<128x4096xi32>
    %convert_element_type3A_556 = arith.sitofp %convert_element_type3A_555 : vector<128x4096xi32> to vector<128x4096xf32>
    %convert_element_type3A_557 = arith.truncf %convert_element_type3A_556 : vector<128x4096xf32> to vector<128x4096xbf16>
    %broadcast_in_dim3A_558 = arith.constant 1.000000e+00 : f32
    %broadcast_in_dim3A_559 = vector.broadcast %broadcast_in_dim3A_558 : f32 to vector<1x4096xf32>
    %concatenate3A_560 = tpu.concatenate %get3A_547, %broadcast_in_dim3A_559 in 0 : vector<3x4096xf32>, vector<1x4096xf32> -> vector<4x4096xf32>
    %convert_element_type3A_561 = arith.truncf %concatenate3A_560 : vector<4x4096xf32> to vector<4x4096xbf16>
    %convert_element_type3A_562 = arith.extf %convert_element_type3A_561 : vector<4x4096xbf16> to vector<4x4096xf32>
    %sub3A_563 = arith.subf %concatenate3A_560, %convert_element_type3A_562 : vector<4x4096xf32>
    %convert_element_type3A_564 = arith.truncf %sub3A_563 : vector<4x4096xf32> to vector<4x4096xbf16>
    %concatenate3A_565 = tpu.concatenate %convert_element_type3A_561, %convert_element_type3A_564 in 0 : vector<4x4096xbf16>, vector<4x4096xbf16> -> vector<8x4096xbf16>
    %dot_general3A_566 = arith.constant dense<0.000000e+00> : vector<128x8xf32>
    %dot_general3A_567 = tpu.matmul %convert_element_type3A_557, %concatenate3A_565, %dot_general3A_566 {dimension_numbers = #tpu.dot_dimension_numbers<[1], [1], [0], [0], [0, 0, 1, 0], [], []>, transpose_lhs_hint = false} : vector<128x4096xbf16>, vector<8x4096xbf16>, vector<128x8xf32> -> vector<128x8xf32>
    %slice3A_568 = vector.extract_strided_slice %dot_general3A_567 {offsets = [0, 0], sizes = [128, 4], strides = [1, 1]} : vector<128x8xf32> to vector<128x4xf32>
    %slice3A_569 = vector.extract_strided_slice %dot_general3A_567 {offsets = [0, 4], sizes = [128, 4], strides = [1, 1]} : vector<128x8xf32> to vector<128x4xf32>
    %add3A_570 = arith.addf %slice3A_568, %slice3A_569 : vector<128x4xf32>
    %transpose3A_571 = tpu.transpose %add3A_570, [1, 0] : vector<128x4xf32> -> vector<4x128xf32>
    %slice3A_572 = vector.extract_strided_slice %add3A_570 {offsets = [0, 3], sizes = [128, 1], strides = [1, 1]} : vector<128x4xf32> to vector<128x1xf32>
    %slice3A_573 = vector.extract_strided_slice %add3A_570 {offsets = [0, 0], sizes = [128, 3], strides = [1, 1]} : vector<128x4xf32> to vector<128x3xf32>
    %max3A_574 = arith.constant 1.000000e+00 : f32
    %max3A_575 = vector.broadcast %max3A_574 : f32 to vector<128x1xf32>
    %max3A_576 = arith.maximumf %slice3A_572, %max3A_575 : vector<128x1xf32>
    %div3A_577 = vector.broadcast %max3A_576 : vector<128x1xf32> to vector<128x3xf32>
    %div3A_578 = arith.divf %slice3A_573, %div3A_577 : vector<128x3xf32>
    %slice3A_579 = vector.extract_strided_slice %transpose3A_571 {offsets = [3, 0], sizes = [1, 128], strides = [1, 1]} : vector<4x128xf32> to vector<1x128xf32>
    %slice3A_580 = vector.extract_strided_slice %transpose3A_571 {offsets = [0, 0], sizes = [3, 128], strides = [1, 1]} : vector<4x128xf32> to vector<3x128xf32>
    %max3A_581 = arith.constant 1.000000e+00 : f32
    %max3A_582 = vector.broadcast %max3A_581 : f32 to vector<1x128xf32>
    %max3A_583 = arith.maximumf %slice3A_579, %max3A_582 : vector<1x128xf32>
    %div3A_584 = vector.broadcast %max3A_583 : vector<1x128xf32> to vector<3x128xf32>
    %div3A_585 = arith.divf %slice3A_580, %div3A_584 : vector<3x128xf32>
    %ge3A_586 = arith.constant 2.000000e+00 : f32
    %ge3A_587 = vector.broadcast %ge3A_586 : f32 to vector<1x128xf32>
    %ge3A_588 = arith.cmpf oge, %slice3A_579, %ge3A_587 : vector<1x128xf32>
    %convert_element_type3A_589 = arith.extui %ge3A_588 : vector<1x128xi1> to vector<1x128xi32>
    %convert_element_type3A_590 = arith.sitofp %convert_element_type3A_589 : vector<1x128xi32> to vector<1x128xf32>
    %reduce_sum3A_591 = vector.shape_cast %convert_element_type3A_590 : vector<1x128xf32> to vector<1x1x128xf32>
    %reduce_sum3A_592 = arith.constant dense<0.000000e+00> : vector<1xf32>
    %reduce_sum3A_593 = vector.multi_reduction <add>, %reduce_sum3A_591, %reduce_sum3A_592 [1, 2] : vector<1x1x128xf32> to vector<1xf32>
    %reduce_sum3A_594 = vector.shape_cast %reduce_sum3A_593 : vector<1xf32> to vector<1x1x1xf32>
    %reduce_sum3A_595 = vector.extract %reduce_sum3A_594[0, 0, 0] : f32 from vector<1x1x1xf32>
    %max3A_596 = arith.constant 1.000000e+00 : f32
    %max3A_597 = arith.maximumf %reduce_sum3A_595, %max3A_596 : f32
    %slice3A_598 = vector.extract_strided_slice %div3A_578 {offsets = [0, 0], sizes = [128, 1], strides = [1, 1]} : vector<128x3xf32> to vector<128x1xf32>
    %slice3A_599 = vector.extract_strided_slice %div3A_585 {offsets = [0, 0], sizes = [1, 128], strides = [1, 1]} : vector<3x128xf32> to vector<1x128xf32>
    %sub3A_600 = vector.broadcast %slice3A_598 : vector<128x1xf32> to vector<128x128xf32>
    %sub3A_601 = vector.broadcast %slice3A_599 : vector<1x128xf32> to vector<128x128xf32>
    %sub3A_602 = arith.subf %sub3A_600, %sub3A_601 : vector<128x128xf32>
    %slice3A_603 = vector.extract_strided_slice %div3A_578 {offsets = [0, 1], sizes = [128, 1], strides = [1, 1]} : vector<128x3xf32> to vector<128x1xf32>
    %slice3A_604 = vector.extract_strided_slice %div3A_585 {offsets = [1, 0], sizes = [1, 128], strides = [1, 1]} : vector<3x128xf32> to vector<1x128xf32>
    %sub3A_605 = vector.broadcast %slice3A_603 : vector<128x1xf32> to vector<128x128xf32>
    %sub3A_606 = vector.broadcast %slice3A_604 : vector<1x128xf32> to vector<128x128xf32>
    %sub3A_607 = arith.subf %sub3A_605, %sub3A_606 : vector<128x128xf32>
    %slice3A_608 = vector.extract_strided_slice %div3A_578 {offsets = [0, 2], sizes = [128, 1], strides = [1, 1]} : vector<128x3xf32> to vector<128x1xf32>
    %slice3A_609 = vector.extract_strided_slice %div3A_585 {offsets = [2, 0], sizes = [1, 128], strides = [1, 1]} : vector<3x128xf32> to vector<1x128xf32>
    %sub3A_610 = vector.broadcast %slice3A_608 : vector<128x1xf32> to vector<128x128xf32>
    %sub3A_611 = vector.broadcast %slice3A_609 : vector<1x128xf32> to vector<128x128xf32>
    %sub3A_612 = arith.subf %sub3A_610, %sub3A_611 : vector<128x128xf32>
    %mul3A_613 = arith.mulf %sub3A_602, %sub3A_602 : vector<128x128xf32>
    %mul3A_614 = arith.mulf %sub3A_607, %sub3A_607 : vector<128x128xf32>
    %add3A_615 = arith.addf %mul3A_613, %mul3A_614 : vector<128x128xf32>
    %mul3A_616 = arith.mulf %sub3A_612, %sub3A_612 : vector<128x128xf32>
    %add3A_617 = arith.addf %add3A_615, %mul3A_616 : vector<128x128xf32>
    %gt3A_618 = arith.constant 0.000000e+00 : f32
    %gt3A_619 = vector.broadcast %gt3A_618 : f32 to vector<128x128xf32>
    %gt3A_620 = arith.cmpf ogt, %add3A_617, %gt3A_619 : vector<128x128xf32>
    %jit3A_621 = arith.constant 1.000000e+00 : f32
    %broadcast_in_dim3A_622 = vector.broadcast %jit3A_621 : f32 to vector<128x128xf32>
    %select_n3A_623 = arith.select %gt3A_620, %add3A_617, %broadcast_in_dim3A_622 : vector<128x128xi1>, vector<128x128xf32>
    %sqrt3A_624 = math.sqrt %select_n3A_623 : vector<128x128xf32>
    %jit3A_625 = arith.constant 0.000000e+00 : f32
    %broadcast_in_dim3A_626 = vector.broadcast %jit3A_625 : f32 to vector<128x128xf32>
    %select_n3A_627 = arith.select %gt3A_620, %sqrt3A_624, %broadcast_in_dim3A_626 : vector<128x128xi1>, vector<128x128xf32>
    %mul3A_628 = vector.broadcast %convert_element_type3A_590 : vector<1x128xf32> to vector<128x128xf32>
    %mul3A_629 = arith.mulf %select_n3A_627, %mul3A_628 : vector<128x128xf32>
    %reduce_sum3A_630 = arith.constant dense<0.000000e+00> : vector<128xf32>
    %reduce_sum3A_631 = vector.multi_reduction <add>, %mul3A_629, %reduce_sum3A_630 [1] : vector<128x128xf32> to vector<128xf32>
    %broadcast_in_dim3A_632 = vector.shape_cast %reduce_sum3A_631 : vector<128xf32> to vector<128x1xf32>
    %div3A_633 = vector.broadcast %max3A_597 : f32 to vector<128x1xf32>
    %div3A_634 = arith.divf %broadcast_in_dim3A_632, %div3A_633 : vector<128x1xf32>
    %gt3A_635 = arith.constant 0.000000e+00 : f32
    %gt3A_636 = vector.broadcast %gt3A_635 : f32 to vector<1x128xf32>
    %gt3A_637 = arith.cmpf ogt, %convert_element_type3A_590, %gt3A_636 : vector<1x128xf32>
    %jit3A_638 = arith.constant 1.000000e+09 : f32
    %broadcast_in_dim3A_639 = vector.shape_cast %gt3A_637 : vector<1x128xi1> to vector<1x128xi1>
    %broadcast_in_dim3A_640 = vector.broadcast %broadcast_in_dim3A_639 : vector<1x128xi1> to vector<128x128xi1>
    %broadcast_in_dim3A_641 = vector.broadcast %jit3A_638 : f32 to vector<128x128xf32>
    %select_n3A_642 = arith.select %broadcast_in_dim3A_640, %select_n3A_627, %broadcast_in_dim3A_641 : vector<128x128xi1>, vector<128x128xf32>
    %reduce_min3A_643 = arith.constant dense<0x7F800000> : vector<128xf32>
    %reduce_min3A_644 = vector.multi_reduction <minimumf>, %select_n3A_642, %reduce_min3A_643 [1] : vector<128x128xf32> to vector<128xf32>
    %broadcast_in_dim3A_645 = vector.shape_cast %reduce_min3A_644 : vector<128xf32> to vector<128x1xf32>
    %slice3A_646 = vector.extract_strided_slice %div3A_578 {offsets = [0, 2], sizes = [128, 1], strides = [1, 1]} : vector<128x3xf32> to vector<128x1xf32>
    %slice3A_647 = vector.extract_strided_slice %div3A_585 {offsets = [2, 0], sizes = [1, 128], strides = [1, 1]} : vector<3x128xf32> to vector<1x128xf32>
    %gt3A_648 = vector.broadcast %slice3A_646 : vector<128x1xf32> to vector<128x128xf32>
    %gt3A_649 = vector.broadcast %slice3A_647 : vector<1x128xf32> to vector<128x128xf32>
    %gt3A_650 = arith.cmpf ogt, %gt3A_648, %gt3A_649 : vector<128x128xf32>
    %convert_element_type3A_651 = arith.extui %gt3A_650 : vector<128x128xi1> to vector<128x128xi32>
    %convert_element_type3A_652 = arith.sitofp %convert_element_type3A_651 : vector<128x128xi32> to vector<128x128xf32>
    %mul3A_653 = vector.broadcast %convert_element_type3A_590 : vector<1x128xf32> to vector<128x128xf32>
    %mul3A_654 = arith.mulf %convert_element_type3A_652, %mul3A_653 : vector<128x128xf32>
    %reduce_sum3A_655 = arith.constant dense<0.000000e+00> : vector<128xf32>
    %reduce_sum3A_656 = vector.multi_reduction <add>, %mul3A_654, %reduce_sum3A_655 [1] : vector<128x128xf32> to vector<128xf32>
    %broadcast_in_dim3A_657 = vector.shape_cast %reduce_sum3A_656 : vector<128xf32> to vector<128x1xf32>
    %div3A_658 = vector.broadcast %max3A_597 : f32 to vector<128x1xf32>
    %div3A_659 = arith.divf %broadcast_in_dim3A_657, %div3A_658 : vector<128x1xf32>
    %concatenate3A_660 = tpu.concatenate %div3A_634, %broadcast_in_dim3A_645, %slice3A_646, %div3A_659 in 1 : vector<128x1xf32>, vector<128x1xf32>, vector<128x1xf32>, vector<128x1xf32> -> vector<128x4xf32>
    %get3A_661 = arith.constant 0 : index
    %get3A_662 = arith.constant 0 : index
    %get3A_663 = vector.load %arg3[%get3A_661, %get3A_662] : memref<64x4xf32, #tpu.memory_space<vmem>>, vector<64x4xf32>
    %convert_element_type3A_664 = arith.truncf %concatenate3A_660 : vector<128x4xf32> to vector<128x4xbf16>
    %convert_element_type3A_665 = arith.extf %convert_element_type3A_664 : vector<128x4xbf16> to vector<128x4xf32>
    %sub3A_666 = arith.subf %concatenate3A_660, %convert_element_type3A_665 : vector<128x4xf32>
    %convert_element_type3A_667 = arith.truncf %sub3A_666 : vector<128x4xf32> to vector<128x4xbf16>
    %convert_element_type3A_668 = arith.truncf %get3A_663 : vector<64x4xf32> to vector<64x4xbf16>
    %convert_element_type3A_669 = arith.extf %convert_element_type3A_668 : vector<64x4xbf16> to vector<64x4xf32>
    %sub3A_670 = arith.subf %get3A_663, %convert_element_type3A_669 : vector<64x4xf32>
    %convert_element_type3A_671 = arith.truncf %sub3A_670 : vector<64x4xf32> to vector<64x4xbf16>
    %dot_general3A_672 = arith.constant dense<0.000000e+00> : vector<128x64xf32>
    %dot_general3A_673 = tpu.matmul %convert_element_type3A_664, %convert_element_type3A_668, %dot_general3A_672 {dimension_numbers = #tpu.dot_dimension_numbers<[1], [1], [0], [0], [0, 0, 1, 0], [], []>, transpose_lhs_hint = false} : vector<128x4xbf16>, vector<64x4xbf16>, vector<128x64xf32> -> vector<128x64xf32>
    %dot_general3A_674 = arith.constant dense<0.000000e+00> : vector<128x64xf32>
    %dot_general3A_675 = tpu.matmul %convert_element_type3A_664, %convert_element_type3A_671, %dot_general3A_674 {dimension_numbers = #tpu.dot_dimension_numbers<[1], [1], [0], [0], [0, 0, 1, 0], [], []>, transpose_lhs_hint = false} : vector<128x4xbf16>, vector<64x4xbf16>, vector<128x64xf32> -> vector<128x64xf32>
    %add3A_676 = arith.addf %dot_general3A_673, %dot_general3A_675 : vector<128x64xf32>
    %dot_general3A_677 = arith.constant dense<0.000000e+00> : vector<128x64xf32>
    %dot_general3A_678 = tpu.matmul %convert_element_type3A_667, %convert_element_type3A_668, %dot_general3A_677 {dimension_numbers = #tpu.dot_dimension_numbers<[1], [1], [0], [0], [0, 0, 1, 0], [], []>, transpose_lhs_hint = false} : vector<128x4xbf16>, vector<64x4xbf16>, vector<128x64xf32> -> vector<128x64xf32>
    %add3A_679 = arith.addf %add3A_676, %dot_general3A_678 : vector<128x64xf32>
    %get3A_680 = arith.constant 0 : index
    %get3A_681 = arith.constant 0 : index
    %get3A_682 = vector.load %arg4[%get3A_680, %get3A_681] : memref<1x64xf32, #tpu.memory_space<vmem>>, vector<1x64xf32>
    %add3A_683 = vector.broadcast %get3A_682 : vector<1x64xf32> to vector<128x64xf32>
    %add3A_684 = arith.addf %add3A_679, %add3A_683 : vector<128x64xf32>
    %mul3A_685 = arith.constant 5.000000e-01 : f32
    %mul3A_686 = vector.broadcast %mul3A_685 : f32 to vector<128x64xf32>
    %mul3A_687 = arith.mulf %mul3A_686, %add3A_684 : vector<128x64xf32>
    %mul3A_688 = arith.constant 0.707106769 : f32
    %mul3A_689 = vector.broadcast %mul3A_688 : f32 to vector<128x64xf32>
    %mul3A_690 = arith.mulf %add3A_684, %mul3A_689 : vector<128x64xf32>
    %erf3A_691 = math.erf %mul3A_690 : vector<128x64xf32>
    %add3A_692 = arith.constant 1.000000e+00 : f32
    %add3A_693 = vector.broadcast %add3A_692 : f32 to vector<128x64xf32>
    %add3A_694 = arith.addf %add3A_693, %erf3A_691 : vector<128x64xf32>
    %mul3A_695 = arith.mulf %mul3A_687, %add3A_694 : vector<128x64xf32>
    %get3A_696 = arith.constant 0 : index
    %get3A_697 = arith.constant 0 : index
    %get3A_698 = vector.load %arg5[%get3A_696, %get3A_697] : memref<256x64xf32, #tpu.memory_space<vmem>>, vector<256x64xf32>
    %convert_element_type3A_699 = arith.truncf %mul3A_695 : vector<128x64xf32> to vector<128x64xbf16>
    %convert_element_type3A_700 = arith.extf %convert_element_type3A_699 : vector<128x64xbf16> to vector<128x64xf32>
    %sub3A_701 = arith.subf %mul3A_695, %convert_element_type3A_700 : vector<128x64xf32>
    %convert_element_type3A_702 = arith.truncf %sub3A_701 : vector<128x64xf32> to vector<128x64xbf16>
    %convert_element_type3A_703 = arith.truncf %get3A_698 : vector<256x64xf32> to vector<256x64xbf16>
    %convert_element_type3A_704 = arith.extf %convert_element_type3A_703 : vector<256x64xbf16> to vector<256x64xf32>
    %sub3A_705 = arith.subf %get3A_698, %convert_element_type3A_704 : vector<256x64xf32>
    %convert_element_type3A_706 = arith.truncf %sub3A_705 : vector<256x64xf32> to vector<256x64xbf16>
    %dot_general3A_707 = arith.constant dense<0.000000e+00> : vector<128x256xf32>
    %dot_general3A_708 = tpu.matmul %convert_element_type3A_699, %convert_element_type3A_703, %dot_general3A_707 {dimension_numbers = #tpu.dot_dimension_numbers<[1], [1], [0], [0], [0, 0, 1, 0], [], []>, transpose_lhs_hint = false} : vector<128x64xbf16>, vector<256x64xbf16>, vector<128x256xf32> -> vector<128x256xf32>
    %dot_general3A_709 = arith.constant dense<0.000000e+00> : vector<128x256xf32>
    %dot_general3A_710 = tpu.matmul %convert_element_type3A_699, %convert_element_type3A_706, %dot_general3A_709 {dimension_numbers = #tpu.dot_dimension_numbers<[1], [1], [0], [0], [0, 0, 1, 0], [], []>, transpose_lhs_hint = false} : vector<128x64xbf16>, vector<256x64xbf16>, vector<128x256xf32> -> vector<128x256xf32>
    %add3A_711 = arith.addf %dot_general3A_708, %dot_general3A_710 : vector<128x256xf32>
    %dot_general3A_712 = arith.constant dense<0.000000e+00> : vector<128x256xf32>
    %dot_general3A_713 = tpu.matmul %convert_element_type3A_702, %convert_element_type3A_703, %dot_general3A_712 {dimension_numbers = #tpu.dot_dimension_numbers<[1], [1], [0], [0], [0, 0, 1, 0], [], []>, transpose_lhs_hint = false} : vector<128x64xbf16>, vector<256x64xbf16>, vector<128x256xf32> -> vector<128x256xf32>
    %add3A_714 = arith.addf %add3A_711, %dot_general3A_713 : vector<128x256xf32>
    %get3A_715 = arith.constant 0 : index
    %get3A_716 = arith.constant 0 : index
    %get3A_717 = vector.load %arg6[%get3A_715, %get3A_716] : memref<1x256xf32, #tpu.memory_space<vmem>>, vector<1x256xf32>
    %add3A_718 = vector.broadcast %get3A_717 : vector<1x256xf32> to vector<128x256xf32>
    %add3A_719 = arith.addf %add3A_714, %add3A_718 : vector<128x256xf32>
    %get3A_720 = arith.constant 0 : index
    %get3A_721 = arith.constant 0 : index
    %get3A_722 = vector.load %arg7[%get3A_720, %get3A_721] : memref<256x256xf32, #tpu.memory_space<vmem>>, vector<256x256xf32>
    %convert_element_type3A_723 = arith.truncf %add3A_719 : vector<128x256xf32> to vector<128x256xbf16>
    %convert_element_type3A_724 = arith.extf %convert_element_type3A_723 : vector<128x256xbf16> to vector<128x256xf32>
    %sub3A_725 = arith.subf %add3A_719, %convert_element_type3A_724 : vector<128x256xf32>
    %convert_element_type3A_726 = arith.truncf %sub3A_725 : vector<128x256xf32> to vector<128x256xbf16>
    %convert_element_type3A_727 = arith.truncf %get3A_722 : vector<256x256xf32> to vector<256x256xbf16>
    %convert_element_type3A_728 = arith.extf %convert_element_type3A_727 : vector<256x256xbf16> to vector<256x256xf32>
    %sub3A_729 = arith.subf %get3A_722, %convert_element_type3A_728 : vector<256x256xf32>
    %convert_element_type3A_730 = arith.truncf %sub3A_729 : vector<256x256xf32> to vector<256x256xbf16>
    %dot_general3A_731 = arith.constant dense<0.000000e+00> : vector<128x256xf32>
    %dot_general3A_732 = tpu.matmul %convert_element_type3A_723, %convert_element_type3A_727, %dot_general3A_731 {dimension_numbers = #tpu.dot_dimension_numbers<[1], [1], [0], [0], [0, 0, 1, 0], [], []>, transpose_lhs_hint = false} : vector<128x256xbf16>, vector<256x256xbf16>, vector<128x256xf32> -> vector<128x256xf32>
    %dot_general3A_733 = arith.constant dense<0.000000e+00> : vector<128x256xf32>
    %dot_general3A_734 = tpu.matmul %convert_element_type3A_723, %convert_element_type3A_730, %dot_general3A_733 {dimension_numbers = #tpu.dot_dimension_numbers<[1], [1], [0], [0], [0, 0, 1, 0], [], []>, transpose_lhs_hint = false} : vector<128x256xbf16>, vector<256x256xbf16>, vector<128x256xf32> -> vector<128x256xf32>
    %add3A_735 = arith.addf %dot_general3A_732, %dot_general3A_734 : vector<128x256xf32>
    %dot_general3A_736 = arith.constant dense<0.000000e+00> : vector<128x256xf32>
    %dot_general3A_737 = tpu.matmul %convert_element_type3A_726, %convert_element_type3A_727, %dot_general3A_736 {dimension_numbers = #tpu.dot_dimension_numbers<[1], [1], [0], [0], [0, 0, 1, 0], [], []>, transpose_lhs_hint = false} : vector<128x256xbf16>, vector<256x256xbf16>, vector<128x256xf32> -> vector<128x256xf32>
    %add3A_738 = arith.addf %add3A_735, %dot_general3A_737 : vector<128x256xf32>
    %get3A_739 = arith.constant 0 : index
    %get3A_740 = arith.constant 0 : index
    %get3A_741 = vector.load %arg8[%get3A_739, %get3A_740] : memref<1x256xf32, #tpu.memory_space<vmem>>, vector<1x256xf32>
    %add3A_742 = vector.broadcast %get3A_741 : vector<1x256xf32> to vector<128x256xf32>
    %add3A_743 = arith.addf %add3A_738, %add3A_742 : vector<128x256xf32>
    %reduce_sum3A_744 = arith.constant dense<0.000000e+00> : vector<128xf32>
    %reduce_sum3A_745 = vector.multi_reduction <add>, %add3A_743, %reduce_sum3A_744 [1] : vector<128x256xf32> to vector<128xf32>
    %broadcast_in_dim3A_746 = vector.shape_cast %reduce_sum3A_745 : vector<128xf32> to vector<128x1xf32>
    %div3A_747 = arith.constant 2.560000e+02 : f32
    %div3A_748 = vector.broadcast %div3A_747 : f32 to vector<128x1xf32>
    %div3A_749 = arith.divf %broadcast_in_dim3A_746, %div3A_748 : vector<128x1xf32>
    %sub3A_750 = vector.broadcast %div3A_749 : vector<128x1xf32> to vector<128x256xf32>
    %sub3A_751 = arith.subf %add3A_743, %sub3A_750 : vector<128x256xf32>
    %integer_pow3A_752 = arith.mulf %sub3A_751, %sub3A_751 : vector<128x256xf32>
    %reduce_sum3A_753 = arith.constant dense<0.000000e+00> : vector<128xf32>
    %reduce_sum3A_754 = vector.multi_reduction <add>, %integer_pow3A_752, %reduce_sum3A_753 [1] : vector<128x256xf32> to vector<128xf32>
    %broadcast_in_dim3A_755 = vector.shape_cast %reduce_sum3A_754 : vector<128xf32> to vector<128x1xf32>
    %div3A_756 = arith.constant 2.560000e+02 : f32
    %div3A_757 = vector.broadcast %div3A_756 : f32 to vector<128x1xf32>
    %div3A_758 = arith.divf %broadcast_in_dim3A_755, %div3A_757 : vector<128x1xf32>
    %sub3A_759 = vector.broadcast %div3A_749 : vector<128x1xf32> to vector<128x256xf32>
    %sub3A_760 = arith.subf %add3A_743, %sub3A_759 : vector<128x256xf32>
    %add3A_761 = arith.constant 9.99999974E-6 : f32
    %add3A_762 = vector.broadcast %add3A_761 : f32 to vector<128x1xf32>
    %add3A_763 = arith.addf %div3A_758, %add3A_762 : vector<128x1xf32>
    %sqrt3A_764 = math.sqrt %add3A_763 : vector<128x1xf32>
    %div3A_765 = vector.broadcast %sqrt3A_764 : vector<128x1xf32> to vector<128x256xf32>
    %div3A_766 = arith.divf %sub3A_760, %div3A_765 : vector<128x256xf32>
    %get3A_767 = arith.constant 0 : index
    %get3A_768 = arith.constant 0 : index
    %get3A_769 = vector.load %arg9[%get3A_767, %get3A_768] : memref<1x256xf32, #tpu.memory_space<vmem>>, vector<1x256xf32>
    %mul3A_770 = vector.broadcast %get3A_769 : vector<1x256xf32> to vector<128x256xf32>
    %mul3A_771 = arith.mulf %div3A_766, %mul3A_770 : vector<128x256xf32>
    %get3A_772 = arith.constant 0 : index
    %get3A_773 = arith.constant 0 : index
    %get3A_774 = vector.load %arg10[%get3A_772, %get3A_773] : memref<1x256xf32, #tpu.memory_space<vmem>>, vector<1x256xf32>
    %add3A_775 = vector.broadcast %get3A_774 : vector<1x256xf32> to vector<128x256xf32>
    %add3A_776 = arith.addf %mul3A_771, %add3A_775 : vector<128x256xf32>
    %mul3A_777 = arith.constant 5.000000e-01 : f32
    %mul3A_778 = vector.broadcast %mul3A_777 : f32 to vector<128x256xf32>
    %mul3A_779 = arith.mulf %mul3A_778, %add3A_776 : vector<128x256xf32>
    %mul3A_780 = arith.constant 0.707106769 : f32
    %mul3A_781 = vector.broadcast %mul3A_780 : f32 to vector<128x256xf32>
    %mul3A_782 = arith.mulf %add3A_776, %mul3A_781 : vector<128x256xf32>
    %erf3A_783 = math.erf %mul3A_782 : vector<128x256xf32>
    %add3A_784 = arith.constant 1.000000e+00 : f32
    %add3A_785 = vector.broadcast %add3A_784 : f32 to vector<128x256xf32>
    %add3A_786 = arith.addf %add3A_785, %erf3A_783 : vector<128x256xf32>
    %mul3A_787 = arith.mulf %mul3A_779, %add3A_786 : vector<128x256xf32>
    %get3A_788 = arith.constant 0 : index
    %get3A_789 = arith.constant 0 : index
    %get3A_790 = vector.load %arg11[%get3A_788, %get3A_789] : memref<256x256xf32, #tpu.memory_space<vmem>>, vector<256x256xf32>
    %convert_element_type3A_791 = arith.truncf %mul3A_787 : vector<128x256xf32> to vector<128x256xbf16>
    %convert_element_type3A_792 = arith.extf %convert_element_type3A_791 : vector<128x256xbf16> to vector<128x256xf32>
    %sub3A_793 = arith.subf %mul3A_787, %convert_element_type3A_792 : vector<128x256xf32>
    %convert_element_type3A_794 = arith.truncf %sub3A_793 : vector<128x256xf32> to vector<128x256xbf16>
    %convert_element_type3A_795 = arith.truncf %get3A_790 : vector<256x256xf32> to vector<256x256xbf16>
    %convert_element_type3A_796 = arith.extf %convert_element_type3A_795 : vector<256x256xbf16> to vector<256x256xf32>
    %sub3A_797 = arith.subf %get3A_790, %convert_element_type3A_796 : vector<256x256xf32>
    %convert_element_type3A_798 = arith.truncf %sub3A_797 : vector<256x256xf32> to vector<256x256xbf16>
    %dot_general3A_799 = arith.constant dense<0.000000e+00> : vector<128x256xf32>
    %dot_general3A_800 = tpu.matmul %convert_element_type3A_791, %convert_element_type3A_795, %dot_general3A_799 {dimension_numbers = #tpu.dot_dimension_numbers<[1], [1], [0], [0], [0, 0, 1, 0], [], []>, transpose_lhs_hint = false} : vector<128x256xbf16>, vector<256x256xbf16>, vector<128x256xf32> -> vector<128x256xf32>
    %dot_general3A_801 = arith.constant dense<0.000000e+00> : vector<128x256xf32>
    %dot_general3A_802 = tpu.matmul %convert_element_type3A_791, %convert_element_type3A_798, %dot_general3A_801 {dimension_numbers = #tpu.dot_dimension_numbers<[1], [1], [0], [0], [0, 0, 1, 0], [], []>, transpose_lhs_hint = false} : vector<128x256xbf16>, vector<256x256xbf16>, vector<128x256xf32> -> vector<128x256xf32>
    %add3A_803 = arith.addf %dot_general3A_800, %dot_general3A_802 : vector<128x256xf32>
    %dot_general3A_804 = arith.constant dense<0.000000e+00> : vector<128x256xf32>
    %dot_general3A_805 = tpu.matmul %convert_element_type3A_794, %convert_element_type3A_795, %dot_general3A_804 {dimension_numbers = #tpu.dot_dimension_numbers<[1], [1], [0], [0], [0, 0, 1, 0], [], []>, transpose_lhs_hint = false} : vector<128x256xbf16>, vector<256x256xbf16>, vector<128x256xf32> -> vector<128x256xf32>
    %add3A_806 = arith.addf %add3A_803, %dot_general3A_805 : vector<128x256xf32>
    %get3A_807 = arith.constant 0 : index
    %get3A_808 = arith.constant 0 : index
    %get3A_809 = vector.load %arg12[%get3A_807, %get3A_808] : memref<1x256xf32, #tpu.memory_space<vmem>>, vector<1x256xf32>
    %add3A_810 = vector.broadcast %get3A_809 : vector<1x256xf32> to vector<128x256xf32>
    %add3A_811 = arith.addf %add3A_806, %add3A_810 : vector<128x256xf32>
    %ge3A_812 = arith.constant 2.000000e+00 : f32
    %ge3A_813 = vector.broadcast %ge3A_812 : f32 to vector<128x1xf32>
    %ge3A_814 = arith.cmpf oge, %slice3A_572, %ge3A_813 : vector<128x1xf32>
    %ge3A_815 = arith.constant 2.000000e+00 : f32
    %ge3A_816 = arith.cmpf oge, %reduce_sum3A_595, %ge3A_815 : f32
    %and3A_817 = vector.broadcast %ge3A_816 : i1 to vector<128x1xi1>
    %and3A_818 = arith.andi %ge3A_814, %and3A_817 : vector<128x1xi1>
    %jit3A_819 = arith.constant 0.000000e+00 : f32
    %broadcast_in_dim3A_820 = vector.shape_cast %and3A_818 : vector<128x1xi1> to vector<128x1xi1>
    %broadcast_in_dim3A_821 = vector.broadcast %broadcast_in_dim3A_820 : vector<128x1xi1> to vector<128x256xi1>
    %broadcast_in_dim3A_822 = vector.broadcast %jit3A_819 : f32 to vector<128x256xf32>
    %select_n3A_823 = arith.select %broadcast_in_dim3A_821, %add3A_811, %broadcast_in_dim3A_822 : vector<128x256xi1>, vector<128x256xf32>
    %swap3A_824 = arith.constant 256 : index
    %swap3A_825 = arith.constant 0 : index
    %swap3A_826 = vector.load %arg13[%swap3A_824, %swap3A_825] : memref<1024x256xf32, #tpu.memory_space<vmem>>, vector<128x256xf32>
    tpu.vector_store %arg13[%swap3A_824, %swap3A_825], %select_n3A_823 {strides = array<i32>} : memref<1024x256xf32, #tpu.memory_space<vmem>>, vector<128x256xf32>,
    %get3A_827 = arith.constant 3 : index
    %get3A_828 = arith.constant 0 : index
    %get3A_829 = arith.constant 0 : index
    %get3A_830 = vector.load %arg1[%get3A_827, %get3A_828, %get3A_829] : memref<8x3x4096xf32, #tpu.memory_space<vmem>>, vector<1x3x4096xf32>
    %get3A_831 = vector.shape_cast %get3A_830 : vector<1x3x4096xf32> to vector<3x4096xf32>
    %get3A_832 = arith.constant 3 : index
    %get3A_833 = arith.constant 0 : index
    %get3A_834 = vector.load %arg2[%get3A_832, %get3A_833] : memref<8x4096xi32, #tpu.memory_space<vmem>>, vector<1x4096xi32>
    %iota3A_835 = tpu.iota {dimensions = array<i32: 0>} : vector<128x1xi32>
    %eq3A_836 = vector.broadcast %get3A_834 : vector<1x4096xi32> to vector<128x4096xi32>
    %eq3A_837 = vector.broadcast %iota3A_835 : vector<128x1xi32> to vector<128x4096xi32>
    %eq3A_838 = arith.cmpi eq, %eq3A_836, %eq3A_837 : vector<128x4096xi32>
    %convert_element_type3A_839 = arith.extui %eq3A_838 : vector<128x4096xi1> to vector<128x4096xi32>
    %convert_element_type3A_840 = arith.sitofp %convert_element_type3A_839 : vector<128x4096xi32> to vector<128x4096xf32>
    %convert_element_type3A_841 = arith.truncf %convert_element_type3A_840 : vector<128x4096xf32> to vector<128x4096xbf16>
    %broadcast_in_dim3A_842 = arith.constant 1.000000e+00 : f32
    %broadcast_in_dim3A_843 = vector.broadcast %broadcast_in_dim3A_842 : f32 to vector<1x4096xf32>
    %concatenate3A_844 = tpu.concatenate %get3A_831, %broadcast_in_dim3A_843 in 0 : vector<3x4096xf32>, vector<1x4096xf32> -> vector<4x4096xf32>
    %convert_element_type3A_845 = arith.truncf %concatenate3A_844 : vector<4x4096xf32> to vector<4x4096xbf16>
    %convert_element_type3A_846 = arith.extf %convert_element_type3A_845 : vector<4x4096xbf16> to vector<4x4096xf32>
    %sub3A_847 = arith.subf %concatenate3A_844, %convert_element_type3A_846 : vector<4x4096xf32>
    %convert_element_type3A_848 = arith.truncf %sub3A_847 : vector<4x4096xf32> to vector<4x4096xbf16>
    %concatenate3A_849 = tpu.concatenate %convert_element_type3A_845, %convert_element_type3A_848 in 0 : vector<4x4096xbf16>, vector<4x4096xbf16> -> vector<8x4096xbf16>
    %dot_general3A_850 = arith.constant dense<0.000000e+00> : vector<128x8xf32>
    %dot_general3A_851 = tpu.matmul %convert_element_type3A_841, %concatenate3A_849, %dot_general3A_850 {dimension_numbers = #tpu.dot_dimension_numbers<[1], [1], [0], [0], [0, 0, 1, 0], [], []>, transpose_lhs_hint = false} : vector<128x4096xbf16>, vector<8x4096xbf16>, vector<128x8xf32> -> vector<128x8xf32>
    %slice3A_852 = vector.extract_strided_slice %dot_general3A_851 {offsets = [0, 0], sizes = [128, 4], strides = [1, 1]} : vector<128x8xf32> to vector<128x4xf32>
    %slice3A_853 = vector.extract_strided_slice %dot_general3A_851 {offsets = [0, 4], sizes = [128, 4], strides = [1, 1]} : vector<128x8xf32> to vector<128x4xf32>
    %add3A_854 = arith.addf %slice3A_852, %slice3A_853 : vector<128x4xf32>
    %transpose3A_855 = tpu.transpose %add3A_854, [1, 0] : vector<128x4xf32> -> vector<4x128xf32>
    %slice3A_856 = vector.extract_strided_slice %add3A_854 {offsets = [0, 3], sizes = [128, 1], strides = [1, 1]} : vector<128x4xf32> to vector<128x1xf32>
    %slice3A_857 = vector.extract_strided_slice %add3A_854 {offsets = [0, 0], sizes = [128, 3], strides = [1, 1]} : vector<128x4xf32> to vector<128x3xf32>
    %max3A_858 = arith.constant 1.000000e+00 : f32
    %max3A_859 = vector.broadcast %max3A_858 : f32 to vector<128x1xf32>
    %max3A_860 = arith.maximumf %slice3A_856, %max3A_859 : vector<128x1xf32>
    %div3A_861 = vector.broadcast %max3A_860 : vector<128x1xf32> to vector<128x3xf32>
    %div3A_862 = arith.divf %slice3A_857, %div3A_861 : vector<128x3xf32>
    %slice3A_863 = vector.extract_strided_slice %transpose3A_855 {offsets = [3, 0], sizes = [1, 128], strides = [1, 1]} : vector<4x128xf32> to vector<1x128xf32>
    %slice3A_864 = vector.extract_strided_slice %transpose3A_855 {offsets = [0, 0], sizes = [3, 128], strides = [1, 1]} : vector<4x128xf32> to vector<3x128xf32>
    %max3A_865 = arith.constant 1.000000e+00 : f32
    %max3A_866 = vector.broadcast %max3A_865 : f32 to vector<1x128xf32>
    %max3A_867 = arith.maximumf %slice3A_863, %max3A_866 : vector<1x128xf32>
    %div3A_868 = vector.broadcast %max3A_867 : vector<1x128xf32> to vector<3x128xf32>
    %div3A_869 = arith.divf %slice3A_864, %div3A_868 : vector<3x128xf32>
    %ge3A_870 = arith.constant 2.000000e+00 : f32
    %ge3A_871 = vector.broadcast %ge3A_870 : f32 to vector<1x128xf32>
    %ge3A_872 = arith.cmpf oge, %slice3A_863, %ge3A_871 : vector<1x128xf32>
    %convert_element_type3A_873 = arith.extui %ge3A_872 : vector<1x128xi1> to vector<1x128xi32>
    %convert_element_type3A_874 = arith.sitofp %convert_element_type3A_873 : vector<1x128xi32> to vector<1x128xf32>
    %reduce_sum3A_875 = vector.shape_cast %convert_element_type3A_874 : vector<1x128xf32> to vector<1x1x128xf32>
    %reduce_sum3A_876 = arith.constant dense<0.000000e+00> : vector<1xf32>
    %reduce_sum3A_877 = vector.multi_reduction <add>, %reduce_sum3A_875, %reduce_sum3A_876 [1, 2] : vector<1x1x128xf32> to vector<1xf32>
    %reduce_sum3A_878 = vector.shape_cast %reduce_sum3A_877 : vector<1xf32> to vector<1x1x1xf32>
    %reduce_sum3A_879 = vector.extract %reduce_sum3A_878[0, 0, 0] : f32 from vector<1x1x1xf32>
    %max3A_880 = arith.constant 1.000000e+00 : f32
    %max3A_881 = arith.maximumf %reduce_sum3A_879, %max3A_880 : f32
    %slice3A_882 = vector.extract_strided_slice %div3A_862 {offsets = [0, 0], sizes = [128, 1], strides = [1, 1]} : vector<128x3xf32> to vector<128x1xf32>
    %slice3A_883 = vector.extract_strided_slice %div3A_869 {offsets = [0, 0], sizes = [1, 128], strides = [1, 1]} : vector<3x128xf32> to vector<1x128xf32>
    %sub3A_884 = vector.broadcast %slice3A_882 : vector<128x1xf32> to vector<128x128xf32>
    %sub3A_885 = vector.broadcast %slice3A_883 : vector<1x128xf32> to vector<128x128xf32>
    %sub3A_886 = arith.subf %sub3A_884, %sub3A_885 : vector<128x128xf32>
    %slice3A_887 = vector.extract_strided_slice %div3A_862 {offsets = [0, 1], sizes = [128, 1], strides = [1, 1]} : vector<128x3xf32> to vector<128x1xf32>
    %slice3A_888 = vector.extract_strided_slice %div3A_869 {offsets = [1, 0], sizes = [1, 128], strides = [1, 1]} : vector<3x128xf32> to vector<1x128xf32>
    %sub3A_889 = vector.broadcast %slice3A_887 : vector<128x1xf32> to vector<128x128xf32>
    %sub3A_890 = vector.broadcast %slice3A_888 : vector<1x128xf32> to vector<128x128xf32>
    %sub3A_891 = arith.subf %sub3A_889, %sub3A_890 : vector<128x128xf32>
    %slice3A_892 = vector.extract_strided_slice %div3A_862 {offsets = [0, 2], sizes = [128, 1], strides = [1, 1]} : vector<128x3xf32> to vector<128x1xf32>
    %slice3A_893 = vector.extract_strided_slice %div3A_869 {offsets = [2, 0], sizes = [1, 128], strides = [1, 1]} : vector<3x128xf32> to vector<1x128xf32>
    %sub3A_894 = vector.broadcast %slice3A_892 : vector<128x1xf32> to vector<128x128xf32>
    %sub3A_895 = vector.broadcast %slice3A_893 : vector<1x128xf32> to vector<128x128xf32>
    %sub3A_896 = arith.subf %sub3A_894, %sub3A_895 : vector<128x128xf32>
    %mul3A_897 = arith.mulf %sub3A_886, %sub3A_886 : vector<128x128xf32>
    %mul3A_898 = arith.mulf %sub3A_891, %sub3A_891 : vector<128x128xf32>
    %add3A_899 = arith.addf %mul3A_897, %mul3A_898 : vector<128x128xf32>
    %mul3A_900 = arith.mulf %sub3A_896, %sub3A_896 : vector<128x128xf32>
    %add3A_901 = arith.addf %add3A_899, %mul3A_900 : vector<128x128xf32>
    %gt3A_902 = arith.constant 0.000000e+00 : f32
    %gt3A_903 = vector.broadcast %gt3A_902 : f32 to vector<128x128xf32>
    %gt3A_904 = arith.cmpf ogt, %add3A_901, %gt3A_903 : vector<128x128xf32>
    %jit3A_905 = arith.constant 1.000000e+00 : f32
    %broadcast_in_dim3A_906 = vector.broadcast %jit3A_905 : f32 to vector<128x128xf32>
    %select_n3A_907 = arith.select %gt3A_904, %add3A_901, %broadcast_in_dim3A_906 : vector<128x128xi1>, vector<128x128xf32>
    %sqrt3A_908 = math.sqrt %select_n3A_907 : vector<128x128xf32>
    %jit3A_909 = arith.constant 0.000000e+00 : f32
    %broadcast_in_dim3A_910 = vector.broadcast %jit3A_909 : f32 to vector<128x128xf32>
    %select_n3A_911 = arith.select %gt3A_904, %sqrt3A_908, %broadcast_in_dim3A_910 : vector<128x128xi1>, vector<128x128xf32>
    %mul3A_912 = vector.broadcast %convert_element_type3A_874 : vector<1x128xf32> to vector<128x128xf32>
    %mul3A_913 = arith.mulf %select_n3A_911, %mul3A_912 : vector<128x128xf32>
    %reduce_sum3A_914 = arith.constant dense<0.000000e+00> : vector<128xf32>
    %reduce_sum3A_915 = vector.multi_reduction <add>, %mul3A_913, %reduce_sum3A_914 [1] : vector<128x128xf32> to vector<128xf32>
    %broadcast_in_dim3A_916 = vector.shape_cast %reduce_sum3A_915 : vector<128xf32> to vector<128x1xf32>
    %div3A_917 = vector.broadcast %max3A_881 : f32 to vector<128x1xf32>
    %div3A_918 = arith.divf %broadcast_in_dim3A_916, %div3A_917 : vector<128x1xf32>
    %gt3A_919 = arith.constant 0.000000e+00 : f32
    %gt3A_920 = vector.broadcast %gt3A_919 : f32 to vector<1x128xf32>
    %gt3A_921 = arith.cmpf ogt, %convert_element_type3A_874, %gt3A_920 : vector<1x128xf32>
    %jit3A_922 = arith.constant 1.000000e+09 : f32
    %broadcast_in_dim3A_923 = vector.shape_cast %gt3A_921 : vector<1x128xi1> to vector<1x128xi1>
    %broadcast_in_dim3A_924 = vector.broadcast %broadcast_in_dim3A_923 : vector<1x128xi1> to vector<128x128xi1>
    %broadcast_in_dim3A_925 = vector.broadcast %jit3A_922 : f32 to vector<128x128xf32>
    %select_n3A_926 = arith.select %broadcast_in_dim3A_924, %select_n3A_911, %broadcast_in_dim3A_925 : vector<128x128xi1>, vector<128x128xf32>
    %reduce_min3A_927 = arith.constant dense<0x7F800000> : vector<128xf32>
    %reduce_min3A_928 = vector.multi_reduction <minimumf>, %select_n3A_926, %reduce_min3A_927 [1] : vector<128x128xf32> to vector<128xf32>
    %broadcast_in_dim3A_929 = vector.shape_cast %reduce_min3A_928 : vector<128xf32> to vector<128x1xf32>
    %slice3A_930 = vector.extract_strided_slice %div3A_862 {offsets = [0, 2], sizes = [128, 1], strides = [1, 1]} : vector<128x3xf32> to vector<128x1xf32>
    %slice3A_931 = vector.extract_strided_slice %div3A_869 {offsets = [2, 0], sizes = [1, 128], strides = [1, 1]} : vector<3x128xf32> to vector<1x128xf32>
    %gt3A_932 = vector.broadcast %slice3A_930 : vector<128x1xf32> to vector<128x128xf32>
    %gt3A_933 = vector.broadcast %slice3A_931 : vector<1x128xf32> to vector<128x128xf32>
    %gt3A_934 = arith.cmpf ogt, %gt3A_932, %gt3A_933 : vector<128x128xf32>
    %convert_element_type3A_935 = arith.extui %gt3A_934 : vector<128x128xi1> to vector<128x128xi32>
    %convert_element_type3A_936 = arith.sitofp %convert_element_type3A_935 : vector<128x128xi32> to vector<128x128xf32>
    %mul3A_937 = vector.broadcast %convert_element_type3A_874 : vector<1x128xf32> to vector<128x128xf32>
    %mul3A_938 = arith.mulf %convert_element_type3A_936, %mul3A_937 : vector<128x128xf32>
    %reduce_sum3A_939 = arith.constant dense<0.000000e+00> : vector<128xf32>
    %reduce_sum3A_940 = vector.multi_reduction <add>, %mul3A_938, %reduce_sum3A_939 [1] : vector<128x128xf32> to vector<128xf32>
    %broadcast_in_dim3A_941 = vector.shape_cast %reduce_sum3A_940 : vector<128xf32> to vector<128x1xf32>
    %div3A_942 = vector.broadcast %max3A_881 : f32 to vector<128x1xf32>
    %div3A_943 = arith.divf %broadcast_in_dim3A_941, %div3A_942 : vector<128x1xf32>
    %concatenate3A_944 = tpu.concatenate %div3A_918, %broadcast_in_dim3A_929, %slice3A_930, %div3A_943 in 1 : vector<128x1xf32>, vector<128x1xf32>, vector<128x1xf32>, vector<128x1xf32> -> vector<128x4xf32>
    %get3A_945 = arith.constant 0 : index
    %get3A_946 = arith.constant 0 : index
    %get3A_947 = vector.load %arg3[%get3A_945, %get3A_946] : memref<64x4xf32, #tpu.memory_space<vmem>>, vector<64x4xf32>
    %convert_element_type3A_948 = arith.truncf %concatenate3A_944 : vector<128x4xf32> to vector<128x4xbf16>
    %convert_element_type3A_949 = arith.extf %convert_element_type3A_948 : vector<128x4xbf16> to vector<128x4xf32>
    %sub3A_950 = arith.subf %concatenate3A_944, %convert_element_type3A_949 : vector<128x4xf32>
    %convert_element_type3A_951 = arith.truncf %sub3A_950 : vector<128x4xf32> to vector<128x4xbf16>
    %convert_element_type3A_952 = arith.truncf %get3A_947 : vector<64x4xf32> to vector<64x4xbf16>
    %convert_element_type3A_953 = arith.extf %convert_element_type3A_952 : vector<64x4xbf16> to vector<64x4xf32>
    %sub3A_954 = arith.subf %get3A_947, %convert_element_type3A_953 : vector<64x4xf32>
    %convert_element_type3A_955 = arith.truncf %sub3A_954 : vector<64x4xf32> to vector<64x4xbf16>
    %dot_general3A_956 = arith.constant dense<0.000000e+00> : vector<128x64xf32>
    %dot_general3A_957 = tpu.matmul %convert_element_type3A_948, %convert_element_type3A_952, %dot_general3A_956 {dimension_numbers = #tpu.dot_dimension_numbers<[1], [1], [0], [0], [0, 0, 1, 0], [], []>, transpose_lhs_hint = false} : vector<128x4xbf16>, vector<64x4xbf16>, vector<128x64xf32> -> vector<128x64xf32>
    %dot_general3A_958 = arith.constant dense<0.000000e+00> : vector<128x64xf32>
    %dot_general3A_959 = tpu.matmul %convert_element_type3A_948, %convert_element_type3A_955, %dot_general3A_958 {dimension_numbers = #tpu.dot_dimension_numbers<[1], [1], [0], [0], [0, 0, 1, 0], [], []>, transpose_lhs_hint = false} : vector<128x4xbf16>, vector<64x4xbf16>, vector<128x64xf32> -> vector<128x64xf32>
    %add3A_960 = arith.addf %dot_general3A_957, %dot_general3A_959 : vector<128x64xf32>
    %dot_general3A_961 = arith.constant dense<0.000000e+00> : vector<128x64xf32>
    %dot_general3A_962 = tpu.matmul %convert_element_type3A_951, %convert_element_type3A_952, %dot_general3A_961 {dimension_numbers = #tpu.dot_dimension_numbers<[1], [1], [0], [0], [0, 0, 1, 0], [], []>, transpose_lhs_hint = false} : vector<128x4xbf16>, vector<64x4xbf16>, vector<128x64xf32> -> vector<128x64xf32>
    %add3A_963 = arith.addf %add3A_960, %dot_general3A_962 : vector<128x64xf32>
    %get3A_964 = arith.constant 0 : index
    %get3A_965 = arith.constant 0 : index
    %get3A_966 = vector.load %arg4[%get3A_964, %get3A_965] : memref<1x64xf32, #tpu.memory_space<vmem>>, vector<1x64xf32>
    %add3A_967 = vector.broadcast %get3A_966 : vector<1x64xf32> to vector<128x64xf32>
    %add3A_968 = arith.addf %add3A_963, %add3A_967 : vector<128x64xf32>
    %mul3A_969 = arith.constant 5.000000e-01 : f32
    %mul3A_970 = vector.broadcast %mul3A_969 : f32 to vector<128x64xf32>
    %mul3A_971 = arith.mulf %mul3A_970, %add3A_968 : vector<128x64xf32>
    %mul3A_972 = arith.constant 0.707106769 : f32
    %mul3A_973 = vector.broadcast %mul3A_972 : f32 to vector<128x64xf32>
    %mul3A_974 = arith.mulf %add3A_968, %mul3A_973 : vector<128x64xf32>
    %erf3A_975 = math.erf %mul3A_974 : vector<128x64xf32>
    %add3A_976 = arith.constant 1.000000e+00 : f32
    %add3A_977 = vector.broadcast %add3A_976 : f32 to vector<128x64xf32>
    %add3A_978 = arith.addf %add3A_977, %erf3A_975 : vector<128x64xf32>
    %mul3A_979 = arith.mulf %mul3A_971, %add3A_978 : vector<128x64xf32>
    %get3A_980 = arith.constant 0 : index
    %get3A_981 = arith.constant 0 : index
    %get3A_982 = vector.load %arg5[%get3A_980, %get3A_981] : memref<256x64xf32, #tpu.memory_space<vmem>>, vector<256x64xf32>
    %convert_element_type3A_983 = arith.truncf %mul3A_979 : vector<128x64xf32> to vector<128x64xbf16>
    %convert_element_type3A_984 = arith.extf %convert_element_type3A_983 : vector<128x64xbf16> to vector<128x64xf32>
    %sub3A_985 = arith.subf %mul3A_979, %convert_element_type3A_984 : vector<128x64xf32>
    %convert_element_type3A_986 = arith.truncf %sub3A_985 : vector<128x64xf32> to vector<128x64xbf16>
    %convert_element_type3A_987 = arith.truncf %get3A_982 : vector<256x64xf32> to vector<256x64xbf16>
    %convert_element_type3A_988 = arith.extf %convert_element_type3A_987 : vector<256x64xbf16> to vector<256x64xf32>
    %sub3A_989 = arith.subf %get3A_982, %convert_element_type3A_988 : vector<256x64xf32>
    %convert_element_type3A_990 = arith.truncf %sub3A_989 : vector<256x64xf32> to vector<256x64xbf16>
    %dot_general3A_991 = arith.constant dense<0.000000e+00> : vector<128x256xf32>
    %dot_general3A_992 = tpu.matmul %convert_element_type3A_983, %convert_element_type3A_987, %dot_general3A_991 {dimension_numbers = #tpu.dot_dimension_numbers<[1], [1], [0], [0], [0, 0, 1, 0], [], []>, transpose_lhs_hint = false} : vector<128x64xbf16>, vector<256x64xbf16>, vector<128x256xf32> -> vector<128x256xf32>
    %dot_general3A_993 = arith.constant dense<0.000000e+00> : vector<128x256xf32>
    %dot_general3A_994 = tpu.matmul %convert_element_type3A_983, %convert_element_type3A_990, %dot_general3A_993 {dimension_numbers = #tpu.dot_dimension_numbers<[1], [1], [0], [0], [0, 0, 1, 0], [], []>, transpose_lhs_hint = false} : vector<128x64xbf16>, vector<256x64xbf16>, vector<128x256xf32> -> vector<128x256xf32>
    %add3A_995 = arith.addf %dot_general3A_992, %dot_general3A_994 : vector<128x256xf32>
    %dot_general3A_996 = arith.constant dense<0.000000e+00> : vector<128x256xf32>
    %dot_general3A_997 = tpu.matmul %convert_element_type3A_986, %convert_element_type3A_987, %dot_general3A_996 {dimension_numbers = #tpu.dot_dimension_numbers<[1], [1], [0], [0], [0, 0, 1, 0], [], []>, transpose_lhs_hint = false} : vector<128x64xbf16>, vector<256x64xbf16>, vector<128x256xf32> -> vector<128x256xf32>
    %add3A_998 = arith.addf %add3A_995, %dot_general3A_997 : vector<128x256xf32>
    %get3A_999 = arith.constant 0 : index
    %get3A_1000 = arith.constant 0 : index
    %get3A_1001 = vector.load %arg6[%get3A_999, %get3A_1000] : memref<1x256xf32, #tpu.memory_space<vmem>>, vector<1x256xf32>
    %add3A_1002 = vector.broadcast %get3A_1001 : vector<1x256xf32> to vector<128x256xf32>
    %add3A_1003 = arith.addf %add3A_998, %add3A_1002 : vector<128x256xf32>
    %get3A_1004 = arith.constant 0 : index
    %get3A_1005 = arith.constant 0 : index
    %get3A_1006 = vector.load %arg7[%get3A_1004, %get3A_1005] : memref<256x256xf32, #tpu.memory_space<vmem>>, vector<256x256xf32>
    %convert_element_type3A_1007 = arith.truncf %add3A_1003 : vector<128x256xf32> to vector<128x256xbf16>
    %convert_element_type3A_1008 = arith.extf %convert_element_type3A_1007 : vector<128x256xbf16> to vector<128x256xf32>
    %sub3A_1009 = arith.subf %add3A_1003, %convert_element_type3A_1008 : vector<128x256xf32>
    %convert_element_type3A_1010 = arith.truncf %sub3A_1009 : vector<128x256xf32> to vector<128x256xbf16>
    %convert_element_type3A_1011 = arith.truncf %get3A_1006 : vector<256x256xf32> to vector<256x256xbf16>
    %convert_element_type3A_1012 = arith.extf %convert_element_type3A_1011 : vector<256x256xbf16> to vector<256x256xf32>
    %sub3A_1013 = arith.subf %get3A_1006, %convert_element_type3A_1012 : vector<256x256xf32>
    %convert_element_type3A_1014 = arith.truncf %sub3A_1013 : vector<256x256xf32> to vector<256x256xbf16>
    %dot_general3A_1015 = arith.constant dense<0.000000e+00> : vector<128x256xf32>
    %dot_general3A_1016 = tpu.matmul %convert_element_type3A_1007, %convert_element_type3A_1011, %dot_general3A_1015 {dimension_numbers = #tpu.dot_dimension_numbers<[1], [1], [0], [0], [0, 0, 1, 0], [], []>, transpose_lhs_hint = false} : vector<128x256xbf16>, vector<256x256xbf16>, vector<128x256xf32> -> vector<128x256xf32>
    %dot_general3A_1017 = arith.constant dense<0.000000e+00> : vector<128x256xf32>
    %dot_general3A_1018 = tpu.matmul %convert_element_type3A_1007, %convert_element_type3A_1014, %dot_general3A_1017 {dimension_numbers = #tpu.dot_dimension_numbers<[1], [1], [0], [0], [0, 0, 1, 0], [], []>, transpose_lhs_hint = false} : vector<128x256xbf16>, vector<256x256xbf16>, vector<128x256xf32> -> vector<128x256xf32>
    %add3A_1019 = arith.addf %dot_general3A_1016, %dot_general3A_1018 : vector<128x256xf32>
    %dot_general3A_1020 = arith.constant dense<0.000000e+00> : vector<128x256xf32>
    %dot_general3A_1021 = tpu.matmul %convert_element_type3A_1010, %convert_element_type3A_1011, %dot_general3A_1020 {dimension_numbers = #tpu.dot_dimension_numbers<[1], [1], [0], [0], [0, 0, 1, 0], [], []>, transpose_lhs_hint = false} : vector<128x256xbf16>, vector<256x256xbf16>, vector<128x256xf32> -> vector<128x256xf32>
    %add3A_1022 = arith.addf %add3A_1019, %dot_general3A_1021 : vector<128x256xf32>
    %get3A_1023 = arith.constant 0 : index
    %get3A_1024 = arith.constant 0 : index
    %get3A_1025 = vector.load %arg8[%get3A_1023, %get3A_1024] : memref<1x256xf32, #tpu.memory_space<vmem>>, vector<1x256xf32>
    %add3A_1026 = vector.broadcast %get3A_1025 : vector<1x256xf32> to vector<128x256xf32>
    %add3A_1027 = arith.addf %add3A_1022, %add3A_1026 : vector<128x256xf32>
    %reduce_sum3A_1028 = arith.constant dense<0.000000e+00> : vector<128xf32>
    %reduce_sum3A_1029 = vector.multi_reduction <add>, %add3A_1027, %reduce_sum3A_1028 [1] : vector<128x256xf32> to vector<128xf32>
    %broadcast_in_dim3A_1030 = vector.shape_cast %reduce_sum3A_1029 : vector<128xf32> to vector<128x1xf32>
    %div3A_1031 = arith.constant 2.560000e+02 : f32
    %div3A_1032 = vector.broadcast %div3A_1031 : f32 to vector<128x1xf32>
    %div3A_1033 = arith.divf %broadcast_in_dim3A_1030, %div3A_1032 : vector<128x1xf32>
    %sub3A_1034 = vector.broadcast %div3A_1033 : vector<128x1xf32> to vector<128x256xf32>
    %sub3A_1035 = arith.subf %add3A_1027, %sub3A_1034 : vector<128x256xf32>
    %integer_pow3A_1036 = arith.mulf %sub3A_1035, %sub3A_1035 : vector<128x256xf32>
    %reduce_sum3A_1037 = arith.constant dense<0.000000e+00> : vector<128xf32>
    %reduce_sum3A_1038 = vector.multi_reduction <add>, %integer_pow3A_1036, %reduce_sum3A_1037 [1] : vector<128x256xf32> to vector<128xf32>
    %broadcast_in_dim3A_1039 = vector.shape_cast %reduce_sum3A_1038 : vector<128xf32> to vector<128x1xf32>
    %div3A_1040 = arith.constant 2.560000e+02 : f32
    %div3A_1041 = vector.broadcast %div3A_1040 : f32 to vector<128x1xf32>
    %div3A_1042 = arith.divf %broadcast_in_dim3A_1039, %div3A_1041 : vector<128x1xf32>
    %sub3A_1043 = vector.broadcast %div3A_1033 : vector<128x1xf32> to vector<128x256xf32>
    %sub3A_1044 = arith.subf %add3A_1027, %sub3A_1043 : vector<128x256xf32>
    %add3A_1045 = arith.constant 9.99999974E-6 : f32
    %add3A_1046 = vector.broadcast %add3A_1045 : f32 to vector<128x1xf32>
    %add3A_1047 = arith.addf %div3A_1042, %add3A_1046 : vector<128x1xf32>
    %sqrt3A_1048 = math.sqrt %add3A_1047 : vector<128x1xf32>
    %div3A_1049 = vector.broadcast %sqrt3A_1048 : vector<128x1xf32> to vector<128x256xf32>
    %div3A_1050 = arith.divf %sub3A_1044, %div3A_1049 : vector<128x256xf32>
    %get3A_1051 = arith.constant 0 : index
    %get3A_1052 = arith.constant 0 : index
    %get3A_1053 = vector.load %arg9[%get3A_1051, %get3A_1052] : memref<1x256xf32, #tpu.memory_space<vmem>>, vector<1x256xf32>
    %mul3A_1054 = vector.broadcast %get3A_1053 : vector<1x256xf32> to vector<128x256xf32>
    %mul3A_1055 = arith.mulf %div3A_1050, %mul3A_1054 : vector<128x256xf32>
    %get3A_1056 = arith.constant 0 : index
    %get3A_1057 = arith.constant 0 : index
    %get3A_1058 = vector.load %arg10[%get3A_1056, %get3A_1057] : memref<1x256xf32, #tpu.memory_space<vmem>>, vector<1x256xf32>
    %add3A_1059 = vector.broadcast %get3A_1058 : vector<1x256xf32> to vector<128x256xf32>
    %add3A_1060 = arith.addf %mul3A_1055, %add3A_1059 : vector<128x256xf32>
    %mul3A_1061 = arith.constant 5.000000e-01 : f32
    %mul3A_1062 = vector.broadcast %mul3A_1061 : f32 to vector<128x256xf32>
    %mul3A_1063 = arith.mulf %mul3A_1062, %add3A_1060 : vector<128x256xf32>
    %mul3A_1064 = arith.constant 0.707106769 : f32
    %mul3A_1065 = vector.broadcast %mul3A_1064 : f32 to vector<128x256xf32>
    %mul3A_1066 = arith.mulf %add3A_1060, %mul3A_1065 : vector<128x256xf32>
    %erf3A_1067 = math.erf %mul3A_1066 : vector<128x256xf32>
    %add3A_1068 = arith.constant 1.000000e+00 : f32
    %add3A_1069 = vector.broadcast %add3A_1068 : f32 to vector<128x256xf32>
    %add3A_1070 = arith.addf %add3A_1069, %erf3A_1067 : vector<128x256xf32>
    %mul3A_1071 = arith.mulf %mul3A_1063, %add3A_1070 : vector<128x256xf32>
    %get3A_1072 = arith.constant 0 : index
    %get3A_1073 = arith.constant 0 : index
    %get3A_1074 = vector.load %arg11[%get3A_1072, %get3A_1073] : memref<256x256xf32, #tpu.memory_space<vmem>>, vector<256x256xf32>
    %convert_element_type3A_1075 = arith.truncf %mul3A_1071 : vector<128x256xf32> to vector<128x256xbf16>
    %convert_element_type3A_1076 = arith.extf %convert_element_type3A_1075 : vector<128x256xbf16> to vector<128x256xf32>
    %sub3A_1077 = arith.subf %mul3A_1071, %convert_element_type3A_1076 : vector<128x256xf32>
    %convert_element_type3A_1078 = arith.truncf %sub3A_1077 : vector<128x256xf32> to vector<128x256xbf16>
    %convert_element_type3A_1079 = arith.truncf %get3A_1074 : vector<256x256xf32> to vector<256x256xbf16>
    %convert_element_type3A_1080 = arith.extf %convert_element_type3A_1079 : vector<256x256xbf16> to vector<256x256xf32>
    %sub3A_1081 = arith.subf %get3A_1074, %convert_element_type3A_1080 : vector<256x256xf32>
    %convert_element_type3A_1082 = arith.truncf %sub3A_1081 : vector<256x256xf32> to vector<256x256xbf16>
    %dot_general3A_1083 = arith.constant dense<0.000000e+00> : vector<128x256xf32>
    %dot_general3A_1084 = tpu.matmul %convert_element_type3A_1075, %convert_element_type3A_1079, %dot_general3A_1083 {dimension_numbers = #tpu.dot_dimension_numbers<[1], [1], [0], [0], [0, 0, 1, 0], [], []>, transpose_lhs_hint = false} : vector<128x256xbf16>, vector<256x256xbf16>, vector<128x256xf32> -> vector<128x256xf32>
    %dot_general3A_1085 = arith.constant dense<0.000000e+00> : vector<128x256xf32>
    %dot_general3A_1086 = tpu.matmul %convert_element_type3A_1075, %convert_element_type3A_1082, %dot_general3A_1085 {dimension_numbers = #tpu.dot_dimension_numbers<[1], [1], [0], [0], [0, 0, 1, 0], [], []>, transpose_lhs_hint = false} : vector<128x256xbf16>, vector<256x256xbf16>, vector<128x256xf32> -> vector<128x256xf32>
    %add3A_1087 = arith.addf %dot_general3A_1084, %dot_general3A_1086 : vector<128x256xf32>
    %dot_general3A_1088 = arith.constant dense<0.000000e+00> : vector<128x256xf32>
    %dot_general3A_1089 = tpu.matmul %convert_element_type3A_1078, %convert_element_type3A_1079, %dot_general3A_1088 {dimension_numbers = #tpu.dot_dimension_numbers<[1], [1], [0], [0], [0, 0, 1, 0], [], []>, transpose_lhs_hint = false} : vector<128x256xbf16>, vector<256x256xbf16>, vector<128x256xf32> -> vector<128x256xf32>
    %add3A_1090 = arith.addf %add3A_1087, %dot_general3A_1089 : vector<128x256xf32>
    %get3A_1091 = arith.constant 0 : index
    %get3A_1092 = arith.constant 0 : index
    %get3A_1093 = vector.load %arg12[%get3A_1091, %get3A_1092] : memref<1x256xf32, #tpu.memory_space<vmem>>, vector<1x256xf32>
    %add3A_1094 = vector.broadcast %get3A_1093 : vector<1x256xf32> to vector<128x256xf32>
    %add3A_1095 = arith.addf %add3A_1090, %add3A_1094 : vector<128x256xf32>
    %ge3A_1096 = arith.constant 2.000000e+00 : f32
    %ge3A_1097 = vector.broadcast %ge3A_1096 : f32 to vector<128x1xf32>
    %ge3A_1098 = arith.cmpf oge, %slice3A_856, %ge3A_1097 : vector<128x1xf32>
    %ge3A_1099 = arith.constant 2.000000e+00 : f32
    %ge3A_1100 = arith.cmpf oge, %reduce_sum3A_879, %ge3A_1099 : f32
    %and3A_1101 = vector.broadcast %ge3A_1100 : i1 to vector<128x1xi1>
    %and3A_1102 = arith.andi %ge3A_1098, %and3A_1101 : vector<128x1xi1>
    %jit3A_1103 = arith.constant 0.000000e+00 : f32
    %broadcast_in_dim3A_1104 = vector.shape_cast %and3A_1102 : vector<128x1xi1> to vector<128x1xi1>
    %broadcast_in_dim3A_1105 = vector.broadcast %broadcast_in_dim3A_1104 : vector<128x1xi1> to vector<128x256xi1>
    %broadcast_in_dim3A_1106 = vector.broadcast %jit3A_1103 : f32 to vector<128x256xf32>
    %select_n3A_1107 = arith.select %broadcast_in_dim3A_1105, %add3A_1095, %broadcast_in_dim3A_1106 : vector<128x256xi1>, vector<128x256xf32>
    %swap3A_1108 = arith.constant 384 : index
    %swap3A_1109 = arith.constant 0 : index
    %swap3A_1110 = vector.load %arg13[%swap3A_1108, %swap3A_1109] : memref<1024x256xf32, #tpu.memory_space<vmem>>, vector<128x256xf32>
    tpu.vector_store %arg13[%swap3A_1108, %swap3A_1109], %select_n3A_1107 {strides = array<i32>} : memref<1024x256xf32, #tpu.memory_space<vmem>>, vector<128x256xf32>,
    %get3A_1111 = arith.constant 4 : index
    %get3A_1112 = arith.constant 0 : index
    %get3A_1113 = arith.constant 0 : index
    %get3A_1114 = vector.load %arg1[%get3A_1111, %get3A_1112, %get3A_1113] : memref<8x3x4096xf32, #tpu.memory_space<vmem>>, vector<1x3x4096xf32>
    %get3A_1115 = vector.shape_cast %get3A_1114 : vector<1x3x4096xf32> to vector<3x4096xf32>
    %get3A_1116 = arith.constant 4 : index
    %get3A_1117 = arith.constant 0 : index
    %get3A_1118 = vector.load %arg2[%get3A_1116, %get3A_1117] : memref<8x4096xi32, #tpu.memory_space<vmem>>, vector<1x4096xi32>
    %iota3A_1119 = tpu.iota {dimensions = array<i32: 0>} : vector<128x1xi32>
    %eq3A_1120 = vector.broadcast %get3A_1118 : vector<1x4096xi32> to vector<128x4096xi32>
    %eq3A_1121 = vector.broadcast %iota3A_1119 : vector<128x1xi32> to vector<128x4096xi32>
    %eq3A_1122 = arith.cmpi eq, %eq3A_1120, %eq3A_1121 : vector<128x4096xi32>
    %convert_element_type3A_1123 = arith.extui %eq3A_1122 : vector<128x4096xi1> to vector<128x4096xi32>
    %convert_element_type3A_1124 = arith.sitofp %convert_element_type3A_1123 : vector<128x4096xi32> to vector<128x4096xf32>
    %convert_element_type3A_1125 = arith.truncf %convert_element_type3A_1124 : vector<128x4096xf32> to vector<128x4096xbf16>
    %broadcast_in_dim3A_1126 = arith.constant 1.000000e+00 : f32
    %broadcast_in_dim3A_1127 = vector.broadcast %broadcast_in_dim3A_1126 : f32 to vector<1x4096xf32>
    %concatenate3A_1128 = tpu.concatenate %get3A_1115, %broadcast_in_dim3A_1127 in 0 : vector<3x4096xf32>, vector<1x4096xf32> -> vector<4x4096xf32>
    %convert_element_type3A_1129 = arith.truncf %concatenate3A_1128 : vector<4x4096xf32> to vector<4x4096xbf16>
    %convert_element_type3A_1130 = arith.extf %convert_element_type3A_1129 : vector<4x4096xbf16> to vector<4x4096xf32>
    %sub3A_1131 = arith.subf %concatenate3A_1128, %convert_element_type3A_1130 : vector<4x4096xf32>
    %convert_element_type3A_1132 = arith.truncf %sub3A_1131 : vector<4x4096xf32> to vector<4x4096xbf16>
    %concatenate3A_1133 = tpu.concatenate %convert_element_type3A_1129, %convert_element_type3A_1132 in 0 : vector<4x4096xbf16>, vector<4x4096xbf16> -> vector<8x4096xbf16>
    %dot_general3A_1134 = arith.constant dense<0.000000e+00> : vector<128x8xf32>
    %dot_general3A_1135 = tpu.matmul %convert_element_type3A_1125, %concatenate3A_1133, %dot_general3A_1134 {dimension_numbers = #tpu.dot_dimension_numbers<[1], [1], [0], [0], [0, 0, 1, 0], [], []>, transpose_lhs_hint = false} : vector<128x4096xbf16>, vector<8x4096xbf16>, vector<128x8xf32> -> vector<128x8xf32>
    %slice3A_1136 = vector.extract_strided_slice %dot_general3A_1135 {offsets = [0, 0], sizes = [128, 4], strides = [1, 1]} : vector<128x8xf32> to vector<128x4xf32>
    %slice3A_1137 = vector.extract_strided_slice %dot_general3A_1135 {offsets = [0, 4], sizes = [128, 4], strides = [1, 1]} : vector<128x8xf32> to vector<128x4xf32>
    %add3A_1138 = arith.addf %slice3A_1136, %slice3A_1137 : vector<128x4xf32>
    %transpose3A_1139 = tpu.transpose %add3A_1138, [1, 0] : vector<128x4xf32> -> vector<4x128xf32>
    %slice3A_1140 = vector.extract_strided_slice %add3A_1138 {offsets = [0, 3], sizes = [128, 1], strides = [1, 1]} : vector<128x4xf32> to vector<128x1xf32>
    %slice3A_1141 = vector.extract_strided_slice %add3A_1138 {offsets = [0, 0], sizes = [128, 3], strides = [1, 1]} : vector<128x4xf32> to vector<128x3xf32>
    %max3A_1142 = arith.constant 1.000000e+00 : f32
    %max3A_1143 = vector.broadcast %max3A_1142 : f32 to vector<128x1xf32>
    %max3A_1144 = arith.maximumf %slice3A_1140, %max3A_1143 : vector<128x1xf32>
    %div3A_1145 = vector.broadcast %max3A_1144 : vector<128x1xf32> to vector<128x3xf32>
    %div3A_1146 = arith.divf %slice3A_1141, %div3A_1145 : vector<128x3xf32>
    %slice3A_1147 = vector.extract_strided_slice %transpose3A_1139 {offsets = [3, 0], sizes = [1, 128], strides = [1, 1]} : vector<4x128xf32> to vector<1x128xf32>
    %slice3A_1148 = vector.extract_strided_slice %transpose3A_1139 {offsets = [0, 0], sizes = [3, 128], strides = [1, 1]} : vector<4x128xf32> to vector<3x128xf32>
    %max3A_1149 = arith.constant 1.000000e+00 : f32
    %max3A_1150 = vector.broadcast %max3A_1149 : f32 to vector<1x128xf32>
    %max3A_1151 = arith.maximumf %slice3A_1147, %max3A_1150 : vector<1x128xf32>
    %div3A_1152 = vector.broadcast %max3A_1151 : vector<1x128xf32> to vector<3x128xf32>
    %div3A_1153 = arith.divf %slice3A_1148, %div3A_1152 : vector<3x128xf32>
    %ge3A_1154 = arith.constant 2.000000e+00 : f32
    %ge3A_1155 = vector.broadcast %ge3A_1154 : f32 to vector<1x128xf32>
    %ge3A_1156 = arith.cmpf oge, %slice3A_1147, %ge3A_1155 : vector<1x128xf32>
    %convert_element_type3A_1157 = arith.extui %ge3A_1156 : vector<1x128xi1> to vector<1x128xi32>
    %convert_element_type3A_1158 = arith.sitofp %convert_element_type3A_1157 : vector<1x128xi32> to vector<1x128xf32>
    %reduce_sum3A_1159 = vector.shape_cast %convert_element_type3A_1158 : vector<1x128xf32> to vector<1x1x128xf32>
    %reduce_sum3A_1160 = arith.constant dense<0.000000e+00> : vector<1xf32>
    %reduce_sum3A_1161 = vector.multi_reduction <add>, %reduce_sum3A_1159, %reduce_sum3A_1160 [1, 2] : vector<1x1x128xf32> to vector<1xf32>
    %reduce_sum3A_1162 = vector.shape_cast %reduce_sum3A_1161 : vector<1xf32> to vector<1x1x1xf32>
    %reduce_sum3A_1163 = vector.extract %reduce_sum3A_1162[0, 0, 0] : f32 from vector<1x1x1xf32>
    %max3A_1164 = arith.constant 1.000000e+00 : f32
    %max3A_1165 = arith.maximumf %reduce_sum3A_1163, %max3A_1164 : f32
    %slice3A_1166 = vector.extract_strided_slice %div3A_1146 {offsets = [0, 0], sizes = [128, 1], strides = [1, 1]} : vector<128x3xf32> to vector<128x1xf32>
    %slice3A_1167 = vector.extract_strided_slice %div3A_1153 {offsets = [0, 0], sizes = [1, 128], strides = [1, 1]} : vector<3x128xf32> to vector<1x128xf32>
    %sub3A_1168 = vector.broadcast %slice3A_1166 : vector<128x1xf32> to vector<128x128xf32>
    %sub3A_1169 = vector.broadcast %slice3A_1167 : vector<1x128xf32> to vector<128x128xf32>
    %sub3A_1170 = arith.subf %sub3A_1168, %sub3A_1169 : vector<128x128xf32>
    %slice3A_1171 = vector.extract_strided_slice %div3A_1146 {offsets = [0, 1], sizes = [128, 1], strides = [1, 1]} : vector<128x3xf32> to vector<128x1xf32>
    %slice3A_1172 = vector.extract_strided_slice %div3A_1153 {offsets = [1, 0], sizes = [1, 128], strides = [1, 1]} : vector<3x128xf32> to vector<1x128xf32>
    %sub3A_1173 = vector.broadcast %slice3A_1171 : vector<128x1xf32> to vector<128x128xf32>
    %sub3A_1174 = vector.broadcast %slice3A_1172 : vector<1x128xf32> to vector<128x128xf32>
    %sub3A_1175 = arith.subf %sub3A_1173, %sub3A_1174 : vector<128x128xf32>
    %slice3A_1176 = vector.extract_strided_slice %div3A_1146 {offsets = [0, 2], sizes = [128, 1], strides = [1, 1]} : vector<128x3xf32> to vector<128x1xf32>
    %slice3A_1177 = vector.extract_strided_slice %div3A_1153 {offsets = [2, 0], sizes = [1, 128], strides = [1, 1]} : vector<3x128xf32> to vector<1x128xf32>
    %sub3A_1178 = vector.broadcast %slice3A_1176 : vector<128x1xf32> to vector<128x128xf32>
    %sub3A_1179 = vector.broadcast %slice3A_1177 : vector<1x128xf32> to vector<128x128xf32>
    %sub3A_1180 = arith.subf %sub3A_1178, %sub3A_1179 : vector<128x128xf32>
    %mul3A_1181 = arith.mulf %sub3A_1170, %sub3A_1170 : vector<128x128xf32>
    %mul3A_1182 = arith.mulf %sub3A_1175, %sub3A_1175 : vector<128x128xf32>
    %add3A_1183 = arith.addf %mul3A_1181, %mul3A_1182 : vector<128x128xf32>
    %mul3A_1184 = arith.mulf %sub3A_1180, %sub3A_1180 : vector<128x128xf32>
    %add3A_1185 = arith.addf %add3A_1183, %mul3A_1184 : vector<128x128xf32>
    %gt3A_1186 = arith.constant 0.000000e+00 : f32
    %gt3A_1187 = vector.broadcast %gt3A_1186 : f32 to vector<128x128xf32>
    %gt3A_1188 = arith.cmpf ogt, %add3A_1185, %gt3A_1187 : vector<128x128xf32>
    %jit3A_1189 = arith.constant 1.000000e+00 : f32
    %broadcast_in_dim3A_1190 = vector.broadcast %jit3A_1189 : f32 to vector<128x128xf32>
    %select_n3A_1191 = arith.select %gt3A_1188, %add3A_1185, %broadcast_in_dim3A_1190 : vector<128x128xi1>, vector<128x128xf32>
    %sqrt3A_1192 = math.sqrt %select_n3A_1191 : vector<128x128xf32>
    %jit3A_1193 = arith.constant 0.000000e+00 : f32
    %broadcast_in_dim3A_1194 = vector.broadcast %jit3A_1193 : f32 to vector<128x128xf32>
    %select_n3A_1195 = arith.select %gt3A_1188, %sqrt3A_1192, %broadcast_in_dim3A_1194 : vector<128x128xi1>, vector<128x128xf32>
    %mul3A_1196 = vector.broadcast %convert_element_type3A_1158 : vector<1x128xf32> to vector<128x128xf32>
    %mul3A_1197 = arith.mulf %select_n3A_1195, %mul3A_1196 : vector<128x128xf32>
    %reduce_sum3A_1198 = arith.constant dense<0.000000e+00> : vector<128xf32>
    %reduce_sum3A_1199 = vector.multi_reduction <add>, %mul3A_1197, %reduce_sum3A_1198 [1] : vector<128x128xf32> to vector<128xf32>
    %broadcast_in_dim3A_1200 = vector.shape_cast %reduce_sum3A_1199 : vector<128xf32> to vector<128x1xf32>
    %div3A_1201 = vector.broadcast %max3A_1165 : f32 to vector<128x1xf32>
    %div3A_1202 = arith.divf %broadcast_in_dim3A_1200, %div3A_1201 : vector<128x1xf32>
    %gt3A_1203 = arith.constant 0.000000e+00 : f32
    %gt3A_1204 = vector.broadcast %gt3A_1203 : f32 to vector<1x128xf32>
    %gt3A_1205 = arith.cmpf ogt, %convert_element_type3A_1158, %gt3A_1204 : vector<1x128xf32>
    %jit3A_1206 = arith.constant 1.000000e+09 : f32
    %broadcast_in_dim3A_1207 = vector.shape_cast %gt3A_1205 : vector<1x128xi1> to vector<1x128xi1>
    %broadcast_in_dim3A_1208 = vector.broadcast %broadcast_in_dim3A_1207 : vector<1x128xi1> to vector<128x128xi1>
    %broadcast_in_dim3A_1209 = vector.broadcast %jit3A_1206 : f32 to vector<128x128xf32>
    %select_n3A_1210 = arith.select %broadcast_in_dim3A_1208, %select_n3A_1195, %broadcast_in_dim3A_1209 : vector<128x128xi1>, vector<128x128xf32>
    %reduce_min3A_1211 = arith.constant dense<0x7F800000> : vector<128xf32>
    %reduce_min3A_1212 = vector.multi_reduction <minimumf>, %select_n3A_1210, %reduce_min3A_1211 [1] : vector<128x128xf32> to vector<128xf32>
    %broadcast_in_dim3A_1213 = vector.shape_cast %reduce_min3A_1212 : vector<128xf32> to vector<128x1xf32>
    %slice3A_1214 = vector.extract_strided_slice %div3A_1146 {offsets = [0, 2], sizes = [128, 1], strides = [1, 1]} : vector<128x3xf32> to vector<128x1xf32>
    %slice3A_1215 = vector.extract_strided_slice %div3A_1153 {offsets = [2, 0], sizes = [1, 128], strides = [1, 1]} : vector<3x128xf32> to vector<1x128xf32>
    %gt3A_1216 = vector.broadcast %slice3A_1214 : vector<128x1xf32> to vector<128x128xf32>
    %gt3A_1217 = vector.broadcast %slice3A_1215 : vector<1x128xf32> to vector<128x128xf32>
    %gt3A_1218 = arith.cmpf ogt, %gt3A_1216, %gt3A_1217 : vector<128x128xf32>
    %convert_element_type3A_1219 = arith.extui %gt3A_1218 : vector<128x128xi1> to vector<128x128xi32>
    %convert_element_type3A_1220 = arith.sitofp %convert_element_type3A_1219 : vector<128x128xi32> to vector<128x128xf32>
    %mul3A_1221 = vector.broadcast %convert_element_type3A_1158 : vector<1x128xf32> to vector<128x128xf32>
    %mul3A_1222 = arith.mulf %convert_element_type3A_1220, %mul3A_1221 : vector<128x128xf32>
    %reduce_sum3A_1223 = arith.constant dense<0.000000e+00> : vector<128xf32>
    %reduce_sum3A_1224 = vector.multi_reduction <add>, %mul3A_1222, %reduce_sum3A_1223 [1] : vector<128x128xf32> to vector<128xf32>
    %broadcast_in_dim3A_1225 = vector.shape_cast %reduce_sum3A_1224 : vector<128xf32> to vector<128x1xf32>
    %div3A_1226 = vector.broadcast %max3A_1165 : f32 to vector<128x1xf32>
    %div3A_1227 = arith.divf %broadcast_in_dim3A_1225, %div3A_1226 : vector<128x1xf32>
    %concatenate3A_1228 = tpu.concatenate %div3A_1202, %broadcast_in_dim3A_1213, %slice3A_1214, %div3A_1227 in 1 : vector<128x1xf32>, vector<128x1xf32>, vector<128x1xf32>, vector<128x1xf32> -> vector<128x4xf32>
    %get3A_1229 = arith.constant 0 : index
    %get3A_1230 = arith.constant 0 : index
    %get3A_1231 = vector.load %arg3[%get3A_1229, %get3A_1230] : memref<64x4xf32, #tpu.memory_space<vmem>>, vector<64x4xf32>
    %convert_element_type3A_1232 = arith.truncf %concatenate3A_1228 : vector<128x4xf32> to vector<128x4xbf16>
    %convert_element_type3A_1233 = arith.extf %convert_element_type3A_1232 : vector<128x4xbf16> to vector<128x4xf32>
    %sub3A_1234 = arith.subf %concatenate3A_1228, %convert_element_type3A_1233 : vector<128x4xf32>
    %convert_element_type3A_1235 = arith.truncf %sub3A_1234 : vector<128x4xf32> to vector<128x4xbf16>
    %convert_element_type3A_1236 = arith.truncf %get3A_1231 : vector<64x4xf32> to vector<64x4xbf16>
    %convert_element_type3A_1237 = arith.extf %convert_element_type3A_1236 : vector<64x4xbf16> to vector<64x4xf32>
    %sub3A_1238 = arith.subf %get3A_1231, %convert_element_type3A_1237 : vector<64x4xf32>
    %convert_element_type3A_1239 = arith.truncf %sub3A_1238 : vector<64x4xf32> to vector<64x4xbf16>
    %dot_general3A_1240 = arith.constant dense<0.000000e+00> : vector<128x64xf32>
    %dot_general3A_1241 = tpu.matmul %convert_element_type3A_1232, %convert_element_type3A_1236, %dot_general3A_1240 {dimension_numbers = #tpu.dot_dimension_numbers<[1], [1], [0], [0], [0, 0, 1, 0], [], []>, transpose_lhs_hint = false} : vector<128x4xbf16>, vector<64x4xbf16>, vector<128x64xf32> -> vector<128x64xf32>
    %dot_general3A_1242 = arith.constant dense<0.000000e+00> : vector<128x64xf32>
    %dot_general3A_1243 = tpu.matmul %convert_element_type3A_1232, %convert_element_type3A_1239, %dot_general3A_1242 {dimension_numbers = #tpu.dot_dimension_numbers<[1], [1], [0], [0], [0, 0, 1, 0], [], []>, transpose_lhs_hint = false} : vector<128x4xbf16>, vector<64x4xbf16>, vector<128x64xf32> -> vector<128x64xf32>
    %add3A_1244 = arith.addf %dot_general3A_1241, %dot_general3A_1243 : vector<128x64xf32>
    %dot_general3A_1245 = arith.constant dense<0.000000e+00> : vector<128x64xf32>
    %dot_general3A_1246 = tpu.matmul %convert_element_type3A_1235, %convert_element_type3A_1236, %dot_general3A_1245 {dimension_numbers = #tpu.dot_dimension_numbers<[1], [1], [0], [0], [0, 0, 1, 0], [], []>, transpose_lhs_hint = false} : vector<128x4xbf16>, vector<64x4xbf16>, vector<128x64xf32> -> vector<128x64xf32>
    %add3A_1247 = arith.addf %add3A_1244, %dot_general3A_1246 : vector<128x64xf32>
    %get3A_1248 = arith.constant 0 : index
    %get3A_1249 = arith.constant 0 : index
    %get3A_1250 = vector.load %arg4[%get3A_1248, %get3A_1249] : memref<1x64xf32, #tpu.memory_space<vmem>>, vector<1x64xf32>
    %add3A_1251 = vector.broadcast %get3A_1250 : vector<1x64xf32> to vector<128x64xf32>
    %add3A_1252 = arith.addf %add3A_1247, %add3A_1251 : vector<128x64xf32>
    %mul3A_1253 = arith.constant 5.000000e-01 : f32
    %mul3A_1254 = vector.broadcast %mul3A_1253 : f32 to vector<128x64xf32>
    %mul3A_1255 = arith.mulf %mul3A_1254, %add3A_1252 : vector<128x64xf32>
    %mul3A_1256 = arith.constant 0.707106769 : f32
    %mul3A_1257 = vector.broadcast %mul3A_1256 : f32 to vector<128x64xf32>
    %mul3A_1258 = arith.mulf %add3A_1252, %mul3A_1257 : vector<128x64xf32>
    %erf3A_1259 = math.erf %mul3A_1258 : vector<128x64xf32>
    %add3A_1260 = arith.constant 1.000000e+00 : f32
    %add3A_1261 = vector.broadcast %add3A_1260 : f32 to vector<128x64xf32>
    %add3A_1262 = arith.addf %add3A_1261, %erf3A_1259 : vector<128x64xf32>
    %mul3A_1263 = arith.mulf %mul3A_1255, %add3A_1262 : vector<128x64xf32>
    %get3A_1264 = arith.constant 0 : index
    %get3A_1265 = arith.constant 0 : index
    %get3A_1266 = vector.load %arg5[%get3A_1264, %get3A_1265] : memref<256x64xf32, #tpu.memory_space<vmem>>, vector<256x64xf32>
    %convert_element_type3A_1267 = arith.truncf %mul3A_1263 : vector<128x64xf32> to vector<128x64xbf16>
    %convert_element_type3A_1268 = arith.extf %convert_element_type3A_1267 : vector<128x64xbf16> to vector<128x64xf32>
    %sub3A_1269 = arith.subf %mul3A_1263, %convert_element_type3A_1268 : vector<128x64xf32>
    %convert_element_type3A_1270 = arith.truncf %sub3A_1269 : vector<128x64xf32> to vector<128x64xbf16>
    %convert_element_type3A_1271 = arith.truncf %get3A_1266 : vector<256x64xf32> to vector<256x64xbf16>
    %convert_element_type3A_1272 = arith.extf %convert_element_type3A_1271 : vector<256x64xbf16> to vector<256x64xf32>
    %sub3A_1273 = arith.subf %get3A_1266, %convert_element_type3A_1272 : vector<256x64xf32>
    %convert_element_type3A_1274 = arith.truncf %sub3A_1273 : vector<256x64xf32> to vector<256x64xbf16>
    %dot_general3A_1275 = arith.constant dense<0.000000e+00> : vector<128x256xf32>
    %dot_general3A_1276 = tpu.matmul %convert_element_type3A_1267, %convert_element_type3A_1271, %dot_general3A_1275 {dimension_numbers = #tpu.dot_dimension_numbers<[1], [1], [0], [0], [0, 0, 1, 0], [], []>, transpose_lhs_hint = false} : vector<128x64xbf16>, vector<256x64xbf16>, vector<128x256xf32> -> vector<128x256xf32>
    %dot_general3A_1277 = arith.constant dense<0.000000e+00> : vector<128x256xf32>
    %dot_general3A_1278 = tpu.matmul %convert_element_type3A_1267, %convert_element_type3A_1274, %dot_general3A_1277 {dimension_numbers = #tpu.dot_dimension_numbers<[1], [1], [0], [0], [0, 0, 1, 0], [], []>, transpose_lhs_hint = false} : vector<128x64xbf16>, vector<256x64xbf16>, vector<128x256xf32> -> vector<128x256xf32>
    %add3A_1279 = arith.addf %dot_general3A_1276, %dot_general3A_1278 : vector<128x256xf32>
    %dot_general3A_1280 = arith.constant dense<0.000000e+00> : vector<128x256xf32>
    %dot_general3A_1281 = tpu.matmul %convert_element_type3A_1270, %convert_element_type3A_1271, %dot_general3A_1280 {dimension_numbers = #tpu.dot_dimension_numbers<[1], [1], [0], [0], [0, 0, 1, 0], [], []>, transpose_lhs_hint = false} : vector<128x64xbf16>, vector<256x64xbf16>, vector<128x256xf32> -> vector<128x256xf32>
    %add3A_1282 = arith.addf %add3A_1279, %dot_general3A_1281 : vector<128x256xf32>
    %get3A_1283 = arith.constant 0 : index
    %get3A_1284 = arith.constant 0 : index
    %get3A_1285 = vector.load %arg6[%get3A_1283, %get3A_1284] : memref<1x256xf32, #tpu.memory_space<vmem>>, vector<1x256xf32>
    %add3A_1286 = vector.broadcast %get3A_1285 : vector<1x256xf32> to vector<128x256xf32>
    %add3A_1287 = arith.addf %add3A_1282, %add3A_1286 : vector<128x256xf32>
    %get3A_1288 = arith.constant 0 : index
    %get3A_1289 = arith.constant 0 : index
    %get3A_1290 = vector.load %arg7[%get3A_1288, %get3A_1289] : memref<256x256xf32, #tpu.memory_space<vmem>>, vector<256x256xf32>
    %convert_element_type3A_1291 = arith.truncf %add3A_1287 : vector<128x256xf32> to vector<128x256xbf16>
    %convert_element_type3A_1292 = arith.extf %convert_element_type3A_1291 : vector<128x256xbf16> to vector<128x256xf32>
    %sub3A_1293 = arith.subf %add3A_1287, %convert_element_type3A_1292 : vector<128x256xf32>
    %convert_element_type3A_1294 = arith.truncf %sub3A_1293 : vector<128x256xf32> to vector<128x256xbf16>
    %convert_element_type3A_1295 = arith.truncf %get3A_1290 : vector<256x256xf32> to vector<256x256xbf16>
    %convert_element_type3A_1296 = arith.extf %convert_element_type3A_1295 : vector<256x256xbf16> to vector<256x256xf32>
    %sub3A_1297 = arith.subf %get3A_1290, %convert_element_type3A_1296 : vector<256x256xf32>
    %convert_element_type3A_1298 = arith.truncf %sub3A_1297 : vector<256x256xf32> to vector<256x256xbf16>
    %dot_general3A_1299 = arith.constant dense<0.000000e+00> : vector<128x256xf32>
    %dot_general3A_1300 = tpu.matmul %convert_element_type3A_1291, %convert_element_type3A_1295, %dot_general3A_1299 {dimension_numbers = #tpu.dot_dimension_numbers<[1], [1], [0], [0], [0, 0, 1, 0], [], []>, transpose_lhs_hint = false} : vector<128x256xbf16>, vector<256x256xbf16>, vector<128x256xf32> -> vector<128x256xf32>
    %dot_general3A_1301 = arith.constant dense<0.000000e+00> : vector<128x256xf32>
    %dot_general3A_1302 = tpu.matmul %convert_element_type3A_1291, %convert_element_type3A_1298, %dot_general3A_1301 {dimension_numbers = #tpu.dot_dimension_numbers<[1], [1], [0], [0], [0, 0, 1, 0], [], []>, transpose_lhs_hint = false} : vector<128x256xbf16>, vector<256x256xbf16>, vector<128x256xf32> -> vector<128x256xf32>
    %add3A_1303 = arith.addf %dot_general3A_1300, %dot_general3A_1302 : vector<128x256xf32>
    %dot_general3A_1304 = arith.constant dense<0.000000e+00> : vector<128x256xf32>
    %dot_general3A_1305 = tpu.matmul %convert_element_type3A_1294, %convert_element_type3A_1295, %dot_general3A_1304 {dimension_numbers = #tpu.dot_dimension_numbers<[1], [1], [0], [0], [0, 0, 1, 0], [], []>, transpose_lhs_hint = false} : vector<128x256xbf16>, vector<256x256xbf16>, vector<128x256xf32> -> vector<128x256xf32>
    %add3A_1306 = arith.addf %add3A_1303, %dot_general3A_1305 : vector<128x256xf32>
    %get3A_1307 = arith.constant 0 : index
    %get3A_1308 = arith.constant 0 : index
    %get3A_1309 = vector.load %arg8[%get3A_1307, %get3A_1308] : memref<1x256xf32, #tpu.memory_space<vmem>>, vector<1x256xf32>
    %add3A_1310 = vector.broadcast %get3A_1309 : vector<1x256xf32> to vector<128x256xf32>
    %add3A_1311 = arith.addf %add3A_1306, %add3A_1310 : vector<128x256xf32>
    %reduce_sum3A_1312 = arith.constant dense<0.000000e+00> : vector<128xf32>
    %reduce_sum3A_1313 = vector.multi_reduction <add>, %add3A_1311, %reduce_sum3A_1312 [1] : vector<128x256xf32> to vector<128xf32>
    %broadcast_in_dim3A_1314 = vector.shape_cast %reduce_sum3A_1313 : vector<128xf32> to vector<128x1xf32>
    %div3A_1315 = arith.constant 2.560000e+02 : f32
    %div3A_1316 = vector.broadcast %div3A_1315 : f32 to vector<128x1xf32>
    %div3A_1317 = arith.divf %broadcast_in_dim3A_1314, %div3A_1316 : vector<128x1xf32>
    %sub3A_1318 = vector.broadcast %div3A_1317 : vector<128x1xf32> to vector<128x256xf32>
    %sub3A_1319 = arith.subf %add3A_1311, %sub3A_1318 : vector<128x256xf32>
    %integer_pow3A_1320 = arith.mulf %sub3A_1319, %sub3A_1319 : vector<128x256xf32>
    %reduce_sum3A_1321 = arith.constant dense<0.000000e+00> : vector<128xf32>
    %reduce_sum3A_1322 = vector.multi_reduction <add>, %integer_pow3A_1320, %reduce_sum3A_1321 [1] : vector<128x256xf32> to vector<128xf32>
    %broadcast_in_dim3A_1323 = vector.shape_cast %reduce_sum3A_1322 : vector<128xf32> to vector<128x1xf32>
    %div3A_1324 = arith.constant 2.560000e+02 : f32
    %div3A_1325 = vector.broadcast %div3A_1324 : f32 to vector<128x1xf32>
    %div3A_1326 = arith.divf %broadcast_in_dim3A_1323, %div3A_1325 : vector<128x1xf32>
    %sub3A_1327 = vector.broadcast %div3A_1317 : vector<128x1xf32> to vector<128x256xf32>
    %sub3A_1328 = arith.subf %add3A_1311, %sub3A_1327 : vector<128x256xf32>
    %add3A_1329 = arith.constant 9.99999974E-6 : f32
    %add3A_1330 = vector.broadcast %add3A_1329 : f32 to vector<128x1xf32>
    %add3A_1331 = arith.addf %div3A_1326, %add3A_1330 : vector<128x1xf32>
    %sqrt3A_1332 = math.sqrt %add3A_1331 : vector<128x1xf32>
    %div3A_1333 = vector.broadcast %sqrt3A_1332 : vector<128x1xf32> to vector<128x256xf32>
    %div3A_1334 = arith.divf %sub3A_1328, %div3A_1333 : vector<128x256xf32>
    %get3A_1335 = arith.constant 0 : index
    %get3A_1336 = arith.constant 0 : index
    %get3A_1337 = vector.load %arg9[%get3A_1335, %get3A_1336] : memref<1x256xf32, #tpu.memory_space<vmem>>, vector<1x256xf32>
    %mul3A_1338 = vector.broadcast %get3A_1337 : vector<1x256xf32> to vector<128x256xf32>
    %mul3A_1339 = arith.mulf %div3A_1334, %mul3A_1338 : vector<128x256xf32>
    %get3A_1340 = arith.constant 0 : index
    %get3A_1341 = arith.constant 0 : index
    %get3A_1342 = vector.load %arg10[%get3A_1340, %get3A_1341] : memref<1x256xf32, #tpu.memory_space<vmem>>, vector<1x256xf32>
    %add3A_1343 = vector.broadcast %get3A_1342 : vector<1x256xf32> to vector<128x256xf32>
    %add3A_1344 = arith.addf %mul3A_1339, %add3A_1343 : vector<128x256xf32>
    %mul3A_1345 = arith.constant 5.000000e-01 : f32
    %mul3A_1346 = vector.broadcast %mul3A_1345 : f32 to vector<128x256xf32>
    %mul3A_1347 = arith.mulf %mul3A_1346, %add3A_1344 : vector<128x256xf32>
    %mul3A_1348 = arith.constant 0.707106769 : f32
    %mul3A_1349 = vector.broadcast %mul3A_1348 : f32 to vector<128x256xf32>
    %mul3A_1350 = arith.mulf %add3A_1344, %mul3A_1349 : vector<128x256xf32>
    %erf3A_1351 = math.erf %mul3A_1350 : vector<128x256xf32>
    %add3A_1352 = arith.constant 1.000000e+00 : f32
    %add3A_1353 = vector.broadcast %add3A_1352 : f32 to vector<128x256xf32>
    %add3A_1354 = arith.addf %add3A_1353, %erf3A_1351 : vector<128x256xf32>
    %mul3A_1355 = arith.mulf %mul3A_1347, %add3A_1354 : vector<128x256xf32>
    %get3A_1356 = arith.constant 0 : index
    %get3A_1357 = arith.constant 0 : index
    %get3A_1358 = vector.load %arg11[%get3A_1356, %get3A_1357] : memref<256x256xf32, #tpu.memory_space<vmem>>, vector<256x256xf32>
    %convert_element_type3A_1359 = arith.truncf %mul3A_1355 : vector<128x256xf32> to vector<128x256xbf16>
    %convert_element_type3A_1360 = arith.extf %convert_element_type3A_1359 : vector<128x256xbf16> to vector<128x256xf32>
    %sub3A_1361 = arith.subf %mul3A_1355, %convert_element_type3A_1360 : vector<128x256xf32>
    %convert_element_type3A_1362 = arith.truncf %sub3A_1361 : vector<128x256xf32> to vector<128x256xbf16>
    %convert_element_type3A_1363 = arith.truncf %get3A_1358 : vector<256x256xf32> to vector<256x256xbf16>
    %convert_element_type3A_1364 = arith.extf %convert_element_type3A_1363 : vector<256x256xbf16> to vector<256x256xf32>
    %sub3A_1365 = arith.subf %get3A_1358, %convert_element_type3A_1364 : vector<256x256xf32>
    %convert_element_type3A_1366 = arith.truncf %sub3A_1365 : vector<256x256xf32> to vector<256x256xbf16>
    %dot_general3A_1367 = arith.constant dense<0.000000e+00> : vector<128x256xf32>
    %dot_general3A_1368 = tpu.matmul %convert_element_type3A_1359, %convert_element_type3A_1363, %dot_general3A_1367 {dimension_numbers = #tpu.dot_dimension_numbers<[1], [1], [0], [0], [0, 0, 1, 0], [], []>, transpose_lhs_hint = false} : vector<128x256xbf16>, vector<256x256xbf16>, vector<128x256xf32> -> vector<128x256xf32>
    %dot_general3A_1369 = arith.constant dense<0.000000e+00> : vector<128x256xf32>
    %dot_general3A_1370 = tpu.matmul %convert_element_type3A_1359, %convert_element_type3A_1366, %dot_general3A_1369 {dimension_numbers = #tpu.dot_dimension_numbers<[1], [1], [0], [0], [0, 0, 1, 0], [], []>, transpose_lhs_hint = false} : vector<128x256xbf16>, vector<256x256xbf16>, vector<128x256xf32> -> vector<128x256xf32>
    %add3A_1371 = arith.addf %dot_general3A_1368, %dot_general3A_1370 : vector<128x256xf32>
    %dot_general3A_1372 = arith.constant dense<0.000000e+00> : vector<128x256xf32>
    %dot_general3A_1373 = tpu.matmul %convert_element_type3A_1362, %convert_element_type3A_1363, %dot_general3A_1372 {dimension_numbers = #tpu.dot_dimension_numbers<[1], [1], [0], [0], [0, 0, 1, 0], [], []>, transpose_lhs_hint = false} : vector<128x256xbf16>, vector<256x256xbf16>, vector<128x256xf32> -> vector<128x256xf32>
    %add3A_1374 = arith.addf %add3A_1371, %dot_general3A_1373 : vector<128x256xf32>
    %get3A_1375 = arith.constant 0 : index
    %get3A_1376 = arith.constant 0 : index
    %get3A_1377 = vector.load %arg12[%get3A_1375, %get3A_1376] : memref<1x256xf32, #tpu.memory_space<vmem>>, vector<1x256xf32>
    %add3A_1378 = vector.broadcast %get3A_1377 : vector<1x256xf32> to vector<128x256xf32>
    %add3A_1379 = arith.addf %add3A_1374, %add3A_1378 : vector<128x256xf32>
    %ge3A_1380 = arith.constant 2.000000e+00 : f32
    %ge3A_1381 = vector.broadcast %ge3A_1380 : f32 to vector<128x1xf32>
    %ge3A_1382 = arith.cmpf oge, %slice3A_1140, %ge3A_1381 : vector<128x1xf32>
    %ge3A_1383 = arith.constant 2.000000e+00 : f32
    %ge3A_1384 = arith.cmpf oge, %reduce_sum3A_1163, %ge3A_1383 : f32
    %and3A_1385 = vector.broadcast %ge3A_1384 : i1 to vector<128x1xi1>
    %and3A_1386 = arith.andi %ge3A_1382, %and3A_1385 : vector<128x1xi1>
    %jit3A_1387 = arith.constant 0.000000e+00 : f32
    %broadcast_in_dim3A_1388 = vector.shape_cast %and3A_1386 : vector<128x1xi1> to vector<128x1xi1>
    %broadcast_in_dim3A_1389 = vector.broadcast %broadcast_in_dim3A_1388 : vector<128x1xi1> to vector<128x256xi1>
    %broadcast_in_dim3A_1390 = vector.broadcast %jit3A_1387 : f32 to vector<128x256xf32>
    %select_n3A_1391 = arith.select %broadcast_in_dim3A_1389, %add3A_1379, %broadcast_in_dim3A_1390 : vector<128x256xi1>, vector<128x256xf32>
    %swap3A_1392 = arith.constant 512 : index
    %swap3A_1393 = arith.constant 0 : index
    %swap3A_1394 = vector.load %arg13[%swap3A_1392, %swap3A_1393] : memref<1024x256xf32, #tpu.memory_space<vmem>>, vector<128x256xf32>
    tpu.vector_store %arg13[%swap3A_1392, %swap3A_1393], %select_n3A_1391 {strides = array<i32>} : memref<1024x256xf32, #tpu.memory_space<vmem>>, vector<128x256xf32>,
    %get3A_1395 = arith.constant 5 : index
    %get3A_1396 = arith.constant 0 : index
    %get3A_1397 = arith.constant 0 : index
    %get3A_1398 = vector.load %arg1[%get3A_1395, %get3A_1396, %get3A_1397] : memref<8x3x4096xf32, #tpu.memory_space<vmem>>, vector<1x3x4096xf32>
    %get3A_1399 = vector.shape_cast %get3A_1398 : vector<1x3x4096xf32> to vector<3x4096xf32>
    %get3A_1400 = arith.constant 5 : index
    %get3A_1401 = arith.constant 0 : index
    %get3A_1402 = vector.load %arg2[%get3A_1400, %get3A_1401] : memref<8x4096xi32, #tpu.memory_space<vmem>>, vector<1x4096xi32>
    %iota3A_1403 = tpu.iota {dimensions = array<i32: 0>} : vector<128x1xi32>
    %eq3A_1404 = vector.broadcast %get3A_1402 : vector<1x4096xi32> to vector<128x4096xi32>
    %eq3A_1405 = vector.broadcast %iota3A_1403 : vector<128x1xi32> to vector<128x4096xi32>
    %eq3A_1406 = arith.cmpi eq, %eq3A_1404, %eq3A_1405 : vector<128x4096xi32>
    %convert_element_type3A_1407 = arith.extui %eq3A_1406 : vector<128x4096xi1> to vector<128x4096xi32>
    %convert_element_type3A_1408 = arith.sitofp %convert_element_type3A_1407 : vector<128x4096xi32> to vector<128x4096xf32>
    %convert_element_type3A_1409 = arith.truncf %convert_element_type3A_1408 : vector<128x4096xf32> to vector<128x4096xbf16>
    %broadcast_in_dim3A_1410 = arith.constant 1.000000e+00 : f32
    %broadcast_in_dim3A_1411 = vector.broadcast %broadcast_in_dim3A_1410 : f32 to vector<1x4096xf32>
    %concatenate3A_1412 = tpu.concatenate %get3A_1399, %broadcast_in_dim3A_1411 in 0 : vector<3x4096xf32>, vector<1x4096xf32> -> vector<4x4096xf32>
    %convert_element_type3A_1413 = arith.truncf %concatenate3A_1412 : vector<4x4096xf32> to vector<4x4096xbf16>
    %convert_element_type3A_1414 = arith.extf %convert_element_type3A_1413 : vector<4x4096xbf16> to vector<4x4096xf32>
    %sub3A_1415 = arith.subf %concatenate3A_1412, %convert_element_type3A_1414 : vector<4x4096xf32>
    %convert_element_type3A_1416 = arith.truncf %sub3A_1415 : vector<4x4096xf32> to vector<4x4096xbf16>
    %concatenate3A_1417 = tpu.concatenate %convert_element_type3A_1413, %convert_element_type3A_1416 in 0 : vector<4x4096xbf16>, vector<4x4096xbf16> -> vector<8x4096xbf16>
    %dot_general3A_1418 = arith.constant dense<0.000000e+00> : vector<128x8xf32>
    %dot_general3A_1419 = tpu.matmul %convert_element_type3A_1409, %concatenate3A_1417, %dot_general3A_1418 {dimension_numbers = #tpu.dot_dimension_numbers<[1], [1], [0], [0], [0, 0, 1, 0], [], []>, transpose_lhs_hint = false} : vector<128x4096xbf16>, vector<8x4096xbf16>, vector<128x8xf32> -> vector<128x8xf32>
    %slice3A_1420 = vector.extract_strided_slice %dot_general3A_1419 {offsets = [0, 0], sizes = [128, 4], strides = [1, 1]} : vector<128x8xf32> to vector<128x4xf32>
    %slice3A_1421 = vector.extract_strided_slice %dot_general3A_1419 {offsets = [0, 4], sizes = [128, 4], strides = [1, 1]} : vector<128x8xf32> to vector<128x4xf32>
    %add3A_1422 = arith.addf %slice3A_1420, %slice3A_1421 : vector<128x4xf32>
    %transpose3A_1423 = tpu.transpose %add3A_1422, [1, 0] : vector<128x4xf32> -> vector<4x128xf32>
    %slice3A_1424 = vector.extract_strided_slice %add3A_1422 {offsets = [0, 3], sizes = [128, 1], strides = [1, 1]} : vector<128x4xf32> to vector<128x1xf32>
    %slice3A_1425 = vector.extract_strided_slice %add3A_1422 {offsets = [0, 0], sizes = [128, 3], strides = [1, 1]} : vector<128x4xf32> to vector<128x3xf32>
    %max3A_1426 = arith.constant 1.000000e+00 : f32
    %max3A_1427 = vector.broadcast %max3A_1426 : f32 to vector<128x1xf32>
    %max3A_1428 = arith.maximumf %slice3A_1424, %max3A_1427 : vector<128x1xf32>
    %div3A_1429 = vector.broadcast %max3A_1428 : vector<128x1xf32> to vector<128x3xf32>
    %div3A_1430 = arith.divf %slice3A_1425, %div3A_1429 : vector<128x3xf32>
    %slice3A_1431 = vector.extract_strided_slice %transpose3A_1423 {offsets = [3, 0], sizes = [1, 128], strides = [1, 1]} : vector<4x128xf32> to vector<1x128xf32>
    %slice3A_1432 = vector.extract_strided_slice %transpose3A_1423 {offsets = [0, 0], sizes = [3, 128], strides = [1, 1]} : vector<4x128xf32> to vector<3x128xf32>
    %max3A_1433 = arith.constant 1.000000e+00 : f32
    %max3A_1434 = vector.broadcast %max3A_1433 : f32 to vector<1x128xf32>
    %max3A_1435 = arith.maximumf %slice3A_1431, %max3A_1434 : vector<1x128xf32>
    %div3A_1436 = vector.broadcast %max3A_1435 : vector<1x128xf32> to vector<3x128xf32>
    %div3A_1437 = arith.divf %slice3A_1432, %div3A_1436 : vector<3x128xf32>
    %ge3A_1438 = arith.constant 2.000000e+00 : f32
    %ge3A_1439 = vector.broadcast %ge3A_1438 : f32 to vector<1x128xf32>
    %ge3A_1440 = arith.cmpf oge, %slice3A_1431, %ge3A_1439 : vector<1x128xf32>
    %convert_element_type3A_1441 = arith.extui %ge3A_1440 : vector<1x128xi1> to vector<1x128xi32>
    %convert_element_type3A_1442 = arith.sitofp %convert_element_type3A_1441 : vector<1x128xi32> to vector<1x128xf32>
    %reduce_sum3A_1443 = vector.shape_cast %convert_element_type3A_1442 : vector<1x128xf32> to vector<1x1x128xf32>
    %reduce_sum3A_1444 = arith.constant dense<0.000000e+00> : vector<1xf32>
    %reduce_sum3A_1445 = vector.multi_reduction <add>, %reduce_sum3A_1443, %reduce_sum3A_1444 [1, 2] : vector<1x1x128xf32> to vector<1xf32>
    %reduce_sum3A_1446 = vector.shape_cast %reduce_sum3A_1445 : vector<1xf32> to vector<1x1x1xf32>
    %reduce_sum3A_1447 = vector.extract %reduce_sum3A_1446[0, 0, 0] : f32 from vector<1x1x1xf32>
    %max3A_1448 = arith.constant 1.000000e+00 : f32
    %max3A_1449 = arith.maximumf %reduce_sum3A_1447, %max3A_1448 : f32
    %slice3A_1450 = vector.extract_strided_slice %div3A_1430 {offsets = [0, 0], sizes = [128, 1], strides = [1, 1]} : vector<128x3xf32> to vector<128x1xf32>
    %slice3A_1451 = vector.extract_strided_slice %div3A_1437 {offsets = [0, 0], sizes = [1, 128], strides = [1, 1]} : vector<3x128xf32> to vector<1x128xf32>
    %sub3A_1452 = vector.broadcast %slice3A_1450 : vector<128x1xf32> to vector<128x128xf32>
    %sub3A_1453 = vector.broadcast %slice3A_1451 : vector<1x128xf32> to vector<128x128xf32>
    %sub3A_1454 = arith.subf %sub3A_1452, %sub3A_1453 : vector<128x128xf32>
    %slice3A_1455 = vector.extract_strided_slice %div3A_1430 {offsets = [0, 1], sizes = [128, 1], strides = [1, 1]} : vector<128x3xf32> to vector<128x1xf32>
    %slice3A_1456 = vector.extract_strided_slice %div3A_1437 {offsets = [1, 0], sizes = [1, 128], strides = [1, 1]} : vector<3x128xf32> to vector<1x128xf32>
    %sub3A_1457 = vector.broadcast %slice3A_1455 : vector<128x1xf32> to vector<128x128xf32>
    %sub3A_1458 = vector.broadcast %slice3A_1456 : vector<1x128xf32> to vector<128x128xf32>
    %sub3A_1459 = arith.subf %sub3A_1457, %sub3A_1458 : vector<128x128xf32>
    %slice3A_1460 = vector.extract_strided_slice %div3A_1430 {offsets = [0, 2], sizes = [128, 1], strides = [1, 1]} : vector<128x3xf32> to vector<128x1xf32>
    %slice3A_1461 = vector.extract_strided_slice %div3A_1437 {offsets = [2, 0], sizes = [1, 128], strides = [1, 1]} : vector<3x128xf32> to vector<1x128xf32>
    %sub3A_1462 = vector.broadcast %slice3A_1460 : vector<128x1xf32> to vector<128x128xf32>
    %sub3A_1463 = vector.broadcast %slice3A_1461 : vector<1x128xf32> to vector<128x128xf32>
    %sub3A_1464 = arith.subf %sub3A_1462, %sub3A_1463 : vector<128x128xf32>
    %mul3A_1465 = arith.mulf %sub3A_1454, %sub3A_1454 : vector<128x128xf32>
    %mul3A_1466 = arith.mulf %sub3A_1459, %sub3A_1459 : vector<128x128xf32>
    %add3A_1467 = arith.addf %mul3A_1465, %mul3A_1466 : vector<128x128xf32>
    %mul3A_1468 = arith.mulf %sub3A_1464, %sub3A_1464 : vector<128x128xf32>
    %add3A_1469 = arith.addf %add3A_1467, %mul3A_1468 : vector<128x128xf32>
    %gt3A_1470 = arith.constant 0.000000e+00 : f32
    %gt3A_1471 = vector.broadcast %gt3A_1470 : f32 to vector<128x128xf32>
    %gt3A_1472 = arith.cmpf ogt, %add3A_1469, %gt3A_1471 : vector<128x128xf32>
    %jit3A_1473 = arith.constant 1.000000e+00 : f32
    %broadcast_in_dim3A_1474 = vector.broadcast %jit3A_1473 : f32 to vector<128x128xf32>
    %select_n3A_1475 = arith.select %gt3A_1472, %add3A_1469, %broadcast_in_dim3A_1474 : vector<128x128xi1>, vector<128x128xf32>
    %sqrt3A_1476 = math.sqrt %select_n3A_1475 : vector<128x128xf32>
    %jit3A_1477 = arith.constant 0.000000e+00 : f32
    %broadcast_in_dim3A_1478 = vector.broadcast %jit3A_1477 : f32 to vector<128x128xf32>
    %select_n3A_1479 = arith.select %gt3A_1472, %sqrt3A_1476, %broadcast_in_dim3A_1478 : vector<128x128xi1>, vector<128x128xf32>
    %mul3A_1480 = vector.broadcast %convert_element_type3A_1442 : vector<1x128xf32> to vector<128x128xf32>
    %mul3A_1481 = arith.mulf %select_n3A_1479, %mul3A_1480 : vector<128x128xf32>
    %reduce_sum3A_1482 = arith.constant dense<0.000000e+00> : vector<128xf32>
    %reduce_sum3A_1483 = vector.multi_reduction <add>, %mul3A_1481, %reduce_sum3A_1482 [1] : vector<128x128xf32> to vector<128xf32>
    %broadcast_in_dim3A_1484 = vector.shape_cast %reduce_sum3A_1483 : vector<128xf32> to vector<128x1xf32>
    %div3A_1485 = vector.broadcast %max3A_1449 : f32 to vector<128x1xf32>
    %div3A_1486 = arith.divf %broadcast_in_dim3A_1484, %div3A_1485 : vector<128x1xf32>
    %gt3A_1487 = arith.constant 0.000000e+00 : f32
    %gt3A_1488 = vector.broadcast %gt3A_1487 : f32 to vector<1x128xf32>
    %gt3A_1489 = arith.cmpf ogt, %convert_element_type3A_1442, %gt3A_1488 : vector<1x128xf32>
    %jit3A_1490 = arith.constant 1.000000e+09 : f32
    %broadcast_in_dim3A_1491 = vector.shape_cast %gt3A_1489 : vector<1x128xi1> to vector<1x128xi1>
    %broadcast_in_dim3A_1492 = vector.broadcast %broadcast_in_dim3A_1491 : vector<1x128xi1> to vector<128x128xi1>
    %broadcast_in_dim3A_1493 = vector.broadcast %jit3A_1490 : f32 to vector<128x128xf32>
    %select_n3A_1494 = arith.select %broadcast_in_dim3A_1492, %select_n3A_1479, %broadcast_in_dim3A_1493 : vector<128x128xi1>, vector<128x128xf32>
    %reduce_min3A_1495 = arith.constant dense<0x7F800000> : vector<128xf32>
    %reduce_min3A_1496 = vector.multi_reduction <minimumf>, %select_n3A_1494, %reduce_min3A_1495 [1] : vector<128x128xf32> to vector<128xf32>
    %broadcast_in_dim3A_1497 = vector.shape_cast %reduce_min3A_1496 : vector<128xf32> to vector<128x1xf32>
    %slice3A_1498 = vector.extract_strided_slice %div3A_1430 {offsets = [0, 2], sizes = [128, 1], strides = [1, 1]} : vector<128x3xf32> to vector<128x1xf32>
    %slice3A_1499 = vector.extract_strided_slice %div3A_1437 {offsets = [2, 0], sizes = [1, 128], strides = [1, 1]} : vector<3x128xf32> to vector<1x128xf32>
    %gt3A_1500 = vector.broadcast %slice3A_1498 : vector<128x1xf32> to vector<128x128xf32>
    %gt3A_1501 = vector.broadcast %slice3A_1499 : vector<1x128xf32> to vector<128x128xf32>
    %gt3A_1502 = arith.cmpf ogt, %gt3A_1500, %gt3A_1501 : vector<128x128xf32>
    %convert_element_type3A_1503 = arith.extui %gt3A_1502 : vector<128x128xi1> to vector<128x128xi32>
    %convert_element_type3A_1504 = arith.sitofp %convert_element_type3A_1503 : vector<128x128xi32> to vector<128x128xf32>
    %mul3A_1505 = vector.broadcast %convert_element_type3A_1442 : vector<1x128xf32> to vector<128x128xf32>
    %mul3A_1506 = arith.mulf %convert_element_type3A_1504, %mul3A_1505 : vector<128x128xf32>
    %reduce_sum3A_1507 = arith.constant dense<0.000000e+00> : vector<128xf32>
    %reduce_sum3A_1508 = vector.multi_reduction <add>, %mul3A_1506, %reduce_sum3A_1507 [1] : vector<128x128xf32> to vector<128xf32>
    %broadcast_in_dim3A_1509 = vector.shape_cast %reduce_sum3A_1508 : vector<128xf32> to vector<128x1xf32>
    %div3A_1510 = vector.broadcast %max3A_1449 : f32 to vector<128x1xf32>
    %div3A_1511 = arith.divf %broadcast_in_dim3A_1509, %div3A_1510 : vector<128x1xf32>
    %concatenate3A_1512 = tpu.concatenate %div3A_1486, %broadcast_in_dim3A_1497, %slice3A_1498, %div3A_1511 in 1 : vector<128x1xf32>, vector<128x1xf32>, vector<128x1xf32>, vector<128x1xf32> -> vector<128x4xf32>
    %get3A_1513 = arith.constant 0 : index
    %get3A_1514 = arith.constant 0 : index
    %get3A_1515 = vector.load %arg3[%get3A_1513, %get3A_1514] : memref<64x4xf32, #tpu.memory_space<vmem>>, vector<64x4xf32>
    %convert_element_type3A_1516 = arith.truncf %concatenate3A_1512 : vector<128x4xf32> to vector<128x4xbf16>
    %convert_element_type3A_1517 = arith.extf %convert_element_type3A_1516 : vector<128x4xbf16> to vector<128x4xf32>
    %sub3A_1518 = arith.subf %concatenate3A_1512, %convert_element_type3A_1517 : vector<128x4xf32>
    %convert_element_type3A_1519 = arith.truncf %sub3A_1518 : vector<128x4xf32> to vector<128x4xbf16>
    %convert_element_type3A_1520 = arith.truncf %get3A_1515 : vector<64x4xf32> to vector<64x4xbf16>
    %convert_element_type3A_1521 = arith.extf %convert_element_type3A_1520 : vector<64x4xbf16> to vector<64x4xf32>
    %sub3A_1522 = arith.subf %get3A_1515, %convert_element_type3A_1521 : vector<64x4xf32>
    %convert_element_type3A_1523 = arith.truncf %sub3A_1522 : vector<64x4xf32> to vector<64x4xbf16>
    %dot_general3A_1524 = arith.constant dense<0.000000e+00> : vector<128x64xf32>
    %dot_general3A_1525 = tpu.matmul %convert_element_type3A_1516, %convert_element_type3A_1520, %dot_general3A_1524 {dimension_numbers = #tpu.dot_dimension_numbers<[1], [1], [0], [0], [0, 0, 1, 0], [], []>, transpose_lhs_hint = false} : vector<128x4xbf16>, vector<64x4xbf16>, vector<128x64xf32> -> vector<128x64xf32>
    %dot_general3A_1526 = arith.constant dense<0.000000e+00> : vector<128x64xf32>
    %dot_general3A_1527 = tpu.matmul %convert_element_type3A_1516, %convert_element_type3A_1523, %dot_general3A_1526 {dimension_numbers = #tpu.dot_dimension_numbers<[1], [1], [0], [0], [0, 0, 1, 0], [], []>, transpose_lhs_hint = false} : vector<128x4xbf16>, vector<64x4xbf16>, vector<128x64xf32> -> vector<128x64xf32>
    %add3A_1528 = arith.addf %dot_general3A_1525, %dot_general3A_1527 : vector<128x64xf32>
    %dot_general3A_1529 = arith.constant dense<0.000000e+00> : vector<128x64xf32>
    %dot_general3A_1530 = tpu.matmul %convert_element_type3A_1519, %convert_element_type3A_1520, %dot_general3A_1529 {dimension_numbers = #tpu.dot_dimension_numbers<[1], [1], [0], [0], [0, 0, 1, 0], [], []>, transpose_lhs_hint = false} : vector<128x4xbf16>, vector<64x4xbf16>, vector<128x64xf32> -> vector<128x64xf32>
    %add3A_1531 = arith.addf %add3A_1528, %dot_general3A_1530 : vector<128x64xf32>
    %get3A_1532 = arith.constant 0 : index
    %get3A_1533 = arith.constant 0 : index
    %get3A_1534 = vector.load %arg4[%get3A_1532, %get3A_1533] : memref<1x64xf32, #tpu.memory_space<vmem>>, vector<1x64xf32>
    %add3A_1535 = vector.broadcast %get3A_1534 : vector<1x64xf32> to vector<128x64xf32>
    %add3A_1536 = arith.addf %add3A_1531, %add3A_1535 : vector<128x64xf32>
    %mul3A_1537 = arith.constant 5.000000e-01 : f32
    %mul3A_1538 = vector.broadcast %mul3A_1537 : f32 to vector<128x64xf32>
    %mul3A_1539 = arith.mulf %mul3A_1538, %add3A_1536 : vector<128x64xf32>
    %mul3A_1540 = arith.constant 0.707106769 : f32
    %mul3A_1541 = vector.broadcast %mul3A_1540 : f32 to vector<128x64xf32>
    %mul3A_1542 = arith.mulf %add3A_1536, %mul3A_1541 : vector<128x64xf32>
    %erf3A_1543 = math.erf %mul3A_1542 : vector<128x64xf32>
    %add3A_1544 = arith.constant 1.000000e+00 : f32
    %add3A_1545 = vector.broadcast %add3A_1544 : f32 to vector<128x64xf32>
    %add3A_1546 = arith.addf %add3A_1545, %erf3A_1543 : vector<128x64xf32>
    %mul3A_1547 = arith.mulf %mul3A_1539, %add3A_1546 : vector<128x64xf32>
    %get3A_1548 = arith.constant 0 : index
    %get3A_1549 = arith.constant 0 : index
    %get3A_1550 = vector.load %arg5[%get3A_1548, %get3A_1549] : memref<256x64xf32, #tpu.memory_space<vmem>>, vector<256x64xf32>
    %convert_element_type3A_1551 = arith.truncf %mul3A_1547 : vector<128x64xf32> to vector<128x64xbf16>
    %convert_element_type3A_1552 = arith.extf %convert_element_type3A_1551 : vector<128x64xbf16> to vector<128x64xf32>
    %sub3A_1553 = arith.subf %mul3A_1547, %convert_element_type3A_1552 : vector<128x64xf32>
    %convert_element_type3A_1554 = arith.truncf %sub3A_1553 : vector<128x64xf32> to vector<128x64xbf16>
    %convert_element_type3A_1555 = arith.truncf %get3A_1550 : vector<256x64xf32> to vector<256x64xbf16>
    %convert_element_type3A_1556 = arith.extf %convert_element_type3A_1555 : vector<256x64xbf16> to vector<256x64xf32>
    %sub3A_1557 = arith.subf %get3A_1550, %convert_element_type3A_1556 : vector<256x64xf32>
    %convert_element_type3A_1558 = arith.truncf %sub3A_1557 : vector<256x64xf32> to vector<256x64xbf16>
    %dot_general3A_1559 = arith.constant dense<0.000000e+00> : vector<128x256xf32>
    %dot_general3A_1560 = tpu.matmul %convert_element_type3A_1551, %convert_element_type3A_1555, %dot_general3A_1559 {dimension_numbers = #tpu.dot_dimension_numbers<[1], [1], [0], [0], [0, 0, 1, 0], [], []>, transpose_lhs_hint = false} : vector<128x64xbf16>, vector<256x64xbf16>, vector<128x256xf32> -> vector<128x256xf32>
    %dot_general3A_1561 = arith.constant dense<0.000000e+00> : vector<128x256xf32>
    %dot_general3A_1562 = tpu.matmul %convert_element_type3A_1551, %convert_element_type3A_1558, %dot_general3A_1561 {dimension_numbers = #tpu.dot_dimension_numbers<[1], [1], [0], [0], [0, 0, 1, 0], [], []>, transpose_lhs_hint = false} : vector<128x64xbf16>, vector<256x64xbf16>, vector<128x256xf32> -> vector<128x256xf32>
    %add3A_1563 = arith.addf %dot_general3A_1560, %dot_general3A_1562 : vector<128x256xf32>
    %dot_general3A_1564 = arith.constant dense<0.000000e+00> : vector<128x256xf32>
    %dot_general3A_1565 = tpu.matmul %convert_element_type3A_1554, %convert_element_type3A_1555, %dot_general3A_1564 {dimension_numbers = #tpu.dot_dimension_numbers<[1], [1], [0], [0], [0, 0, 1, 0], [], []>, transpose_lhs_hint = false} : vector<128x64xbf16>, vector<256x64xbf16>, vector<128x256xf32> -> vector<128x256xf32>
    %add3A_1566 = arith.addf %add3A_1563, %dot_general3A_1565 : vector<128x256xf32>
    %get3A_1567 = arith.constant 0 : index
    %get3A_1568 = arith.constant 0 : index
    %get3A_1569 = vector.load %arg6[%get3A_1567, %get3A_1568] : memref<1x256xf32, #tpu.memory_space<vmem>>, vector<1x256xf32>
    %add3A_1570 = vector.broadcast %get3A_1569 : vector<1x256xf32> to vector<128x256xf32>
    %add3A_1571 = arith.addf %add3A_1566, %add3A_1570 : vector<128x256xf32>
    %get3A_1572 = arith.constant 0 : index
    %get3A_1573 = arith.constant 0 : index
    %get3A_1574 = vector.load %arg7[%get3A_1572, %get3A_1573] : memref<256x256xf32, #tpu.memory_space<vmem>>, vector<256x256xf32>
    %convert_element_type3A_1575 = arith.truncf %add3A_1571 : vector<128x256xf32> to vector<128x256xbf16>
    %convert_element_type3A_1576 = arith.extf %convert_element_type3A_1575 : vector<128x256xbf16> to vector<128x256xf32>
    %sub3A_1577 = arith.subf %add3A_1571, %convert_element_type3A_1576 : vector<128x256xf32>
    %convert_element_type3A_1578 = arith.truncf %sub3A_1577 : vector<128x256xf32> to vector<128x256xbf16>
    %convert_element_type3A_1579 = arith.truncf %get3A_1574 : vector<256x256xf32> to vector<256x256xbf16>
    %convert_element_type3A_1580 = arith.extf %convert_element_type3A_1579 : vector<256x256xbf16> to vector<256x256xf32>
    %sub3A_1581 = arith.subf %get3A_1574, %convert_element_type3A_1580 : vector<256x256xf32>
    %convert_element_type3A_1582 = arith.truncf %sub3A_1581 : vector<256x256xf32> to vector<256x256xbf16>
    %dot_general3A_1583 = arith.constant dense<0.000000e+00> : vector<128x256xf32>
    %dot_general3A_1584 = tpu.matmul %convert_element_type3A_1575, %convert_element_type3A_1579, %dot_general3A_1583 {dimension_numbers = #tpu.dot_dimension_numbers<[1], [1], [0], [0], [0, 0, 1, 0], [], []>, transpose_lhs_hint = false} : vector<128x256xbf16>, vector<256x256xbf16>, vector<128x256xf32> -> vector<128x256xf32>
    %dot_general3A_1585 = arith.constant dense<0.000000e+00> : vector<128x256xf32>
    %dot_general3A_1586 = tpu.matmul %convert_element_type3A_1575, %convert_element_type3A_1582, %dot_general3A_1585 {dimension_numbers = #tpu.dot_dimension_numbers<[1], [1], [0], [0], [0, 0, 1, 0], [], []>, transpose_lhs_hint = false} : vector<128x256xbf16>, vector<256x256xbf16>, vector<128x256xf32> -> vector<128x256xf32>
    %add3A_1587 = arith.addf %dot_general3A_1584, %dot_general3A_1586 : vector<128x256xf32>
    %dot_general3A_1588 = arith.constant dense<0.000000e+00> : vector<128x256xf32>
    %dot_general3A_1589 = tpu.matmul %convert_element_type3A_1578, %convert_element_type3A_1579, %dot_general3A_1588 {dimension_numbers = #tpu.dot_dimension_numbers<[1], [1], [0], [0], [0, 0, 1, 0], [], []>, transpose_lhs_hint = false} : vector<128x256xbf16>, vector<256x256xbf16>, vector<128x256xf32> -> vector<128x256xf32>
    %add3A_1590 = arith.addf %add3A_1587, %dot_general3A_1589 : vector<128x256xf32>
    %get3A_1591 = arith.constant 0 : index
    %get3A_1592 = arith.constant 0 : index
    %get3A_1593 = vector.load %arg8[%get3A_1591, %get3A_1592] : memref<1x256xf32, #tpu.memory_space<vmem>>, vector<1x256xf32>
    %add3A_1594 = vector.broadcast %get3A_1593 : vector<1x256xf32> to vector<128x256xf32>
    %add3A_1595 = arith.addf %add3A_1590, %add3A_1594 : vector<128x256xf32>
    %reduce_sum3A_1596 = arith.constant dense<0.000000e+00> : vector<128xf32>
    %reduce_sum3A_1597 = vector.multi_reduction <add>, %add3A_1595, %reduce_sum3A_1596 [1] : vector<128x256xf32> to vector<128xf32>
    %broadcast_in_dim3A_1598 = vector.shape_cast %reduce_sum3A_1597 : vector<128xf32> to vector<128x1xf32>
    %div3A_1599 = arith.constant 2.560000e+02 : f32
    %div3A_1600 = vector.broadcast %div3A_1599 : f32 to vector<128x1xf32>
    %div3A_1601 = arith.divf %broadcast_in_dim3A_1598, %div3A_1600 : vector<128x1xf32>
    %sub3A_1602 = vector.broadcast %div3A_1601 : vector<128x1xf32> to vector<128x256xf32>
    %sub3A_1603 = arith.subf %add3A_1595, %sub3A_1602 : vector<128x256xf32>
    %integer_pow3A_1604 = arith.mulf %sub3A_1603, %sub3A_1603 : vector<128x256xf32>
    %reduce_sum3A_1605 = arith.constant dense<0.000000e+00> : vector<128xf32>
    %reduce_sum3A_1606 = vector.multi_reduction <add>, %integer_pow3A_1604, %reduce_sum3A_1605 [1] : vector<128x256xf32> to vector<128xf32>
    %broadcast_in_dim3A_1607 = vector.shape_cast %reduce_sum3A_1606 : vector<128xf32> to vector<128x1xf32>
    %div3A_1608 = arith.constant 2.560000e+02 : f32
    %div3A_1609 = vector.broadcast %div3A_1608 : f32 to vector<128x1xf32>
    %div3A_1610 = arith.divf %broadcast_in_dim3A_1607, %div3A_1609 : vector<128x1xf32>
    %sub3A_1611 = vector.broadcast %div3A_1601 : vector<128x1xf32> to vector<128x256xf32>
    %sub3A_1612 = arith.subf %add3A_1595, %sub3A_1611 : vector<128x256xf32>
    %add3A_1613 = arith.constant 9.99999974E-6 : f32
    %add3A_1614 = vector.broadcast %add3A_1613 : f32 to vector<128x1xf32>
    %add3A_1615 = arith.addf %div3A_1610, %add3A_1614 : vector<128x1xf32>
    %sqrt3A_1616 = math.sqrt %add3A_1615 : vector<128x1xf32>
    %div3A_1617 = vector.broadcast %sqrt3A_1616 : vector<128x1xf32> to vector<128x256xf32>
    %div3A_1618 = arith.divf %sub3A_1612, %div3A_1617 : vector<128x256xf32>
    %get3A_1619 = arith.constant 0 : index
    %get3A_1620 = arith.constant 0 : index
    %get3A_1621 = vector.load %arg9[%get3A_1619, %get3A_1620] : memref<1x256xf32, #tpu.memory_space<vmem>>, vector<1x256xf32>
    %mul3A_1622 = vector.broadcast %get3A_1621 : vector<1x256xf32> to vector<128x256xf32>
    %mul3A_1623 = arith.mulf %div3A_1618, %mul3A_1622 : vector<128x256xf32>
    %get3A_1624 = arith.constant 0 : index
    %get3A_1625 = arith.constant 0 : index
    %get3A_1626 = vector.load %arg10[%get3A_1624, %get3A_1625] : memref<1x256xf32, #tpu.memory_space<vmem>>, vector<1x256xf32>
    %add3A_1627 = vector.broadcast %get3A_1626 : vector<1x256xf32> to vector<128x256xf32>
    %add3A_1628 = arith.addf %mul3A_1623, %add3A_1627 : vector<128x256xf32>
    %mul3A_1629 = arith.constant 5.000000e-01 : f32
    %mul3A_1630 = vector.broadcast %mul3A_1629 : f32 to vector<128x256xf32>
    %mul3A_1631 = arith.mulf %mul3A_1630, %add3A_1628 : vector<128x256xf32>
    %mul3A_1632 = arith.constant 0.707106769 : f32
    %mul3A_1633 = vector.broadcast %mul3A_1632 : f32 to vector<128x256xf32>
    %mul3A_1634 = arith.mulf %add3A_1628, %mul3A_1633 : vector<128x256xf32>
    %erf3A_1635 = math.erf %mul3A_1634 : vector<128x256xf32>
    %add3A_1636 = arith.constant 1.000000e+00 : f32
    %add3A_1637 = vector.broadcast %add3A_1636 : f32 to vector<128x256xf32>
    %add3A_1638 = arith.addf %add3A_1637, %erf3A_1635 : vector<128x256xf32>
    %mul3A_1639 = arith.mulf %mul3A_1631, %add3A_1638 : vector<128x256xf32>
    %get3A_1640 = arith.constant 0 : index
    %get3A_1641 = arith.constant 0 : index
    %get3A_1642 = vector.load %arg11[%get3A_1640, %get3A_1641] : memref<256x256xf32, #tpu.memory_space<vmem>>, vector<256x256xf32>
    %convert_element_type3A_1643 = arith.truncf %mul3A_1639 : vector<128x256xf32> to vector<128x256xbf16>
    %convert_element_type3A_1644 = arith.extf %convert_element_type3A_1643 : vector<128x256xbf16> to vector<128x256xf32>
    %sub3A_1645 = arith.subf %mul3A_1639, %convert_element_type3A_1644 : vector<128x256xf32>
    %convert_element_type3A_1646 = arith.truncf %sub3A_1645 : vector<128x256xf32> to vector<128x256xbf16>
    %convert_element_type3A_1647 = arith.truncf %get3A_1642 : vector<256x256xf32> to vector<256x256xbf16>
    %convert_element_type3A_1648 = arith.extf %convert_element_type3A_1647 : vector<256x256xbf16> to vector<256x256xf32>
    %sub3A_1649 = arith.subf %get3A_1642, %convert_element_type3A_1648 : vector<256x256xf32>
    %convert_element_type3A_1650 = arith.truncf %sub3A_1649 : vector<256x256xf32> to vector<256x256xbf16>
    %dot_general3A_1651 = arith.constant dense<0.000000e+00> : vector<128x256xf32>
    %dot_general3A_1652 = tpu.matmul %convert_element_type3A_1643, %convert_element_type3A_1647, %dot_general3A_1651 {dimension_numbers = #tpu.dot_dimension_numbers<[1], [1], [0], [0], [0, 0, 1, 0], [], []>, transpose_lhs_hint = false} : vector<128x256xbf16>, vector<256x256xbf16>, vector<128x256xf32> -> vector<128x256xf32>
    %dot_general3A_1653 = arith.constant dense<0.000000e+00> : vector<128x256xf32>
    %dot_general3A_1654 = tpu.matmul %convert_element_type3A_1643, %convert_element_type3A_1650, %dot_general3A_1653 {dimension_numbers = #tpu.dot_dimension_numbers<[1], [1], [0], [0], [0, 0, 1, 0], [], []>, transpose_lhs_hint = false} : vector<128x256xbf16>, vector<256x256xbf16>, vector<128x256xf32> -> vector<128x256xf32>
    %add3A_1655 = arith.addf %dot_general3A_1652, %dot_general3A_1654 : vector<128x256xf32>
    %dot_general3A_1656 = arith.constant dense<0.000000e+00> : vector<128x256xf32>
    %dot_general3A_1657 = tpu.matmul %convert_element_type3A_1646, %convert_element_type3A_1647, %dot_general3A_1656 {dimension_numbers = #tpu.dot_dimension_numbers<[1], [1], [0], [0], [0, 0, 1, 0], [], []>, transpose_lhs_hint = false} : vector<128x256xbf16>, vector<256x256xbf16>, vector<128x256xf32> -> vector<128x256xf32>
    %add3A_1658 = arith.addf %add3A_1655, %dot_general3A_1657 : vector<128x256xf32>
    %get3A_1659 = arith.constant 0 : index
    %get3A_1660 = arith.constant 0 : index
    %get3A_1661 = vector.load %arg12[%get3A_1659, %get3A_1660] : memref<1x256xf32, #tpu.memory_space<vmem>>, vector<1x256xf32>
    %add3A_1662 = vector.broadcast %get3A_1661 : vector<1x256xf32> to vector<128x256xf32>
    %add3A_1663 = arith.addf %add3A_1658, %add3A_1662 : vector<128x256xf32>
    %ge3A_1664 = arith.constant 2.000000e+00 : f32
    %ge3A_1665 = vector.broadcast %ge3A_1664 : f32 to vector<128x1xf32>
    %ge3A_1666 = arith.cmpf oge, %slice3A_1424, %ge3A_1665 : vector<128x1xf32>
    %ge3A_1667 = arith.constant 2.000000e+00 : f32
    %ge3A_1668 = arith.cmpf oge, %reduce_sum3A_1447, %ge3A_1667 : f32
    %and3A_1669 = vector.broadcast %ge3A_1668 : i1 to vector<128x1xi1>
    %and3A_1670 = arith.andi %ge3A_1666, %and3A_1669 : vector<128x1xi1>
    %jit3A_1671 = arith.constant 0.000000e+00 : f32
    %broadcast_in_dim3A_1672 = vector.shape_cast %and3A_1670 : vector<128x1xi1> to vector<128x1xi1>
    %broadcast_in_dim3A_1673 = vector.broadcast %broadcast_in_dim3A_1672 : vector<128x1xi1> to vector<128x256xi1>
    %broadcast_in_dim3A_1674 = vector.broadcast %jit3A_1671 : f32 to vector<128x256xf32>
    %select_n3A_1675 = arith.select %broadcast_in_dim3A_1673, %add3A_1663, %broadcast_in_dim3A_1674 : vector<128x256xi1>, vector<128x256xf32>
    %swap3A_1676 = arith.constant 640 : index
    %swap3A_1677 = arith.constant 0 : index
    %swap3A_1678 = vector.load %arg13[%swap3A_1676, %swap3A_1677] : memref<1024x256xf32, #tpu.memory_space<vmem>>, vector<128x256xf32>
    tpu.vector_store %arg13[%swap3A_1676, %swap3A_1677], %select_n3A_1675 {strides = array<i32>} : memref<1024x256xf32, #tpu.memory_space<vmem>>, vector<128x256xf32>,
    %get3A_1679 = arith.constant 6 : index
    %get3A_1680 = arith.constant 0 : index
    %get3A_1681 = arith.constant 0 : index
    %get3A_1682 = vector.load %arg1[%get3A_1679, %get3A_1680, %get3A_1681] : memref<8x3x4096xf32, #tpu.memory_space<vmem>>, vector<1x3x4096xf32>
    %get3A_1683 = vector.shape_cast %get3A_1682 : vector<1x3x4096xf32> to vector<3x4096xf32>
    %get3A_1684 = arith.constant 6 : index
    %get3A_1685 = arith.constant 0 : index
    %get3A_1686 = vector.load %arg2[%get3A_1684, %get3A_1685] : memref<8x4096xi32, #tpu.memory_space<vmem>>, vector<1x4096xi32>
    %iota3A_1687 = tpu.iota {dimensions = array<i32: 0>} : vector<128x1xi32>
    %eq3A_1688 = vector.broadcast %get3A_1686 : vector<1x4096xi32> to vector<128x4096xi32>
    %eq3A_1689 = vector.broadcast %iota3A_1687 : vector<128x1xi32> to vector<128x4096xi32>
    %eq3A_1690 = arith.cmpi eq, %eq3A_1688, %eq3A_1689 : vector<128x4096xi32>
    %convert_element_type3A_1691 = arith.extui %eq3A_1690 : vector<128x4096xi1> to vector<128x4096xi32>
    %convert_element_type3A_1692 = arith.sitofp %convert_element_type3A_1691 : vector<128x4096xi32> to vector<128x4096xf32>
    %convert_element_type3A_1693 = arith.truncf %convert_element_type3A_1692 : vector<128x4096xf32> to vector<128x4096xbf16>
    %broadcast_in_dim3A_1694 = arith.constant 1.000000e+00 : f32
    %broadcast_in_dim3A_1695 = vector.broadcast %broadcast_in_dim3A_1694 : f32 to vector<1x4096xf32>
    %concatenate3A_1696 = tpu.concatenate %get3A_1683, %broadcast_in_dim3A_1695 in 0 : vector<3x4096xf32>, vector<1x4096xf32> -> vector<4x4096xf32>
    %convert_element_type3A_1697 = arith.truncf %concatenate3A_1696 : vector<4x4096xf32> to vector<4x4096xbf16>
    %convert_element_type3A_1698 = arith.extf %convert_element_type3A_1697 : vector<4x4096xbf16> to vector<4x4096xf32>
    %sub3A_1699 = arith.subf %concatenate3A_1696, %convert_element_type3A_1698 : vector<4x4096xf32>
    %convert_element_type3A_1700 = arith.truncf %sub3A_1699 : vector<4x4096xf32> to vector<4x4096xbf16>
    %concatenate3A_1701 = tpu.concatenate %convert_element_type3A_1697, %convert_element_type3A_1700 in 0 : vector<4x4096xbf16>, vector<4x4096xbf16> -> vector<8x4096xbf16>
    %dot_general3A_1702 = arith.constant dense<0.000000e+00> : vector<128x8xf32>
    %dot_general3A_1703 = tpu.matmul %convert_element_type3A_1693, %concatenate3A_1701, %dot_general3A_1702 {dimension_numbers = #tpu.dot_dimension_numbers<[1], [1], [0], [0], [0, 0, 1, 0], [], []>, transpose_lhs_hint = false} : vector<128x4096xbf16>, vector<8x4096xbf16>, vector<128x8xf32> -> vector<128x8xf32>
    %slice3A_1704 = vector.extract_strided_slice %dot_general3A_1703 {offsets = [0, 0], sizes = [128, 4], strides = [1, 1]} : vector<128x8xf32> to vector<128x4xf32>
    %slice3A_1705 = vector.extract_strided_slice %dot_general3A_1703 {offsets = [0, 4], sizes = [128, 4], strides = [1, 1]} : vector<128x8xf32> to vector<128x4xf32>
    %add3A_1706 = arith.addf %slice3A_1704, %slice3A_1705 : vector<128x4xf32>
    %transpose3A_1707 = tpu.transpose %add3A_1706, [1, 0] : vector<128x4xf32> -> vector<4x128xf32>
    %slice3A_1708 = vector.extract_strided_slice %add3A_1706 {offsets = [0, 3], sizes = [128, 1], strides = [1, 1]} : vector<128x4xf32> to vector<128x1xf32>
    %slice3A_1709 = vector.extract_strided_slice %add3A_1706 {offsets = [0, 0], sizes = [128, 3], strides = [1, 1]} : vector<128x4xf32> to vector<128x3xf32>
    %max3A_1710 = arith.constant 1.000000e+00 : f32
    %max3A_1711 = vector.broadcast %max3A_1710 : f32 to vector<128x1xf32>
    %max3A_1712 = arith.maximumf %slice3A_1708, %max3A_1711 : vector<128x1xf32>
    %div3A_1713 = vector.broadcast %max3A_1712 : vector<128x1xf32> to vector<128x3xf32>
    %div3A_1714 = arith.divf %slice3A_1709, %div3A_1713 : vector<128x3xf32>
    %slice3A_1715 = vector.extract_strided_slice %transpose3A_1707 {offsets = [3, 0], sizes = [1, 128], strides = [1, 1]} : vector<4x128xf32> to vector<1x128xf32>
    %slice3A_1716 = vector.extract_strided_slice %transpose3A_1707 {offsets = [0, 0], sizes = [3, 128], strides = [1, 1]} : vector<4x128xf32> to vector<3x128xf32>
    %max3A_1717 = arith.constant 1.000000e+00 : f32
    %max3A_1718 = vector.broadcast %max3A_1717 : f32 to vector<1x128xf32>
    %max3A_1719 = arith.maximumf %slice3A_1715, %max3A_1718 : vector<1x128xf32>
    %div3A_1720 = vector.broadcast %max3A_1719 : vector<1x128xf32> to vector<3x128xf32>
    %div3A_1721 = arith.divf %slice3A_1716, %div3A_1720 : vector<3x128xf32>
    %ge3A_1722 = arith.constant 2.000000e+00 : f32
    %ge3A_1723 = vector.broadcast %ge3A_1722 : f32 to vector<1x128xf32>
    %ge3A_1724 = arith.cmpf oge, %slice3A_1715, %ge3A_1723 : vector<1x128xf32>
    %convert_element_type3A_1725 = arith.extui %ge3A_1724 : vector<1x128xi1> to vector<1x128xi32>
    %convert_element_type3A_1726 = arith.sitofp %convert_element_type3A_1725 : vector<1x128xi32> to vector<1x128xf32>
    %reduce_sum3A_1727 = vector.shape_cast %convert_element_type3A_1726 : vector<1x128xf32> to vector<1x1x128xf32>
    %reduce_sum3A_1728 = arith.constant dense<0.000000e+00> : vector<1xf32>
    %reduce_sum3A_1729 = vector.multi_reduction <add>, %reduce_sum3A_1727, %reduce_sum3A_1728 [1, 2] : vector<1x1x128xf32> to vector<1xf32>
    %reduce_sum3A_1730 = vector.shape_cast %reduce_sum3A_1729 : vector<1xf32> to vector<1x1x1xf32>
    %reduce_sum3A_1731 = vector.extract %reduce_sum3A_1730[0, 0, 0] : f32 from vector<1x1x1xf32>
    %max3A_1732 = arith.constant 1.000000e+00 : f32
    %max3A_1733 = arith.maximumf %reduce_sum3A_1731, %max3A_1732 : f32
    %slice3A_1734 = vector.extract_strided_slice %div3A_1714 {offsets = [0, 0], sizes = [128, 1], strides = [1, 1]} : vector<128x3xf32> to vector<128x1xf32>
    %slice3A_1735 = vector.extract_strided_slice %div3A_1721 {offsets = [0, 0], sizes = [1, 128], strides = [1, 1]} : vector<3x128xf32> to vector<1x128xf32>
    %sub3A_1736 = vector.broadcast %slice3A_1734 : vector<128x1xf32> to vector<128x128xf32>
    %sub3A_1737 = vector.broadcast %slice3A_1735 : vector<1x128xf32> to vector<128x128xf32>
    %sub3A_1738 = arith.subf %sub3A_1736, %sub3A_1737 : vector<128x128xf32>
    %slice3A_1739 = vector.extract_strided_slice %div3A_1714 {offsets = [0, 1], sizes = [128, 1], strides = [1, 1]} : vector<128x3xf32> to vector<128x1xf32>
    %slice3A_1740 = vector.extract_strided_slice %div3A_1721 {offsets = [1, 0], sizes = [1, 128], strides = [1, 1]} : vector<3x128xf32> to vector<1x128xf32>
    %sub3A_1741 = vector.broadcast %slice3A_1739 : vector<128x1xf32> to vector<128x128xf32>
    %sub3A_1742 = vector.broadcast %slice3A_1740 : vector<1x128xf32> to vector<128x128xf32>
    %sub3A_1743 = arith.subf %sub3A_1741, %sub3A_1742 : vector<128x128xf32>
    %slice3A_1744 = vector.extract_strided_slice %div3A_1714 {offsets = [0, 2], sizes = [128, 1], strides = [1, 1]} : vector<128x3xf32> to vector<128x1xf32>
    %slice3A_1745 = vector.extract_strided_slice %div3A_1721 {offsets = [2, 0], sizes = [1, 128], strides = [1, 1]} : vector<3x128xf32> to vector<1x128xf32>
    %sub3A_1746 = vector.broadcast %slice3A_1744 : vector<128x1xf32> to vector<128x128xf32>
    %sub3A_1747 = vector.broadcast %slice3A_1745 : vector<1x128xf32> to vector<128x128xf32>
    %sub3A_1748 = arith.subf %sub3A_1746, %sub3A_1747 : vector<128x128xf32>
    %mul3A_1749 = arith.mulf %sub3A_1738, %sub3A_1738 : vector<128x128xf32>
    %mul3A_1750 = arith.mulf %sub3A_1743, %sub3A_1743 : vector<128x128xf32>
    %add3A_1751 = arith.addf %mul3A_1749, %mul3A_1750 : vector<128x128xf32>
    %mul3A_1752 = arith.mulf %sub3A_1748, %sub3A_1748 : vector<128x128xf32>
    %add3A_1753 = arith.addf %add3A_1751, %mul3A_1752 : vector<128x128xf32>
    %gt3A_1754 = arith.constant 0.000000e+00 : f32
    %gt3A_1755 = vector.broadcast %gt3A_1754 : f32 to vector<128x128xf32>
    %gt3A_1756 = arith.cmpf ogt, %add3A_1753, %gt3A_1755 : vector<128x128xf32>
    %jit3A_1757 = arith.constant 1.000000e+00 : f32
    %broadcast_in_dim3A_1758 = vector.broadcast %jit3A_1757 : f32 to vector<128x128xf32>
    %select_n3A_1759 = arith.select %gt3A_1756, %add3A_1753, %broadcast_in_dim3A_1758 : vector<128x128xi1>, vector<128x128xf32>
    %sqrt3A_1760 = math.sqrt %select_n3A_1759 : vector<128x128xf32>
    %jit3A_1761 = arith.constant 0.000000e+00 : f32
    %broadcast_in_dim3A_1762 = vector.broadcast %jit3A_1761 : f32 to vector<128x128xf32>
    %select_n3A_1763 = arith.select %gt3A_1756, %sqrt3A_1760, %broadcast_in_dim3A_1762 : vector<128x128xi1>, vector<128x128xf32>
    %mul3A_1764 = vector.broadcast %convert_element_type3A_1726 : vector<1x128xf32> to vector<128x128xf32>
    %mul3A_1765 = arith.mulf %select_n3A_1763, %mul3A_1764 : vector<128x128xf32>
    %reduce_sum3A_1766 = arith.constant dense<0.000000e+00> : vector<128xf32>
    %reduce_sum3A_1767 = vector.multi_reduction <add>, %mul3A_1765, %reduce_sum3A_1766 [1] : vector<128x128xf32> to vector<128xf32>
    %broadcast_in_dim3A_1768 = vector.shape_cast %reduce_sum3A_1767 : vector<128xf32> to vector<128x1xf32>
    %div3A_1769 = vector.broadcast %max3A_1733 : f32 to vector<128x1xf32>
    %div3A_1770 = arith.divf %broadcast_in_dim3A_1768, %div3A_1769 : vector<128x1xf32>
    %gt3A_1771 = arith.constant 0.000000e+00 : f32
    %gt3A_1772 = vector.broadcast %gt3A_1771 : f32 to vector<1x128xf32>
    %gt3A_1773 = arith.cmpf ogt, %convert_element_type3A_1726, %gt3A_1772 : vector<1x128xf32>
    %jit3A_1774 = arith.constant 1.000000e+09 : f32
    %broadcast_in_dim3A_1775 = vector.shape_cast %gt3A_1773 : vector<1x128xi1> to vector<1x128xi1>
    %broadcast_in_dim3A_1776 = vector.broadcast %broadcast_in_dim3A_1775 : vector<1x128xi1> to vector<128x128xi1>
    %broadcast_in_dim3A_1777 = vector.broadcast %jit3A_1774 : f32 to vector<128x128xf32>
    %select_n3A_1778 = arith.select %broadcast_in_dim3A_1776, %select_n3A_1763, %broadcast_in_dim3A_1777 : vector<128x128xi1>, vector<128x128xf32>
    %reduce_min3A_1779 = arith.constant dense<0x7F800000> : vector<128xf32>
    %reduce_min3A_1780 = vector.multi_reduction <minimumf>, %select_n3A_1778, %reduce_min3A_1779 [1] : vector<128x128xf32> to vector<128xf32>
    %broadcast_in_dim3A_1781 = vector.shape_cast %reduce_min3A_1780 : vector<128xf32> to vector<128x1xf32>
    %slice3A_1782 = vector.extract_strided_slice %div3A_1714 {offsets = [0, 2], sizes = [128, 1], strides = [1, 1]} : vector<128x3xf32> to vector<128x1xf32>
    %slice3A_1783 = vector.extract_strided_slice %div3A_1721 {offsets = [2, 0], sizes = [1, 128], strides = [1, 1]} : vector<3x128xf32> to vector<1x128xf32>
    %gt3A_1784 = vector.broadcast %slice3A_1782 : vector<128x1xf32> to vector<128x128xf32>
    %gt3A_1785 = vector.broadcast %slice3A_1783 : vector<1x128xf32> to vector<128x128xf32>
    %gt3A_1786 = arith.cmpf ogt, %gt3A_1784, %gt3A_1785 : vector<128x128xf32>
    %convert_element_type3A_1787 = arith.extui %gt3A_1786 : vector<128x128xi1> to vector<128x128xi32>
    %convert_element_type3A_1788 = arith.sitofp %convert_element_type3A_1787 : vector<128x128xi32> to vector<128x128xf32>
    %mul3A_1789 = vector.broadcast %convert_element_type3A_1726 : vector<1x128xf32> to vector<128x128xf32>
    %mul3A_1790 = arith.mulf %convert_element_type3A_1788, %mul3A_1789 : vector<128x128xf32>
    %reduce_sum3A_1791 = arith.constant dense<0.000000e+00> : vector<128xf32>
    %reduce_sum3A_1792 = vector.multi_reduction <add>, %mul3A_1790, %reduce_sum3A_1791 [1] : vector<128x128xf32> to vector<128xf32>
    %broadcast_in_dim3A_1793 = vector.shape_cast %reduce_sum3A_1792 : vector<128xf32> to vector<128x1xf32>
    %div3A_1794 = vector.broadcast %max3A_1733 : f32 to vector<128x1xf32>
    %div3A_1795 = arith.divf %broadcast_in_dim3A_1793, %div3A_1794 : vector<128x1xf32>
    %concatenate3A_1796 = tpu.concatenate %div3A_1770, %broadcast_in_dim3A_1781, %slice3A_1782, %div3A_1795 in 1 : vector<128x1xf32>, vector<128x1xf32>, vector<128x1xf32>, vector<128x1xf32> -> vector<128x4xf32>
    %get3A_1797 = arith.constant 0 : index
    %get3A_1798 = arith.constant 0 : index
    %get3A_1799 = vector.load %arg3[%get3A_1797, %get3A_1798] : memref<64x4xf32, #tpu.memory_space<vmem>>, vector<64x4xf32>
    %convert_element_type3A_1800 = arith.truncf %concatenate3A_1796 : vector<128x4xf32> to vector<128x4xbf16>
    %convert_element_type3A_1801 = arith.extf %convert_element_type3A_1800 : vector<128x4xbf16> to vector<128x4xf32>
    %sub3A_1802 = arith.subf %concatenate3A_1796, %convert_element_type3A_1801 : vector<128x4xf32>
    %convert_element_type3A_1803 = arith.truncf %sub3A_1802 : vector<128x4xf32> to vector<128x4xbf16>
    %convert_element_type3A_1804 = arith.truncf %get3A_1799 : vector<64x4xf32> to vector<64x4xbf16>
    %convert_element_type3A_1805 = arith.extf %convert_element_type3A_1804 : vector<64x4xbf16> to vector<64x4xf32>
    %sub3A_1806 = arith.subf %get3A_1799, %convert_element_type3A_1805 : vector<64x4xf32>
    %convert_element_type3A_1807 = arith.truncf %sub3A_1806 : vector<64x4xf32> to vector<64x4xbf16>
    %dot_general3A_1808 = arith.constant dense<0.000000e+00> : vector<128x64xf32>
    %dot_general3A_1809 = tpu.matmul %convert_element_type3A_1800, %convert_element_type3A_1804, %dot_general3A_1808 {dimension_numbers = #tpu.dot_dimension_numbers<[1], [1], [0], [0], [0, 0, 1, 0], [], []>, transpose_lhs_hint = false} : vector<128x4xbf16>, vector<64x4xbf16>, vector<128x64xf32> -> vector<128x64xf32>
    %dot_general3A_1810 = arith.constant dense<0.000000e+00> : vector<128x64xf32>
    %dot_general3A_1811 = tpu.matmul %convert_element_type3A_1800, %convert_element_type3A_1807, %dot_general3A_1810 {dimension_numbers = #tpu.dot_dimension_numbers<[1], [1], [0], [0], [0, 0, 1, 0], [], []>, transpose_lhs_hint = false} : vector<128x4xbf16>, vector<64x4xbf16>, vector<128x64xf32> -> vector<128x64xf32>
    %add3A_1812 = arith.addf %dot_general3A_1809, %dot_general3A_1811 : vector<128x64xf32>
    %dot_general3A_1813 = arith.constant dense<0.000000e+00> : vector<128x64xf32>
    %dot_general3A_1814 = tpu.matmul %convert_element_type3A_1803, %convert_element_type3A_1804, %dot_general3A_1813 {dimension_numbers = #tpu.dot_dimension_numbers<[1], [1], [0], [0], [0, 0, 1, 0], [], []>, transpose_lhs_hint = false} : vector<128x4xbf16>, vector<64x4xbf16>, vector<128x64xf32> -> vector<128x64xf32>
    %add3A_1815 = arith.addf %add3A_1812, %dot_general3A_1814 : vector<128x64xf32>
    %get3A_1816 = arith.constant 0 : index
    %get3A_1817 = arith.constant 0 : index
    %get3A_1818 = vector.load %arg4[%get3A_1816, %get3A_1817] : memref<1x64xf32, #tpu.memory_space<vmem>>, vector<1x64xf32>
    %add3A_1819 = vector.broadcast %get3A_1818 : vector<1x64xf32> to vector<128x64xf32>
    %add3A_1820 = arith.addf %add3A_1815, %add3A_1819 : vector<128x64xf32>
    %mul3A_1821 = arith.constant 5.000000e-01 : f32
    %mul3A_1822 = vector.broadcast %mul3A_1821 : f32 to vector<128x64xf32>
    %mul3A_1823 = arith.mulf %mul3A_1822, %add3A_1820 : vector<128x64xf32>
    %mul3A_1824 = arith.constant 0.707106769 : f32
    %mul3A_1825 = vector.broadcast %mul3A_1824 : f32 to vector<128x64xf32>
    %mul3A_1826 = arith.mulf %add3A_1820, %mul3A_1825 : vector<128x64xf32>
    %erf3A_1827 = math.erf %mul3A_1826 : vector<128x64xf32>
    %add3A_1828 = arith.constant 1.000000e+00 : f32
    %add3A_1829 = vector.broadcast %add3A_1828 : f32 to vector<128x64xf32>
    %add3A_1830 = arith.addf %add3A_1829, %erf3A_1827 : vector<128x64xf32>
    %mul3A_1831 = arith.mulf %mul3A_1823, %add3A_1830 : vector<128x64xf32>
    %get3A_1832 = arith.constant 0 : index
    %get3A_1833 = arith.constant 0 : index
    %get3A_1834 = vector.load %arg5[%get3A_1832, %get3A_1833] : memref<256x64xf32, #tpu.memory_space<vmem>>, vector<256x64xf32>
    %convert_element_type3A_1835 = arith.truncf %mul3A_1831 : vector<128x64xf32> to vector<128x64xbf16>
    %convert_element_type3A_1836 = arith.extf %convert_element_type3A_1835 : vector<128x64xbf16> to vector<128x64xf32>
    %sub3A_1837 = arith.subf %mul3A_1831, %convert_element_type3A_1836 : vector<128x64xf32>
    %convert_element_type3A_1838 = arith.truncf %sub3A_1837 : vector<128x64xf32> to vector<128x64xbf16>
    %convert_element_type3A_1839 = arith.truncf %get3A_1834 : vector<256x64xf32> to vector<256x64xbf16>
    %convert_element_type3A_1840 = arith.extf %convert_element_type3A_1839 : vector<256x64xbf16> to vector<256x64xf32>
    %sub3A_1841 = arith.subf %get3A_1834, %convert_element_type3A_1840 : vector<256x64xf32>
    %convert_element_type3A_1842 = arith.truncf %sub3A_1841 : vector<256x64xf32> to vector<256x64xbf16>
    %dot_general3A_1843 = arith.constant dense<0.000000e+00> : vector<128x256xf32>
    %dot_general3A_1844 = tpu.matmul %convert_element_type3A_1835, %convert_element_type3A_1839, %dot_general3A_1843 {dimension_numbers = #tpu.dot_dimension_numbers<[1], [1], [0], [0], [0, 0, 1, 0], [], []>, transpose_lhs_hint = false} : vector<128x64xbf16>, vector<256x64xbf16>, vector<128x256xf32> -> vector<128x256xf32>
    %dot_general3A_1845 = arith.constant dense<0.000000e+00> : vector<128x256xf32>
    %dot_general3A_1846 = tpu.matmul %convert_element_type3A_1835, %convert_element_type3A_1842, %dot_general3A_1845 {dimension_numbers = #tpu.dot_dimension_numbers<[1], [1], [0], [0], [0, 0, 1, 0], [], []>, transpose_lhs_hint = false} : vector<128x64xbf16>, vector<256x64xbf16>, vector<128x256xf32> -> vector<128x256xf32>
    %add3A_1847 = arith.addf %dot_general3A_1844, %dot_general3A_1846 : vector<128x256xf32>
    %dot_general3A_1848 = arith.constant dense<0.000000e+00> : vector<128x256xf32>
    %dot_general3A_1849 = tpu.matmul %convert_element_type3A_1838, %convert_element_type3A_1839, %dot_general3A_1848 {dimension_numbers = #tpu.dot_dimension_numbers<[1], [1], [0], [0], [0, 0, 1, 0], [], []>, transpose_lhs_hint = false} : vector<128x64xbf16>, vector<256x64xbf16>, vector<128x256xf32> -> vector<128x256xf32>
    %add3A_1850 = arith.addf %add3A_1847, %dot_general3A_1849 : vector<128x256xf32>
    %get3A_1851 = arith.constant 0 : index
    %get3A_1852 = arith.constant 0 : index
    %get3A_1853 = vector.load %arg6[%get3A_1851, %get3A_1852] : memref<1x256xf32, #tpu.memory_space<vmem>>, vector<1x256xf32>
    %add3A_1854 = vector.broadcast %get3A_1853 : vector<1x256xf32> to vector<128x256xf32>
    %add3A_1855 = arith.addf %add3A_1850, %add3A_1854 : vector<128x256xf32>
    %get3A_1856 = arith.constant 0 : index
    %get3A_1857 = arith.constant 0 : index
    %get3A_1858 = vector.load %arg7[%get3A_1856, %get3A_1857] : memref<256x256xf32, #tpu.memory_space<vmem>>, vector<256x256xf32>
    %convert_element_type3A_1859 = arith.truncf %add3A_1855 : vector<128x256xf32> to vector<128x256xbf16>
    %convert_element_type3A_1860 = arith.extf %convert_element_type3A_1859 : vector<128x256xbf16> to vector<128x256xf32>
    %sub3A_1861 = arith.subf %add3A_1855, %convert_element_type3A_1860 : vector<128x256xf32>
    %convert_element_type3A_1862 = arith.truncf %sub3A_1861 : vector<128x256xf32> to vector<128x256xbf16>
    %convert_element_type3A_1863 = arith.truncf %get3A_1858 : vector<256x256xf32> to vector<256x256xbf16>
    %convert_element_type3A_1864 = arith.extf %convert_element_type3A_1863 : vector<256x256xbf16> to vector<256x256xf32>
    %sub3A_1865 = arith.subf %get3A_1858, %convert_element_type3A_1864 : vector<256x256xf32>
    %convert_element_type3A_1866 = arith.truncf %sub3A_1865 : vector<256x256xf32> to vector<256x256xbf16>
    %dot_general3A_1867 = arith.constant dense<0.000000e+00> : vector<128x256xf32>
    %dot_general3A_1868 = tpu.matmul %convert_element_type3A_1859, %convert_element_type3A_1863, %dot_general3A_1867 {dimension_numbers = #tpu.dot_dimension_numbers<[1], [1], [0], [0], [0, 0, 1, 0], [], []>, transpose_lhs_hint = false} : vector<128x256xbf16>, vector<256x256xbf16>, vector<128x256xf32> -> vector<128x256xf32>
    %dot_general3A_1869 = arith.constant dense<0.000000e+00> : vector<128x256xf32>
    %dot_general3A_1870 = tpu.matmul %convert_element_type3A_1859, %convert_element_type3A_1866, %dot_general3A_1869 {dimension_numbers = #tpu.dot_dimension_numbers<[1], [1], [0], [0], [0, 0, 1, 0], [], []>, transpose_lhs_hint = false} : vector<128x256xbf16>, vector<256x256xbf16>, vector<128x256xf32> -> vector<128x256xf32>
    %add3A_1871 = arith.addf %dot_general3A_1868, %dot_general3A_1870 : vector<128x256xf32>
    %dot_general3A_1872 = arith.constant dense<0.000000e+00> : vector<128x256xf32>
    %dot_general3A_1873 = tpu.matmul %convert_element_type3A_1862, %convert_element_type3A_1863, %dot_general3A_1872 {dimension_numbers = #tpu.dot_dimension_numbers<[1], [1], [0], [0], [0, 0, 1, 0], [], []>, transpose_lhs_hint = false} : vector<128x256xbf16>, vector<256x256xbf16>, vector<128x256xf32> -> vector<128x256xf32>
    %add3A_1874 = arith.addf %add3A_1871, %dot_general3A_1873 : vector<128x256xf32>
    %get3A_1875 = arith.constant 0 : index
    %get3A_1876 = arith.constant 0 : index
    %get3A_1877 = vector.load %arg8[%get3A_1875, %get3A_1876] : memref<1x256xf32, #tpu.memory_space<vmem>>, vector<1x256xf32>
    %add3A_1878 = vector.broadcast %get3A_1877 : vector<1x256xf32> to vector<128x256xf32>
    %add3A_1879 = arith.addf %add3A_1874, %add3A_1878 : vector<128x256xf32>
    %reduce_sum3A_1880 = arith.constant dense<0.000000e+00> : vector<128xf32>
    %reduce_sum3A_1881 = vector.multi_reduction <add>, %add3A_1879, %reduce_sum3A_1880 [1] : vector<128x256xf32> to vector<128xf32>
    %broadcast_in_dim3A_1882 = vector.shape_cast %reduce_sum3A_1881 : vector<128xf32> to vector<128x1xf32>
    %div3A_1883 = arith.constant 2.560000e+02 : f32
    %div3A_1884 = vector.broadcast %div3A_1883 : f32 to vector<128x1xf32>
    %div3A_1885 = arith.divf %broadcast_in_dim3A_1882, %div3A_1884 : vector<128x1xf32>
    %sub3A_1886 = vector.broadcast %div3A_1885 : vector<128x1xf32> to vector<128x256xf32>
    %sub3A_1887 = arith.subf %add3A_1879, %sub3A_1886 : vector<128x256xf32>
    %integer_pow3A_1888 = arith.mulf %sub3A_1887, %sub3A_1887 : vector<128x256xf32>
    %reduce_sum3A_1889 = arith.constant dense<0.000000e+00> : vector<128xf32>
    %reduce_sum3A_1890 = vector.multi_reduction <add>, %integer_pow3A_1888, %reduce_sum3A_1889 [1] : vector<128x256xf32> to vector<128xf32>
    %broadcast_in_dim3A_1891 = vector.shape_cast %reduce_sum3A_1890 : vector<128xf32> to vector<128x1xf32>
    %div3A_1892 = arith.constant 2.560000e+02 : f32
    %div3A_1893 = vector.broadcast %div3A_1892 : f32 to vector<128x1xf32>
    %div3A_1894 = arith.divf %broadcast_in_dim3A_1891, %div3A_1893 : vector<128x1xf32>
    %sub3A_1895 = vector.broadcast %div3A_1885 : vector<128x1xf32> to vector<128x256xf32>
    %sub3A_1896 = arith.subf %add3A_1879, %sub3A_1895 : vector<128x256xf32>
    %add3A_1897 = arith.constant 9.99999974E-6 : f32
    %add3A_1898 = vector.broadcast %add3A_1897 : f32 to vector<128x1xf32>
    %add3A_1899 = arith.addf %div3A_1894, %add3A_1898 : vector<128x1xf32>
    %sqrt3A_1900 = math.sqrt %add3A_1899 : vector<128x1xf32>
    %div3A_1901 = vector.broadcast %sqrt3A_1900 : vector<128x1xf32> to vector<128x256xf32>
    %div3A_1902 = arith.divf %sub3A_1896, %div3A_1901 : vector<128x256xf32>
    %get3A_1903 = arith.constant 0 : index
    %get3A_1904 = arith.constant 0 : index
    %get3A_1905 = vector.load %arg9[%get3A_1903, %get3A_1904] : memref<1x256xf32, #tpu.memory_space<vmem>>, vector<1x256xf32>
    %mul3A_1906 = vector.broadcast %get3A_1905 : vector<1x256xf32> to vector<128x256xf32>
    %mul3A_1907 = arith.mulf %div3A_1902, %mul3A_1906 : vector<128x256xf32>
    %get3A_1908 = arith.constant 0 : index
    %get3A_1909 = arith.constant 0 : index
    %get3A_1910 = vector.load %arg10[%get3A_1908, %get3A_1909] : memref<1x256xf32, #tpu.memory_space<vmem>>, vector<1x256xf32>
    %add3A_1911 = vector.broadcast %get3A_1910 : vector<1x256xf32> to vector<128x256xf32>
    %add3A_1912 = arith.addf %mul3A_1907, %add3A_1911 : vector<128x256xf32>
    %mul3A_1913 = arith.constant 5.000000e-01 : f32
    %mul3A_1914 = vector.broadcast %mul3A_1913 : f32 to vector<128x256xf32>
    %mul3A_1915 = arith.mulf %mul3A_1914, %add3A_1912 : vector<128x256xf32>
    %mul3A_1916 = arith.constant 0.707106769 : f32
    %mul3A_1917 = vector.broadcast %mul3A_1916 : f32 to vector<128x256xf32>
    %mul3A_1918 = arith.mulf %add3A_1912, %mul3A_1917 : vector<128x256xf32>
    %erf3A_1919 = math.erf %mul3A_1918 : vector<128x256xf32>
    %add3A_1920 = arith.constant 1.000000e+00 : f32
    %add3A_1921 = vector.broadcast %add3A_1920 : f32 to vector<128x256xf32>
    %add3A_1922 = arith.addf %add3A_1921, %erf3A_1919 : vector<128x256xf32>
    %mul3A_1923 = arith.mulf %mul3A_1915, %add3A_1922 : vector<128x256xf32>
    %get3A_1924 = arith.constant 0 : index
    %get3A_1925 = arith.constant 0 : index
    %get3A_1926 = vector.load %arg11[%get3A_1924, %get3A_1925] : memref<256x256xf32, #tpu.memory_space<vmem>>, vector<256x256xf32>
    %convert_element_type3A_1927 = arith.truncf %mul3A_1923 : vector<128x256xf32> to vector<128x256xbf16>
    %convert_element_type3A_1928 = arith.extf %convert_element_type3A_1927 : vector<128x256xbf16> to vector<128x256xf32>
    %sub3A_1929 = arith.subf %mul3A_1923, %convert_element_type3A_1928 : vector<128x256xf32>
    %convert_element_type3A_1930 = arith.truncf %sub3A_1929 : vector<128x256xf32> to vector<128x256xbf16>
    %convert_element_type3A_1931 = arith.truncf %get3A_1926 : vector<256x256xf32> to vector<256x256xbf16>
    %convert_element_type3A_1932 = arith.extf %convert_element_type3A_1931 : vector<256x256xbf16> to vector<256x256xf32>
    %sub3A_1933 = arith.subf %get3A_1926, %convert_element_type3A_1932 : vector<256x256xf32>
    %convert_element_type3A_1934 = arith.truncf %sub3A_1933 : vector<256x256xf32> to vector<256x256xbf16>
    %dot_general3A_1935 = arith.constant dense<0.000000e+00> : vector<128x256xf32>
    %dot_general3A_1936 = tpu.matmul %convert_element_type3A_1927, %convert_element_type3A_1931, %dot_general3A_1935 {dimension_numbers = #tpu.dot_dimension_numbers<[1], [1], [0], [0], [0, 0, 1, 0], [], []>, transpose_lhs_hint = false} : vector<128x256xbf16>, vector<256x256xbf16>, vector<128x256xf32> -> vector<128x256xf32>
    %dot_general3A_1937 = arith.constant dense<0.000000e+00> : vector<128x256xf32>
    %dot_general3A_1938 = tpu.matmul %convert_element_type3A_1927, %convert_element_type3A_1934, %dot_general3A_1937 {dimension_numbers = #tpu.dot_dimension_numbers<[1], [1], [0], [0], [0, 0, 1, 0], [], []>, transpose_lhs_hint = false} : vector<128x256xbf16>, vector<256x256xbf16>, vector<128x256xf32> -> vector<128x256xf32>
    %add3A_1939 = arith.addf %dot_general3A_1936, %dot_general3A_1938 : vector<128x256xf32>
    %dot_general3A_1940 = arith.constant dense<0.000000e+00> : vector<128x256xf32>
    %dot_general3A_1941 = tpu.matmul %convert_element_type3A_1930, %convert_element_type3A_1931, %dot_general3A_1940 {dimension_numbers = #tpu.dot_dimension_numbers<[1], [1], [0], [0], [0, 0, 1, 0], [], []>, transpose_lhs_hint = false} : vector<128x256xbf16>, vector<256x256xbf16>, vector<128x256xf32> -> vector<128x256xf32>
    %add3A_1942 = arith.addf %add3A_1939, %dot_general3A_1941 : vector<128x256xf32>
    %get3A_1943 = arith.constant 0 : index
    %get3A_1944 = arith.constant 0 : index
    %get3A_1945 = vector.load %arg12[%get3A_1943, %get3A_1944] : memref<1x256xf32, #tpu.memory_space<vmem>>, vector<1x256xf32>
    %add3A_1946 = vector.broadcast %get3A_1945 : vector<1x256xf32> to vector<128x256xf32>
    %add3A_1947 = arith.addf %add3A_1942, %add3A_1946 : vector<128x256xf32>
    %ge3A_1948 = arith.constant 2.000000e+00 : f32
    %ge3A_1949 = vector.broadcast %ge3A_1948 : f32 to vector<128x1xf32>
    %ge3A_1950 = arith.cmpf oge, %slice3A_1708, %ge3A_1949 : vector<128x1xf32>
    %ge3A_1951 = arith.constant 2.000000e+00 : f32
    %ge3A_1952 = arith.cmpf oge, %reduce_sum3A_1731, %ge3A_1951 : f32
    %and3A_1953 = vector.broadcast %ge3A_1952 : i1 to vector<128x1xi1>
    %and3A_1954 = arith.andi %ge3A_1950, %and3A_1953 : vector<128x1xi1>
    %jit3A_1955 = arith.constant 0.000000e+00 : f32
    %broadcast_in_dim3A_1956 = vector.shape_cast %and3A_1954 : vector<128x1xi1> to vector<128x1xi1>
    %broadcast_in_dim3A_1957 = vector.broadcast %broadcast_in_dim3A_1956 : vector<128x1xi1> to vector<128x256xi1>
    %broadcast_in_dim3A_1958 = vector.broadcast %jit3A_1955 : f32 to vector<128x256xf32>
    %select_n3A_1959 = arith.select %broadcast_in_dim3A_1957, %add3A_1947, %broadcast_in_dim3A_1958 : vector<128x256xi1>, vector<128x256xf32>
    %swap3A_1960 = arith.constant 768 : index
    %swap3A_1961 = arith.constant 0 : index
    %swap3A_1962 = vector.load %arg13[%swap3A_1960, %swap3A_1961] : memref<1024x256xf32, #tpu.memory_space<vmem>>, vector<128x256xf32>
    tpu.vector_store %arg13[%swap3A_1960, %swap3A_1961], %select_n3A_1959 {strides = array<i32>} : memref<1024x256xf32, #tpu.memory_space<vmem>>, vector<128x256xf32>,
    %get3A_1963 = arith.constant 7 : index
    %get3A_1964 = arith.constant 0 : index
    %get3A_1965 = arith.constant 0 : index
    %get3A_1966 = vector.load %arg1[%get3A_1963, %get3A_1964, %get3A_1965] : memref<8x3x4096xf32, #tpu.memory_space<vmem>>, vector<1x3x4096xf32>
    %get3A_1967 = vector.shape_cast %get3A_1966 : vector<1x3x4096xf32> to vector<3x4096xf32>
    %get3A_1968 = arith.constant 7 : index
    %get3A_1969 = arith.constant 0 : index
    %get3A_1970 = vector.load %arg2[%get3A_1968, %get3A_1969] : memref<8x4096xi32, #tpu.memory_space<vmem>>, vector<1x4096xi32>
    %iota3A_1971 = tpu.iota {dimensions = array<i32: 0>} : vector<128x1xi32>
    %eq3A_1972 = vector.broadcast %get3A_1970 : vector<1x4096xi32> to vector<128x4096xi32>
    %eq3A_1973 = vector.broadcast %iota3A_1971 : vector<128x1xi32> to vector<128x4096xi32>
    %eq3A_1974 = arith.cmpi eq, %eq3A_1972, %eq3A_1973 : vector<128x4096xi32>
    %convert_element_type3A_1975 = arith.extui %eq3A_1974 : vector<128x4096xi1> to vector<128x4096xi32>
    %convert_element_type3A_1976 = arith.sitofp %convert_element_type3A_1975 : vector<128x4096xi32> to vector<128x4096xf32>
    %convert_element_type3A_1977 = arith.truncf %convert_element_type3A_1976 : vector<128x4096xf32> to vector<128x4096xbf16>
    %broadcast_in_dim3A_1978 = arith.constant 1.000000e+00 : f32
    %broadcast_in_dim3A_1979 = vector.broadcast %broadcast_in_dim3A_1978 : f32 to vector<1x4096xf32>
    %concatenate3A_1980 = tpu.concatenate %get3A_1967, %broadcast_in_dim3A_1979 in 0 : vector<3x4096xf32>, vector<1x4096xf32> -> vector<4x4096xf32>
    %convert_element_type3A_1981 = arith.truncf %concatenate3A_1980 : vector<4x4096xf32> to vector<4x4096xbf16>
    %convert_element_type3A_1982 = arith.extf %convert_element_type3A_1981 : vector<4x4096xbf16> to vector<4x4096xf32>
    %sub3A_1983 = arith.subf %concatenate3A_1980, %convert_element_type3A_1982 : vector<4x4096xf32>
    %convert_element_type3A_1984 = arith.truncf %sub3A_1983 : vector<4x4096xf32> to vector<4x4096xbf16>
    %concatenate3A_1985 = tpu.concatenate %convert_element_type3A_1981, %convert_element_type3A_1984 in 0 : vector<4x4096xbf16>, vector<4x4096xbf16> -> vector<8x4096xbf16>
    %dot_general3A_1986 = arith.constant dense<0.000000e+00> : vector<128x8xf32>
    %dot_general3A_1987 = tpu.matmul %convert_element_type3A_1977, %concatenate3A_1985, %dot_general3A_1986 {dimension_numbers = #tpu.dot_dimension_numbers<[1], [1], [0], [0], [0, 0, 1, 0], [], []>, transpose_lhs_hint = false} : vector<128x4096xbf16>, vector<8x4096xbf16>, vector<128x8xf32> -> vector<128x8xf32>
    %slice3A_1988 = vector.extract_strided_slice %dot_general3A_1987 {offsets = [0, 0], sizes = [128, 4], strides = [1, 1]} : vector<128x8xf32> to vector<128x4xf32>
    %slice3A_1989 = vector.extract_strided_slice %dot_general3A_1987 {offsets = [0, 4], sizes = [128, 4], strides = [1, 1]} : vector<128x8xf32> to vector<128x4xf32>
    %add3A_1990 = arith.addf %slice3A_1988, %slice3A_1989 : vector<128x4xf32>
    %transpose3A_1991 = tpu.transpose %add3A_1990, [1, 0] : vector<128x4xf32> -> vector<4x128xf32>
    %slice3A_1992 = vector.extract_strided_slice %add3A_1990 {offsets = [0, 3], sizes = [128, 1], strides = [1, 1]} : vector<128x4xf32> to vector<128x1xf32>
    %slice3A_1993 = vector.extract_strided_slice %add3A_1990 {offsets = [0, 0], sizes = [128, 3], strides = [1, 1]} : vector<128x4xf32> to vector<128x3xf32>
    %max3A_1994 = arith.constant 1.000000e+00 : f32
    %max3A_1995 = vector.broadcast %max3A_1994 : f32 to vector<128x1xf32>
    %max3A_1996 = arith.maximumf %slice3A_1992, %max3A_1995 : vector<128x1xf32>
    %div3A_1997 = vector.broadcast %max3A_1996 : vector<128x1xf32> to vector<128x3xf32>
    %div3A_1998 = arith.divf %slice3A_1993, %div3A_1997 : vector<128x3xf32>
    %slice3A_1999 = vector.extract_strided_slice %transpose3A_1991 {offsets = [3, 0], sizes = [1, 128], strides = [1, 1]} : vector<4x128xf32> to vector<1x128xf32>
    %slice3A_2000 = vector.extract_strided_slice %transpose3A_1991 {offsets = [0, 0], sizes = [3, 128], strides = [1, 1]} : vector<4x128xf32> to vector<3x128xf32>
    %max3A_2001 = arith.constant 1.000000e+00 : f32
    %max3A_2002 = vector.broadcast %max3A_2001 : f32 to vector<1x128xf32>
    %max3A_2003 = arith.maximumf %slice3A_1999, %max3A_2002 : vector<1x128xf32>
    %div3A_2004 = vector.broadcast %max3A_2003 : vector<1x128xf32> to vector<3x128xf32>
    %div3A_2005 = arith.divf %slice3A_2000, %div3A_2004 : vector<3x128xf32>
    %ge3A_2006 = arith.constant 2.000000e+00 : f32
    %ge3A_2007 = vector.broadcast %ge3A_2006 : f32 to vector<1x128xf32>
    %ge3A_2008 = arith.cmpf oge, %slice3A_1999, %ge3A_2007 : vector<1x128xf32>
    %convert_element_type3A_2009 = arith.extui %ge3A_2008 : vector<1x128xi1> to vector<1x128xi32>
    %convert_element_type3A_2010 = arith.sitofp %convert_element_type3A_2009 : vector<1x128xi32> to vector<1x128xf32>
    %reduce_sum3A_2011 = vector.shape_cast %convert_element_type3A_2010 : vector<1x128xf32> to vector<1x1x128xf32>
    %reduce_sum3A_2012 = arith.constant dense<0.000000e+00> : vector<1xf32>
    %reduce_sum3A_2013 = vector.multi_reduction <add>, %reduce_sum3A_2011, %reduce_sum3A_2012 [1, 2] : vector<1x1x128xf32> to vector<1xf32>
    %reduce_sum3A_2014 = vector.shape_cast %reduce_sum3A_2013 : vector<1xf32> to vector<1x1x1xf32>
    %reduce_sum3A_2015 = vector.extract %reduce_sum3A_2014[0, 0, 0] : f32 from vector<1x1x1xf32>
    %max3A_2016 = arith.constant 1.000000e+00 : f32
    %max3A_2017 = arith.maximumf %reduce_sum3A_2015, %max3A_2016 : f32
    %slice3A_2018 = vector.extract_strided_slice %div3A_1998 {offsets = [0, 0], sizes = [128, 1], strides = [1, 1]} : vector<128x3xf32> to vector<128x1xf32>
    %slice3A_2019 = vector.extract_strided_slice %div3A_2005 {offsets = [0, 0], sizes = [1, 128], strides = [1, 1]} : vector<3x128xf32> to vector<1x128xf32>
    %sub3A_2020 = vector.broadcast %slice3A_2018 : vector<128x1xf32> to vector<128x128xf32>
    %sub3A_2021 = vector.broadcast %slice3A_2019 : vector<1x128xf32> to vector<128x128xf32>
    %sub3A_2022 = arith.subf %sub3A_2020, %sub3A_2021 : vector<128x128xf32>
    %slice3A_2023 = vector.extract_strided_slice %div3A_1998 {offsets = [0, 1], sizes = [128, 1], strides = [1, 1]} : vector<128x3xf32> to vector<128x1xf32>
    %slice3A_2024 = vector.extract_strided_slice %div3A_2005 {offsets = [1, 0], sizes = [1, 128], strides = [1, 1]} : vector<3x128xf32> to vector<1x128xf32>
    %sub3A_2025 = vector.broadcast %slice3A_2023 : vector<128x1xf32> to vector<128x128xf32>
    %sub3A_2026 = vector.broadcast %slice3A_2024 : vector<1x128xf32> to vector<128x128xf32>
    %sub3A_2027 = arith.subf %sub3A_2025, %sub3A_2026 : vector<128x128xf32>
    %slice3A_2028 = vector.extract_strided_slice %div3A_1998 {offsets = [0, 2], sizes = [128, 1], strides = [1, 1]} : vector<128x3xf32> to vector<128x1xf32>
    %slice3A_2029 = vector.extract_strided_slice %div3A_2005 {offsets = [2, 0], sizes = [1, 128], strides = [1, 1]} : vector<3x128xf32> to vector<1x128xf32>
    %sub3A_2030 = vector.broadcast %slice3A_2028 : vector<128x1xf32> to vector<128x128xf32>
    %sub3A_2031 = vector.broadcast %slice3A_2029 : vector<1x128xf32> to vector<128x128xf32>
    %sub3A_2032 = arith.subf %sub3A_2030, %sub3A_2031 : vector<128x128xf32>
    %mul3A_2033 = arith.mulf %sub3A_2022, %sub3A_2022 : vector<128x128xf32>
    %mul3A_2034 = arith.mulf %sub3A_2027, %sub3A_2027 : vector<128x128xf32>
    %add3A_2035 = arith.addf %mul3A_2033, %mul3A_2034 : vector<128x128xf32>
    %mul3A_2036 = arith.mulf %sub3A_2032, %sub3A_2032 : vector<128x128xf32>
    %add3A_2037 = arith.addf %add3A_2035, %mul3A_2036 : vector<128x128xf32>
    %gt3A_2038 = arith.constant 0.000000e+00 : f32
    %gt3A_2039 = vector.broadcast %gt3A_2038 : f32 to vector<128x128xf32>
    %gt3A_2040 = arith.cmpf ogt, %add3A_2037, %gt3A_2039 : vector<128x128xf32>
    %jit3A_2041 = arith.constant 1.000000e+00 : f32
    %broadcast_in_dim3A_2042 = vector.broadcast %jit3A_2041 : f32 to vector<128x128xf32>
    %select_n3A_2043 = arith.select %gt3A_2040, %add3A_2037, %broadcast_in_dim3A_2042 : vector<128x128xi1>, vector<128x128xf32>
    %sqrt3A_2044 = math.sqrt %select_n3A_2043 : vector<128x128xf32>
    %jit3A_2045 = arith.constant 0.000000e+00 : f32
    %broadcast_in_dim3A_2046 = vector.broadcast %jit3A_2045 : f32 to vector<128x128xf32>
    %select_n3A_2047 = arith.select %gt3A_2040, %sqrt3A_2044, %broadcast_in_dim3A_2046 : vector<128x128xi1>, vector<128x128xf32>
    %mul3A_2048 = vector.broadcast %convert_element_type3A_2010 : vector<1x128xf32> to vector<128x128xf32>
    %mul3A_2049 = arith.mulf %select_n3A_2047, %mul3A_2048 : vector<128x128xf32>
    %reduce_sum3A_2050 = arith.constant dense<0.000000e+00> : vector<128xf32>
    %reduce_sum3A_2051 = vector.multi_reduction <add>, %mul3A_2049, %reduce_sum3A_2050 [1] : vector<128x128xf32> to vector<128xf32>
    %broadcast_in_dim3A_2052 = vector.shape_cast %reduce_sum3A_2051 : vector<128xf32> to vector<128x1xf32>
    %div3A_2053 = vector.broadcast %max3A_2017 : f32 to vector<128x1xf32>
    %div3A_2054 = arith.divf %broadcast_in_dim3A_2052, %div3A_2053 : vector<128x1xf32>
    %gt3A_2055 = arith.constant 0.000000e+00 : f32
    %gt3A_2056 = vector.broadcast %gt3A_2055 : f32 to vector<1x128xf32>
    %gt3A_2057 = arith.cmpf ogt, %convert_element_type3A_2010, %gt3A_2056 : vector<1x128xf32>
    %jit3A_2058 = arith.constant 1.000000e+09 : f32
    %broadcast_in_dim3A_2059 = vector.shape_cast %gt3A_2057 : vector<1x128xi1> to vector<1x128xi1>
    %broadcast_in_dim3A_2060 = vector.broadcast %broadcast_in_dim3A_2059 : vector<1x128xi1> to vector<128x128xi1>
    %broadcast_in_dim3A_2061 = vector.broadcast %jit3A_2058 : f32 to vector<128x128xf32>
    %select_n3A_2062 = arith.select %broadcast_in_dim3A_2060, %select_n3A_2047, %broadcast_in_dim3A_2061 : vector<128x128xi1>, vector<128x128xf32>
    %reduce_min3A_2063 = arith.constant dense<0x7F800000> : vector<128xf32>
    %reduce_min3A_2064 = vector.multi_reduction <minimumf>, %select_n3A_2062, %reduce_min3A_2063 [1] : vector<128x128xf32> to vector<128xf32>
    %broadcast_in_dim3A_2065 = vector.shape_cast %reduce_min3A_2064 : vector<128xf32> to vector<128x1xf32>
    %slice3A_2066 = vector.extract_strided_slice %div3A_1998 {offsets = [0, 2], sizes = [128, 1], strides = [1, 1]} : vector<128x3xf32> to vector<128x1xf32>
    %slice3A_2067 = vector.extract_strided_slice %div3A_2005 {offsets = [2, 0], sizes = [1, 128], strides = [1, 1]} : vector<3x128xf32> to vector<1x128xf32>
    %gt3A_2068 = vector.broadcast %slice3A_2066 : vector<128x1xf32> to vector<128x128xf32>
    %gt3A_2069 = vector.broadcast %slice3A_2067 : vector<1x128xf32> to vector<128x128xf32>
    %gt3A_2070 = arith.cmpf ogt, %gt3A_2068, %gt3A_2069 : vector<128x128xf32>
    %convert_element_type3A_2071 = arith.extui %gt3A_2070 : vector<128x128xi1> to vector<128x128xi32>
    %convert_element_type3A_2072 = arith.sitofp %convert_element_type3A_2071 : vector<128x128xi32> to vector<128x128xf32>
    %mul3A_2073 = vector.broadcast %convert_element_type3A_2010 : vector<1x128xf32> to vector<128x128xf32>
    %mul3A_2074 = arith.mulf %convert_element_type3A_2072, %mul3A_2073 : vector<128x128xf32>
    %reduce_sum3A_2075 = arith.constant dense<0.000000e+00> : vector<128xf32>
    %reduce_sum3A_2076 = vector.multi_reduction <add>, %mul3A_2074, %reduce_sum3A_2075 [1] : vector<128x128xf32> to vector<128xf32>
    %broadcast_in_dim3A_2077 = vector.shape_cast %reduce_sum3A_2076 : vector<128xf32> to vector<128x1xf32>
    %div3A_2078 = vector.broadcast %max3A_2017 : f32 to vector<128x1xf32>
    %div3A_2079 = arith.divf %broadcast_in_dim3A_2077, %div3A_2078 : vector<128x1xf32>
    %concatenate3A_2080 = tpu.concatenate %div3A_2054, %broadcast_in_dim3A_2065, %slice3A_2066, %div3A_2079 in 1 : vector<128x1xf32>, vector<128x1xf32>, vector<128x1xf32>, vector<128x1xf32> -> vector<128x4xf32>
    %get3A_2081 = arith.constant 0 : index
    %get3A_2082 = arith.constant 0 : index
    %get3A_2083 = vector.load %arg3[%get3A_2081, %get3A_2082] : memref<64x4xf32, #tpu.memory_space<vmem>>, vector<64x4xf32>
    %convert_element_type3A_2084 = arith.truncf %concatenate3A_2080 : vector<128x4xf32> to vector<128x4xbf16>
    %convert_element_type3A_2085 = arith.extf %convert_element_type3A_2084 : vector<128x4xbf16> to vector<128x4xf32>
    %sub3A_2086 = arith.subf %concatenate3A_2080, %convert_element_type3A_2085 : vector<128x4xf32>
    %convert_element_type3A_2087 = arith.truncf %sub3A_2086 : vector<128x4xf32> to vector<128x4xbf16>
    %convert_element_type3A_2088 = arith.truncf %get3A_2083 : vector<64x4xf32> to vector<64x4xbf16>
    %convert_element_type3A_2089 = arith.extf %convert_element_type3A_2088 : vector<64x4xbf16> to vector<64x4xf32>
    %sub3A_2090 = arith.subf %get3A_2083, %convert_element_type3A_2089 : vector<64x4xf32>
    %convert_element_type3A_2091 = arith.truncf %sub3A_2090 : vector<64x4xf32> to vector<64x4xbf16>
    %dot_general3A_2092 = arith.constant dense<0.000000e+00> : vector<128x64xf32>
    %dot_general3A_2093 = tpu.matmul %convert_element_type3A_2084, %convert_element_type3A_2088, %dot_general3A_2092 {dimension_numbers = #tpu.dot_dimension_numbers<[1], [1], [0], [0], [0, 0, 1, 0], [], []>, transpose_lhs_hint = false} : vector<128x4xbf16>, vector<64x4xbf16>, vector<128x64xf32> -> vector<128x64xf32>
    %dot_general3A_2094 = arith.constant dense<0.000000e+00> : vector<128x64xf32>
    %dot_general3A_2095 = tpu.matmul %convert_element_type3A_2084, %convert_element_type3A_2091, %dot_general3A_2094 {dimension_numbers = #tpu.dot_dimension_numbers<[1], [1], [0], [0], [0, 0, 1, 0], [], []>, transpose_lhs_hint = false} : vector<128x4xbf16>, vector<64x4xbf16>, vector<128x64xf32> -> vector<128x64xf32>
    %add3A_2096 = arith.addf %dot_general3A_2093, %dot_general3A_2095 : vector<128x64xf32>
    %dot_general3A_2097 = arith.constant dense<0.000000e+00> : vector<128x64xf32>
    %dot_general3A_2098 = tpu.matmul %convert_element_type3A_2087, %convert_element_type3A_2088, %dot_general3A_2097 {dimension_numbers = #tpu.dot_dimension_numbers<[1], [1], [0], [0], [0, 0, 1, 0], [], []>, transpose_lhs_hint = false} : vector<128x4xbf16>, vector<64x4xbf16>, vector<128x64xf32> -> vector<128x64xf32>
    %add3A_2099 = arith.addf %add3A_2096, %dot_general3A_2098 : vector<128x64xf32>
    %get3A_2100 = arith.constant 0 : index
    %get3A_2101 = arith.constant 0 : index
    %get3A_2102 = vector.load %arg4[%get3A_2100, %get3A_2101] : memref<1x64xf32, #tpu.memory_space<vmem>>, vector<1x64xf32>
    %add3A_2103 = vector.broadcast %get3A_2102 : vector<1x64xf32> to vector<128x64xf32>
    %add3A_2104 = arith.addf %add3A_2099, %add3A_2103 : vector<128x64xf32>
    %mul3A_2105 = arith.constant 5.000000e-01 : f32
    %mul3A_2106 = vector.broadcast %mul3A_2105 : f32 to vector<128x64xf32>
    %mul3A_2107 = arith.mulf %mul3A_2106, %add3A_2104 : vector<128x64xf32>
    %mul3A_2108 = arith.constant 0.707106769 : f32
    %mul3A_2109 = vector.broadcast %mul3A_2108 : f32 to vector<128x64xf32>
    %mul3A_2110 = arith.mulf %add3A_2104, %mul3A_2109 : vector<128x64xf32>
    %erf3A_2111 = math.erf %mul3A_2110 : vector<128x64xf32>
    %add3A_2112 = arith.constant 1.000000e+00 : f32
    %add3A_2113 = vector.broadcast %add3A_2112 : f32 to vector<128x64xf32>
    %add3A_2114 = arith.addf %add3A_2113, %erf3A_2111 : vector<128x64xf32>
    %mul3A_2115 = arith.mulf %mul3A_2107, %add3A_2114 : vector<128x64xf32>
    %get3A_2116 = arith.constant 0 : index
    %get3A_2117 = arith.constant 0 : index
    %get3A_2118 = vector.load %arg5[%get3A_2116, %get3A_2117] : memref<256x64xf32, #tpu.memory_space<vmem>>, vector<256x64xf32>
    %convert_element_type3A_2119 = arith.truncf %mul3A_2115 : vector<128x64xf32> to vector<128x64xbf16>
    %convert_element_type3A_2120 = arith.extf %convert_element_type3A_2119 : vector<128x64xbf16> to vector<128x64xf32>
    %sub3A_2121 = arith.subf %mul3A_2115, %convert_element_type3A_2120 : vector<128x64xf32>
    %convert_element_type3A_2122 = arith.truncf %sub3A_2121 : vector<128x64xf32> to vector<128x64xbf16>
    %convert_element_type3A_2123 = arith.truncf %get3A_2118 : vector<256x64xf32> to vector<256x64xbf16>
    %convert_element_type3A_2124 = arith.extf %convert_element_type3A_2123 : vector<256x64xbf16> to vector<256x64xf32>
    %sub3A_2125 = arith.subf %get3A_2118, %convert_element_type3A_2124 : vector<256x64xf32>
    %convert_element_type3A_2126 = arith.truncf %sub3A_2125 : vector<256x64xf32> to vector<256x64xbf16>
    %dot_general3A_2127 = arith.constant dense<0.000000e+00> : vector<128x256xf32>
    %dot_general3A_2128 = tpu.matmul %convert_element_type3A_2119, %convert_element_type3A_2123, %dot_general3A_2127 {dimension_numbers = #tpu.dot_dimension_numbers<[1], [1], [0], [0], [0, 0, 1, 0], [], []>, transpose_lhs_hint = false} : vector<128x64xbf16>, vector<256x64xbf16>, vector<128x256xf32> -> vector<128x256xf32>
    %dot_general3A_2129 = arith.constant dense<0.000000e+00> : vector<128x256xf32>
    %dot_general3A_2130 = tpu.matmul %convert_element_type3A_2119, %convert_element_type3A_2126, %dot_general3A_2129 {dimension_numbers = #tpu.dot_dimension_numbers<[1], [1], [0], [0], [0, 0, 1, 0], [], []>, transpose_lhs_hint = false} : vector<128x64xbf16>, vector<256x64xbf16>, vector<128x256xf32> -> vector<128x256xf32>
    %add3A_2131 = arith.addf %dot_general3A_2128, %dot_general3A_2130 : vector<128x256xf32>
    %dot_general3A_2132 = arith.constant dense<0.000000e+00> : vector<128x256xf32>
    %dot_general3A_2133 = tpu.matmul %convert_element_type3A_2122, %convert_element_type3A_2123, %dot_general3A_2132 {dimension_numbers = #tpu.dot_dimension_numbers<[1], [1], [0], [0], [0, 0, 1, 0], [], []>, transpose_lhs_hint = false} : vector<128x64xbf16>, vector<256x64xbf16>, vector<128x256xf32> -> vector<128x256xf32>
    %add3A_2134 = arith.addf %add3A_2131, %dot_general3A_2133 : vector<128x256xf32>
    %get3A_2135 = arith.constant 0 : index
    %get3A_2136 = arith.constant 0 : index
    %get3A_2137 = vector.load %arg6[%get3A_2135, %get3A_2136] : memref<1x256xf32, #tpu.memory_space<vmem>>, vector<1x256xf32>
    %add3A_2138 = vector.broadcast %get3A_2137 : vector<1x256xf32> to vector<128x256xf32>
    %add3A_2139 = arith.addf %add3A_2134, %add3A_2138 : vector<128x256xf32>
    %get3A_2140 = arith.constant 0 : index
    %get3A_2141 = arith.constant 0 : index
    %get3A_2142 = vector.load %arg7[%get3A_2140, %get3A_2141] : memref<256x256xf32, #tpu.memory_space<vmem>>, vector<256x256xf32>
    %convert_element_type3A_2143 = arith.truncf %add3A_2139 : vector<128x256xf32> to vector<128x256xbf16>
    %convert_element_type3A_2144 = arith.extf %convert_element_type3A_2143 : vector<128x256xbf16> to vector<128x256xf32>
    %sub3A_2145 = arith.subf %add3A_2139, %convert_element_type3A_2144 : vector<128x256xf32>
    %convert_element_type3A_2146 = arith.truncf %sub3A_2145 : vector<128x256xf32> to vector<128x256xbf16>
    %convert_element_type3A_2147 = arith.truncf %get3A_2142 : vector<256x256xf32> to vector<256x256xbf16>
    %convert_element_type3A_2148 = arith.extf %convert_element_type3A_2147 : vector<256x256xbf16> to vector<256x256xf32>
    %sub3A_2149 = arith.subf %get3A_2142, %convert_element_type3A_2148 : vector<256x256xf32>
    %convert_element_type3A_2150 = arith.truncf %sub3A_2149 : vector<256x256xf32> to vector<256x256xbf16>
    %dot_general3A_2151 = arith.constant dense<0.000000e+00> : vector<128x256xf32>
    %dot_general3A_2152 = tpu.matmul %convert_element_type3A_2143, %convert_element_type3A_2147, %dot_general3A_2151 {dimension_numbers = #tpu.dot_dimension_numbers<[1], [1], [0], [0], [0, 0, 1, 0], [], []>, transpose_lhs_hint = false} : vector<128x256xbf16>, vector<256x256xbf16>, vector<128x256xf32> -> vector<128x256xf32>
    %dot_general3A_2153 = arith.constant dense<0.000000e+00> : vector<128x256xf32>
    %dot_general3A_2154 = tpu.matmul %convert_element_type3A_2143, %convert_element_type3A_2150, %dot_general3A_2153 {dimension_numbers = #tpu.dot_dimension_numbers<[1], [1], [0], [0], [0, 0, 1, 0], [], []>, transpose_lhs_hint = false} : vector<128x256xbf16>, vector<256x256xbf16>, vector<128x256xf32> -> vector<128x256xf32>
    %add3A_2155 = arith.addf %dot_general3A_2152, %dot_general3A_2154 : vector<128x256xf32>
    %dot_general3A_2156 = arith.constant dense<0.000000e+00> : vector<128x256xf32>
    %dot_general3A_2157 = tpu.matmul %convert_element_type3A_2146, %convert_element_type3A_2147, %dot_general3A_2156 {dimension_numbers = #tpu.dot_dimension_numbers<[1], [1], [0], [0], [0, 0, 1, 0], [], []>, transpose_lhs_hint = false} : vector<128x256xbf16>, vector<256x256xbf16>, vector<128x256xf32> -> vector<128x256xf32>
    %add3A_2158 = arith.addf %add3A_2155, %dot_general3A_2157 : vector<128x256xf32>
    %get3A_2159 = arith.constant 0 : index
    %get3A_2160 = arith.constant 0 : index
    %get3A_2161 = vector.load %arg8[%get3A_2159, %get3A_2160] : memref<1x256xf32, #tpu.memory_space<vmem>>, vector<1x256xf32>
    %add3A_2162 = vector.broadcast %get3A_2161 : vector<1x256xf32> to vector<128x256xf32>
    %add3A_2163 = arith.addf %add3A_2158, %add3A_2162 : vector<128x256xf32>
    %reduce_sum3A_2164 = arith.constant dense<0.000000e+00> : vector<128xf32>
    %reduce_sum3A_2165 = vector.multi_reduction <add>, %add3A_2163, %reduce_sum3A_2164 [1] : vector<128x256xf32> to vector<128xf32>
    %broadcast_in_dim3A_2166 = vector.shape_cast %reduce_sum3A_2165 : vector<128xf32> to vector<128x1xf32>
    %div3A_2167 = arith.constant 2.560000e+02 : f32
    %div3A_2168 = vector.broadcast %div3A_2167 : f32 to vector<128x1xf32>
    %div3A_2169 = arith.divf %broadcast_in_dim3A_2166, %div3A_2168 : vector<128x1xf32>
    %sub3A_2170 = vector.broadcast %div3A_2169 : vector<128x1xf32> to vector<128x256xf32>
    %sub3A_2171 = arith.subf %add3A_2163, %sub3A_2170 : vector<128x256xf32>
    %integer_pow3A_2172 = arith.mulf %sub3A_2171, %sub3A_2171 : vector<128x256xf32>
    %reduce_sum3A_2173 = arith.constant dense<0.000000e+00> : vector<128xf32>
    %reduce_sum3A_2174 = vector.multi_reduction <add>, %integer_pow3A_2172, %reduce_sum3A_2173 [1] : vector<128x256xf32> to vector<128xf32>
    %broadcast_in_dim3A_2175 = vector.shape_cast %reduce_sum3A_2174 : vector<128xf32> to vector<128x1xf32>
    %div3A_2176 = arith.constant 2.560000e+02 : f32
    %div3A_2177 = vector.broadcast %div3A_2176 : f32 to vector<128x1xf32>
    %div3A_2178 = arith.divf %broadcast_in_dim3A_2175, %div3A_2177 : vector<128x1xf32>
    %sub3A_2179 = vector.broadcast %div3A_2169 : vector<128x1xf32> to vector<128x256xf32>
    %sub3A_2180 = arith.subf %add3A_2163, %sub3A_2179 : vector<128x256xf32>
    %add3A_2181 = arith.constant 9.99999974E-6 : f32
    %add3A_2182 = vector.broadcast %add3A_2181 : f32 to vector<128x1xf32>
    %add3A_2183 = arith.addf %div3A_2178, %add3A_2182 : vector<128x1xf32>
    %sqrt3A_2184 = math.sqrt %add3A_2183 : vector<128x1xf32>
    %div3A_2185 = vector.broadcast %sqrt3A_2184 : vector<128x1xf32> to vector<128x256xf32>
    %div3A_2186 = arith.divf %sub3A_2180, %div3A_2185 : vector<128x256xf32>
    %get3A_2187 = arith.constant 0 : index
    %get3A_2188 = arith.constant 0 : index
    %get3A_2189 = vector.load %arg9[%get3A_2187, %get3A_2188] : memref<1x256xf32, #tpu.memory_space<vmem>>, vector<1x256xf32>
    %mul3A_2190 = vector.broadcast %get3A_2189 : vector<1x256xf32> to vector<128x256xf32>
    %mul3A_2191 = arith.mulf %div3A_2186, %mul3A_2190 : vector<128x256xf32>
    %get3A_2192 = arith.constant 0 : index
    %get3A_2193 = arith.constant 0 : index
    %get3A_2194 = vector.load %arg10[%get3A_2192, %get3A_2193] : memref<1x256xf32, #tpu.memory_space<vmem>>, vector<1x256xf32>
    %add3A_2195 = vector.broadcast %get3A_2194 : vector<1x256xf32> to vector<128x256xf32>
    %add3A_2196 = arith.addf %mul3A_2191, %add3A_2195 : vector<128x256xf32>
    %mul3A_2197 = arith.constant 5.000000e-01 : f32
    %mul3A_2198 = vector.broadcast %mul3A_2197 : f32 to vector<128x256xf32>
    %mul3A_2199 = arith.mulf %mul3A_2198, %add3A_2196 : vector<128x256xf32>
    %mul3A_2200 = arith.constant 0.707106769 : f32
    %mul3A_2201 = vector.broadcast %mul3A_2200 : f32 to vector<128x256xf32>
    %mul3A_2202 = arith.mulf %add3A_2196, %mul3A_2201 : vector<128x256xf32>
    %erf3A_2203 = math.erf %mul3A_2202 : vector<128x256xf32>
    %add3A_2204 = arith.constant 1.000000e+00 : f32
    %add3A_2205 = vector.broadcast %add3A_2204 : f32 to vector<128x256xf32>
    %add3A_2206 = arith.addf %add3A_2205, %erf3A_2203 : vector<128x256xf32>
    %mul3A_2207 = arith.mulf %mul3A_2199, %add3A_2206 : vector<128x256xf32>
    %get3A_2208 = arith.constant 0 : index
    %get3A_2209 = arith.constant 0 : index
    %get3A_2210 = vector.load %arg11[%get3A_2208, %get3A_2209] : memref<256x256xf32, #tpu.memory_space<vmem>>, vector<256x256xf32>
    %convert_element_type3A_2211 = arith.truncf %mul3A_2207 : vector<128x256xf32> to vector<128x256xbf16>
    %convert_element_type3A_2212 = arith.extf %convert_element_type3A_2211 : vector<128x256xbf16> to vector<128x256xf32>
    %sub3A_2213 = arith.subf %mul3A_2207, %convert_element_type3A_2212 : vector<128x256xf32>
    %convert_element_type3A_2214 = arith.truncf %sub3A_2213 : vector<128x256xf32> to vector<128x256xbf16>
    %convert_element_type3A_2215 = arith.truncf %get3A_2210 : vector<256x256xf32> to vector<256x256xbf16>
    %convert_element_type3A_2216 = arith.extf %convert_element_type3A_2215 : vector<256x256xbf16> to vector<256x256xf32>
    %sub3A_2217 = arith.subf %get3A_2210, %convert_element_type3A_2216 : vector<256x256xf32>
    %convert_element_type3A_2218 = arith.truncf %sub3A_2217 : vector<256x256xf32> to vector<256x256xbf16>
    %dot_general3A_2219 = arith.constant dense<0.000000e+00> : vector<128x256xf32>
    %dot_general3A_2220 = tpu.matmul %convert_element_type3A_2211, %convert_element_type3A_2215, %dot_general3A_2219 {dimension_numbers = #tpu.dot_dimension_numbers<[1], [1], [0], [0], [0, 0, 1, 0], [], []>, transpose_lhs_hint = false} : vector<128x256xbf16>, vector<256x256xbf16>, vector<128x256xf32> -> vector<128x256xf32>
    %dot_general3A_2221 = arith.constant dense<0.000000e+00> : vector<128x256xf32>
    %dot_general3A_2222 = tpu.matmul %convert_element_type3A_2211, %convert_element_type3A_2218, %dot_general3A_2221 {dimension_numbers = #tpu.dot_dimension_numbers<[1], [1], [0], [0], [0, 0, 1, 0], [], []>, transpose_lhs_hint = false} : vector<128x256xbf16>, vector<256x256xbf16>, vector<128x256xf32> -> vector<128x256xf32>
    %add3A_2223 = arith.addf %dot_general3A_2220, %dot_general3A_2222 : vector<128x256xf32>
    %dot_general3A_2224 = arith.constant dense<0.000000e+00> : vector<128x256xf32>
    %dot_general3A_2225 = tpu.matmul %convert_element_type3A_2214, %convert_element_type3A_2215, %dot_general3A_2224 {dimension_numbers = #tpu.dot_dimension_numbers<[1], [1], [0], [0], [0, 0, 1, 0], [], []>, transpose_lhs_hint = false} : vector<128x256xbf16>, vector<256x256xbf16>, vector<128x256xf32> -> vector<128x256xf32>
    %add3A_2226 = arith.addf %add3A_2223, %dot_general3A_2225 : vector<128x256xf32>
    %get3A_2227 = arith.constant 0 : index
    %get3A_2228 = arith.constant 0 : index
    %get3A_2229 = vector.load %arg12[%get3A_2227, %get3A_2228] : memref<1x256xf32, #tpu.memory_space<vmem>>, vector<1x256xf32>
    %add3A_2230 = vector.broadcast %get3A_2229 : vector<1x256xf32> to vector<128x256xf32>
    %add3A_2231 = arith.addf %add3A_2226, %add3A_2230 : vector<128x256xf32>
    %ge3A_2232 = arith.constant 2.000000e+00 : f32
    %ge3A_2233 = vector.broadcast %ge3A_2232 : f32 to vector<128x1xf32>
    %ge3A_2234 = arith.cmpf oge, %slice3A_1992, %ge3A_2233 : vector<128x1xf32>
    %ge3A_2235 = arith.constant 2.000000e+00 : f32
    %ge3A_2236 = arith.cmpf oge, %reduce_sum3A_2015, %ge3A_2235 : f32
    %and3A_2237 = vector.broadcast %ge3A_2236 : i1 to vector<128x1xi1>
    %and3A_2238 = arith.andi %ge3A_2234, %and3A_2237 : vector<128x1xi1>
    %jit3A_2239 = arith.constant 0.000000e+00 : f32
    %broadcast_in_dim3A_2240 = vector.shape_cast %and3A_2238 : vector<128x1xi1> to vector<128x1xi1>
    %broadcast_in_dim3A_2241 = vector.broadcast %broadcast_in_dim3A_2240 : vector<128x1xi1> to vector<128x256xi1>
    %broadcast_in_dim3A_2242 = vector.broadcast %jit3A_2239 : f32 to vector<128x256xf32>
    %select_n3A_2243 = arith.select %broadcast_in_dim3A_2241, %add3A_2231, %broadcast_in_dim3A_2242 : vector<128x256xi1>, vector<128x256xf32>
    %swap3A_2244 = arith.constant 896 : index
    %swap3A_2245 = arith.constant 0 : index
    %swap3A_2246 = vector.load %arg13[%swap3A_2244, %swap3A_2245] : memref<1024x256xf32, #tpu.memory_space<vmem>>, vector<128x256xf32>
    tpu.vector_store %arg13[%swap3A_2244, %swap3A_2245], %select_n3A_2243 {strides = array<i32>} : memref<1024x256xf32, #tpu.memory_space<vmem>>, vector<128x256xf32>,
    return
  }
  func.func @transform_0(%arg0: i32) -> (i32, i32, i32) {
    %c0_i32 = arith.constant 0 : i32
    %c0_i32_0 = arith.constant 0 : i32
    %c0_i32_1 = arith.constant 0 : i32
    return %arg0, %c0_i32, %c0_i32_0 : i32, i32, i32
  }
  func.func @transform_1(%arg0: i32) -> (i32, i32) {
    %c0_i32 = arith.constant 0 : i32
    %c0_i32_0 = arith.constant 0 : i32
    return %arg0, %c0_i32 : i32, i32
  }
  func.func @transform_2(%arg0: i32) -> (i32, i32) {
    %c0_i32 = arith.constant 0 : i32
    %c0_i32_0 = arith.constant 0 : i32
    %c0_i32_1 = arith.constant 0 : i32
    return %c0_i32, %c0_i32_0 : i32, i32
  }
  func.func @transform_3(%arg0: i32) -> (i32, i32) {
    %c0_i32 = arith.constant 0 : i32
    %c0_i32_0 = arith.constant 0 : i32
    %c0_i32_1 = arith.constant 0 : i32
    return %c0_i32, %c0_i32_0 : i32, i32
  }
  func.func @transform_4(%arg0: i32) -> (i32, i32) {
    %c0_i32 = arith.constant 0 : i32
    %c0_i32_0 = arith.constant 0 : i32
    %c0_i32_1 = arith.constant 0 : i32
    return %c0_i32, %c0_i32_0 : i32, i32
  }
  func.func @transform_5(%arg0: i32) -> (i32, i32) {
    %c0_i32 = arith.constant 0 : i32
    %c0_i32_0 = arith.constant 0 : i32
    %c0_i32_1 = arith.constant 0 : i32
    return %c0_i32, %c0_i32_0 : i32, i32
  }
  func.func @transform_6(%arg0: i32) -> (i32, i32) {
    %c0_i32 = arith.constant 0 : i32
    %c0_i32_0 = arith.constant 0 : i32
    %c0_i32_1 = arith.constant 0 : i32
    return %c0_i32, %c0_i32_0 : i32, i32
  }
  func.func @transform_7(%arg0: i32) -> (i32, i32) {
    %c0_i32 = arith.constant 0 : i32
    %c0_i32_0 = arith.constant 0 : i32
    %c0_i32_1 = arith.constant 0 : i32
    return %c0_i32, %c0_i32_0 : i32, i32
  }
  func.func @transform_8(%arg0: i32) -> (i32, i32) {
    %c0_i32 = arith.constant 0 : i32
    %c0_i32_0 = arith.constant 0 : i32
    %c0_i32_1 = arith.constant 0 : i32
    return %c0_i32, %c0_i32_0 : i32, i32
  }
  func.func @transform_9(%arg0: i32) -> (i32, i32) {
    %c0_i32 = arith.constant 0 : i32
    %c0_i32_0 = arith.constant 0 : i32
    %c0_i32_1 = arith.constant 0 : i32
    return %c0_i32, %c0_i32_0 : i32, i32
  }
  func.func @transform_10(%arg0: i32) -> (i32, i32) {
    %c0_i32 = arith.constant 0 : i32
    %c0_i32_0 = arith.constant 0 : i32
    %c0_i32_1 = arith.constant 0 : i32
    return %c0_i32, %c0_i32_0 : i32, i32
  }
  func.func @transform_11(%arg0: i32) -> (i32, i32) {
    %c0_i32 = arith.constant 0 : i32
    %c0_i32_0 = arith.constant 0 : i32
    %c0_i32_1 = arith.constant 0 : i32
    return %c0_i32, %c0_i32_0 : i32, i32
  }
  func.func @transform_12(%arg0: i32) -> (i32, i32) {
    %c0_i32 = arith.constant 0 : i32
    %c0_i32_0 = arith.constant 0 : i32
    return %arg0, %c0_i32 : i32, i32
  }
}

</mosaic_0001>

<sc_bundles>
// kernel: kernel.4.cloned.1.call-start
scs
__scs_entry_jumppad:
0x0: {  	(pc) =	sbr.rel $0x88, $3  }
0x1: {  	(tag) =	ssettag $0x0;
	lr =	simm.s32 $0x1  }
0x2: {  	[smem:$0x3F95] =	sst lr;
	_ =	strace $0xD0000000  }
0x3: {  	_ = 	snop  }
0x4: {  	_ = 	snop  }
0x5: {  	_ = 	snop  }
0x6: {  	_ = 	snop  }
0x7: {  	_ = 	snop  }
__scs_overlays_trampoline_lowered:
0x8: {  	[smem:$0x3FA4] =	sst s0  }
0x9: {  	[smem:$0x3FA5] =	sst s1  }
0xa: {  	[smem:$0x3FA6] =	sst s2  }
0xb: {  	[smem:$0x3FA7] =	sst s3  }
0xc: {  	[smem:$0x3FA8] =	sst s4  }
0xd: {  	[smem:$0x3FA9] =	sst s5  }
0xe: {  	[smem:$0x3FAA] =	sst s6  }
0xf: {  	[smem:$0x3FAB] =	sst s7  }
0x10: {  	[smem:$0x3FAC] =	sst s8  }
0x11: {  	[smem:$0x3FAD] =	sst s9;
	s0 =	simm.s32 @!p0 $0x0  }
0x12: {  	s1 =	sld [smem:$0x3F93];
	s0 =	simm.s32 @p0 $0x1  }
0x13: {  	[smem:$0x3FAE] =	sst s0;
	s0 =	simm.s32 @!p1 $0x0  }
0x14: {  	s2 =	sld [smem:$0x3F92];
	s0 =	simm.s32 @p1 $0x1  }
0x15: {  	[smem:$0x3FAF] =	sst s0;
	s0 =	simm.s32 @!p2 $0x0  }
0x16: {  	s3 =	sld [smem:$0x3FDB];
	s0 =	simm.s32 @p2 $0x1  }
0x17: {  	s4 =	simm.s32 $0x1BF5;
	[smem:$0x3FB1] =	sst s0  }
0x18: {  	s0 =	sld [smem:$0x3F94];
	_ =	swait.ge [sflag:s4], $0x0  }
0x19: {  	s7 =	sld [smem:$0x3F95]  }
0x1a: {  	s8 =	sadd.s32 $0xFFFFE003, lr  }
0x1b: {  	s9 =	sadd.s32 $0xFFFFFEF7, lr;
	s5 =	simm.s32 $0xFFFFFFFF;
	p2 =	slt.u32 s8, $0xFFFFF086  }
0x1c: {  	p1 =	slt.u32 s9, $0xF7A;
	s5 =	simm.s32 @!p2 $0x0  }
0x1d: {  	s5 =	simm.s32 @p1 $0x1;
	p0 =	seq.s32 s7, s2  }
0x1e: {  	s7 =	smul.u32 @!p0 $0xF7A, s2;
	p2 =	seq.s32 @!p0 s5, $0x0  }
0x1f: {  	s9 =	smul.u32 $0xF7A, s1;
	s8 =	simm.s32 @!p0 $0x1BF5;
	p2 =	por !p2, p0  }
0x20: {  	[sflag:s8] =	ssyncset.s32 @!p0 $0xFFFFF086;
	s6 =	sadd.s32 @!p0 s3, s7;
	s7 =	simm.s32 @!p0 $0x108  }
0x21: {  	s3 =	sadd.s32 s3, s9;
	s6 =	sadd.s32 @!p0 $0x88, s6;
	s7 =	simm.s32 @p2 $0x1082  }
0x22: {  	[simem:s7], [sflag:s8] =	dma.local @!p0 [hbm:s6], $0xF7A  }
0x23: {  	s9 =	sor.u32 $0xD0000000, s2;
	s6 =	simm.s32 $0x108;
	_ =	swait.ge @!p0 [sflag:s8], $0x0  }
0x24: {  	s3 =	sadd.s32 $0x88, s3;
	s6 =	simm.s32 @!p1 $0x1082;
	[sflag:s4] =	ssyncset.s32 $0xFFFFF086  }
0x25: {  	[simem:s6], [sflag:s4] =	dma.local [hbm:s3], $0xF7A  }
0x26: {  	[smem:$0x3F95] =	sst s1;
	(tag) =	ssettag s2;
	_ =	strace s9  }
0x27: {  	s1 =	sld [smem:$0x3FA5]  }
0x28: {  	s2 =	sld [smem:$0x3FA6]  }
0x29: {  	s4 =	sld [smem:$0x3FA8]  }
0x2a: {  	p0 =	seq.s32 s5, $0x0;
	s5 =	sld [smem:$0x3FA9]  }
0x2b: {  	s6 =	sld [smem:$0x3FAA]  }
0x2c: {  	s7 =	sld [smem:$0x3FAB]  }
0x2d: {  	s3 =	simm.s32 $0x108;
	s8 =	sld [smem:$0x3FAC]  }
0x2e: {  	s3 =	simm.s32 @!p0 $0x1082;
	s9 =	sld [smem:$0x3FAD]  }
0x2f: {  	lr =	sadd.s32 s0, s3;
	s0 =	sld [smem:$0x3FA4]  }
0x30: {  	s3 =	sld [smem:$0x3FA7]  }
0x31: {  	[smem:$0x3FB0] =	sst s10  }
0x32: {  	s10 =	sld [smem:$0x3FAE];
	_ =	sdelay $0x3  }
0x33: {  	p0 =	seq.s32 s10, $0x1;
	s10 =	sld [smem:$0x3FB0];
	_ =	sdelay $0x3  }
0x34: {  	[smem:$0x3FB0] =	sst s10  }
0x35: {  	s10 =	sld [smem:$0x3FAF];
	_ =	sdelay $0x3  }
0x36: {  	p1 =	seq.s32 s10, $0x1;
	s10 =	sld [smem:$0x3FB0];
	_ =	sdelay $0x3  }
0x37: {  	[smem:$0x3FB0] =	sst s10  }
0x38: {  	s10 =	sld [smem:$0x3FB1]  }
0x39: {  	_ = 	snop;
	(pc) =	sbr.ind lr, $3  }
0x3a: {  	_ = 	snop  }
0x3b: {  	_ = 	snop  }
0x3c: {  	p2 =	seq.s32 s10, $0x1;
	s10 =	sld [smem:$0x3FB0]  }
0x3d: {  	_ =	shalt  }
0x3e: {  	_ =	shalt  }
0x3f: {  	_ =	shalt  }
0x40: {  	_ =	shalt  }
0x41: {  	_ =	shalt  }
0x42: {  	_ =	shalt  }
0x43: {  	_ =	shalt  }
0x44: {  	_ =	shalt  }
0x45: {  	_ =	shalt  }
0x46: {  	_ =	shalt  }
0x47: {  	_ =	shalt  }
0x48: {  	_ =	shalt  }
0x49: {  	_ =	shalt  }
0x4a: {  	_ =	shalt  }
0x4b: {  	_ =	shalt  }
0x4c: {  	_ =	shalt  }
0x4d: {  	_ =	shalt  }
0x4e: {  	_ =	shalt  }
0x4f: {  	_ =	shalt  }
0x50: {  	_ =	shalt  }
0x51: {  	_ =	shalt  }
0x52: {  	_ =	shalt  }
0x53: {  	_ =	shalt  }
0x54: {  	_ =	shalt  }
0x55: {  	_ =	shalt  }
0x56: {  	_ =	shalt  }
0x57: {  	_ =	shalt  }
0x58: {  	_ =	shalt  }
0x59: {  	_ =	shalt  }
0x5a: {  	_ =	shalt  }
0x5b: {  	_ =	shalt  }
0x5c: {  	_ =	shalt  }
0x5d: {  	_ =	shalt  }
0x5e: {  	_ =	shalt  }
0x5f: {  	_ =	shalt  }
0x60: {  	_ =	shalt  }
0x61: {  	_ =	shalt  }
0x62: {  	_ =	shalt  }
0x63: {  	_ =	shalt  }
0x64: {  	_ =	shalt  }
0x65: {  	_ =	shalt  }
0x66: {  	_ =	shalt  }
0x67: {  	_ =	shalt  }
0x68: {  	_ =	shalt  }
0x69: {  	_ =	shalt  }
0x6a: {  	_ =	shalt  }
0x6b: {  	_ =	shalt  }
0x6c: {  	_ =	shalt  }
0x6d: {  	_ =	shalt  }
0x6e: {  	_ =	shalt  }
0x6f: {  	_ =	shalt  }
0x70: {  	_ =	shalt  }
0x71: {  	_ =	shalt  }
0x72: {  	_ =	shalt  }
0x73: {  	_ =	shalt  }
0x74: {  	_ =	shalt  }
0x75: {  	_ =	shalt  }
0x76: {  	_ =	shalt  }
0x77: {  	_ =	shalt  }
0x78: {  	_ =	shalt  }
0x79: {  	_ =	shalt  }
0x7a: {  	_ =	shalt  }
0x7b: {  	_ =	shalt  }
0x7c: {  	_ =	shalt  }
0x7d: {  	_ =	shalt  }
0x7e: {  	_ =	shalt  }
0x7f: {  	_ =	shalt  }
0x80: {  	_ =	shalt  }
0x81: {  	_ =	shalt  }
0x82: {  	_ =	shalt  }
0x83: {  	_ =	shalt  }
0x84: {  	_ =	shalt  }
0x85: {  	_ =	shalt  }
0x86: {  	_ =	shalt  }
0x87: {  	_ =	shalt  }
.Lfunc_end0:
.L_simem_size_0:
called_computation_lowered:
.L_overlay_start_0:
0x88: {  	s2 =	sld [smem:$0x3FD9]  }
0x89: {  	s3 =	sld [smem:$0x3FFE];
	_ =	sdelay $0x1  }
0x8a: {  	s1 =	srdreg.scid  }
0x8b: {  	s0 =	sand.u32 $0x1, s1  }
0x8c: {  	s17 =	sshll.u32 s0, $0xA;
	s2 =	sadd.s32 s3, s2  }
0x8d: {  	s2 =	sadd.s32 s2, s17  }
0x8e: {  	[smem:$0x3FBC] =	sst s2  }
0x8f: {  	_ = 	snop  }
0x90: {  	s2 =	sld [smem:$0x3FC8]  }
0x91: {  	s18 =	sld [smem:$0x3FD0];
	(tm) =	ssettm $0x1  }
0x92: {  	s4 =	sld [smem:$0x3FFB];
	_ =	sdelay $0x3  }
0x93: {  	_ =	strace s4  }
0x94: {  	s4 =	sld [smem:$0x3FFC];
	_ =	sdelay $0x3  }
0x95: {  	_ =	strace s4  }
0x96: {  	s4 =	sld [smem:$0x3FFD];
	_ =	sdelay $0x3  }
0x97: {  	_ =	strace s4  }
0x98: {  	_ =	strace $0x8FFFFFFF  }
0x99: {  	s19 =	sld [smem:$0x3FDB];
	_ =	sdelay $0x1  }
0x9a: {  	s5 =	simm.s32 $_scs_section_size  }
0x9b: {  	s6 =	simm.s32 $_size__tile_overlayer_lowered;
	s7 =	simm.s32 $_tile_overlayer_lowered  }
0x9c: {  	s22 =	simm.s32 $0x1BFF;
	s21 =	sshll.u32 s7, $0x1;
	s4 =	sadd.s32 s5, s19  }
0x9d: {  	s8 =	simm.s32 $0x0;
	s20 =	sshll.u32 s6, $0x1;
	s6 =	sadd.s32 s21, s4  }
0x9e: {  	[timem:s8], [sflag:s22] =	dma.local [hbm:s6], s20  }
0x9f: {  	_ =	swait.ge [sflag:s22], s20  }
0xa0: {  	s5 =	ssub.s32 $0x0, s20;
	[sflag:s22] =	ssyncset.done $0x0  }
0xa1: {  	[sflag:s22] =	ssyncadd.s32 s5;
	_ =	sdelay $0x1  }
0xa2: {  	s23 =	simm.s32 $0x1B8B  }
0xa3: {  	_ =	swait.ge [sflag:s23], $0x1  }
0xa4: {  	[sflag:s23] =	ssyncset.done $0x0  }
0xa5: {  	s25 =	simm.s32 $0x1B8E;
	s24 =	sld [smem:$0x3FFE];
	[sflag:s23] =	ssyncadd.s32 $0xFFFFFFFF  }
0xa6: {  	s26 =	simm.s32 $execute0_lowered;
	[smem:$0x3FD2] =	sst s25  }
0xa7: {  	s6 =	sshll.u32 s26, $0x1;
	_ =	strace $0x80000046;
	[dreg:$0x1] =	wrdreg $0xFFFFFFFF  }
0xa8: {  	s28 =	simm.s32 $_size_execute0_lowered;
	s4 =	sadd.s32 s4, s6;
	[dreg:$0x0] =	wrdreg $0x0  }
0xa9: {  	s6 =	sshll.u32 s28, $0x1;
	[dreg:$0x2] =	wrdreg s4  }
0xaa: {  	[dreg:$0x3] =	wrdreg s6  }
0xab: {  	[dreg:$0x4] =	wrdreg $0xC0  }
0xac: {  	_ =	task [dreg:s8], $0x5FFFF  }
0xad: {  	[dreg:$0x1] =	wrdreg $0xFFFFFFFF  }
0xae: {  	[dreg:$0x0] =	wrdreg $0x60  }
0xaf: {  	[dreg:$0x2] =	wrdreg s24  }
0xb0: {  	[dreg:$0x3] =	wrdreg s2  }
0xb1: {  	[dreg:$0x4] =	wrdreg s18  }
0xb2: {  	[dreg:$0x5] =	wrdreg $0x9  }
0xb3: {  	_ =	task.clear_ibuf [dreg:s8], $0x6FFFF;
	_ =	strace $0x90000046  }
0xb4: {  	s29 =	simm.s32 $0x9;
	_ =	strace $0x80000048  }
0xb5: {  	_ =	swait.ge [sflag:s29], $0x1  }
0xb6: {  	[sflag:s29] =	ssyncadd.s32 $0xFFFFFFFF  }
0xb7: {  	_ =	strace $0x90000048  }
0xb8: {  	_ =	sfence  }
0xb9: {  	s30 =	sld [smem:$0x0];
	_ =	sdelay $0x2  }
0xba: {  	s31 =	sshll.u32 s1, $0xD;
	s1 =	sshrl.u32 s1, $0x2  }
0xbb: {  	s3 =	sand.u32 $0x4000, s31;
	s1 =	sadd.s32 s1, s30  }
0xbc: {  	s0 =	sor.u32 s3, s0;
	s1 =	sshll.u32 s1, $0x11  }
0xbd: {  	s0 =	sor.u32 s1, s0  }
0xbe: {  	s0 =	sadd.s32 $0x8F2B, s0  }
0xbf: {  	[sflag:s0] =	ssyncadd.remote.s32 $0x1  }
0xc0: {  	_ =	sfence.sel $0xFFFF  }
0xc1: {  	[dreg:$0x0] =	wrdreg $0xFFFFFFFF;
	(pc) =	sbr.abs _section_cstart, $3  }
0xc2: {  	[dreg:$0x1] =	wrdreg $0xFFFFFFFF  }
0xc3: {  	_ =	task.clear_ibuf [dreg:s8], $0x2FFFF;
	_ =	strace $0x9FFFFFFF  }
0xc4: {  	(tm) =	ssettm $0x7FFFFFFF  }
0xc5: {  	_ =	shalt  }
tec
execute0_lowered:
.L_overlay_start_1:
0x0: {  	(tag) =	ssettag $0x1  }
0x1: {  	s3 =	rddreg [dreg:$0x0]  }
0x2: {  	s0 =	srdreg.scid;
	s4 =	rddreg [dreg:$0x1]  }
0x3: {  	s5 =	stileid.u32;
	s6 =	rddreg [dreg:$0x2]  }
0x4: {  	s28 =	simm.s32 $0x80;
	s29 =	simm.s32 $0x1;
	s15 =	simm.s32 $0x4  }
0x5: {  	s17 =	simm.s32 $0x5;
	s30 =	simm.s32 $0x4C00;
	s31 =	simm.s32 $0x5400  }
0x6: {  	s16 =	simm.s32 $0x8400;
	s8 =	simm.s32 $0x12C00;
	s9 =	simm.s32 $0x13400  }
0x7: {  	s10 =	simm.s32 $0x13C00;
	s0 =	sand.u32 $0x1, s0;
	s1 =	sshll.u32 s5, $0x1  }
0x8: {  	s11 =	simm.s32 $0x14400;
	s12 =	simm.s32 $0x14C00;
	s1 =	sor.u32 s0, s1  }
0x9: {  	s5 =	sshll.u32 s5, $0x6;
	s2 =	sshll.u32 s1, $0xD;
	s1 =	sshll.u32 s1, $0xF  }
0xa: {  	s7 =	sor.u32 s5, s2;
	s2 =	simm.s32 $0x0;
	s6 =	sadd.s32 s6, s1  }
0xb: {  	s13 =	simm.s32 $0x15400;
	[smem:$0x7FF] =	sst s2;
	s1 =	sadd.s32 $0x1000, s6  }
0xc: {  	s20 =	sadd.s32 $0x2000, s6;
	_ =	strace $0x80000047;
	[dreg:$0x5] =	wrdreg s1  }
0xd: {  	s18 =	simm.s32 $0x15C00;
	s21 =	sadd.s32 $0x3000, s6;
	[dreg:$0x6] =	wrdreg s20  }
0xe: {  	s0 =	ssub.s32 $0x2, s0;
	s22 =	sadd.s32 $0x4000, s6;
	[dreg:$0x7] =	wrdreg s21  }
0xf: {  	s14 =	sand.u32 $0x380, s5;
	s23 =	sadd.s32 $0x5000, s6;
	[dreg:$0x8] =	wrdreg s22  }
0x10: {  	s24 =	sshrl.u32 s0, $0x1;
	s25 =	sadd.s32 $0x6000, s6;
	[dreg:$0x9] =	wrdreg s23  }
0x11: {  	v0 =	vmov s14;
	s14 =	simm.s32 $0x2;
	s0 =	ssub.s32 s0, s24;
	[dreg:$0xa] =	wrdreg s25  }
0x12: {  	s24 =	simm.s32 $0x17400;
	s26 =	sadd.s32 $0x7000, s6;
	[dreg:$0xd] =	wrdreg s6  }
0x13: {  	s7 =	sand.u32 $0x6380, s7;
	s5 =	smax.u32 s0, $0x1;
	[dreg:$0xb] =	wrdreg s26  }
0x14: {  	s7 =	sshrl.u32 s7, $0x3;
	[dreg:$0xc] =	wrdreg s28;
	s21 =	simm.s32 $0x400  }
0x15: {  	v3 =	vlaneseq.u32;
	s6 =	simm.s32 $0x11C00;
	s22 =	simm.s32 $0x16400;
	s23 =	simm.s32 $0x16C00  }
0x16: {  	vm0 =	vmmov $0xffff;
	v2 =	vshrl.u32 v3, $0x3;
	s25 =	simm.s32 $0x17C00;
	s4 =	sadd.s32 s4, s7;
	s7 =	simm.s32 $0x12400  }
0x17: {  	v1 =	vand.u32 $0x7, v3;
	v3 =	vor.u32 $0x8, v3;
	v2 =	vmul.u32 $0x8, v2;
	[dreg:$0x4] =	wrdreg s4;
	s4 =	sadd.s32 $0x1800, s3;
	s3 =	simm.s32 $0x11400  }
.LBB2_1:
0x18: {  	s19 =	rddreg [dreg:$0x4]  }
0x19: {  	s20 =	rddreg [dreg:$0xc]  }
0x1a: {  	[tilespmem:s2], [sflag:$0x7] =	stream.strided.gather [hbm4b:s19+s20], $0x400, s21, s20, $0x38;
	[tilespmem:$0x18400] =	vst v63  }
0x1b: {  	s20 =	simm.s32 $0x7  }
0x1c: {  	_ =	swait.ge [sflag:s20], $0x400  }
0x1d: {  	[sflag:s20] =	ssyncset.done $0x0  }
0x1e: {  	[sflag:s20] =	ssyncadd.s32 $0xFFFFFC00  }
0x1f: {  	v4 =	vld [tilespmem:$0x0]  }
0x20: {  	v6 =	vld [tilespmem:$0x10]  }
0x21: {  	v7 =	vld [tilespmem:$0x20]  }
0x22: {  	v8 =	vld [tilespmem:$0x30]  }
0x23: {  	v9 =	vld [tilespmem:$0x40]  }
0x24: {  	v10 =	vld [tilespmem:$0x50];
	v5 =	vadd.s32 v0, v4  }
0x25: {  	v11 =	vld [tilespmem:$0x60];
	v6 =	vadd.s32 v0, v6;
	[tilespmem:$0x0] =	vst v5  }
0x26: {  	v55 =	vld [tilespmem:$0x70];
	v54 =	vadd.s32 v0, v7;
	[tilespmem:$0x10] =	vst v6  }
0x27: {  	v57 =	vld [tilespmem:$0x80];
	v56 =	vadd.s32 v0, v8;
	[tilespmem:$0x20] =	vst v54  }
0x28: {  	v59 =	vld [tilespmem:$0x90];
	v58 =	vadd.s32 v0, v9;
	[tilespmem:$0x30] =	vst v56  }
0x29: {  	v61 =	vld [tilespmem:$0xA0];
	v60 =	vadd.s32 v0, v10;
	[tilespmem:$0x40] =	vst v58  }
0x2a: {  	v63 =	vld [tilespmem:$0xB0];
	v62 =	vadd.s32 v0, v11;
	[tilespmem:$0x50] =	vst v60  }
0x2b: {  	v13 =	vld [tilespmem:$0xC0];
	v12 =	vadd.s32 v0, v55;
	[tilespmem:$0x60] =	vst v62  }
0x2c: {  	v15 =	vld [tilespmem:$0xD0];
	v14 =	vadd.s32 v0, v57;
	[tilespmem:$0x70] =	vst v12  }
0x2d: {  	v17 =	vld [tilespmem:$0xE0];
	v16 =	vadd.s32 v0, v59;
	[tilespmem:$0x80] =	vst v14  }
0x2e: {  	v19 =	vld [tilespmem:$0xF0];
	v18 =	vadd.s32 v0, v61;
	[tilespmem:$0x90] =	vst v16  }
0x2f: {  	v21 =	vld [tilespmem:$0x100];
	v20 =	vadd.s32 v0, v63;
	[tilespmem:$0xA0] =	vst v18  }
0x30: {  	v23 =	vld [tilespmem:$0x110];
	v22 =	vadd.s32 v0, v13;
	[tilespmem:$0xB0] =	vst v20  }
0x31: {  	v25 =	vld [tilespmem:$0x120];
	v24 =	vadd.s32 v0, v15;
	[tilespmem:$0xC0] =	vst v22  }
0x32: {  	v27 =	vld [tilespmem:$0x130];
	v26 =	vadd.s32 v0, v17;
	[tilespmem:$0xD0] =	vst v24  }
0x33: {  	v29 =	vld [tilespmem:$0x140];
	v28 =	vadd.s32 v0, v19;
	[tilespmem:$0xE0] =	vst v26  }
0x34: {  	v31 =	vld [tilespmem:$0x150];
	v30 =	vadd.s32 v0, v21;
	[tilespmem:$0xF0] =	vst v28  }
0x35: {  	v33 =	vld [tilespmem:$0x160];
	v32 =	vadd.s32 v0, v23;
	[tilespmem:$0x100] =	vst v30  }
0x36: {  	v35 =	vld [tilespmem:$0x170];
	v34 =	vadd.s32 v0, v25;
	[tilespmem:$0x110] =	vst v32  }
0x37: {  	v37 =	vld [tilespmem:$0x180];
	v36 =	vadd.s32 v0, v27;
	[tilespmem:$0x120] =	vst v34  }
0x38: {  	v39 =	vld [tilespmem:$0x190];
	v38 =	vadd.s32 v0, v29;
	[tilespmem:$0x130] =	vst v36  }
0x39: {  	v41 =	vld [tilespmem:$0x1A0];
	v40 =	vadd.s32 v0, v31;
	[tilespmem:$0x140] =	vst v38  }
0x3a: {  	v43 =	vld [tilespmem:$0x1B0];
	v42 =	vadd.s32 v0, v33;
	[tilespmem:$0x150] =	vst v40  }
0x3b: {  	v45 =	vld [tilespmem:$0x1C0];
	v44 =	vadd.s32 v0, v35;
	[tilespmem:$0x160] =	vst v42  }
0x3c: {  	v47 =	vld [tilespmem:$0x1D0];
	v46 =	vadd.s32 v0, v37;
	[tilespmem:$0x170] =	vst v44  }
0x3d: {  	v49 =	vld [tilespmem:$0x1E0];
	v48 =	vadd.s32 v0, v39;
	[tilespmem:$0x180] =	vst v46  }
0x3e: {  	v51 =	vld [tilespmem:$0x1F0];
	v50 =	vadd.s32 v0, v41;
	[tilespmem:$0x190] =	vst v48  }
0x3f: {  	v53 =	vld [tilespmem:$0x200];
	v52 =	vadd.s32 v0, v43;
	[tilespmem:$0x1A0] =	vst v50  }
0x40: {  	v55 =	vld [tilespmem:$0x210];
	[tilespmem:$0x1B0] =	vst v52;
	v54 =	vadd.s32 v0, v45  }
0x41: {  	v57 =	vld [tilespmem:$0x220];
	v56 =	vadd.s32 v0, v47;
	[tilespmem:$0x1C0] =	vst v54  }
0x42: {  	v59 =	vld [tilespmem:$0x230];
	v58 =	vadd.s32 v0, v49;
	[tilespmem:$0x1D0] =	vst v56  }
0x43: {  	v61 =	vld [tilespmem:$0x240];
	v60 =	vadd.s32 v0, v51;
	[tilespmem:$0x1E0] =	vst v58  }
0x44: {  	v63 =	vld [tilespmem:$0x250];
	v62 =	vadd.s32 v0, v53;
	[tilespmem:$0x1F0] =	vst v60  }
0x45: {  	v13 =	vld [tilespmem:$0x260];
	[tilespmem:$0x200] =	vst v62;
	v12 =	vadd.s32 v0, v55  }
0x46: {  	v15 =	vld [tilespmem:$0x270];
	v14 =	vadd.s32 v0, v57;
	[tilespmem:$0x210] =	vst v12  }
0x47: {  	v17 =	vld [tilespmem:$0x280];
	v16 =	vadd.s32 v0, v59;
	[tilespmem:$0x220] =	vst v14  }
0x48: {  	v19 =	vld [tilespmem:$0x290];
	v18 =	vadd.s32 v0, v61;
	[tilespmem:$0x230] =	vst v16  }
0x49: {  	v21 =	vld [tilespmem:$0x2A0];
	v20 =	vadd.s32 v0, v63;
	[tilespmem:$0x240] =	vst v18  }
0x4a: {  	v23 =	vld [tilespmem:$0x2B0];
	v22 =	vadd.s32 v0, v13;
	[tilespmem:$0x250] =	vst v20  }
0x4b: {  	v25 =	vld [tilespmem:$0x2C0];
	v24 =	vadd.s32 v0, v15;
	[tilespmem:$0x260] =	vst v22  }
0x4c: {  	v27 =	vld [tilespmem:$0x2D0];
	v26 =	vadd.s32 v0, v17;
	[tilespmem:$0x270] =	vst v24  }
0x4d: {  	v29 =	vld [tilespmem:$0x2E0];
	v28 =	vadd.s32 v0, v19;
	[tilespmem:$0x280] =	vst v26  }
0x4e: {  	v31 =	vld [tilespmem:$0x2F0];
	v30 =	vadd.s32 v0, v21;
	[tilespmem:$0x290] =	vst v28  }
0x4f: {  	v33 =	vld [tilespmem:$0x300];
	v32 =	vadd.s32 v0, v23;
	[tilespmem:$0x2A0] =	vst v30  }
0x50: {  	v35 =	vld [tilespmem:$0x310];
	v34 =	vadd.s32 v0, v25;
	[tilespmem:$0x2B0] =	vst v32  }
0x51: {  	v37 =	vld [tilespmem:$0x320];
	v36 =	vadd.s32 v0, v27;
	[tilespmem:$0x2C0] =	vst v34  }
0x52: {  	v39 =	vld [tilespmem:$0x330];
	v38 =	vadd.s32 v0, v29;
	[tilespmem:$0x2D0] =	vst v36  }
0x53: {  	v41 =	vld [tilespmem:$0x340];
	v40 =	vadd.s32 v0, v31;
	[tilespmem:$0x2E0] =	vst v38  }
0x54: {  	v43 =	vld [tilespmem:$0x350];
	v42 =	vadd.s32 v0, v33;
	[tilespmem:$0x2F0] =	vst v40  }
0x55: {  	v45 =	vld [tilespmem:$0x360];
	v44 =	vadd.s32 v0, v35;
	[tilespmem:$0x300] =	vst v42  }
0x56: {  	v47 =	vld [tilespmem:$0x370];
	v46 =	vadd.s32 v0, v37;
	[tilespmem:$0x310] =	vst v44  }
0x57: {  	v49 =	vld [tilespmem:$0x380];
	v48 =	vadd.s32 v0, v39;
	[tilespmem:$0x320] =	vst v46  }
0x58: {  	v51 =	vld [tilespmem:$0x390];
	v50 =	vadd.s32 v0, v41;
	[tilespmem:$0x330] =	vst v48  }
0x59: {  	v53 =	vld [tilespmem:$0x3A0];
	v52 =	vadd.s32 v0, v43;
	[tilespmem:$0x340] =	vst v50  }
0x5a: {  	v55 =	vld [tilespmem:$0x3B0];
	[tilespmem:$0x350] =	vst v52;
	v54 =	vadd.s32 v0, v45  }
0x5b: {  	v5 =	vshll.u32 v5, $0x1;
	v57 =	vld [tilespmem:$0x3C0];
	v56 =	vadd.s32 v0, v47;
	[tilespmem:$0x360] =	vst v54  }
0x5c: {  	v4 =	vand.u32 $0x7, v4;
	v5 =	vand.u32 $0xFFFFFFF0, v5;
	v59 =	vld [tilespmem:$0x3D0];
	v58 =	vadd.s32 v0, v49;
	[tilespmem:$0x370] =	vst v56  }
0x5d: {  	v4 =	vor.u32 v4, v5;
	v61 =	vld [tilespmem:$0x3E0];
	v60 =	vadd.s32 v0, v51;
	[tilespmem:$0x380] =	vst v58  }
0x5e: {  	v62 =	vld [tilespmem:$0x3F0];
	v63 =	vperm.xlane v4, v1;
	v5 =	vadd.s32 v0, v53;
	[tilespmem:$0x390] =	vst v60  }
0x5f: {  	[tilespmem:$0x3A0] =	vst v5;
	v5 =	vadd.s32 v0, v55  }
0x60: {  	v4 =	vperm.xlane v4, v3;
	v8 =	vadd.s32 v2, v63;
	[tilespmem:$0x3B0] =	vst v5;
	v5 =	vadd.s32 v0, v57  }
0x61: {  	[tilespmem:$0x3C0] =	vst v5;
	v5 =	vadd.s32 v0, v59  }
0x62: {  	v4 =	vadd.s32 v2, v4;
	[tilespmem:$0x3D0] =	vst v5;
	v5 =	vadd.s32 v0, v61  }
0x63: {  	[tilespmem:$0x3E0] =	vst v5;
	v5 =	vadd.s32 v0, v62  }
0x64: {  	[tilespmem:$0x3F0] =	vst v5  }
0x65: {  	[tilespmem:s21], [sflag:$0x1] =	stream.indirect_vreg.gather [hbm4b:s4+s2], $0x80, v8, vm0, $0xb8;
	[tilespmem:$0x18400] =	vst v63  }
0x66: {  	s20 =	simm.s32 $0xC00  }
0x67: {  	[tilespmem:s20], [sflag:$0x1] =	stream.indirect_vreg.gather [hbm4b:s4+s2], $0x80, v4, vm0, $0xb8;
	[tilespmem:$0x18400] =	vst v63  }
0x68: {  	v4 =	vld [tilespmem:$0x10];
	_ =	sdelay $0x4  }
0x69: {  	v5 =	vshll.u32 v4, $0x1  }
0x6a: {  	v4 =	vand.u32 $0x7, v4;
	v5 =	vand.u32 $0xFFFFFFF0, v5  }
0x6b: {  	v4 =	vor.u32 v4, v5  }
0x6c: {  	v5 =	vperm.xlane v4, v1;
	_ =	sdelay $0x1  }
0x6d: {  	v4 =	vperm.xlane v4, v3;
	v5 =	vadd.s32 v2, v5;
	_ =	sdelay $0x1  }
0x6e: {  	v4 =	vadd.s32 v2, v4;
	_ =	sdelay $0x1  }
0x6f: {  	s0 =	simm.s32 $0x1400  }
0x70: {  	[tilespmem:s0], [sflag:$0x1] =	stream.indirect_vreg.gather [hbm4b:s4+s2], $0x80, v5, vm0, $0xb8;
	[tilespmem:$0x18400] =	vst v63  }
0x71: {  	s26 =	simm.s32 $0x1C00  }
0x72: {  	[tilespmem:s26], [sflag:$0x1] =	stream.indirect_vreg.gather [hbm4b:s4+s2], $0x80, v4, vm0, $0xb8;
	[tilespmem:$0x18400] =	vst v63  }
0x73: {  	v4 =	vld [tilespmem:$0x20];
	_ =	sdelay $0x4  }
0x74: {  	v5 =	vshll.u32 v4, $0x1  }
0x75: {  	v4 =	vand.u32 $0x7, v4;
	v5 =	vand.u32 $0xFFFFFFF0, v5  }
0x76: {  	v4 =	vor.u32 v4, v5  }
0x77: {  	v5 =	vperm.xlane v4, v1;
	_ =	sdelay $0x1  }
0x78: {  	v4 =	vperm.xlane v4, v3;
	v5 =	vadd.s32 v2, v5;
	_ =	sdelay $0x1  }
0x79: {  	v4 =	vadd.s32 v2, v4;
	_ =	sdelay $0x1  }
0x7a: {  	s28 =	simm.s32 $0x2400  }
0x7b: {  	[tilespmem:s28], [sflag:$0x1] =	stream.indirect_vreg.gather [hbm4b:s4+s2], $0x80, v5, vm0, $0xb8;
	[tilespmem:$0x18400] =	vst v63  }
0x7c: {  	s1 =	simm.s32 $0x2C00  }
0x7d: {  	[tilespmem:s1], [sflag:$0x1] =	stream.indirect_vreg.gather [hbm4b:s4+s2], $0x80, v4, vm0, $0xb8;
	[tilespmem:$0x18400] =	vst v63  }
0x7e: {  	v4 =	vld [tilespmem:$0x30];
	_ =	sdelay $0x4  }
0x7f: {  	v5 =	vshll.u32 v4, $0x1  }
0x80: {  	v4 =	vand.u32 $0x7, v4;
	v5 =	vand.u32 $0xFFFFFFF0, v5  }
0x81: {  	v4 =	vor.u32 v4, v5  }
0x82: {  	v5 =	vperm.xlane v4, v1;
	_ =	sdelay $0x1  }
0x83: {  	v4 =	vperm.xlane v4, v3;
	v5 =	vadd.s32 v2, v5;
	_ =	sdelay $0x1  }
0x84: {  	v4 =	vadd.s32 v2, v4;
	_ =	sdelay $0x1  }
0x85: {  	s19 =	simm.s32 $0x3400  }
0x86: {  	[tilespmem:s19], [sflag:$0x1] =	stream.indirect_vreg.gather [hbm4b:s4+s2], $0x80, v5, vm0, $0xb8;
	[tilespmem:$0x18400] =	vst v63  }
0x87: {  	s1 =	simm.s32 $0x3C00  }
0x88: {  	[tilespmem:s1], [sflag:$0x1] =	stream.indirect_vreg.gather [hbm4b:s4+s2], $0x80, v4, vm0, $0xb8;
	[tilespmem:$0x18400] =	vst v63  }
0x89: {  	v4 =	vld [tilespmem:$0x40];
	_ =	sdelay $0x4  }
0x8a: {  	v5 =	vshll.u32 v4, $0x1  }
0x8b: {  	v4 =	vand.u32 $0x7, v4;
	v5 =	vand.u32 $0xFFFFFFF0, v5  }
0x8c: {  	v4 =	vor.u32 v4, v5  }
0x8d: {  	v5 =	vperm.xlane v4, v1;
	_ =	sdelay $0x1  }
0x8e: {  	v4 =	vperm.xlane v4, v3;
	v5 =	vadd.s32 v2, v5;
	_ =	sdelay $0x1  }
0x8f: {  	v4 =	vadd.s32 v2, v4;
	_ =	sdelay $0x1  }
0x90: {  	s19 =	simm.s32 $0x4400  }
0x91: {  	[tilespmem:s19], [sflag:$0x1] =	stream.indirect_vreg.gather [hbm4b:s4+s2], $0x80, v5, vm0, $0xb8;
	[tilespmem:$0x18400] =	vst v63  }
0x92: {  	_ = 	snop  }
0x93: {  	[tilespmem:s30], [sflag:$0x1] =	stream.indirect_vreg.gather [hbm4b:s4+s2], $0x80, v4, vm0, $0xb8;
	[tilespmem:$0x18400] =	vst v63  }
0x94: {  	v4 =	vld [tilespmem:$0x50];
	_ =	sdelay $0x4  }
0x95: {  	v5 =	vshll.u32 v4, $0x1  }
0x96: {  	v4 =	vand.u32 $0x7, v4;
	v5 =	vand.u32 $0xFFFFFFF0, v5  }
0x97: {  	v4 =	vor.u32 v4, v5  }
0x98: {  	v5 =	vperm.xlane v4, v1;
	_ =	sdelay $0x1  }
0x99: {  	v4 =	vperm.xlane v4, v3;
	v5 =	vadd.s32 v2, v5;
	_ =	sdelay $0x1  }
0x9a: {  	v4 =	vadd.s32 v2, v4;
	_ =	sdelay $0x2  }
0x9b: {  	[tilespmem:s31], [sflag:$0x1] =	stream.indirect_vreg.gather [hbm4b:s4+s2], $0x80, v5, vm0, $0xb8;
	[tilespmem:$0x18400] =	vst v63  }
0x9c: {  	s1 =	simm.s32 $0x5C00  }
0x9d: {  	[tilespmem:s1], [sflag:$0x1] =	stream.indirect_vreg.gather [hbm4b:s4+s2], $0x80, v4, vm0, $0xb8;
	[tilespmem:$0x18400] =	vst v63  }
0x9e: {  	v4 =	vld [tilespmem:$0x60];
	_ =	sdelay $0x4  }
0x9f: {  	v5 =	vshll.u32 v4, $0x1  }
0xa0: {  	v4 =	vand.u32 $0x7, v4;
	v5 =	vand.u32 $0xFFFFFFF0, v5  }
0xa1: {  	v4 =	vor.u32 v4, v5  }
0xa2: {  	v5 =	vperm.xlane v4, v1;
	_ =	sdelay $0x1  }
0xa3: {  	v4 =	vperm.xlane v4, v3;
	v5 =	vadd.s32 v2, v5;
	_ =	sdelay $0x1  }
0xa4: {  	v4 =	vadd.s32 v2, v4;
	_ =	sdelay $0x1  }
0xa5: {  	s19 =	simm.s32 $0x6400  }
0xa6: {  	[tilespmem:s19], [sflag:$0x1] =	stream.indirect_vreg.gather [hbm4b:s4+s2], $0x80, v5, vm0, $0xb8;
	[tilespmem:$0x18400] =	vst v63  }
0xa7: {  	s1 =	simm.s32 $0x6C00  }
0xa8: {  	[tilespmem:s1], [sflag:$0x1] =	stream.indirect_vreg.gather [hbm4b:s4+s2], $0x80, v4, vm0, $0xb8;
	[tilespmem:$0x18400] =	vst v63  }
0xa9: {  	v4 =	vld [tilespmem:$0x70];
	_ =	sdelay $0x4  }
0xaa: {  	v5 =	vshll.u32 v4, $0x1  }
0xab: {  	v4 =	vand.u32 $0x7, v4;
	v5 =	vand.u32 $0xFFFFFFF0, v5  }
0xac: {  	v4 =	vor.u32 v4, v5  }
0xad: {  	v5 =	vperm.xlane v4, v1;
	_ =	sdelay $0x1  }
0xae: {  	v4 =	vperm.xlane v4, v3;
	v5 =	vadd.s32 v2, v5;
	_ =	sdelay $0x1  }
0xaf: {  	v4 =	vadd.s32 v2, v4;
	_ =	sdelay $0x1  }
0xb0: {  	s19 =	simm.s32 $0x7400  }
0xb1: {  	[tilespmem:s19], [sflag:$0x1] =	stream.indirect_vreg.gather [hbm4b:s4+s2], $0x80, v5, vm0, $0xb8;
	[tilespmem:$0x18400] =	vst v63  }
0xb2: {  	s1 =	simm.s32 $0x7C00  }
0xb3: {  	[tilespmem:s1], [sflag:$0x1] =	stream.indirect_vreg.gather [hbm4b:s4+s2], $0x80, v4, vm0, $0xb8;
	[tilespmem:$0x18400] =	vst v63  }
0xb4: {  	v4 =	vld [tilespmem:$0x80];
	_ =	sdelay $0x4  }
0xb5: {  	v5 =	vshll.u32 v4, $0x1  }
0xb6: {  	v4 =	vand.u32 $0x7, v4;
	v5 =	vand.u32 $0xFFFFFFF0, v5  }
0xb7: {  	v4 =	vor.u32 v4, v5  }
0xb8: {  	v5 =	vperm.xlane v4, v1;
	_ =	sdelay $0x1  }
0xb9: {  	v4 =	vperm.xlane v4, v3;
	v5 =	vadd.s32 v2, v5;
	_ =	sdelay $0x1  }
0xba: {  	v4 =	vadd.s32 v2, v4;
	_ =	sdelay $0x2  }
0xbb: {  	[tilespmem:s16], [sflag:$0x2] =	stream.indirect_vreg.gather [hbm4b:s4+s2], $0x80, v5, vm0, $0xb8;
	[tilespmem:$0x18400] =	vst v63  }
0xbc: {  	s19 =	simm.s32 $0x8C00  }
0xbd: {  	[tilespmem:s19], [sflag:$0x2] =	stream.indirect_vreg.gather [hbm4b:s4+s2], $0x80, v4, vm0, $0xb8;
	[tilespmem:$0x18400] =	vst v63  }
0xbe: {  	v4 =	vld [tilespmem:$0x90];
	_ =	sdelay $0x4  }
0xbf: {  	v5 =	vshll.u32 v4, $0x1  }
0xc0: {  	v4 =	vand.u32 $0x7, v4;
	v5 =	vand.u32 $0xFFFFFFF0, v5  }
0xc1: {  	v4 =	vor.u32 v4, v5  }
0xc2: {  	v5 =	vperm.xlane v4, v1;
	_ =	sdelay $0x1  }
0xc3: {  	v4 =	vperm.xlane v4, v3;
	v5 =	vadd.s32 v2, v5;
	_ =	sdelay $0x1  }
0xc4: {  	v4 =	vadd.s32 v2, v4;
	_ =	sdelay $0x1  }
0xc5: {  	s1 =	simm.s32 $0x9400  }
0xc6: {  	[tilespmem:s1], [sflag:$0x2] =	stream.indirect_vreg.gather [hbm4b:s4+s2], $0x80, v5, vm0, $0xb8;
	[tilespmem:$0x18400] =	vst v63  }
0xc7: {  	s19 =	simm.s32 $0x9C00  }
0xc8: {  	[tilespmem:s19], [sflag:$0x2] =	stream.indirect_vreg.gather [hbm4b:s4+s2], $0x80, v4, vm0, $0xb8;
	[tilespmem:$0x18400] =	vst v63  }
0xc9: {  	v4 =	vld [tilespmem:$0xA0];
	_ =	sdelay $0x4  }
0xca: {  	v5 =	vshll.u32 v4, $0x1  }
0xcb: {  	v4 =	vand.u32 $0x7, v4;
	v5 =	vand.u32 $0xFFFFFFF0, v5  }
0xcc: {  	v4 =	vor.u32 v4, v5  }
0xcd: {  	v5 =	vperm.xlane v4, v1;
	_ =	sdelay $0x1  }
0xce: {  	v4 =	vperm.xlane v4, v3;
	v5 =	vadd.s32 v2, v5;
	_ =	sdelay $0x1  }
0xcf: {  	v4 =	vadd.s32 v2, v4;
	_ =	sdelay $0x1  }
0xd0: {  	s1 =	simm.s32 $0xA400  }
0xd1: {  	[tilespmem:s1], [sflag:$0x2] =	stream.indirect_vreg.gather [hbm4b:s4+s2], $0x80, v5, vm0, $0xb8;
	[tilespmem:$0x18400] =	vst v63  }
0xd2: {  	s19 =	simm.s32 $0xAC00  }
0xd3: {  	[tilespmem:s19], [sflag:$0x2] =	stream.indirect_vreg.gather [hbm4b:s4+s2], $0x80, v4, vm0, $0xb8;
	[tilespmem:$0x18400] =	vst v63  }
0xd4: {  	v4 =	vld [tilespmem:$0xB0];
	_ =	sdelay $0x4  }
0xd5: {  	v5 =	vshll.u32 v4, $0x1  }
0xd6: {  	v4 =	vand.u32 $0x7, v4;
	v5 =	vand.u32 $0xFFFFFFF0, v5  }
0xd7: {  	v4 =	vor.u32 v4, v5  }
0xd8: {  	v5 =	vperm.xlane v4, v1;
	_ =	sdelay $0x1  }
0xd9: {  	v4 =	vperm.xlane v4, v3;
	v5 =	vadd.s32 v2, v5;
	_ =	sdelay $0x1  }
0xda: {  	v4 =	vadd.s32 v2, v4;
	_ =	sdelay $0x1  }
0xdb: {  	s1 =	simm.s32 $0xB400  }
0xdc: {  	[tilespmem:s1], [sflag:$0x2] =	stream.indirect_vreg.gather [hbm4b:s4+s2], $0x80, v5, vm0, $0xb8;
	[tilespmem:$0x18400] =	vst v63  }
0xdd: {  	s19 =	simm.s32 $0xBC00  }
0xde: {  	[tilespmem:s19], [sflag:$0x2] =	stream.indirect_vreg.gather [hbm4b:s4+s2], $0x80, v4, vm0, $0xb8;
	[tilespmem:$0x18400] =	vst v63  }
0xdf: {  	v4 =	vld [tilespmem:$0xC0];
	_ =	sdelay $0x4  }
0xe0: {  	v5 =	vshll.u32 v4, $0x1  }
0xe1: {  	v4 =	vand.u32 $0x7, v4;
	v5 =	vand.u32 $0xFFFFFFF0, v5  }
0xe2: {  	v4 =	vor.u32 v4, v5  }
0xe3: {  	v5 =	vperm.xlane v4, v1;
	_ =	sdelay $0x1  }
0xe4: {  	v4 =	vperm.xlane v4, v3;
	v5 =	vadd.s32 v2, v5;
	_ =	sdelay $0x1  }
0xe5: {  	v4 =	vadd.s32 v2, v4;
	_ =	sdelay $0x1  }
0xe6: {  	s1 =	simm.s32 $0xC400  }
0xe7: {  	[tilespmem:s1], [sflag:$0x2] =	stream.indirect_vreg.gather [hbm4b:s4+s2], $0x80, v5, vm0, $0xb8;
	[tilespmem:$0x18400] =	vst v63  }
0xe8: {  	s19 =	simm.s32 $0xCC00  }
0xe9: {  	[tilespmem:s19], [sflag:$0x2] =	stream.indirect_vreg.gather [hbm4b:s4+s2], $0x80, v4, vm0, $0xb8;
	[tilespmem:$0x18400] =	vst v63  }
0xea: {  	v4 =	vld [tilespmem:$0xD0];
	_ =	sdelay $0x4  }
0xeb: {  	v5 =	vshll.u32 v4, $0x1  }
0xec: {  	v4 =	vand.u32 $0x7, v4;
	v5 =	vand.u32 $0xFFFFFFF0, v5  }
0xed: {  	v4 =	vor.u32 v4, v5  }
0xee: {  	v5 =	vperm.xlane v4, v1;
	_ =	sdelay $0x1  }
0xef: {  	v4 =	vperm.xlane v4, v3;
	v5 =	vadd.s32 v2, v5;
	_ =	sdelay $0x1  }
0xf0: {  	v4 =	vadd.s32 v2, v4;
	_ =	sdelay $0x1  }
0xf1: {  	s1 =	simm.s32 $0xD400  }
0xf2: {  	[tilespmem:s1], [sflag:$0x2] =	stream.indirect_vreg.gather [hbm4b:s4+s2], $0x80, v5, vm0, $0xb8;
	[tilespmem:$0x18400] =	vst v63  }
0xf3: {  	s19 =	simm.s32 $0xDC00  }
0xf4: {  	[tilespmem:s19], [sflag:$0x2] =	stream.indirect_vreg.gather [hbm4b:s4+s2], $0x80, v4, vm0, $0xb8;
	[tilespmem:$0x18400] =	vst v63  }
0xf5: {  	v4 =	vld [tilespmem:$0xE0];
	_ =	sdelay $0x4  }
0xf6: {  	v5 =	vshll.u32 v4, $0x1  }
0xf7: {  	v4 =	vand.u32 $0x7, v4;
	v5 =	vand.u32 $0xFFFFFFF0, v5  }
0xf8: {  	v4 =	vor.u32 v4, v5  }
0xf9: {  	v5 =	vperm.xlane v4, v1;
	_ =	sdelay $0x1  }
0xfa: {  	v4 =	vperm.xlane v4, v3;
	v5 =	vadd.s32 v2, v5;
	_ =	sdelay $0x1  }
0xfb: {  	v4 =	vadd.s32 v2, v4;
	_ =	sdelay $0x1  }
0xfc: {  	s1 =	simm.s32 $0xE400  }
0xfd: {  	[tilespmem:s1], [sflag:$0x2] =	stream.indirect_vreg.gather [hbm4b:s4+s2], $0x80, v5, vm0, $0xb8;
	[tilespmem:$0x18400] =	vst v63  }
0xfe: {  	s19 =	simm.s32 $0xEC00  }
0xff: {  	[tilespmem:s19], [sflag:$0x2] =	stream.indirect_vreg.gather [hbm4b:s4+s2], $0x80, v4, vm0, $0xb8;
	[tilespmem:$0x18400] =	vst v63  }
0x100: {  	v4 =	vld [tilespmem:$0xF0];
	_ =	sdelay $0x4  }
0x101: {  	v5 =	vshll.u32 v4, $0x1  }
0x102: {  	v4 =	vand.u32 $0x7, v4;
	v5 =	vand.u32 $0xFFFFFFF0, v5  }
0x103: {  	v4 =	vor.u32 v4, v5  }
0x104: {  	v5 =	vperm.xlane v4, v1;
	_ =	sdelay $0x1  }
0x105: {  	v4 =	vperm.xlane v4, v3;
	v5 =	vadd.s32 v2, v5;
	_ =	sdelay $0x1  }
0x106: {  	v4 =	vadd.s32 v2, v4;
	_ =	sdelay $0x1  }
0x107: {  	s1 =	simm.s32 $0xF400  }
0x108: {  	[tilespmem:s1], [sflag:$0x2] =	stream.indirect_vreg.gather [hbm4b:s4+s2], $0x80, v5, vm0, $0xb8;
	[tilespmem:$0x18400] =	vst v63  }
0x109: {  	s19 =	simm.s32 $0xFC00  }
0x10a: {  	[tilespmem:s19], [sflag:$0x2] =	stream.indirect_vreg.gather [hbm4b:s4+s2], $0x80, v4, vm0, $0xb8;
	[tilespmem:$0x18400] =	vst v63  }
0x10b: {  	_ =	swait.ge [sflag:s29], $0x8000  }
0x10c: {  	[sflag:s29] =	ssyncset.done $0x0  }
0x10d: {  	s1 =	rddreg [dreg:$0xd];
	[sflag:s29] =	ssyncadd.s32 $0xFFFF8000  }
0x10e: {  	[hbm4b:s1+s2] =	stream.linear.scatter [tilespmem:s21], [sflag:$0x4], $0x8000, $0x38;
	[tilespmem:$0x18400] =	vst v63  }
0x10f: {  	v4 =	vld [tilespmem:$0x100];
	_ =	sdelay $0x4  }
0x110: {  	v5 =	vshll.u32 v4, $0x1  }
0x111: {  	v4 =	vand.u32 $0x7, v4;
	v5 =	vand.u32 $0xFFFFFFF0, v5  }
0x112: {  	v4 =	vor.u32 v4, v5  }
0x113: {  	v5 =	vperm.xlane v4, v1;
	_ =	sdelay $0x1  }
0x114: {  	v4 =	vperm.xlane v4, v3;
	v5 =	vadd.s32 v2, v5;
	_ =	sdelay $0x1  }
0x115: {  	v4 =	vadd.s32 v2, v4;
	_ =	sdelay $0x1  }
0x116: {  	s0 =	simm.s32 $0x10400  }
0x117: {  	[tilespmem:s0], [sflag:$0x3] =	stream.indirect_vreg.gather [hbm4b:s4+s2], $0x80, v5, vm0, $0xb8;
	[tilespmem:$0x18400] =	vst v63  }
0x118: {  	s1 =	simm.s32 $0x10C00  }
0x119: {  	[tilespmem:s1], [sflag:$0x3] =	stream.indirect_vreg.gather [hbm4b:s4+s2], $0x80, v4, vm0, $0xb8;
	[tilespmem:$0x18400] =	vst v63  }
0x11a: {  	v4 =	vld [tilespmem:$0x110];
	_ =	sdelay $0x4  }
0x11b: {  	v5 =	vshll.u32 v4, $0x1  }
0x11c: {  	v4 =	vand.u32 $0x7, v4;
	v5 =	vand.u32 $0xFFFFFFF0, v5  }
0x11d: {  	v4 =	vor.u32 v4, v5  }
0x11e: {  	v5 =	vperm.xlane v4, v1;
	_ =	sdelay $0x1  }
0x11f: {  	v4 =	vperm.xlane v4, v3;
	v5 =	vadd.s32 v2, v5;
	_ =	sdelay $0x1  }
0x120: {  	v4 =	vadd.s32 v2, v4;
	_ =	sdelay $0x2  }
0x121: {  	[tilespmem:s3], [sflag:$0x3] =	stream.indirect_vreg.gather [hbm4b:s4+s2], $0x80, v5, vm0, $0xb8;
	[tilespmem:$0x18400] =	vst v63  }
0x122: {  	_ = 	snop  }
0x123: {  	[tilespmem:s6], [sflag:$0x3] =	stream.indirect_vreg.gather [hbm4b:s4+s2], $0x80, v4, vm0, $0xb8;
	[tilespmem:$0x18400] =	vst v63  }
0x124: {  	v4 =	vld [tilespmem:$0x120];
	_ =	sdelay $0x4  }
0x125: {  	v5 =	vshll.u32 v4, $0x1  }
0x126: {  	v4 =	vand.u32 $0x7, v4;
	v5 =	vand.u32 $0xFFFFFFF0, v5  }
0x127: {  	v4 =	vor.u32 v4, v5  }
0x128: {  	v5 =	vperm.xlane v4, v1;
	_ =	sdelay $0x1  }
0x129: {  	v4 =	vperm.xlane v4, v3;
	v5 =	vadd.s32 v2, v5;
	_ =	sdelay $0x1  }
0x12a: {  	v4 =	vadd.s32 v2, v4;
	_ =	sdelay $0x2  }
0x12b: {  	[tilespmem:s7], [sflag:$0x3] =	stream.indirect_vreg.gather [hbm4b:s4+s2], $0x80, v5, vm0, $0xb8;
	[tilespmem:$0x18400] =	vst v63  }
0x12c: {  	_ = 	snop  }
0x12d: {  	[tilespmem:s8], [sflag:$0x3] =	stream.indirect_vreg.gather [hbm4b:s4+s2], $0x80, v4, vm0, $0xb8;
	[tilespmem:$0x18400] =	vst v63  }
0x12e: {  	v4 =	vld [tilespmem:$0x130];
	_ =	sdelay $0x4  }
0x12f: {  	v5 =	vshll.u32 v4, $0x1  }
0x130: {  	v4 =	vand.u32 $0x7, v4;
	v5 =	vand.u32 $0xFFFFFFF0, v5  }
0x131: {  	v4 =	vor.u32 v4, v5  }
0x132: {  	v5 =	vperm.xlane v4, v1;
	_ =	sdelay $0x1  }
0x133: {  	v4 =	vperm.xlane v4, v3;
	v5 =	vadd.s32 v2, v5;
	_ =	sdelay $0x1  }
0x134: {  	v4 =	vadd.s32 v2, v4;
	_ =	sdelay $0x2  }
0x135: {  	[tilespmem:s9], [sflag:$0x3] =	stream.indirect_vreg.gather [hbm4b:s4+s2], $0x80, v5, vm0, $0xb8;
	[tilespmem:$0x18400] =	vst v63  }
0x136: {  	_ = 	snop  }
0x137: {  	[tilespmem:s10], [sflag:$0x3] =	stream.indirect_vreg.gather [hbm4b:s4+s2], $0x80, v4, vm0, $0xb8;
	[tilespmem:$0x18400] =	vst v63  }
0x138: {  	v4 =	vld [tilespmem:$0x140];
	_ =	sdelay $0x4  }
0x139: {  	v5 =	vshll.u32 v4, $0x1  }
0x13a: {  	v4 =	vand.u32 $0x7, v4;
	v5 =	vand.u32 $0xFFFFFFF0, v5  }
0x13b: {  	v4 =	vor.u32 v4, v5  }
0x13c: {  	v5 =	vperm.xlane v4, v1;
	_ =	sdelay $0x1  }
0x13d: {  	v4 =	vperm.xlane v4, v3;
	v5 =	vadd.s32 v2, v5;
	_ =	sdelay $0x1  }
0x13e: {  	v4 =	vadd.s32 v2, v4;
	_ =	sdelay $0x2  }
0x13f: {  	[tilespmem:s11], [sflag:$0x3] =	stream.indirect_vreg.gather [hbm4b:s4+s2], $0x80, v5, vm0, $0xb8;
	[tilespmem:$0x18400] =	vst v63  }
0x140: {  	_ = 	snop  }
0x141: {  	[tilespmem:s12], [sflag:$0x3] =	stream.indirect_vreg.gather [hbm4b:s4+s2], $0x80, v4, vm0, $0xb8;
	[tilespmem:$0x18400] =	vst v63  }
0x142: {  	v4 =	vld [tilespmem:$0x150];
	_ =	sdelay $0x4  }
0x143: {  	v5 =	vshll.u32 v4, $0x1  }
0x144: {  	v4 =	vand.u32 $0x7, v4;
	v5 =	vand.u32 $0xFFFFFFF0, v5  }
0x145: {  	v4 =	vor.u32 v4, v5  }
0x146: {  	v5 =	vperm.xlane v4, v1;
	_ =	sdelay $0x1  }
0x147: {  	v4 =	vperm.xlane v4, v3;
	v5 =	vadd.s32 v2, v5;
	_ =	sdelay $0x1  }
0x148: {  	v4 =	vadd.s32 v2, v4;
	_ =	sdelay $0x2  }
0x149: {  	[tilespmem:s13], [sflag:$0x3] =	stream.indirect_vreg.gather [hbm4b:s4+s2], $0x80, v5, vm0, $0xb8;
	[tilespmem:$0x18400] =	vst v63  }
0x14a: {  	_ = 	snop  }
0x14b: {  	[tilespmem:s18], [sflag:$0x3] =	stream.indirect_vreg.gather [hbm4b:s4+s2], $0x80, v4, vm0, $0xb8;
	[tilespmem:$0x18400] =	vst v63  }
0x14c: {  	v4 =	vld [tilespmem:$0x160];
	_ =	sdelay $0x4  }
0x14d: {  	v5 =	vshll.u32 v4, $0x1  }
0x14e: {  	v4 =	vand.u32 $0x7, v4;
	v5 =	vand.u32 $0xFFFFFFF0, v5  }
0x14f: {  	v4 =	vor.u32 v4, v5  }
0x150: {  	v5 =	vperm.xlane v4, v1;
	_ =	sdelay $0x1  }
0x151: {  	v4 =	vperm.xlane v4, v3;
	v5 =	vadd.s32 v2, v5;
	_ =	sdelay $0x1  }
0x152: {  	v4 =	vadd.s32 v2, v4;
	_ =	sdelay $0x2  }
0x153: {  	[tilespmem:s22], [sflag:$0x3] =	stream.indirect_vreg.gather [hbm4b:s4+s2], $0x80, v5, vm0, $0xb8;
	[tilespmem:$0x18400] =	vst v63  }
0x154: {  	_ = 	snop  }
0x155: {  	[tilespmem:s23], [sflag:$0x3] =	stream.indirect_vreg.gather [hbm4b:s4+s2], $0x80, v4, vm0, $0xb8;
	[tilespmem:$0x18400] =	vst v63  }
0x156: {  	v4 =	vld [tilespmem:$0x170];
	_ =	sdelay $0x4  }
0x157: {  	v5 =	vshll.u32 v4, $0x1  }
0x158: {  	v4 =	vand.u32 $0x7, v4;
	v5 =	vand.u32 $0xFFFFFFF0, v5  }
0x159: {  	v4 =	vor.u32 v4, v5  }
0x15a: {  	v5 =	vperm.xlane v4, v1;
	_ =	sdelay $0x1  }
0x15b: {  	v4 =	vperm.xlane v4, v3;
	v5 =	vadd.s32 v2, v5;
	_ =	sdelay $0x1  }
0x15c: {  	v4 =	vadd.s32 v2, v4;
	_ =	sdelay $0x2  }
0x15d: {  	[tilespmem:s24], [sflag:$0x3] =	stream.indirect_vreg.gather [hbm4b:s4+s2], $0x80, v5, vm0, $0xb8;
	[tilespmem:$0x18400] =	vst v63  }
0x15e: {  	_ = 	snop  }
0x15f: {  	[tilespmem:s25], [sflag:$0x3] =	stream.indirect_vreg.gather [hbm4b:s4+s2], $0x80, v4, vm0, $0xb8;
	[tilespmem:$0x18400] =	vst v63  }
0x160: {  	_ =	swait.ge [sflag:s14], $0x8000  }
0x161: {  	[sflag:s14] =	ssyncset.done $0x0  }
0x162: {  	s19 =	rddreg [dreg:$0x5];
	[sflag:s14] =	ssyncadd.s32 $0xFFFF8000  }
0x163: {  	[hbm4b:s19+s2] =	stream.linear.scatter [tilespmem:s16], [sflag:$0x5], $0x8000, $0x38;
	[tilespmem:$0x18400] =	vst v63  }
0x164: {  	_ =	swait.ge [sflag:s15], $0x8000  }
0x165: {  	[sflag:s15] =	ssyncset.done $0x0  }
0x166: {  	[sflag:s15] =	ssyncadd.s32 $0xFFFF8000  }
0x167: {  	v4 =	vld [tilespmem:$0x180];
	_ =	sdelay $0x4  }
0x168: {  	v5 =	vshll.u32 v4, $0x1  }
0x169: {  	v4 =	vand.u32 $0x7, v4;
	v5 =	vand.u32 $0xFFFFFFF0, v5  }
0x16a: {  	v4 =	vor.u32 v4, v5  }
0x16b: {  	v5 =	vperm.xlane v4, v1;
	_ =	sdelay $0x1  }
0x16c: {  	v4 =	vperm.xlane v4, v3;
	v5 =	vadd.s32 v2, v5;
	_ =	sdelay $0x1  }
0x16d: {  	v4 =	vadd.s32 v2, v4;
	_ =	sdelay $0x2  }
0x16e: {  	[tilespmem:s21], [sflag:$0x1] =	stream.indirect_vreg.gather [hbm4b:s4+s2], $0x80, v5, vm0, $0xb8;
	[tilespmem:$0x18400] =	vst v63  }
0x16f: {  	_ = 	snop  }
0x170: {  	[tilespmem:s20], [sflag:$0x1] =	stream.indirect_vreg.gather [hbm4b:s4+s2], $0x80, v4, vm0, $0xb8;
	[tilespmem:$0x18400] =	vst v63  }
0x171: {  	v4 =	vld [tilespmem:$0x190];
	_ =	sdelay $0x4  }
0x172: {  	v5 =	vshll.u32 v4, $0x1  }
0x173: {  	v4 =	vand.u32 $0x7, v4;
	v5 =	vand.u32 $0xFFFFFFF0, v5  }
0x174: {  	v4 =	vor.u32 v4, v5  }
0x175: {  	v5 =	vperm.xlane v4, v1;
	_ =	sdelay $0x1  }
0x176: {  	v4 =	vperm.xlane v4, v3;
	v5 =	vadd.s32 v2, v5;
	_ =	sdelay $0x1  }
0x177: {  	v4 =	vadd.s32 v2, v4;
	_ =	sdelay $0x1  }
0x178: {  	s19 =	simm.s32 $0x1400  }
0x179: {  	[tilespmem:s19], [sflag:$0x1] =	stream.indirect_vreg.gather [hbm4b:s4+s2], $0x80, v5, vm0, $0xb8;
	[tilespmem:$0x18400] =	vst v63  }
0x17a: {  	s26 =	simm.s32 $0x1C00  }
0x17b: {  	[tilespmem:s26], [sflag:$0x1] =	stream.indirect_vreg.gather [hbm4b:s4+s2], $0x80, v4, vm0, $0xb8;
	[tilespmem:$0x18400] =	vst v63  }
0x17c: {  	v4 =	vld [tilespmem:$0x1A0];
	_ =	sdelay $0x4  }
0x17d: {  	v5 =	vshll.u32 v4, $0x1  }
0x17e: {  	v4 =	vand.u32 $0x7, v4;
	v5 =	vand.u32 $0xFFFFFFF0, v5  }
0x17f: {  	v4 =	vor.u32 v4, v5  }
0x180: {  	v5 =	vperm.xlane v4, v1;
	_ =	sdelay $0x1  }
0x181: {  	v4 =	vperm.xlane v4, v3;
	v5 =	vadd.s32 v2, v5;
	_ =	sdelay $0x1  }
0x182: {  	v4 =	vadd.s32 v2, v4;
	_ =	sdelay $0x1  }
0x183: {  	s26 =	simm.s32 $0x2400  }
0x184: {  	[tilespmem:s26], [sflag:$0x1] =	stream.indirect_vreg.gather [hbm4b:s4+s2], $0x80, v5, vm0, $0xb8;
	[tilespmem:$0x18400] =	vst v63  }
0x185: {  	s28 =	simm.s32 $0x2C00  }
0x186: {  	[tilespmem:s28], [sflag:$0x1] =	stream.indirect_vreg.gather [hbm4b:s4+s2], $0x80, v4, vm0, $0xb8;
	[tilespmem:$0x18400] =	vst v63  }
0x187: {  	v4 =	vld [tilespmem:$0x1B0];
	_ =	sdelay $0x4  }
0x188: {  	v5 =	vshll.u32 v4, $0x1  }
0x189: {  	v4 =	vand.u32 $0x7, v4;
	v5 =	vand.u32 $0xFFFFFFF0, v5  }
0x18a: {  	v4 =	vor.u32 v4, v5  }
0x18b: {  	v5 =	vperm.xlane v4, v1;
	_ =	sdelay $0x1  }
0x18c: {  	v4 =	vperm.xlane v4, v3;
	v5 =	vadd.s32 v2, v5;
	_ =	sdelay $0x1  }
0x18d: {  	v4 =	vadd.s32 v2, v4;
	_ =	sdelay $0x1  }
0x18e: {  	s28 =	simm.s32 $0x3400  }
0x18f: {  	[tilespmem:s28], [sflag:$0x1] =	stream.indirect_vreg.gather [hbm4b:s4+s2], $0x80, v5, vm0, $0xb8;
	[tilespmem:$0x18400] =	vst v63  }
0x190: {  	s26 =	simm.s32 $0x3C00  }
0x191: {  	[tilespmem:s26], [sflag:$0x1] =	stream.indirect_vreg.gather [hbm4b:s4+s2], $0x80, v4, vm0, $0xb8;
	[tilespmem:$0x18400] =	vst v63  }
0x192: {  	v4 =	vld [tilespmem:$0x1C0];
	_ =	sdelay $0x4  }
0x193: {  	v5 =	vshll.u32 v4, $0x1  }
0x194: {  	v4 =	vand.u32 $0x7, v4;
	v5 =	vand.u32 $0xFFFFFFF0, v5  }
0x195: {  	v4 =	vor.u32 v4, v5  }
0x196: {  	v5 =	vperm.xlane v4, v1;
	_ =	sdelay $0x1  }
0x197: {  	v4 =	vperm.xlane v4, v3;
	v5 =	vadd.s32 v2, v5;
	_ =	sdelay $0x1  }
0x198: {  	v4 =	vadd.s32 v2, v4;
	_ =	sdelay $0x1  }
0x199: {  	s28 =	simm.s32 $0x4400  }
0x19a: {  	[tilespmem:s28], [sflag:$0x1] =	stream.indirect_vreg.gather [hbm4b:s4+s2], $0x80, v5, vm0, $0xb8;
	[tilespmem:$0x18400] =	vst v63  }
0x19b: {  	_ = 	snop  }
0x19c: {  	[tilespmem:s30], [sflag:$0x1] =	stream.indirect_vreg.gather [hbm4b:s4+s2], $0x80, v4, vm0, $0xb8;
	[tilespmem:$0x18400] =	vst v63  }
0x19d: {  	v4 =	vld [tilespmem:$0x1D0];
	_ =	sdelay $0x4  }
0x19e: {  	v5 =	vshll.u32 v4, $0x1  }
0x19f: {  	v4 =	vand.u32 $0x7, v4;
	v5 =	vand.u32 $0xFFFFFFF0, v5  }
0x1a0: {  	v4 =	vor.u32 v4, v5  }
0x1a1: {  	v5 =	vperm.xlane v4, v1;
	_ =	sdelay $0x1  }
0x1a2: {  	v4 =	vperm.xlane v4, v3;
	v5 =	vadd.s32 v2, v5;
	_ =	sdelay $0x1  }
0x1a3: {  	v4 =	vadd.s32 v2, v4;
	_ =	sdelay $0x2  }
0x1a4: {  	[tilespmem:s31], [sflag:$0x1] =	stream.indirect_vreg.gather [hbm4b:s4+s2], $0x80, v5, vm0, $0xb8;
	[tilespmem:$0x18400] =	vst v63  }
0x1a5: {  	s26 =	simm.s32 $0x5C00  }
0x1a6: {  	[tilespmem:s26], [sflag:$0x1] =	stream.indirect_vreg.gather [hbm4b:s4+s2], $0x80, v4, vm0, $0xb8;
	[tilespmem:$0x18400] =	vst v63  }
0x1a7: {  	v4 =	vld [tilespmem:$0x1E0];
	_ =	sdelay $0x4  }
0x1a8: {  	v5 =	vshll.u32 v4, $0x1  }
0x1a9: {  	v4 =	vand.u32 $0x7, v4;
	v5 =	vand.u32 $0xFFFFFFF0, v5  }
0x1aa: {  	v4 =	vor.u32 v4, v5  }
0x1ab: {  	v5 =	vperm.xlane v4, v1;
	_ =	sdelay $0x1  }
0x1ac: {  	v4 =	vperm.xlane v4, v3;
	v5 =	vadd.s32 v2, v5;
	_ =	sdelay $0x1  }
0x1ad: {  	v4 =	vadd.s32 v2, v4;
	_ =	sdelay $0x1  }
0x1ae: {  	s28 =	simm.s32 $0x6400  }
0x1af: {  	[tilespmem:s28], [sflag:$0x1] =	stream.indirect_vreg.gather [hbm4b:s4+s2], $0x80, v5, vm0, $0xb8;
	[tilespmem:$0x18400] =	vst v63  }
0x1b0: {  	s26 =	simm.s32 $0x6C00  }
0x1b1: {  	[tilespmem:s26], [sflag:$0x1] =	stream.indirect_vreg.gather [hbm4b:s4+s2], $0x80, v4, vm0, $0xb8;
	[tilespmem:$0x18400] =	vst v63  }
0x1b2: {  	v4 =	vld [tilespmem:$0x1F0];
	_ =	sdelay $0x4  }
0x1b3: {  	v5 =	vshll.u32 v4, $0x1  }
0x1b4: {  	v4 =	vand.u32 $0x7, v4;
	v5 =	vand.u32 $0xFFFFFFF0, v5  }
0x1b5: {  	v4 =	vor.u32 v4, v5  }
0x1b6: {  	v5 =	vperm.xlane v4, v1;
	_ =	sdelay $0x1  }
0x1b7: {  	v4 =	vperm.xlane v4, v3;
	v5 =	vadd.s32 v2, v5;
	_ =	sdelay $0x1  }
0x1b8: {  	v4 =	vadd.s32 v2, v4;
	_ =	sdelay $0x1  }
0x1b9: {  	s28 =	simm.s32 $0x7400  }
0x1ba: {  	[tilespmem:s28], [sflag:$0x1] =	stream.indirect_vreg.gather [hbm4b:s4+s2], $0x80, v5, vm0, $0xb8;
	[tilespmem:$0x18400] =	vst v63  }
0x1bb: {  	s26 =	simm.s32 $0x7C00  }
0x1bc: {  	[tilespmem:s26], [sflag:$0x1] =	stream.indirect_vreg.gather [hbm4b:s4+s2], $0x80, v4, vm0, $0xb8;
	[tilespmem:$0x18400] =	vst v63  }
0x1bd: {  	s26 =	simm.s32 $0x3  }
0x1be: {  	_ =	swait.ge [sflag:s26], $0x8000  }
0x1bf: {  	[sflag:s26] =	ssyncset.done $0x0  }
0x1c0: {  	s28 =	rddreg [dreg:$0x6];
	[sflag:s26] =	ssyncadd.s32 $0xFFFF8000  }
0x1c1: {  	[hbm4b:s28+s2] =	stream.linear.scatter [tilespmem:s0], [sflag:$0x6], $0x8000, $0x38;
	[tilespmem:$0x18400] =	vst v63  }
0x1c2: {  	_ =	swait.ge [sflag:s17], $0x8000  }
0x1c3: {  	[sflag:s17] =	ssyncset.done $0x0  }
0x1c4: {  	[sflag:s17] =	ssyncadd.s32 $0xFFFF8000  }
0x1c5: {  	v4 =	vld [tilespmem:$0x200];
	_ =	sdelay $0x4  }
0x1c6: {  	v5 =	vshll.u32 v4, $0x1  }
0x1c7: {  	v4 =	vand.u32 $0x7, v4;
	v5 =	vand.u32 $0xFFFFFFF0, v5  }
0x1c8: {  	v4 =	vor.u32 v4, v5  }
0x1c9: {  	v5 =	vperm.xlane v4, v1;
	_ =	sdelay $0x1  }
0x1ca: {  	v4 =	vperm.xlane v4, v3;
	v5 =	vadd.s32 v2, v5;
	_ =	sdelay $0x1  }
0x1cb: {  	v4 =	vadd.s32 v2, v4;
	_ =	sdelay $0x2  }
0x1cc: {  	[tilespmem:s16], [sflag:$0x2] =	stream.indirect_vreg.gather [hbm4b:s4+s2], $0x80, v5, vm0, $0xb8;
	[tilespmem:$0x18400] =	vst v63  }
0x1cd: {  	s28 =	simm.s32 $0x8C00  }
0x1ce: {  	[tilespmem:s28], [sflag:$0x2] =	stream.indirect_vreg.gather [hbm4b:s4+s2], $0x80, v4, vm0, $0xb8;
	[tilespmem:$0x18400] =	vst v63  }
0x1cf: {  	v4 =	vld [tilespmem:$0x210];
	_ =	sdelay $0x4  }
0x1d0: {  	v5 =	vshll.u32 v4, $0x1  }
0x1d1: {  	v4 =	vand.u32 $0x7, v4;
	v5 =	vand.u32 $0xFFFFFFF0, v5  }
0x1d2: {  	v4 =	vor.u32 v4, v5  }
0x1d3: {  	v5 =	vperm.xlane v4, v1;
	_ =	sdelay $0x1  }
0x1d4: {  	v4 =	vperm.xlane v4, v3;
	v5 =	vadd.s32 v2, v5;
	_ =	sdelay $0x1  }
0x1d5: {  	v4 =	vadd.s32 v2, v4;
	_ =	sdelay $0x1  }
0x1d6: {  	s28 =	simm.s32 $0x9400  }
0x1d7: {  	[tilespmem:s28], [sflag:$0x2] =	stream.indirect_vreg.gather [hbm4b:s4+s2], $0x80, v5, vm0, $0xb8;
	[tilespmem:$0x18400] =	vst v63  }
0x1d8: {  	s28 =	simm.s32 $0x9C00  }
0x1d9: {  	[tilespmem:s28], [sflag:$0x2] =	stream.indirect_vreg.gather [hbm4b:s4+s2], $0x80, v4, vm0, $0xb8;
	[tilespmem:$0x18400] =	vst v63  }
0x1da: {  	v4 =	vld [tilespmem:$0x220];
	_ =	sdelay $0x4  }
0x1db: {  	v5 =	vshll.u32 v4, $0x1  }
0x1dc: {  	v4 =	vand.u32 $0x7, v4;
	v5 =	vand.u32 $0xFFFFFFF0, v5  }
0x1dd: {  	v4 =	vor.u32 v4, v5  }
0x1de: {  	v5 =	vperm.xlane v4, v1;
	_ =	sdelay $0x1  }
0x1df: {  	v4 =	vperm.xlane v4, v3;
	v5 =	vadd.s32 v2, v5;
	_ =	sdelay $0x1  }
0x1e0: {  	v4 =	vadd.s32 v2, v4;
	_ =	sdelay $0x1  }
0x1e1: {  	s28 =	simm.s32 $0xA400  }
0x1e2: {  	[tilespmem:s28], [sflag:$0x2] =	stream.indirect_vreg.gather [hbm4b:s4+s2], $0x80, v5, vm0, $0xb8;
	[tilespmem:$0x18400] =	vst v63  }
0x1e3: {  	s28 =	simm.s32 $0xAC00  }
0x1e4: {  	[tilespmem:s28], [sflag:$0x2] =	stream.indirect_vreg.gather [hbm4b:s4+s2], $0x80, v4, vm0, $0xb8;
	[tilespmem:$0x18400] =	vst v63  }
0x1e5: {  	v4 =	vld [tilespmem:$0x230];
	_ =	sdelay $0x4  }
0x1e6: {  	v5 =	vshll.u32 v4, $0x1  }
0x1e7: {  	v4 =	vand.u32 $0x7, v4;
	v5 =	vand.u32 $0xFFFFFFF0, v5  }
0x1e8: {  	v4 =	vor.u32 v4, v5  }
0x1e9: {  	v5 =	vperm.xlane v4, v1;
	_ =	sdelay $0x1  }
0x1ea: {  	v4 =	vperm.xlane v4, v3;
	v5 =	vadd.s32 v2, v5;
	_ =	sdelay $0x1  }
0x1eb: {  	v4 =	vadd.s32 v2, v4;
	_ =	sdelay $0x1  }
0x1ec: {  	s28 =	simm.s32 $0xB400  }
0x1ed: {  	[tilespmem:s28], [sflag:$0x2] =	stream.indirect_vreg.gather [hbm4b:s4+s2], $0x80, v5, vm0, $0xb8;
	[tilespmem:$0x18400] =	vst v63  }
0x1ee: {  	s28 =	simm.s32 $0xBC00  }
0x1ef: {  	[tilespmem:s28], [sflag:$0x2] =	stream.indirect_vreg.gather [hbm4b:s4+s2], $0x80, v4, vm0, $0xb8;
	[tilespmem:$0x18400] =	vst v63  }
0x1f0: {  	v4 =	vld [tilespmem:$0x240];
	_ =	sdelay $0x4  }
0x1f1: {  	v5 =	vshll.u32 v4, $0x1  }
0x1f2: {  	v4 =	vand.u32 $0x7, v4;
	v5 =	vand.u32 $0xFFFFFFF0, v5  }
0x1f3: {  	v4 =	vor.u32 v4, v5  }
0x1f4: {  	v5 =	vperm.xlane v4, v1;
	_ =	sdelay $0x1  }
0x1f5: {  	v4 =	vperm.xlane v4, v3;
	v5 =	vadd.s32 v2, v5;
	_ =	sdelay $0x1  }
0x1f6: {  	v4 =	vadd.s32 v2, v4;
	_ =	sdelay $0x1  }
0x1f7: {  	s28 =	simm.s32 $0xC400  }
0x1f8: {  	[tilespmem:s28], [sflag:$0x2] =	stream.indirect_vreg.gather [hbm4b:s4+s2], $0x80, v5, vm0, $0xb8;
	[tilespmem:$0x18400] =	vst v63  }
0x1f9: {  	s28 =	simm.s32 $0xCC00  }
0x1fa: {  	[tilespmem:s28], [sflag:$0x2] =	stream.indirect_vreg.gather [hbm4b:s4+s2], $0x80, v4, vm0, $0xb8;
	[tilespmem:$0x18400] =	vst v63  }
0x1fb: {  	v4 =	vld [tilespmem:$0x250];
	_ =	sdelay $0x4  }
0x1fc: {  	v5 =	vshll.u32 v4, $0x1  }
0x1fd: {  	v4 =	vand.u32 $0x7, v4;
	v5 =	vand.u32 $0xFFFFFFF0, v5  }
0x1fe: {  	v4 =	vor.u32 v4, v5  }
0x1ff: {  	v5 =	vperm.xlane v4, v1;
	_ =	sdelay $0x1  }
0x200: {  	v4 =	vperm.xlane v4, v3;
	v5 =	vadd.s32 v2, v5;
	_ =	sdelay $0x1  }
0x201: {  	v4 =	vadd.s32 v2, v4;
	_ =	sdelay $0x1  }
0x202: {  	s28 =	simm.s32 $0xD400  }
0x203: {  	[tilespmem:s28], [sflag:$0x2] =	stream.indirect_vreg.gather [hbm4b:s4+s2], $0x80, v5, vm0, $0xb8;
	[tilespmem:$0x18400] =	vst v63  }
0x204: {  	s28 =	simm.s32 $0xDC00  }
0x205: {  	[tilespmem:s28], [sflag:$0x2] =	stream.indirect_vreg.gather [hbm4b:s4+s2], $0x80, v4, vm0, $0xb8;
	[tilespmem:$0x18400] =	vst v63  }
0x206: {  	v4 =	vld [tilespmem:$0x260];
	_ =	sdelay $0x4  }
0x207: {  	v5 =	vshll.u32 v4, $0x1  }
0x208: {  	v4 =	vand.u32 $0x7, v4;
	v5 =	vand.u32 $0xFFFFFFF0, v5  }
0x209: {  	v4 =	vor.u32 v4, v5  }
0x20a: {  	v5 =	vperm.xlane v4, v1;
	_ =	sdelay $0x1  }
0x20b: {  	v4 =	vperm.xlane v4, v3;
	v5 =	vadd.s32 v2, v5;
	_ =	sdelay $0x1  }
0x20c: {  	v4 =	vadd.s32 v2, v4;
	_ =	sdelay $0x1  }
0x20d: {  	s28 =	simm.s32 $0xE400  }
0x20e: {  	[tilespmem:s28], [sflag:$0x2] =	stream.indirect_vreg.gather [hbm4b:s4+s2], $0x80, v5, vm0, $0xb8;
	[tilespmem:$0x18400] =	vst v63  }
0x20f: {  	s28 =	simm.s32 $0xEC00  }
0x210: {  	[tilespmem:s28], [sflag:$0x2] =	stream.indirect_vreg.gather [hbm4b:s4+s2], $0x80, v4, vm0, $0xb8;
	[tilespmem:$0x18400] =	vst v63  }
0x211: {  	v4 =	vld [tilespmem:$0x270];
	_ =	sdelay $0x4  }
0x212: {  	v5 =	vshll.u32 v4, $0x1  }
0x213: {  	v4 =	vand.u32 $0x7, v4;
	v5 =	vand.u32 $0xFFFFFFF0, v5  }
0x214: {  	v4 =	vor.u32 v4, v5  }
0x215: {  	v5 =	vperm.xlane v4, v1;
	_ =	sdelay $0x1  }
0x216: {  	v4 =	vperm.xlane v4, v3;
	v5 =	vadd.s32 v2, v5;
	_ =	sdelay $0x1  }
0x217: {  	v4 =	vadd.s32 v2, v4;
	_ =	sdelay $0x1  }
0x218: {  	s28 =	simm.s32 $0xF400  }
0x219: {  	[tilespmem:s28], [sflag:$0x2] =	stream.indirect_vreg.gather [hbm4b:s4+s2], $0x80, v5, vm0, $0xb8;
	[tilespmem:$0x18400] =	vst v63  }
0x21a: {  	s28 =	simm.s32 $0xFC00  }
0x21b: {  	[tilespmem:s28], [sflag:$0x2] =	stream.indirect_vreg.gather [hbm4b:s4+s2], $0x80, v4, vm0, $0xb8;
	[tilespmem:$0x18400] =	vst v63  }
0x21c: {  	_ =	swait.ge [sflag:s29], $0x8000  }
0x21d: {  	[sflag:s29] =	ssyncset.done $0x0  }
0x21e: {  	s28 =	rddreg [dreg:$0x7];
	[sflag:s29] =	ssyncadd.s32 $0xFFFF8000  }
0x21f: {  	[hbm4b:s28+s2] =	stream.linear.scatter [tilespmem:s21], [sflag:$0x4], $0x8000, $0x38;
	[tilespmem:$0x18400] =	vst v63  }
0x220: {  	s28 =	simm.s32 $0x6  }
0x221: {  	_ =	swait.ge [sflag:s28], $0x8000  }
0x222: {  	[sflag:s28] =	ssyncset.done $0x0  }
0x223: {  	[sflag:s28] =	ssyncadd.s32 $0xFFFF8000  }
0x224: {  	v4 =	vld [tilespmem:$0x280];
	_ =	sdelay $0x4  }
0x225: {  	v5 =	vshll.u32 v4, $0x1  }
0x226: {  	v4 =	vand.u32 $0x7, v4;
	v5 =	vand.u32 $0xFFFFFFF0, v5  }
0x227: {  	v4 =	vor.u32 v4, v5  }
0x228: {  	v5 =	vperm.xlane v4, v1;
	_ =	sdelay $0x1  }
0x229: {  	v4 =	vperm.xlane v4, v3;
	v5 =	vadd.s32 v2, v5;
	_ =	sdelay $0x1  }
0x22a: {  	v4 =	vadd.s32 v2, v4;
	_ =	sdelay $0x2  }
0x22b: {  	[tilespmem:s0], [sflag:$0x3] =	stream.indirect_vreg.gather [hbm4b:s4+s2], $0x80, v5, vm0, $0xb8;
	[tilespmem:$0x18400] =	vst v63  }
0x22c: {  	_ = 	snop  }
0x22d: {  	[tilespmem:s1], [sflag:$0x3] =	stream.indirect_vreg.gather [hbm4b:s4+s2], $0x80, v4, vm0, $0xb8;
	[tilespmem:$0x18400] =	vst v63  }
0x22e: {  	v4 =	vld [tilespmem:$0x290];
	_ =	sdelay $0x4  }
0x22f: {  	v5 =	vshll.u32 v4, $0x1  }
0x230: {  	v4 =	vand.u32 $0x7, v4;
	v5 =	vand.u32 $0xFFFFFFF0, v5  }
0x231: {  	v4 =	vor.u32 v4, v5  }
0x232: {  	v5 =	vperm.xlane v4, v1;
	_ =	sdelay $0x1  }
0x233: {  	v4 =	vperm.xlane v4, v3;
	v5 =	vadd.s32 v2, v5;
	_ =	sdelay $0x1  }
0x234: {  	v4 =	vadd.s32 v2, v4;
	_ =	sdelay $0x2  }
0x235: {  	[tilespmem:s3], [sflag:$0x3] =	stream.indirect_vreg.gather [hbm4b:s4+s2], $0x80, v5, vm0, $0xb8;
	[tilespmem:$0x18400] =	vst v63  }
0x236: {  	_ = 	snop  }
0x237: {  	[tilespmem:s6], [sflag:$0x3] =	stream.indirect_vreg.gather [hbm4b:s4+s2], $0x80, v4, vm0, $0xb8;
	[tilespmem:$0x18400] =	vst v63  }
0x238: {  	v4 =	vld [tilespmem:$0x2A0];
	_ =	sdelay $0x4  }
0x239: {  	v5 =	vshll.u32 v4, $0x1  }
0x23a: {  	v4 =	vand.u32 $0x7, v4;
	v5 =	vand.u32 $0xFFFFFFF0, v5  }
0x23b: {  	v4 =	vor.u32 v4, v5  }
0x23c: {  	v5 =	vperm.xlane v4, v1;
	_ =	sdelay $0x1  }
0x23d: {  	v4 =	vperm.xlane v4, v3;
	v5 =	vadd.s32 v2, v5;
	_ =	sdelay $0x1  }
0x23e: {  	v4 =	vadd.s32 v2, v4;
	_ =	sdelay $0x2  }
0x23f: {  	[tilespmem:s7], [sflag:$0x3] =	stream.indirect_vreg.gather [hbm4b:s4+s2], $0x80, v5, vm0, $0xb8;
	[tilespmem:$0x18400] =	vst v63  }
0x240: {  	_ = 	snop  }
0x241: {  	[tilespmem:s8], [sflag:$0x3] =	stream.indirect_vreg.gather [hbm4b:s4+s2], $0x80, v4, vm0, $0xb8;
	[tilespmem:$0x18400] =	vst v63  }
0x242: {  	v4 =	vld [tilespmem:$0x2B0];
	_ =	sdelay $0x4  }
0x243: {  	v5 =	vshll.u32 v4, $0x1  }
0x244: {  	v4 =	vand.u32 $0x7, v4;
	v5 =	vand.u32 $0xFFFFFFF0, v5  }
0x245: {  	v4 =	vor.u32 v4, v5  }
0x246: {  	v5 =	vperm.xlane v4, v1;
	_ =	sdelay $0x1  }
0x247: {  	v4 =	vperm.xlane v4, v3;
	v5 =	vadd.s32 v2, v5;
	_ =	sdelay $0x1  }
0x248: {  	v4 =	vadd.s32 v2, v4;
	_ =	sdelay $0x2  }
0x249: {  	[tilespmem:s9], [sflag:$0x3] =	stream.indirect_vreg.gather [hbm4b:s4+s2], $0x80, v5, vm0, $0xb8;
	[tilespmem:$0x18400] =	vst v63  }
0x24a: {  	_ = 	snop  }
0x24b: {  	[tilespmem:s10], [sflag:$0x3] =	stream.indirect_vreg.gather [hbm4b:s4+s2], $0x80, v4, vm0, $0xb8;
	[tilespmem:$0x18400] =	vst v63  }
0x24c: {  	v4 =	vld [tilespmem:$0x2C0];
	_ =	sdelay $0x4  }
0x24d: {  	v5 =	vshll.u32 v4, $0x1  }
0x24e: {  	v4 =	vand.u32 $0x7, v4;
	v5 =	vand.u32 $0xFFFFFFF0, v5  }
0x24f: {  	v4 =	vor.u32 v4, v5  }
0x250: {  	v5 =	vperm.xlane v4, v1;
	_ =	sdelay $0x1  }
0x251: {  	v4 =	vperm.xlane v4, v3;
	v5 =	vadd.s32 v2, v5;
	_ =	sdelay $0x1  }
0x252: {  	v4 =	vadd.s32 v2, v4;
	_ =	sdelay $0x2  }
0x253: {  	[tilespmem:s11], [sflag:$0x3] =	stream.indirect_vreg.gather [hbm4b:s4+s2], $0x80, v5, vm0, $0xb8;
	[tilespmem:$0x18400] =	vst v63  }
0x254: {  	_ = 	snop  }
0x255: {  	[tilespmem:s12], [sflag:$0x3] =	stream.indirect_vreg.gather [hbm4b:s4+s2], $0x80, v4, vm0, $0xb8;
	[tilespmem:$0x18400] =	vst v63  }
0x256: {  	v4 =	vld [tilespmem:$0x2D0];
	_ =	sdelay $0x4  }
0x257: {  	v5 =	vshll.u32 v4, $0x1  }
0x258: {  	v4 =	vand.u32 $0x7, v4;
	v5 =	vand.u32 $0xFFFFFFF0, v5  }
0x259: {  	v4 =	vor.u32 v4, v5  }
0x25a: {  	v5 =	vperm.xlane v4, v1;
	_ =	sdelay $0x1  }
0x25b: {  	v4 =	vperm.xlane v4, v3;
	v5 =	vadd.s32 v2, v5;
	_ =	sdelay $0x1  }
0x25c: {  	v4 =	vadd.s32 v2, v4;
	_ =	sdelay $0x2  }
0x25d: {  	[tilespmem:s13], [sflag:$0x3] =	stream.indirect_vreg.gather [hbm4b:s4+s2], $0x80, v5, vm0, $0xb8;
	[tilespmem:$0x18400] =	vst v63  }
0x25e: {  	_ = 	snop  }
0x25f: {  	[tilespmem:s18], [sflag:$0x3] =	stream.indirect_vreg.gather [hbm4b:s4+s2], $0x80, v4, vm0, $0xb8;
	[tilespmem:$0x18400] =	vst v63  }
0x260: {  	v4 =	vld [tilespmem:$0x2E0];
	_ =	sdelay $0x4  }
0x261: {  	v5 =	vshll.u32 v4, $0x1  }
0x262: {  	v4 =	vand.u32 $0x7, v4;
	v5 =	vand.u32 $0xFFFFFFF0, v5  }
0x263: {  	v4 =	vor.u32 v4, v5  }
0x264: {  	v5 =	vperm.xlane v4, v1;
	_ =	sdelay $0x1  }
0x265: {  	v4 =	vperm.xlane v4, v3;
	v5 =	vadd.s32 v2, v5;
	_ =	sdelay $0x1  }
0x266: {  	v4 =	vadd.s32 v2, v4;
	_ =	sdelay $0x2  }
0x267: {  	[tilespmem:s22], [sflag:$0x3] =	stream.indirect_vreg.gather [hbm4b:s4+s2], $0x80, v5, vm0, $0xb8;
	[tilespmem:$0x18400] =	vst v63  }
0x268: {  	_ = 	snop  }
0x269: {  	[tilespmem:s23], [sflag:$0x3] =	stream.indirect_vreg.gather [hbm4b:s4+s2], $0x80, v4, vm0, $0xb8;
	[tilespmem:$0x18400] =	vst v63  }
0x26a: {  	v4 =	vld [tilespmem:$0x2F0];
	_ =	sdelay $0x4  }
0x26b: {  	v5 =	vshll.u32 v4, $0x1  }
0x26c: {  	v4 =	vand.u32 $0x7, v4;
	v5 =	vand.u32 $0xFFFFFFF0, v5  }
0x26d: {  	v4 =	vor.u32 v4, v5  }
0x26e: {  	v5 =	vperm.xlane v4, v1;
	_ =	sdelay $0x1  }
0x26f: {  	v4 =	vperm.xlane v4, v3;
	v5 =	vadd.s32 v2, v5;
	_ =	sdelay $0x1  }
0x270: {  	v4 =	vadd.s32 v2, v4;
	_ =	sdelay $0x2  }
0x271: {  	[tilespmem:s24], [sflag:$0x3] =	stream.indirect_vreg.gather [hbm4b:s4+s2], $0x80, v5, vm0, $0xb8;
	[tilespmem:$0x18400] =	vst v63  }
0x272: {  	_ = 	snop  }
0x273: {  	[tilespmem:s25], [sflag:$0x3] =	stream.indirect_vreg.gather [hbm4b:s4+s2], $0x80, v4, vm0, $0xb8;
	[tilespmem:$0x18400] =	vst v63  }
0x274: {  	_ =	swait.ge [sflag:s14], $0x8000  }
0x275: {  	[sflag:s14] =	ssyncset.done $0x0  }
0x276: {  	s1 =	rddreg [dreg:$0x8];
	[sflag:s14] =	ssyncadd.s32 $0xFFFF8000  }
0x277: {  	[hbm4b:s1+s2] =	stream.linear.scatter [tilespmem:s16], [sflag:$0x5], $0x8000, $0x38;
	[tilespmem:$0x18400] =	vst v63  }
0x278: {  	_ =	swait.ge [sflag:s15], $0x8000  }
0x279: {  	[sflag:s15] =	ssyncset.done $0x0  }
0x27a: {  	[sflag:s15] =	ssyncadd.s32 $0xFFFF8000  }
0x27b: {  	v4 =	vld [tilespmem:$0x300];
	_ =	sdelay $0x4  }
0x27c: {  	v5 =	vshll.u32 v4, $0x1  }
0x27d: {  	v4 =	vand.u32 $0x7, v4;
	v5 =	vand.u32 $0xFFFFFFF0, v5  }
0x27e: {  	v4 =	vor.u32 v4, v5  }
0x27f: {  	v5 =	vperm.xlane v4, v1;
	_ =	sdelay $0x1  }
0x280: {  	v4 =	vperm.xlane v4, v3;
	v5 =	vadd.s32 v2, v5;
	_ =	sdelay $0x1  }
0x281: {  	v4 =	vadd.s32 v2, v4;
	_ =	sdelay $0x2  }
0x282: {  	[tilespmem:s21], [sflag:$0x1] =	stream.indirect_vreg.gather [hbm4b:s4+s2], $0x80, v5, vm0, $0xb8;
	[tilespmem:$0x18400] =	vst v63  }
0x283: {  	_ = 	snop  }
0x284: {  	[tilespmem:s20], [sflag:$0x1] =	stream.indirect_vreg.gather [hbm4b:s4+s2], $0x80, v4, vm0, $0xb8;
	[tilespmem:$0x18400] =	vst v63  }
0x285: {  	v4 =	vld [tilespmem:$0x310];
	_ =	sdelay $0x4  }
0x286: {  	v5 =	vshll.u32 v4, $0x1  }
0x287: {  	v4 =	vand.u32 $0x7, v4;
	v5 =	vand.u32 $0xFFFFFFF0, v5  }
0x288: {  	v4 =	vor.u32 v4, v5  }
0x289: {  	v5 =	vperm.xlane v4, v1;
	_ =	sdelay $0x1  }
0x28a: {  	v4 =	vperm.xlane v4, v3;
	v5 =	vadd.s32 v2, v5;
	_ =	sdelay $0x1  }
0x28b: {  	v4 =	vadd.s32 v2, v4;
	_ =	sdelay $0x1  }
0x28c: {  	s20 =	simm.s32 $0x1400  }
0x28d: {  	[tilespmem:s20], [sflag:$0x1] =	stream.indirect_vreg.gather [hbm4b:s4+s2], $0x80, v5, vm0, $0xb8;
	[tilespmem:$0x18400] =	vst v63  }
0x28e: {  	s19 =	simm.s32 $0x1C00  }
0x28f: {  	[tilespmem:s19], [sflag:$0x1] =	stream.indirect_vreg.gather [hbm4b:s4+s2], $0x80, v4, vm0, $0xb8;
	[tilespmem:$0x18400] =	vst v63  }
0x290: {  	v4 =	vld [tilespmem:$0x320];
	_ =	sdelay $0x4  }
0x291: {  	v5 =	vshll.u32 v4, $0x1  }
0x292: {  	v4 =	vand.u32 $0x7, v4;
	v5 =	vand.u32 $0xFFFFFFF0, v5  }
0x293: {  	v4 =	vor.u32 v4, v5  }
0x294: {  	v5 =	vperm.xlane v4, v1;
	_ =	sdelay $0x1  }
0x295: {  	v4 =	vperm.xlane v4, v3;
	v5 =	vadd.s32 v2, v5;
	_ =	sdelay $0x1  }
0x296: {  	v4 =	vadd.s32 v2, v4;
	_ =	sdelay $0x1  }
0x297: {  	s20 =	simm.s32 $0x2400  }
0x298: {  	[tilespmem:s20], [sflag:$0x1] =	stream.indirect_vreg.gather [hbm4b:s4+s2], $0x80, v5, vm0, $0xb8;
	[tilespmem:$0x18400] =	vst v63  }
0x299: {  	s19 =	simm.s32 $0x2C00  }
0x29a: {  	[tilespmem:s19], [sflag:$0x1] =	stream.indirect_vreg.gather [hbm4b:s4+s2], $0x80, v4, vm0, $0xb8;
	[tilespmem:$0x18400] =	vst v63  }
0x29b: {  	v4 =	vld [tilespmem:$0x330];
	_ =	sdelay $0x4  }
0x29c: {  	v5 =	vshll.u32 v4, $0x1  }
0x29d: {  	v4 =	vand.u32 $0x7, v4;
	v5 =	vand.u32 $0xFFFFFFF0, v5  }
0x29e: {  	v4 =	vor.u32 v4, v5  }
0x29f: {  	v5 =	vperm.xlane v4, v1;
	_ =	sdelay $0x1  }
0x2a0: {  	v4 =	vperm.xlane v4, v3;
	v5 =	vadd.s32 v2, v5;
	_ =	sdelay $0x1  }
0x2a1: {  	v4 =	vadd.s32 v2, v4;
	_ =	sdelay $0x1  }
0x2a2: {  	s20 =	simm.s32 $0x3400  }
0x2a3: {  	[tilespmem:s20], [sflag:$0x1] =	stream.indirect_vreg.gather [hbm4b:s4+s2], $0x80, v5, vm0, $0xb8;
	[tilespmem:$0x18400] =	vst v63  }
0x2a4: {  	s19 =	simm.s32 $0x3C00  }
0x2a5: {  	[tilespmem:s19], [sflag:$0x1] =	stream.indirect_vreg.gather [hbm4b:s4+s2], $0x80, v4, vm0, $0xb8;
	[tilespmem:$0x18400] =	vst v63  }
0x2a6: {  	v4 =	vld [tilespmem:$0x340];
	_ =	sdelay $0x4  }
0x2a7: {  	v5 =	vshll.u32 v4, $0x1  }
0x2a8: {  	v4 =	vand.u32 $0x7, v4;
	v5 =	vand.u32 $0xFFFFFFF0, v5  }
0x2a9: {  	v4 =	vor.u32 v4, v5  }
0x2aa: {  	v5 =	vperm.xlane v4, v1;
	_ =	sdelay $0x1  }
0x2ab: {  	v4 =	vperm.xlane v4, v3;
	v5 =	vadd.s32 v2, v5;
	_ =	sdelay $0x1  }
0x2ac: {  	v4 =	vadd.s32 v2, v4;
	_ =	sdelay $0x1  }
0x2ad: {  	s20 =	simm.s32 $0x4400  }
0x2ae: {  	[tilespmem:s20], [sflag:$0x1] =	stream.indirect_vreg.gather [hbm4b:s4+s2], $0x80, v5, vm0, $0xb8;
	[tilespmem:$0x18400] =	vst v63  }
0x2af: {  	_ = 	snop  }
0x2b0: {  	[tilespmem:s30], [sflag:$0x1] =	stream.indirect_vreg.gather [hbm4b:s4+s2], $0x80, v4, vm0, $0xb8;
	[tilespmem:$0x18400] =	vst v63  }
0x2b1: {  	v4 =	vld [tilespmem:$0x350];
	_ =	sdelay $0x4  }
0x2b2: {  	v5 =	vshll.u32 v4, $0x1  }
0x2b3: {  	v4 =	vand.u32 $0x7, v4;
	v5 =	vand.u32 $0xFFFFFFF0, v5  }
0x2b4: {  	v4 =	vor.u32 v4, v5  }
0x2b5: {  	v5 =	vperm.xlane v4, v1;
	_ =	sdelay $0x1  }
0x2b6: {  	v4 =	vperm.xlane v4, v3;
	v5 =	vadd.s32 v2, v5;
	_ =	sdelay $0x1  }
0x2b7: {  	v4 =	vadd.s32 v2, v4;
	_ =	sdelay $0x2  }
0x2b8: {  	[tilespmem:s31], [sflag:$0x1] =	stream.indirect_vreg.gather [hbm4b:s4+s2], $0x80, v5, vm0, $0xb8;
	[tilespmem:$0x18400] =	vst v63  }
0x2b9: {  	s19 =	simm.s32 $0x5C00  }
0x2ba: {  	[tilespmem:s19], [sflag:$0x1] =	stream.indirect_vreg.gather [hbm4b:s4+s2], $0x80, v4, vm0, $0xb8;
	[tilespmem:$0x18400] =	vst v63  }
0x2bb: {  	v4 =	vld [tilespmem:$0x360];
	_ =	sdelay $0x4  }
0x2bc: {  	v5 =	vshll.u32 v4, $0x1  }
0x2bd: {  	v4 =	vand.u32 $0x7, v4;
	v5 =	vand.u32 $0xFFFFFFF0, v5  }
0x2be: {  	v4 =	vor.u32 v4, v5  }
0x2bf: {  	v5 =	vperm.xlane v4, v1;
	_ =	sdelay $0x1  }
0x2c0: {  	v4 =	vperm.xlane v4, v3;
	v5 =	vadd.s32 v2, v5;
	_ =	sdelay $0x1  }
0x2c1: {  	v4 =	vadd.s32 v2, v4;
	_ =	sdelay $0x1  }
0x2c2: {  	s20 =	simm.s32 $0x6400  }
0x2c3: {  	[tilespmem:s20], [sflag:$0x1] =	stream.indirect_vreg.gather [hbm4b:s4+s2], $0x80, v5, vm0, $0xb8;
	[tilespmem:$0x18400] =	vst v63  }
0x2c4: {  	s19 =	simm.s32 $0x6C00  }
0x2c5: {  	[tilespmem:s19], [sflag:$0x1] =	stream.indirect_vreg.gather [hbm4b:s4+s2], $0x80, v4, vm0, $0xb8;
	[tilespmem:$0x18400] =	vst v63  }
0x2c6: {  	v4 =	vld [tilespmem:$0x370];
	_ =	sdelay $0x4  }
0x2c7: {  	v5 =	vshll.u32 v4, $0x1  }
0x2c8: {  	v4 =	vand.u32 $0x7, v4;
	v5 =	vand.u32 $0xFFFFFFF0, v5  }
0x2c9: {  	v4 =	vor.u32 v4, v5  }
0x2ca: {  	v5 =	vperm.xlane v4, v1;
	_ =	sdelay $0x1  }
0x2cb: {  	v4 =	vperm.xlane v4, v3;
	v5 =	vadd.s32 v2, v5;
	_ =	sdelay $0x1  }
0x2cc: {  	v4 =	vadd.s32 v2, v4;
	_ =	sdelay $0x1  }
0x2cd: {  	s20 =	simm.s32 $0x7400  }
0x2ce: {  	[tilespmem:s20], [sflag:$0x1] =	stream.indirect_vreg.gather [hbm4b:s4+s2], $0x80, v5, vm0, $0xb8;
	[tilespmem:$0x18400] =	vst v63  }
0x2cf: {  	s19 =	simm.s32 $0x7C00  }
0x2d0: {  	[tilespmem:s19], [sflag:$0x1] =	stream.indirect_vreg.gather [hbm4b:s4+s2], $0x80, v4, vm0, $0xb8;
	[tilespmem:$0x18400] =	vst v63  }
0x2d1: {  	_ =	swait.ge [sflag:s26], $0x8000  }
0x2d2: {  	[sflag:s26] =	ssyncset.done $0x0  }
0x2d3: {  	s20 =	rddreg [dreg:$0x9];
	[sflag:s26] =	ssyncadd.s32 $0xFFFF8000  }
0x2d4: {  	[hbm4b:s20+s2] =	stream.linear.scatter [tilespmem:s0], [sflag:$0x6], $0x8000, $0x38;
	[tilespmem:$0x18400] =	vst v63  }
0x2d5: {  	_ =	swait.ge [sflag:s17], $0x8000  }
0x2d6: {  	[sflag:s17] =	ssyncset.done $0x0  }
0x2d7: {  	[sflag:s17] =	ssyncadd.s32 $0xFFFF8000  }
0x2d8: {  	v4 =	vld [tilespmem:$0x380];
	_ =	sdelay $0x4  }
0x2d9: {  	v5 =	vshll.u32 v4, $0x1  }
0x2da: {  	v4 =	vand.u32 $0x7, v4;
	v5 =	vand.u32 $0xFFFFFFF0, v5  }
0x2db: {  	v4 =	vor.u32 v4, v5  }
0x2dc: {  	v5 =	vperm.xlane v4, v1;
	_ =	sdelay $0x1  }
0x2dd: {  	v4 =	vperm.xlane v4, v3;
	v5 =	vadd.s32 v2, v5;
	_ =	sdelay $0x1  }
0x2de: {  	v4 =	vadd.s32 v2, v4;
	_ =	sdelay $0x2  }
0x2df: {  	[tilespmem:s16], [sflag:$0x2] =	stream.indirect_vreg.gather [hbm4b:s4+s2], $0x80, v5, vm0, $0xb8;
	[tilespmem:$0x18400] =	vst v63  }
0x2e0: {  	s26 =	simm.s32 $0x8C00  }
0x2e1: {  	[tilespmem:s26], [sflag:$0x2] =	stream.indirect_vreg.gather [hbm4b:s4+s2], $0x80, v4, vm0, $0xb8;
	[tilespmem:$0x18400] =	vst v63  }
0x2e2: {  	v4 =	vld [tilespmem:$0x390];
	_ =	sdelay $0x4  }
0x2e3: {  	v5 =	vshll.u32 v4, $0x1  }
0x2e4: {  	v4 =	vand.u32 $0x7, v4;
	v5 =	vand.u32 $0xFFFFFFF0, v5  }
0x2e5: {  	v4 =	vor.u32 v4, v5  }
0x2e6: {  	v5 =	vperm.xlane v4, v1;
	_ =	sdelay $0x1  }
0x2e7: {  	v4 =	vperm.xlane v4, v3;
	v5 =	vadd.s32 v2, v5;
	_ =	sdelay $0x1  }
0x2e8: {  	v4 =	vadd.s32 v2, v4;
	_ =	sdelay $0x1  }
0x2e9: {  	s1 =	simm.s32 $0x9400  }
0x2ea: {  	[tilespmem:s1], [sflag:$0x2] =	stream.indirect_vreg.gather [hbm4b:s4+s2], $0x80, v5, vm0, $0xb8;
	[tilespmem:$0x18400] =	vst v63  }
0x2eb: {  	s19 =	simm.s32 $0x9C00  }
0x2ec: {  	[tilespmem:s19], [sflag:$0x2] =	stream.indirect_vreg.gather [hbm4b:s4+s2], $0x80, v4, vm0, $0xb8;
	[tilespmem:$0x18400] =	vst v63  }
0x2ed: {  	v4 =	vld [tilespmem:$0x3A0];
	_ =	sdelay $0x4  }
0x2ee: {  	v5 =	vshll.u32 v4, $0x1  }
0x2ef: {  	v4 =	vand.u32 $0x7, v4;
	v5 =	vand.u32 $0xFFFFFFF0, v5  }
0x2f0: {  	v4 =	vor.u32 v4, v5  }
0x2f1: {  	v5 =	vperm.xlane v4, v1;
	_ =	sdelay $0x1  }
0x2f2: {  	v4 =	vperm.xlane v4, v3;
	v5 =	vadd.s32 v2, v5;
	_ =	sdelay $0x1  }
0x2f3: {  	v4 =	vadd.s32 v2, v4;
	_ =	sdelay $0x1  }
0x2f4: {  	s20 =	simm.s32 $0xA400  }
0x2f5: {  	[tilespmem:s20], [sflag:$0x2] =	stream.indirect_vreg.gather [hbm4b:s4+s2], $0x80, v5, vm0, $0xb8;
	[tilespmem:$0x18400] =	vst v63  }
0x2f6: {  	s26 =	simm.s32 $0xAC00  }
0x2f7: {  	[tilespmem:s26], [sflag:$0x2] =	stream.indirect_vreg.gather [hbm4b:s4+s2], $0x80, v4, vm0, $0xb8;
	[tilespmem:$0x18400] =	vst v63  }
0x2f8: {  	v4 =	vld [tilespmem:$0x3B0];
	_ =	sdelay $0x4  }
0x2f9: {  	v5 =	vshll.u32 v4, $0x1  }
0x2fa: {  	v4 =	vand.u32 $0x7, v4;
	v5 =	vand.u32 $0xFFFFFFF0, v5  }
0x2fb: {  	v4 =	vor.u32 v4, v5  }
0x2fc: {  	v5 =	vperm.xlane v4, v1;
	_ =	sdelay $0x1  }
0x2fd: {  	v4 =	vperm.xlane v4, v3;
	v5 =	vadd.s32 v2, v5;
	_ =	sdelay $0x1  }
0x2fe: {  	v4 =	vadd.s32 v2, v4;
	_ =	sdelay $0x1  }
0x2ff: {  	s1 =	simm.s32 $0xB400  }
0x300: {  	[tilespmem:s1], [sflag:$0x2] =	stream.indirect_vreg.gather [hbm4b:s4+s2], $0x80, v5, vm0, $0xb8;
	[tilespmem:$0x18400] =	vst v63  }
0x301: {  	s19 =	simm.s32 $0xBC00  }
0x302: {  	[tilespmem:s19], [sflag:$0x2] =	stream.indirect_vreg.gather [hbm4b:s4+s2], $0x80, v4, vm0, $0xb8;
	[tilespmem:$0x18400] =	vst v63  }
0x303: {  	v4 =	vld [tilespmem:$0x3C0];
	_ =	sdelay $0x4  }
0x304: {  	v5 =	vshll.u32 v4, $0x1  }
0x305: {  	v4 =	vand.u32 $0x7, v4;
	v5 =	vand.u32 $0xFFFFFFF0, v5  }
0x306: {  	v4 =	vor.u32 v4, v5  }
0x307: {  	v5 =	vperm.xlane v4, v1;
	_ =	sdelay $0x1  }
0x308: {  	v4 =	vperm.xlane v4, v3;
	v5 =	vadd.s32 v2, v5;
	_ =	sdelay $0x1  }
0x309: {  	v4 =	vadd.s32 v2, v4;
	_ =	sdelay $0x1  }
0x30a: {  	s20 =	simm.s32 $0xC400  }
0x30b: {  	[tilespmem:s20], [sflag:$0x2] =	stream.indirect_vreg.gather [hbm4b:s4+s2], $0x80, v5, vm0, $0xb8;
	[tilespmem:$0x18400] =	vst v63  }
0x30c: {  	s26 =	simm.s32 $0xCC00  }
0x30d: {  	[tilespmem:s26], [sflag:$0x2] =	stream.indirect_vreg.gather [hbm4b:s4+s2], $0x80, v4, vm0, $0xb8;
	[tilespmem:$0x18400] =	vst v63  }
0x30e: {  	v4 =	vld [tilespmem:$0x3D0];
	_ =	sdelay $0x4  }
0x30f: {  	v5 =	vshll.u32 v4, $0x1  }
0x310: {  	v4 =	vand.u32 $0x7, v4;
	v5 =	vand.u32 $0xFFFFFFF0, v5  }
0x311: {  	v4 =	vor.u32 v4, v5  }
0x312: {  	v5 =	vperm.xlane v4, v1;
	_ =	sdelay $0x1  }
0x313: {  	v4 =	vperm.xlane v4, v3;
	v5 =	vadd.s32 v2, v5;
	_ =	sdelay $0x1  }
0x314: {  	v4 =	vadd.s32 v2, v4;
	_ =	sdelay $0x1  }
0x315: {  	s1 =	simm.s32 $0xD400  }
0x316: {  	[tilespmem:s1], [sflag:$0x2] =	stream.indirect_vreg.gather [hbm4b:s4+s2], $0x80, v5, vm0, $0xb8;
	[tilespmem:$0x18400] =	vst v63  }
0x317: {  	s19 =	simm.s32 $0xDC00  }
0x318: {  	[tilespmem:s19], [sflag:$0x2] =	stream.indirect_vreg.gather [hbm4b:s4+s2], $0x80, v4, vm0, $0xb8;
	[tilespmem:$0x18400] =	vst v63  }
0x319: {  	v4 =	vld [tilespmem:$0x3E0];
	_ =	sdelay $0x4  }
0x31a: {  	v5 =	vshll.u32 v4, $0x1  }
0x31b: {  	v4 =	vand.u32 $0x7, v4;
	v5 =	vand.u32 $0xFFFFFFF0, v5  }
0x31c: {  	v4 =	vor.u32 v4, v5  }
0x31d: {  	v5 =	vperm.xlane v4, v1;
	_ =	sdelay $0x1  }
0x31e: {  	v4 =	vperm.xlane v4, v3;
	v5 =	vadd.s32 v2, v5;
	_ =	sdelay $0x1  }
0x31f: {  	v4 =	vadd.s32 v2, v4;
	_ =	sdelay $0x1  }
0x320: {  	s20 =	simm.s32 $0xE400  }
0x321: {  	[tilespmem:s20], [sflag:$0x2] =	stream.indirect_vreg.gather [hbm4b:s4+s2], $0x80, v5, vm0, $0xb8;
	[tilespmem:$0x18400] =	vst v63  }
0x322: {  	s26 =	simm.s32 $0xEC00  }
0x323: {  	[tilespmem:s26], [sflag:$0x2] =	stream.indirect_vreg.gather [hbm4b:s4+s2], $0x80, v4, vm0, $0xb8;
	[tilespmem:$0x18400] =	vst v63  }
0x324: {  	v4 =	vld [tilespmem:$0x3F0];
	_ =	sdelay $0x4  }
0x325: {  	v5 =	vshll.u32 v4, $0x1  }
0x326: {  	v4 =	vand.u32 $0x7, v4;
	v5 =	vand.u32 $0xFFFFFFF0, v5  }
0x327: {  	v4 =	vor.u32 v4, v5  }
0x328: {  	v5 =	vperm.xlane v4, v1;
	_ =	sdelay $0x1  }
0x329: {  	v4 =	vperm.xlane v4, v3;
	v5 =	vadd.s32 v2, v5;
	_ =	sdelay $0x1  }
0x32a: {  	v4 =	vadd.s32 v2, v4;
	_ =	sdelay $0x1  }
0x32b: {  	s1 =	simm.s32 $0xF400  }
0x32c: {  	[tilespmem:s1], [sflag:$0x2] =	stream.indirect_vreg.gather [hbm4b:s4+s2], $0x80, v5, vm0, $0xb8;
	[tilespmem:$0x18400] =	vst v63  }
0x32d: {  	s19 =	simm.s32 $0xFC00  }
0x32e: {  	[tilespmem:s19], [sflag:$0x2] =	stream.indirect_vreg.gather [hbm4b:s4+s2], $0x80, v4, vm0, $0xb8;
	[tilespmem:$0x18400] =	vst v63  }
0x32f: {  	_ =	swait.ge [sflag:s29], $0x8000  }
0x330: {  	[sflag:s29] =	ssyncset.done $0x0  }
0x331: {  	s20 =	rddreg [dreg:$0xa];
	[sflag:s29] =	ssyncadd.s32 $0xFFFF8000  }
0x332: {  	[hbm4b:s20+s2] =	stream.linear.scatter [tilespmem:s21], [sflag:$0x4], $0x8000, $0x38;
	[tilespmem:$0x18400] =	vst v63  }
0x333: {  	_ =	swait.ge [sflag:s14], $0x8000  }
0x334: {  	[sflag:s14] =	ssyncset.done $0x0  }
0x335: {  	s26 =	rddreg [dreg:$0xb];
	[sflag:s14] =	ssyncadd.s32 $0xFFFF8000  }
0x336: {  	[hbm4b:s26+s2] =	stream.linear.scatter [tilespmem:s16], [sflag:$0x5], $0x8000, $0x38;
	[tilespmem:$0x18400] =	vst v63  }
0x337: {  	_ =	swait.ge [sflag:s28], $0x8000  }
0x338: {  	[sflag:s28] =	ssyncset.done $0x0  }
0x339: {  	[sflag:s28] =	ssyncadd.s32 $0xFFFF8000  }
0x33a: {  	p0 =	sne.s32 s5, $0x1;
	_ =	swait.ge [sflag:s15], $0x8000  }
.Ltmp0:
0x33b: {  	[sflag:s15] =	ssyncset.done $0x0;
	(pc) =	sbr.rel @p0 .LBB2_1-.Ltmp0, $4  }
0x33c: {  	[sflag:s15] =	ssyncadd.s32 $0xFFFF8000  }
0x33d: {  	_ =	swait.ge [sflag:s17], $0x8000  }
0x33e: {  	[sflag:s17] =	ssyncset.done $0x0  }
0x33f: {  	s5 =	sadd.s32 $0xFFFFFFFF, s5;
	[sflag:s17] =	ssyncadd.s32 $0xFFFF8000  }
0x340: {  	_ =	sfence.sel $0x180000  }
0x341: {  	[bflag:$0x0] =	sbarrier.arrive $0xFFFF  }
0x342: {  	_ =	strace $0x90000047  }
0x343: {  	s0 =	stileid.u32;
	[bflag:$0x2] =	sbarrier.arrive $0xFFFF  }
0x344: {  	p0 =	sne.s32 s0, $0x0;
	s0 =	rddreg [dreg:$0x3]  }
0x345: {  	s0 =	sadd.s32 @!p0 $0x100000, s0  }
0x346: {  	[sflag:s0] =	ssyncadd.tile.s32 @!p0 $0x1;
	_ =	shalt  }
.Lfunc_end2:
_tile_overlayer_lowered:
.L_overlay_start_2:
0x347: {  	(tag) =	ssettag $0x2  }
0x348: {  	s0 =	rddreg [dreg:$0x0];
	s2 =	stileid.u32  }
0x349: {  	s1 =	rddreg [dreg:$0x1];
	p0 =	sne.s32 s2, $0x0  }
0x34a: {  	s3 =	rddreg [dreg:$0x2];
	[bflag:$0x3] =	sbarrier.arrive $0xFFFF;
	s2 =	simm.s32 @!p0 $0x1C07  }
0x34b: {  	[timem:s3], [sflag:s2] =	dma.local @!p0 [hbm:s0], s1  }
0x34c: {  	s0 =	simm.s32 @!p0 $0x7  }
0x34d: {  	_ =	swait.ge @!p0 [sflag:s0], s1  }
0x34e: {  	s1 =	ssub.s32 @!p0 $0x0, s1;
	[sflag:s0] =	ssyncset.done @!p0 $0x0  }
0x34f: {  	[sflag:s0] =	ssyncadd.s32 @!p0 s1  }
0x350: {  	[bflag:$0x3] =	sbarrier.arrive $0xFFFF  }
0x351: {  	_ =	shalt  }

</sc_bundles>
